<compile_context>
chip_gen: v7x
topology: tpu7x:2x2x1
jax: 0.10.2.dev20260603
libtpu: 0.0.44.dev20260713+nightly
codegen_flags: <defaults>
</compile_context>

<pallas_src>
import functools

import jax
import jax.numpy as jnp
from jax import lax
from jax.experimental import pallas as pl
from jax.experimental.pallas import tpu as pltpu
from jax.experimental.pallas import tpu_sc as plsc

N, H, L, D = 16384, 4, 200, 256
NH = N * H
RS, CS = 512, 128
NW = 32

S_PW, S_CH = N // NW, 64
Q_PW, Q_CH = NH // NW, 128
NB = 8


def _sort_body(g_ref, bt_ref, gs_ref, iq_ref, base_ref, K_ref, I_ref):
    for i in range(16):
        blk = bt_ref[:, pl.ds(i * 1024, 1024)]
        base_ref[pl.ds(i * 1024, 1024), :] = blk.T

    rowi = lax.broadcasted_iota(jnp.int32, (RS, CS), 0)
    coli = lax.broadcasted_iota(jnp.int32, (RS, CS), 1)
    fio = rowi * CS + coli

    u = lax.bitcast_convert_type(g_ref[...], jnp.int32)
    K_ref[...] = u ^ ((u >> 31) & 0x7FFFFFFF)
    I_ref[...] = ((fio & (N - 1)) << 2) | (fio >> 14)

    def one_pass(j, k):
        K = K_ref[...]
        I = I_ref[...]
        d = 1 << j
        if j < 7:
            axis, s, size = 1, d, CS
            bsel = (coli & d) != 0
        else:
            axis, s, size = 0, d >> 7, RS
            bsel = (rowi & (d >> 7)) != 0

        def pt(x):
            return jnp.where(bsel, pltpu.roll(x, s, axis),
                             pltpu.roll(x, size - s, axis))

        Kp, Ip = pt(K), pt(I)
        Lt = (K > Kp) | ((K == Kp) & (I < Ip))
        dirb = ((fio >> k) & 1) != 0
        keep = Lt ^ dirb ^ bsel
        K_ref[...] = jnp.where(keep, K, Kp)
        I_ref[...] = jnp.where(keep, I, Ip)

    def merge_body(k, _):
        for j in range(15, -1, -1):
            @pl.when(j < k)
            def _():
                one_pass(j, k)
        return 0

    lax.fori_loop(1, 17, merge_body, 0)

    K = K_ref[...]
    gs_ref[...] = lax.bitcast_convert_type(K ^ ((K >> 31) & 0x7FFFFFFF),
                                           jnp.float32)
    iq_ref[...] = I_ref[...]


_tc_sort = pl.pallas_call(
    _sort_body,
    out_shape=(
        jax.ShapeDtypeStruct((RS, CS), jnp.float32),
        jax.ShapeDtypeStruct((RS, CS), jnp.int32),
        jax.ShapeDtypeStruct((N, L), jnp.int32),
    ),
    scratch_shapes=[
        pltpu.VMEM((RS, CS), jnp.int32),
        pltpu.VMEM((RS, CS), jnp.int32),
    ],
)


@functools.cache
def _sc_kernels():
    mesh = plsc.VectorSubcoreMesh(core_axis_name="c", subcore_axis_name="s",
                                  num_cores=2, num_subcores=16)

    @functools.partial(
        pl.kernel,
        out_type=jax.ShapeDtypeStruct((N, D), jnp.float32),
        mesh=mesh,
        scratch_types=[
            pltpu.VMEM((S_PW,), jnp.int32),
            pltpu.VMEM((S_CH, D), jnp.float32),
            pltpu.VMEM((S_CH, D), jnp.float32),
            pltpu.SemaphoreType.DMA,
            pltpu.SemaphoreType.DMA,
            pltpu.SemaphoreType.DMA,
            pltpu.SemaphoreType.DMA,
        ],
    )
    def sc_states(states_hbm, iqp_hbm, out_hbm, sidx_v, st0, st1,
                  g0, g1, o0, o1):
        wid = lax.axis_index("s") * 2 + lax.axis_index("c")
        sbase = wid * S_PW
        pltpu.sync_copy(iqp_hbm.at[pl.ds(sbase, S_PW)], sidx_v)

        def prep_s(i, _):
            o = pl.multiple_of(i * 16, 16)
            sidx_v[pl.ds(o, 16)] = sidx_v[pl.ds(o, 16)] >> 2
            return 0
        lax.fori_loop(0, S_PW // 16, prep_s, 0)

        stb = (st0, st1)
        gsem = (g0, g1)
        osem = (o0, o1)

        def st_gather(c, b):
            return pltpu.make_async_copy(
                states_hbm.at[sidx_v.at[pl.ds(c * S_CH, S_CH)]], stb[b],
                gsem[b])

        def st_out(c, b):
            return pltpu.make_async_copy(
                stb[b], out_hbm.at[pl.ds(sbase + c * S_CH, S_CH)], osem[b])

        nst = S_PW // S_CH
        st_gather(0, 0).start()
        for c in range(nst):
            b = c & 1
            if c + 1 < nst:
                if c >= 1:
                    st_out(c - 1, 1 - b).wait()
                st_gather(c + 1, 1 - b).start()
            st_gather(c, b).wait()
            st_out(c, b).start()
        st_out(nst - 2, nst & 1).wait()
        st_out(nst - 1, (nst - 1) & 1).wait()

    @functools.partial(
        pl.kernel,
        out_type=(
            jax.ShapeDtypeStruct((H, N, L), jnp.int32),
            jax.ShapeDtypeStruct((NH,), jnp.float32),
        ),
        mesh=mesh,
        scratch_types=[
            pltpu.VMEM((Q_PW,), jnp.int32),
            pltpu.VMEM((Q_PW,), jnp.int32),
            pltpu.VMEM((Q_PW,), jnp.int32),
            pltpu.VMEM((16,), jnp.int32),
            pltpu.VMEM((Q_CH, L), jnp.int32),
            pltpu.VMEM((Q_CH, L), jnp.int32),
            pltpu.VMEM((Q_PW,), jnp.float32),
            pltpu.SemaphoreType.DMA,
            pltpu.SemaphoreType.DMA,
            pltpu.SemaphoreType.DMA,
            pltpu.SemaphoreType.DMA,
        ],
        compiler_params=pltpu.CompilerParams(use_tc_tiling_on_sc=False,
                                             needs_layout_passes=False),
    )
    def sc_sample(base_hbm, iqp_hbm, lg_hbm, pos_hbm,
                  outsamp_hbm, outlg_hbm,
                  iq_v, ridx_v, hv_v, pos_v, sb0, sb1, lg_v,
                  g0, g1, o0, o1):
        wid = lax.axis_index("s") * 2 + lax.axis_index("c")
        pbase = wid * Q_PW
        hband = wid // NB
        nb0 = (wid % NB) * Q_PW

        pltpu.sync_copy(iqp_hbm.at[pl.ds(pbase, Q_PW)], iq_v)
        pltpu.sync_copy(pos_hbm, pos_v)
        colv = pos_v[...]

        def prep_q(i, _):
            o = pl.multiple_of(i * 16, 16)
            v = iq_v[pl.ds(o, 16)]
            ridx_v[pl.ds(o, 16)] = v >> 2
            hv_v[pl.ds(o, 16)] = v & 3
            iq_v[pl.ds(o, 16)] = ((v & 3) << 14) | (v >> 2)
            return 0
        lax.fori_loop(0, Q_PW // 16, prep_q, 0)

        gsem = (g0, g1)
        osem = (o0, o1)
        sbf = (sb0, sb1)

        def sp_gather(c, b):
            return pltpu.make_async_copy(
                base_hbm.at[ridx_v.at[pl.ds(c * Q_CH, Q_CH)]], sbf[b],
                gsem[b])

        def sp_out(c, b):
            return pltpu.make_async_copy(
                sbf[b], outsamp_hbm.at[hband, pl.ds(nb0 + c * Q_CH, Q_CH)],
                osem[b])

        nsp = Q_PW // Q_CH
        sp_gather(0, 0).start()
        for c in range(nsp):
            b = c & 1
            if c + 1 < nsp:
                if c >= 1:
                    sp_out(c - 1, 1 - b).wait()
                sp_gather(c + 1, 1 - b).start()
            sp_gather(c, b).wait()
            for t in range(Q_CH // 16):
                rvec = lax.iota(jnp.int32, 16) + t * 16
                hvec = hv_v[pl.ds(c * Q_CH + t * 16, 16)]
                plsc.store_scatter(sbf[b], (rvec, colv), hvec)
            sp_out(c, b).start()
        sp_out(nsp - 2, nsp & 1).wait()
        sp_out(nsp - 1, (nsp - 1) & 1).wait()

        nlg = Q_PW // Q_CH
        for t in range(nlg):
            pltpu.make_async_copy(
                lg_hbm.at[iq_v.at[pl.ds(t * Q_CH, Q_CH)]],
                lg_v.at[pl.ds(t * Q_CH, Q_CH)], g0).start()
        for t in range(nlg):
            pltpu.make_async_copy(
                lg_hbm.at[iq_v.at[pl.ds(t * Q_CH, Q_CH)]],
                lg_v.at[pl.ds(t * Q_CH, Q_CH)], g0).wait()
        pltpu.sync_copy(lg_v, outlg_hbm.at[pl.ds(pbase, Q_PW)])

    return sc_states, sc_sample


def kernel(sample, logits, gumbel, net_logits, gumbel_noise, states, position):
    logits_t = jnp.transpose(logits)
    gumbel_t = jnp.transpose(gumbel)
    net_t = jnp.transpose(net_logits)
    noise_t = jnp.transpose(gumbel_noise)
    logitnew_t = logits_t[0:1, :] + net_t
    graw_t = logitnew_t + noise_t
    Z_t = jnp.nanmax(graw_t, axis=0, keepdims=True)
    gnew_t = jnp.nan_to_num(
        -jnp.log(jnp.exp(-gumbel_t[0:1, :]) - jnp.exp(-Z_t)
                 + jnp.exp(-graw_t)),
        nan=-jnp.inf,
    )

    base_t = jnp.transpose(sample, (1, 2, 0))[0]
    gs, iq, base = _tc_sort(gnew_t.reshape(RS, CS), base_t)

    out_gumbel = gs.reshape(H, N).T
    iqp = iq.reshape(-1)

    sc_states, sc_sample = _sc_kernels()
    out_states = sc_states(states, iqp)

    posv = jnp.full((16,), position, dtype=jnp.int32)
    out_samp, out_lg = sc_sample(base, iqp, logitnew_t.reshape(-1), posv)

    out_logits = out_lg.reshape(H, N).T
    return (out_samp.transpose(1, 0, 2), out_logits, out_gumbel, out_states)

# --- scband reference (transcript-rebuilt; emitter-appended) ---
"""Pipeline reference for scband-gumbel-wrapper-64905545777930 (READ-ONLY COPY).

The authoritative reference and input builder live on the scoring server;
editing this copy changes nothing except your own understanding.
"""

import jax, jax.numpy as jnp
import numpy as np


def sorting_gumble(sample, logits, gumbel, states):
    indexes = jnp.argsort(-gumbel, axis=None)
    numSamples = sample.shape[0]
    LocalHilDim = sample.shape[1]
    L = sample.shape[2]
    indexes_states = (indexes // LocalHilDim)[:numSamples]
    sample = sample.reshape(-1, L)[indexes]
    sample = sample.reshape(LocalHilDim, numSamples, L)
    sample = jnp.swapaxes(sample, 0, 1)
    logits = logits.ravel()[indexes]
    logits = logits.reshape(LocalHilDim, numSamples).T
    gumbel = gumbel.ravel()[indexes]
    gumbel = gumbel.reshape(LocalHilDim, numSamples).T
    states = states[indexes_states]
    return (sample, logits, gumbel, states)


def setup_inputs(seed: int = 0) -> dict:
    key = jax.random.key(seed)
    ks = jax.random.split(key, 6)
    N, H, L, D = 16384, 4, 200, 256
    sample = jax.random.randint(ks[0], (N, H, L), 0, 4)
    logits = jax.random.normal(ks[1], (N, H), dtype=jnp.float32)
    gumbel = jax.random.normal(ks[2], (N, H), dtype=jnp.float32)
    net_logits = jax.random.normal(ks[3], (N, H), dtype=jnp.float32)
    gumbel_noise = jax.random.normal(ks[4], (N, H), dtype=jnp.float32)
    states = jax.random.normal(ks[5], (N, D), dtype=jnp.float32)
    return {"sample": sample, "logits": logits, "gumbel": gumbel,
            "net_logits": net_logits, "gumbel_noise": gumbel_noise,
            "states": states, "position": 100}


def reference(sample, logits, gumbel, net_logits, gumbel_noise, states, position):
    # One gumbel top-k scan step (_gumbel_step vmapped over samples, followed by
    # sorting_gumble), with the autoregressive net's conditional logits provided
    # as the input tensor `net_logits` and block states as a dense array.
    N, H, L = sample.shape
    base = sample[:, 0, :]
    vals = jnp.arange(H, dtype=sample.dtype)
    sample_new = jnp.broadcast_to(base[:, None, :], (N, H, L))
    sample_new = sample_new.at[:, :, position].set(jnp.broadcast_to(vals[None, :], (N, H)))
    # logitnew = logits[0] + net output (per-sample cumulative log-prob + conditional)
    logitnew = logits[:, 0:1] + net_logits
    # perturb with gumbel noise and apply truncated-gumbel correction
    graw = logitnew + gumbel_noise
    Z = jnp.nanmax(graw, axis=1, keepdims=True)
    gnew = jnp.nan_to_num(
        -jnp.log(jnp.exp(-gumbel[:, 0:1]) - jnp.exp(-Z) + jnp.exp(-graw)),
        nan=-jnp.inf,
    )
    return sorting_gumble(sample_new, logitnew, gnew, states)

if __name__ == "__main__":
    import jax
    _d = setup_inputs()
    print(jax.jit(kernel)(*tuple(_d.values())))

</pallas_src>

<mosaic_0001>
#map = affine_map<(d0, d1) -> (0, 0)>
#map1 = affine_map<(d0, d1) -> (0)>
module attributes {stable_mosaic.version = 14 : i64} {
  func.func @sc_states(%arg0: i32, %arg1: i32, %arg2: memref<16384x256xf32, #tpu.memory_space<hbm>>, %arg3: memref<65536xi32, #tpu.memory_space<hbm>>, %arg4: memref<16384x256xf32, #tpu.memory_space<hbm>>, %arg5: memref<512xi32, #tpu.memory_space<vmem>>, %arg6: memref<64x256xf32, #tpu.memory_space<vmem>>, %arg7: memref<64x256xf32, #tpu.memory_space<vmem>>, %arg8: memref<!tpu.dma_semaphore, #tpu.memory_space<semaphore_mem>>, %arg9: memref<!tpu.dma_semaphore, #tpu.memory_space<semaphore_mem>>, %arg10: memref<!tpu.dma_semaphore, #tpu.memory_space<semaphore_mem>>, %arg11: memref<!tpu.dma_semaphore, #tpu.memory_space<semaphore_mem>>) attributes {dimension_semantics = [#tpu.dimension_semantics<core_parallel>, #tpu.dimension_semantics<subcore_parallel>], iteration_bounds = array<i64: 2, 16>, scalar_prefetch = 0 : i64, scratch_operands = 7 : i64, tpu.core_type = #tpu.core_type<sc_vector_subcore>, window_params = [{transform_indices = #map}, {transform_indices = #map1}, {transform_indices = #map}]} {
    %mul3A = arith.constant 2 : i32
    %mul3A_0 = arith.muli %arg1, %mul3A : i32
    %add3A = arith.addi %mul3A_0, %arg0 : i32
    %mul3A_1 = arith.constant 512 : i32
    %mul3A_2 = arith.muli %add3A, %mul3A_1 : i32
    "tpu.region"() ({
      %run_scoped3A = tpu.sem_alloc : memref<!tpu.dma_semaphore, #tpu.memory_space<semaphore_mem>>
      %dma_start3A_183 = tpu.memref_slice %arg3[%mul3A_2] : memref<65536xi32, #tpu.memory_space<hbm>> -> memref<512xi32, #tpu.memory_space<hbm>>
      %dma_start3A_184 = tpu.memref_slice %arg3[%mul3A_2] : memref<65536xi32, #tpu.memory_space<hbm>> -> memref<512xi32, #tpu.memory_space<hbm>>
      tpu.enqueue_dma source(%dma_start3A_184 : memref<512xi32, #tpu.memory_space<hbm>>) target(%arg5 : memref<512xi32, #tpu.memory_space<vmem>>) target_semaphore(%run_scoped3A : memref<!tpu.dma_semaphore, #tpu.memory_space<semaphore_mem>>)
      %dma_wait3A_185 = tpu.memref_slice %arg3[%mul3A_2] : memref<65536xi32, #tpu.memory_space<hbm>> -> memref<512xi32, #tpu.memory_space<hbm>>
      %dma_wait3A_186 = tpu.memref_slice %arg3[%mul3A_2] : memref<65536xi32, #tpu.memory_space<hbm>> -> memref<512xi32, #tpu.memory_space<hbm>>
      tpu.wait_dma2 semaphore(%run_scoped3A : memref<!tpu.dma_semaphore, #tpu.memory_space<semaphore_mem>>) src(%dma_wait3A_186 : memref<512xi32, #tpu.memory_space<hbm>>) dst(%arg5 : memref<512xi32, #tpu.memory_space<vmem>>)
      tpu.yield
    }) : () -> ()
    %scan3A = arith.constant 0 : i32
    %scan3A_3 = arith.constant 0 : i32
    %scan3A_4 = arith.constant 32 : i32
    %scan3A_5 = arith.addi %scan3A_3, %scan3A_4 : i32
    %scan3A_6 = arith.constant 1 : i32
    %scan3A_7 = scf.for %scan3A_183 = %scan3A_3 to %scan3A_5 step %scan3A_6 iter_args(%scan3A_184 = %scan3A) -> (i32)  : i32 {
      %mul3A_185 = arith.constant 16 : i32
      %mul3A_186 = arith.muli %scan3A_183, %mul3A_185 : i32
      %multiple_of3A = tpu.assume_multiple %mul3A_186, 16 : i32
      %get3A = arith.index_cast %multiple_of3A : i32 to index
      %get3A_187 = tpu.vector_load %arg5[%get3A] {strides = array<i32>} : memref<512xi32, #tpu.memory_space<vmem>>, vector<16xi32>,
      %get3A_188 = vector.shape_cast %get3A_187 : vector<16xi32> to vector<16xi32>
      %shift_right_arithmetic3A = arith.constant 2 : i32
      %shift_right_arithmetic3A_189 = vector.broadcast %shift_right_arithmetic3A : i32 to vector<16xi32>
      %shift_right_arithmetic3A_190 = arith.shrsi %get3A_188, %shift_right_arithmetic3A_189 : vector<16xi32>
      %swap3A = arith.index_cast %multiple_of3A : i32 to index
      %swap3A_191 = tpu.vector_load %arg5[%swap3A] {strides = array<i32>} : memref<512xi32, #tpu.memory_space<vmem>>, vector<16xi32>,
      %swap3A_192 = vector.shape_cast %swap3A_191 : vector<16xi32> to vector<16xi32>
      %swap3A_193 = vector.shape_cast %shift_right_arithmetic3A_190 : vector<16xi32> to vector<16xi32>
      tpu.vector_store %arg5[%swap3A], %swap3A_193 {strides = array<i32>} : memref<512xi32, #tpu.memory_space<vmem>>, vector<16xi32>,
      %scan3A_194 = arith.constant 0 : i32
      scf.yield %scan3A_194 : i32
    }
    %scan3A_8 = arith.constant 32 : i32
    %dma_start3A = arith.constant 0 : i32
    %dma_start3A_9 = tpu.memref_slice %arg5[%dma_start3A] : memref<512xi32, #tpu.memory_space<vmem>> -> memref<64xi32, #tpu.memory_space<vmem>>
    %dma_start3A_10 = arith.constant 0 : i32
    %dma_start3A_11 = arith.constant 0 : i32
    %dma_start3A_12 = tpu.memref_slice %arg2[%dma_start3A_10, %dma_start3A_11] : memref<16384x256xf32, #tpu.memory_space<hbm>> -> memref<16384x256xf32, #tpu.memory_space<hbm>>
    tpu.enqueue_indirect_dma source(%dma_start3A_12 : memref<16384x256xf32, #tpu.memory_space<hbm>>) target(%arg6 : memref<64x256xf32, #tpu.memory_space<vmem>>) offsets(%dma_start3A_9 : memref<64xi32, #tpu.memory_space<vmem>>) semaphore(%arg8 : memref<!tpu.dma_semaphore, #tpu.memory_space<semaphore_mem>>)
    %dma_start3A_13 = arith.constant 64 : i32
    %dma_start3A_14 = tpu.memref_slice %arg5[%dma_start3A_13] : memref<512xi32, #tpu.memory_space<vmem>> -> memref<64xi32, #tpu.memory_space<vmem>>
    %dma_start3A_15 = arith.constant 0 : i32
    %dma_start3A_16 = arith.constant 0 : i32
    %dma_start3A_17 = tpu.memref_slice %arg2[%dma_start3A_15, %dma_start3A_16] : memref<16384x256xf32, #tpu.memory_space<hbm>> -> memref<16384x256xf32, #tpu.memory_space<hbm>>
    tpu.enqueue_indirect_dma source(%dma_start3A_17 : memref<16384x256xf32, #tpu.memory_space<hbm>>) target(%arg7 : memref<64x256xf32, #tpu.memory_space<vmem>>) offsets(%dma_start3A_14 : memref<64xi32, #tpu.memory_space<vmem>>) semaphore(%arg9 : memref<!tpu.dma_semaphore, #tpu.memory_space<semaphore_mem>>)
    %dma_wait3A = arith.constant 0 : i32
    %dma_wait3A_18 = tpu.memref_slice %arg5[%dma_wait3A] : memref<512xi32, #tpu.memory_space<vmem>> -> memref<64xi32, #tpu.memory_space<vmem>>
    %dma_wait3A_19 = arith.constant 0 : i32
    %dma_wait3A_20 = arith.constant 0 : i32
    %dma_wait3A_21 = tpu.memref_slice %arg2[%dma_wait3A_19, %dma_wait3A_20] : memref<16384x256xf32, #tpu.memory_space<hbm>> -> memref<16384x256xf32, #tpu.memory_space<hbm>>
    tpu.wait_indirect_dma semaphore(%arg8 : memref<!tpu.dma_semaphore, #tpu.memory_space<semaphore_mem>>) src(%dma_wait3A_21 : memref<16384x256xf32, #tpu.memory_space<hbm>>) dst(%arg6 : memref<64x256xf32, #tpu.memory_space<vmem>>)
    %add3A_22 = arith.constant 0 : i32
    %add3A_23 = arith.addi %mul3A_2, %add3A_22 : i32
    %dma_start3A_24 = arith.constant 0 : i32
    %dma_start3A_25 = tpu.memref_slice %arg4[%add3A_23, %dma_start3A_24] : memref<16384x256xf32, #tpu.memory_space<hbm>> -> memref<64x256xf32, #tpu.memory_space<hbm>>
    %dma_start3A_26 = arith.constant 0 : i32
    %dma_start3A_27 = tpu.memref_slice %arg4[%add3A_23, %dma_start3A_26] : memref<16384x256xf32, #tpu.memory_space<hbm>> -> memref<64x256xf32, #tpu.memory_space<hbm>>
    tpu.enqueue_dma source(%arg6 : memref<64x256xf32, #tpu.memory_space<vmem>>) target(%dma_start3A_27 : memref<64x256xf32, #tpu.memory_space<hbm>>) target_semaphore(%arg10 : memref<!tpu.dma_semaphore, #tpu.memory_space<semaphore_mem>>)
    %add3A_28 = arith.constant 0 : i32
    %add3A_29 = arith.addi %mul3A_2, %add3A_28 : i32
    %dma_wait3A_30 = arith.constant 0 : i32
    %dma_wait3A_31 = tpu.memref_slice %arg4[%add3A_29, %dma_wait3A_30] : memref<16384x256xf32, #tpu.memory_space<hbm>> -> memref<64x256xf32, #tpu.memory_space<hbm>>
    %dma_wait3A_32 = arith.constant 0 : i32
    %dma_wait3A_33 = tpu.memref_slice %arg4[%add3A_29, %dma_wait3A_32] : memref<16384x256xf32, #tpu.memory_space<hbm>> -> memref<64x256xf32, #tpu.memory_space<hbm>>
    tpu.wait_dma2 semaphore(%arg10 : memref<!tpu.dma_semaphore, #tpu.memory_space<semaphore_mem>>) src(%arg6 : memref<64x256xf32, #tpu.memory_space<vmem>>) dst(%dma_wait3A_33 : memref<64x256xf32, #tpu.memory_space<hbm>>)
    %dma_start3A_34 = arith.constant 128 : i32
    %dma_start3A_35 = tpu.memref_slice %arg5[%dma_start3A_34] : memref<512xi32, #tpu.memory_space<vmem>> -> memref<64xi32, #tpu.memory_space<vmem>>
    %dma_start3A_36 = arith.constant 0 : i32
    %dma_start3A_37 = arith.constant 0 : i32
    %dma_start3A_38 = tpu.memref_slice %arg2[%dma_start3A_36, %dma_start3A_37] : memref<16384x256xf32, #tpu.memory_space<hbm>> -> memref<16384x256xf32, #tpu.memory_space<hbm>>
    tpu.enqueue_indirect_dma source(%dma_start3A_38 : memref<16384x256xf32, #tpu.memory_space<hbm>>) target(%arg6 : memref<64x256xf32, #tpu.memory_space<vmem>>) offsets(%dma_start3A_35 : memref<64xi32, #tpu.memory_space<vmem>>) semaphore(%arg8 : memref<!tpu.dma_semaphore, #tpu.memory_space<semaphore_mem>>)
    %dma_wait3A_39 = arith.constant 64 : i32
    %dma_wait3A_40 = tpu.memref_slice %arg5[%dma_wait3A_39] : memref<512xi32, #tpu.memory_space<vmem>> -> memref<64xi32, #tpu.memory_space<vmem>>
    %dma_wait3A_41 = arith.constant 0 : i32
    %dma_wait3A_42 = arith.constant 0 : i32
    %dma_wait3A_43 = tpu.memref_slice %arg2[%dma_wait3A_41, %dma_wait3A_42] : memref<16384x256xf32, #tpu.memory_space<hbm>> -> memref<16384x256xf32, #tpu.memory_space<hbm>>
    tpu.wait_indirect_dma semaphore(%arg9 : memref<!tpu.dma_semaphore, #tpu.memory_space<semaphore_mem>>) src(%dma_wait3A_43 : memref<16384x256xf32, #tpu.memory_space<hbm>>) dst(%arg7 : memref<64x256xf32, #tpu.memory_space<vmem>>)
    %add3A_44 = arith.constant 64 : i32
    %add3A_45 = arith.addi %mul3A_2, %add3A_44 : i32
    %dma_start3A_46 = arith.constant 0 : i32
    %dma_start3A_47 = tpu.memref_slice %arg4[%add3A_45, %dma_start3A_46] : memref<16384x256xf32, #tpu.memory_space<hbm>> -> memref<64x256xf32, #tpu.memory_space<hbm>>
    %dma_start3A_48 = arith.constant 0 : i32
    %dma_start3A_49 = tpu.memref_slice %arg4[%add3A_45, %dma_start3A_48] : memref<16384x256xf32, #tpu.memory_space<hbm>> -> memref<64x256xf32, #tpu.memory_space<hbm>>
    tpu.enqueue_dma source(%arg7 : memref<64x256xf32, #tpu.memory_space<vmem>>) target(%dma_start3A_49 : memref<64x256xf32, #tpu.memory_space<hbm>>) target_semaphore(%arg11 : memref<!tpu.dma_semaphore, #tpu.memory_space<semaphore_mem>>)
    %add3A_50 = arith.constant 64 : i32
    %add3A_51 = arith.addi %mul3A_2, %add3A_50 : i32
    %dma_wait3A_52 = arith.constant 0 : i32
    %dma_wait3A_53 = tpu.memref_slice %arg4[%add3A_51, %dma_wait3A_52] : memref<16384x256xf32, #tpu.memory_space<hbm>> -> memref<64x256xf32, #tpu.memory_space<hbm>>
    %dma_wait3A_54 = arith.constant 0 : i32
    %dma_wait3A_55 = tpu.memref_slice %arg4[%add3A_51, %dma_wait3A_54] : memref<16384x256xf32, #tpu.memory_space<hbm>> -> memref<64x256xf32, #tpu.memory_space<hbm>>
    tpu.wait_dma2 semaphore(%arg11 : memref<!tpu.dma_semaphore, #tpu.memory_space<semaphore_mem>>) src(%arg7 : memref<64x256xf32, #tpu.memory_space<vmem>>) dst(%dma_wait3A_55 : memref<64x256xf32, #tpu.memory_space<hbm>>)
    %dma_start3A_56 = arith.constant 192 : i32
    %dma_start3A_57 = tpu.memref_slice %arg5[%dma_start3A_56] : memref<512xi32, #tpu.memory_space<vmem>> -> memref<64xi32, #tpu.memory_space<vmem>>
    %dma_start3A_58 = arith.constant 0 : i32
    %dma_start3A_59 = arith.constant 0 : i32
    %dma_start3A_60 = tpu.memref_slice %arg2[%dma_start3A_58, %dma_start3A_59] : memref<16384x256xf32, #tpu.memory_space<hbm>> -> memref<16384x256xf32, #tpu.memory_space<hbm>>
    tpu.enqueue_indirect_dma source(%dma_start3A_60 : memref<16384x256xf32, #tpu.memory_space<hbm>>) target(%arg7 : memref<64x256xf32, #tpu.memory_space<vmem>>) offsets(%dma_start3A_57 : memref<64xi32, #tpu.memory_space<vmem>>) semaphore(%arg9 : memref<!tpu.dma_semaphore, #tpu.memory_space<semaphore_mem>>)
    %dma_wait3A_61 = arith.constant 128 : i32
    %dma_wait3A_62 = tpu.memref_slice %arg5[%dma_wait3A_61] : memref<512xi32, #tpu.memory_space<vmem>> -> memref<64xi32, #tpu.memory_space<vmem>>
    %dma_wait3A_63 = arith.constant 0 : i32
    %dma_wait3A_64 = arith.constant 0 : i32
    %dma_wait3A_65 = tpu.memref_slice %arg2[%dma_wait3A_63, %dma_wait3A_64] : memref<16384x256xf32, #tpu.memory_space<hbm>> -> memref<16384x256xf32, #tpu.memory_space<hbm>>
    tpu.wait_indirect_dma semaphore(%arg8 : memref<!tpu.dma_semaphore, #tpu.memory_space<semaphore_mem>>) src(%dma_wait3A_65 : memref<16384x256xf32, #tpu.memory_space<hbm>>) dst(%arg6 : memref<64x256xf32, #tpu.memory_space<vmem>>)
    %add3A_66 = arith.constant 128 : i32
    %add3A_67 = arith.addi %mul3A_2, %add3A_66 : i32
    %dma_start3A_68 = arith.constant 0 : i32
    %dma_start3A_69 = tpu.memref_slice %arg4[%add3A_67, %dma_start3A_68] : memref<16384x256xf32, #tpu.memory_space<hbm>> -> memref<64x256xf32, #tpu.memory_space<hbm>>
    %dma_start3A_70 = arith.constant 0 : i32
    %dma_start3A_71 = tpu.memref_slice %arg4[%add3A_67, %dma_start3A_70] : memref<16384x256xf32, #tpu.memory_space<hbm>> -> memref<64x256xf32, #tpu.memory_space<hbm>>
    tpu.enqueue_dma source(%arg6 : memref<64x256xf32, #tpu.memory_space<vmem>>) target(%dma_start3A_71 : memref<64x256xf32, #tpu.memory_space<hbm>>) target_semaphore(%arg10 : memref<!tpu.dma_semaphore, #tpu.memory_space<semaphore_mem>>)
    %add3A_72 = arith.constant 128 : i32
    %add3A_73 = arith.addi %mul3A_2, %add3A_72 : i32
    %dma_wait3A_74 = arith.constant 0 : i32
    %dma_wait3A_75 = tpu.memref_slice %arg4[%add3A_73, %dma_wait3A_74] : memref<16384x256xf32, #tpu.memory_space<hbm>> -> memref<64x256xf32, #tpu.memory_space<hbm>>
    %dma_wait3A_76 = arith.constant 0 : i32
    %dma_wait3A_77 = tpu.memref_slice %arg4[%add3A_73, %dma_wait3A_76] : memref<16384x256xf32, #tpu.memory_space<hbm>> -> memref<64x256xf32, #tpu.memory_space<hbm>>
    tpu.wait_dma2 semaphore(%arg10 : memref<!tpu.dma_semaphore, #tpu.memory_space<semaphore_mem>>) src(%arg6 : memref<64x256xf32, #tpu.memory_space<vmem>>) dst(%dma_wait3A_77 : memref<64x256xf32, #tpu.memory_space<hbm>>)
    %dma_start3A_78 = arith.constant 256 : i32
    %dma_start3A_79 = tpu.memref_slice %arg5[%dma_start3A_78] : memref<512xi32, #tpu.memory_space<vmem>> -> memref<64xi32, #tpu.memory_space<vmem>>
    %dma_start3A_80 = arith.constant 0 : i32
    %dma_start3A_81 = arith.constant 0 : i32
    %dma_start3A_82 = tpu.memref_slice %arg2[%dma_start3A_80, %dma_start3A_81] : memref<16384x256xf32, #tpu.memory_space<hbm>> -> memref<16384x256xf32, #tpu.memory_space<hbm>>
    tpu.enqueue_indirect_dma source(%dma_start3A_82 : memref<16384x256xf32, #tpu.memory_space<hbm>>) target(%arg6 : memref<64x256xf32, #tpu.memory_space<vmem>>) offsets(%dma_start3A_79 : memref<64xi32, #tpu.memory_space<vmem>>) semaphore(%arg8 : memref<!tpu.dma_semaphore, #tpu.memory_space<semaphore_mem>>)
    %dma_wait3A_83 = arith.constant 192 : i32
    %dma_wait3A_84 = tpu.memref_slice %arg5[%dma_wait3A_83] : memref<512xi32, #tpu.memory_space<vmem>> -> memref<64xi32, #tpu.memory_space<vmem>>
    %dma_wait3A_85 = arith.constant 0 : i32
    %dma_wait3A_86 = arith.constant 0 : i32
    %dma_wait3A_87 = tpu.memref_slice %arg2[%dma_wait3A_85, %dma_wait3A_86] : memref<16384x256xf32, #tpu.memory_space<hbm>> -> memref<16384x256xf32, #tpu.memory_space<hbm>>
    tpu.wait_indirect_dma semaphore(%arg9 : memref<!tpu.dma_semaphore, #tpu.memory_space<semaphore_mem>>) src(%dma_wait3A_87 : memref<16384x256xf32, #tpu.memory_space<hbm>>) dst(%arg7 : memref<64x256xf32, #tpu.memory_space<vmem>>)
    %add3A_88 = arith.constant 192 : i32
    %add3A_89 = arith.addi %mul3A_2, %add3A_88 : i32
    %dma_start3A_90 = arith.constant 0 : i32
    %dma_start3A_91 = tpu.memref_slice %arg4[%add3A_89, %dma_start3A_90] : memref<16384x256xf32, #tpu.memory_space<hbm>> -> memref<64x256xf32, #tpu.memory_space<hbm>>
    %dma_start3A_92 = arith.constant 0 : i32
    %dma_start3A_93 = tpu.memref_slice %arg4[%add3A_89, %dma_start3A_92] : memref<16384x256xf32, #tpu.memory_space<hbm>> -> memref<64x256xf32, #tpu.memory_space<hbm>>
    tpu.enqueue_dma source(%arg7 : memref<64x256xf32, #tpu.memory_space<vmem>>) target(%dma_start3A_93 : memref<64x256xf32, #tpu.memory_space<hbm>>) target_semaphore(%arg11 : memref<!tpu.dma_semaphore, #tpu.memory_space<semaphore_mem>>)
    %add3A_94 = arith.constant 192 : i32
    %add3A_95 = arith.addi %mul3A_2, %add3A_94 : i32
    %dma_wait3A_96 = arith.constant 0 : i32
    %dma_wait3A_97 = tpu.memref_slice %arg4[%add3A_95, %dma_wait3A_96] : memref<16384x256xf32, #tpu.memory_space<hbm>> -> memref<64x256xf32, #tpu.memory_space<hbm>>
    %dma_wait3A_98 = arith.constant 0 : i32
    %dma_wait3A_99 = tpu.memref_slice %arg4[%add3A_95, %dma_wait3A_98] : memref<16384x256xf32, #tpu.memory_space<hbm>> -> memref<64x256xf32, #tpu.memory_space<hbm>>
    tpu.wait_dma2 semaphore(%arg11 : memref<!tpu.dma_semaphore, #tpu.memory_space<semaphore_mem>>) src(%arg7 : memref<64x256xf32, #tpu.memory_space<vmem>>) dst(%dma_wait3A_99 : memref<64x256xf32, #tpu.memory_space<hbm>>)
    %dma_start3A_100 = arith.constant 320 : i32
    %dma_start3A_101 = tpu.memref_slice %arg5[%dma_start3A_100] : memref<512xi32, #tpu.memory_space<vmem>> -> memref<64xi32, #tpu.memory_space<vmem>>
    %dma_start3A_102 = arith.constant 0 : i32
    %dma_start3A_103 = arith.constant 0 : i32
    %dma_start3A_104 = tpu.memref_slice %arg2[%dma_start3A_102, %dma_start3A_103] : memref<16384x256xf32, #tpu.memory_space<hbm>> -> memref<16384x256xf32, #tpu.memory_space<hbm>>
    tpu.enqueue_indirect_dma source(%dma_start3A_104 : memref<16384x256xf32, #tpu.memory_space<hbm>>) target(%arg7 : memref<64x256xf32, #tpu.memory_space<vmem>>) offsets(%dma_start3A_101 : memref<64xi32, #tpu.memory_space<vmem>>) semaphore(%arg9 : memref<!tpu.dma_semaphore, #tpu.memory_space<semaphore_mem>>)
    %dma_wait3A_105 = arith.constant 256 : i32
    %dma_wait3A_106 = tpu.memref_slice %arg5[%dma_wait3A_105] : memref<512xi32, #tpu.memory_space<vmem>> -> memref<64xi32, #tpu.memory_space<vmem>>
    %dma_wait3A_107 = arith.constant 0 : i32
    %dma_wait3A_108 = arith.constant 0 : i32
    %dma_wait3A_109 = tpu.memref_slice %arg2[%dma_wait3A_107, %dma_wait3A_108] : memref<16384x256xf32, #tpu.memory_space<hbm>> -> memref<16384x256xf32, #tpu.memory_space<hbm>>
    tpu.wait_indirect_dma semaphore(%arg8 : memref<!tpu.dma_semaphore, #tpu.memory_space<semaphore_mem>>) src(%dma_wait3A_109 : memref<16384x256xf32, #tpu.memory_space<hbm>>) dst(%arg6 : memref<64x256xf32, #tpu.memory_space<vmem>>)
    %add3A_110 = arith.constant 256 : i32
    %add3A_111 = arith.addi %mul3A_2, %add3A_110 : i32
    %dma_start3A_112 = arith.constant 0 : i32
    %dma_start3A_113 = tpu.memref_slice %arg4[%add3A_111, %dma_start3A_112] : memref<16384x256xf32, #tpu.memory_space<hbm>> -> memref<64x256xf32, #tpu.memory_space<hbm>>
    %dma_start3A_114 = arith.constant 0 : i32
    %dma_start3A_115 = tpu.memref_slice %arg4[%add3A_111, %dma_start3A_114] : memref<16384x256xf32, #tpu.memory_space<hbm>> -> memref<64x256xf32, #tpu.memory_space<hbm>>
    tpu.enqueue_dma source(%arg6 : memref<64x256xf32, #tpu.memory_space<vmem>>) target(%dma_start3A_115 : memref<64x256xf32, #tpu.memory_space<hbm>>) target_semaphore(%arg10 : memref<!tpu.dma_semaphore, #tpu.memory_space<semaphore_mem>>)
    %add3A_116 = arith.constant 256 : i32
    %add3A_117 = arith.addi %mul3A_2, %add3A_116 : i32
    %dma_wait3A_118 = arith.constant 0 : i32
    %dma_wait3A_119 = tpu.memref_slice %arg4[%add3A_117, %dma_wait3A_118] : memref<16384x256xf32, #tpu.memory_space<hbm>> -> memref<64x256xf32, #tpu.memory_space<hbm>>
    %dma_wait3A_120 = arith.constant 0 : i32
    %dma_wait3A_121 = tpu.memref_slice %arg4[%add3A_117, %dma_wait3A_120] : memref<16384x256xf32, #tpu.memory_space<hbm>> -> memref<64x256xf32, #tpu.memory_space<hbm>>
    tpu.wait_dma2 semaphore(%arg10 : memref<!tpu.dma_semaphore, #tpu.memory_space<semaphore_mem>>) src(%arg6 : memref<64x256xf32, #tpu.memory_space<vmem>>) dst(%dma_wait3A_121 : memref<64x256xf32, #tpu.memory_space<hbm>>)
    %dma_start3A_122 = arith.constant 384 : i32
    %dma_start3A_123 = tpu.memref_slice %arg5[%dma_start3A_122] : memref<512xi32, #tpu.memory_space<vmem>> -> memref<64xi32, #tpu.memory_space<vmem>>
    %dma_start3A_124 = arith.constant 0 : i32
    %dma_start3A_125 = arith.constant 0 : i32
    %dma_start3A_126 = tpu.memref_slice %arg2[%dma_start3A_124, %dma_start3A_125] : memref<16384x256xf32, #tpu.memory_space<hbm>> -> memref<16384x256xf32, #tpu.memory_space<hbm>>
    tpu.enqueue_indirect_dma source(%dma_start3A_126 : memref<16384x256xf32, #tpu.memory_space<hbm>>) target(%arg6 : memref<64x256xf32, #tpu.memory_space<vmem>>) offsets(%dma_start3A_123 : memref<64xi32, #tpu.memory_space<vmem>>) semaphore(%arg8 : memref<!tpu.dma_semaphore, #tpu.memory_space<semaphore_mem>>)
    %dma_wait3A_127 = arith.constant 320 : i32
    %dma_wait3A_128 = tpu.memref_slice %arg5[%dma_wait3A_127] : memref<512xi32, #tpu.memory_space<vmem>> -> memref<64xi32, #tpu.memory_space<vmem>>
    %dma_wait3A_129 = arith.constant 0 : i32
    %dma_wait3A_130 = arith.constant 0 : i32
    %dma_wait3A_131 = tpu.memref_slice %arg2[%dma_wait3A_129, %dma_wait3A_130] : memref<16384x256xf32, #tpu.memory_space<hbm>> -> memref<16384x256xf32, #tpu.memory_space<hbm>>
    tpu.wait_indirect_dma semaphore(%arg9 : memref<!tpu.dma_semaphore, #tpu.memory_space<semaphore_mem>>) src(%dma_wait3A_131 : memref<16384x256xf32, #tpu.memory_space<hbm>>) dst(%arg7 : memref<64x256xf32, #tpu.memory_space<vmem>>)
    %add3A_132 = arith.constant 320 : i32
    %add3A_133 = arith.addi %mul3A_2, %add3A_132 : i32
    %dma_start3A_134 = arith.constant 0 : i32
    %dma_start3A_135 = tpu.memref_slice %arg4[%add3A_133, %dma_start3A_134] : memref<16384x256xf32, #tpu.memory_space<hbm>> -> memref<64x256xf32, #tpu.memory_space<hbm>>
    %dma_start3A_136 = arith.constant 0 : i32
    %dma_start3A_137 = tpu.memref_slice %arg4[%add3A_133, %dma_start3A_136] : memref<16384x256xf32, #tpu.memory_space<hbm>> -> memref<64x256xf32, #tpu.memory_space<hbm>>
    tpu.enqueue_dma source(%arg7 : memref<64x256xf32, #tpu.memory_space<vmem>>) target(%dma_start3A_137 : memref<64x256xf32, #tpu.memory_space<hbm>>) target_semaphore(%arg11 : memref<!tpu.dma_semaphore, #tpu.memory_space<semaphore_mem>>)
    %add3A_138 = arith.constant 320 : i32
    %add3A_139 = arith.addi %mul3A_2, %add3A_138 : i32
    %dma_wait3A_140 = arith.constant 0 : i32
    %dma_wait3A_141 = tpu.memref_slice %arg4[%add3A_139, %dma_wait3A_140] : memref<16384x256xf32, #tpu.memory_space<hbm>> -> memref<64x256xf32, #tpu.memory_space<hbm>>
    %dma_wait3A_142 = arith.constant 0 : i32
    %dma_wait3A_143 = tpu.memref_slice %arg4[%add3A_139, %dma_wait3A_142] : memref<16384x256xf32, #tpu.memory_space<hbm>> -> memref<64x256xf32, #tpu.memory_space<hbm>>
    tpu.wait_dma2 semaphore(%arg11 : memref<!tpu.dma_semaphore, #tpu.memory_space<semaphore_mem>>) src(%arg7 : memref<64x256xf32, #tpu.memory_space<vmem>>) dst(%dma_wait3A_143 : memref<64x256xf32, #tpu.memory_space<hbm>>)
    %dma_start3A_144 = arith.constant 448 : i32
    %dma_start3A_145 = tpu.memref_slice %arg5[%dma_start3A_144] : memref<512xi32, #tpu.memory_space<vmem>> -> memref<64xi32, #tpu.memory_space<vmem>>
    %dma_start3A_146 = arith.constant 0 : i32
    %dma_start3A_147 = arith.constant 0 : i32
    %dma_start3A_148 = tpu.memref_slice %arg2[%dma_start3A_146, %dma_start3A_147] : memref<16384x256xf32, #tpu.memory_space<hbm>> -> memref<16384x256xf32, #tpu.memory_space<hbm>>
    tpu.enqueue_indirect_dma source(%dma_start3A_148 : memref<16384x256xf32, #tpu.memory_space<hbm>>) target(%arg7 : memref<64x256xf32, #tpu.memory_space<vmem>>) offsets(%dma_start3A_145 : memref<64xi32, #tpu.memory_space<vmem>>) semaphore(%arg9 : memref<!tpu.dma_semaphore, #tpu.memory_space<semaphore_mem>>)
    %dma_wait3A_149 = arith.constant 384 : i32
    %dma_wait3A_150 = tpu.memref_slice %arg5[%dma_wait3A_149] : memref<512xi32, #tpu.memory_space<vmem>> -> memref<64xi32, #tpu.memory_space<vmem>>
    %dma_wait3A_151 = arith.constant 0 : i32
    %dma_wait3A_152 = arith.constant 0 : i32
    %dma_wait3A_153 = tpu.memref_slice %arg2[%dma_wait3A_151, %dma_wait3A_152] : memref<16384x256xf32, #tpu.memory_space<hbm>> -> memref<16384x256xf32, #tpu.memory_space<hbm>>
    tpu.wait_indirect_dma semaphore(%arg8 : memref<!tpu.dma_semaphore, #tpu.memory_space<semaphore_mem>>) src(%dma_wait3A_153 : memref<16384x256xf32, #tpu.memory_space<hbm>>) dst(%arg6 : memref<64x256xf32, #tpu.memory_space<vmem>>)
    %add3A_154 = arith.constant 384 : i32
    %add3A_155 = arith.addi %mul3A_2, %add3A_154 : i32
    %dma_start3A_156 = arith.constant 0 : i32
    %dma_start3A_157 = tpu.memref_slice %arg4[%add3A_155, %dma_start3A_156] : memref<16384x256xf32, #tpu.memory_space<hbm>> -> memref<64x256xf32, #tpu.memory_space<hbm>>
    %dma_start3A_158 = arith.constant 0 : i32
    %dma_start3A_159 = tpu.memref_slice %arg4[%add3A_155, %dma_start3A_158] : memref<16384x256xf32, #tpu.memory_space<hbm>> -> memref<64x256xf32, #tpu.memory_space<hbm>>
    tpu.enqueue_dma source(%arg6 : memref<64x256xf32, #tpu.memory_space<vmem>>) target(%dma_start3A_159 : memref<64x256xf32, #tpu.memory_space<hbm>>) target_semaphore(%arg10 : memref<!tpu.dma_semaphore, #tpu.memory_space<semaphore_mem>>)
    %dma_wait3A_160 = arith.constant 448 : i32
    %dma_wait3A_161 = tpu.memref_slice %arg5[%dma_wait3A_160] : memref<512xi32, #tpu.memory_space<vmem>> -> memref<64xi32, #tpu.memory_space<vmem>>
    %dma_wait3A_162 = arith.constant 0 : i32
    %dma_wait3A_163 = arith.constant 0 : i32
    %dma_wait3A_164 = tpu.memref_slice %arg2[%dma_wait3A_162, %dma_wait3A_163] : memref<16384x256xf32, #tpu.memory_space<hbm>> -> memref<16384x256xf32, #tpu.memory_space<hbm>>
    tpu.wait_indirect_dma semaphore(%arg9 : memref<!tpu.dma_semaphore, #tpu.memory_space<semaphore_mem>>) src(%dma_wait3A_164 : memref<16384x256xf32, #tpu.memory_space<hbm>>) dst(%arg7 : memref<64x256xf32, #tpu.memory_space<vmem>>)
    %add3A_165 = arith.constant 448 : i32
    %add3A_166 = arith.addi %mul3A_2, %add3A_165 : i32
    %dma_start3A_167 = arith.constant 0 : i32
    %dma_start3A_168 = tpu.memref_slice %arg4[%add3A_166, %dma_start3A_167] : memref<16384x256xf32, #tpu.memory_space<hbm>> -> memref<64x256xf32, #tpu.memory_space<hbm>>
    %dma_start3A_169 = arith.constant 0 : i32
    %dma_start3A_170 = tpu.memref_slice %arg4[%add3A_166, %dma_start3A_169] : memref<16384x256xf32, #tpu.memory_space<hbm>> -> memref<64x256xf32, #tpu.memory_space<hbm>>
    tpu.enqueue_dma source(%arg7 : memref<64x256xf32, #tpu.memory_space<vmem>>) target(%dma_start3A_170 : memref<64x256xf32, #tpu.memory_space<hbm>>) target_semaphore(%arg11 : memref<!tpu.dma_semaphore, #tpu.memory_space<semaphore_mem>>)
    %add3A_171 = arith.constant 384 : i32
    %add3A_172 = arith.addi %mul3A_2, %add3A_171 : i32
    %dma_wait3A_173 = arith.constant 0 : i32
    %dma_wait3A_174 = tpu.memref_slice %arg4[%add3A_172, %dma_wait3A_173] : memref<16384x256xf32, #tpu.memory_space<hbm>> -> memref<64x256xf32, #tpu.memory_space<hbm>>
    %dma_wait3A_175 = arith.constant 0 : i32
    %dma_wait3A_176 = tpu.memref_slice %arg4[%add3A_172, %dma_wait3A_175] : memref<16384x256xf32, #tpu.memory_space<hbm>> -> memref<64x256xf32, #tpu.memory_space<hbm>>
    tpu.wait_dma2 semaphore(%arg10 : memref<!tpu.dma_semaphore, #tpu.memory_space<semaphore_mem>>) src(%arg6 : memref<64x256xf32, #tpu.memory_space<vmem>>) dst(%dma_wait3A_176 : memref<64x256xf32, #tpu.memory_space<hbm>>)
    %add3A_177 = arith.constant 448 : i32
    %add3A_178 = arith.addi %mul3A_2, %add3A_177 : i32
    %dma_wait3A_179 = arith.constant 0 : i32
    %dma_wait3A_180 = tpu.memref_slice %arg4[%add3A_178, %dma_wait3A_179] : memref<16384x256xf32, #tpu.memory_space<hbm>> -> memref<64x256xf32, #tpu.memory_space<hbm>>
    %dma_wait3A_181 = arith.constant 0 : i32
    %dma_wait3A_182 = tpu.memref_slice %arg4[%add3A_178, %dma_wait3A_181] : memref<16384x256xf32, #tpu.memory_space<hbm>> -> memref<64x256xf32, #tpu.memory_space<hbm>>
    tpu.wait_dma2 semaphore(%arg11 : memref<!tpu.dma_semaphore, #tpu.memory_space<semaphore_mem>>) src(%arg7 : memref<64x256xf32, #tpu.memory_space<vmem>>) dst(%dma_wait3A_182 : memref<64x256xf32, #tpu.memory_space<hbm>>)
    return
  }
}

#map = affine_map<(d0, d1) -> (0, 0)>
#map1 = affine_map<(d0, d1) -> (0)>
#map2 = affine_map<(d0, d1) -> (0, 0, 0)>
module attributes {stable_mosaic.version = 14 : i64} {
  func.func @sc_sample(%arg0: i32, %arg1: i32, %arg2: memref<16384x200xi32, #tpu.memory_space<hbm>>, %arg3: memref<65536xi32, #tpu.memory_space<hbm>>, %arg4: memref<65536xf32, #tpu.memory_space<hbm>>, %arg5: memref<16xi32, #tpu.memory_space<hbm>>, %arg6: memref<4x16384x200xi32, #tpu.memory_space<hbm>>, %arg7: memref<65536xf32, #tpu.memory_space<hbm>>, %arg8: memref<2048xi32, #tpu.memory_space<vmem>>, %arg9: memref<2048xi32, #tpu.memory_space<vmem>>, %arg10: memref<2048xi32, #tpu.memory_space<vmem>>, %arg11: memref<16xi32, #tpu.memory_space<vmem>>, %arg12: memref<128x200xi32, #tpu.memory_space<vmem>>, %arg13: memref<128x200xi32, #tpu.memory_space<vmem>>, %arg14: memref<2048xf32, #tpu.memory_space<vmem>>, %arg15: memref<!tpu.dma_semaphore, #tpu.memory_space<semaphore_mem>>, %arg16: memref<!tpu.dma_semaphore, #tpu.memory_space<semaphore_mem>>, %arg17: memref<!tpu.dma_semaphore, #tpu.memory_space<semaphore_mem>>, %arg18: memref<!tpu.dma_semaphore, #tpu.memory_space<semaphore_mem>>) attributes {dimension_semantics = [#tpu.dimension_semantics<core_parallel>, #tpu.dimension_semantics<subcore_parallel>], iteration_bounds = array<i64: 2, 16>, scalar_prefetch = 0 : i64, scratch_operands = 11 : i64, tpu.core_type = #tpu.core_type<sc_vector_subcore>, window_params = [{transform_indices = #map}, {transform_indices = #map1}, {transform_indices = #map1}, {transform_indices = #map1}, {transform_indices = #map2}, {transform_indices = #map1}]} {
    %mul3A = arith.constant 2 : i32
    %mul3A_0 = arith.muli %arg1, %mul3A : i32
    %add3A = arith.addi %mul3A_0, %arg0 : i32
    %mul3A_1 = arith.constant 2048 : i32
    %mul3A_2 = arith.muli %add3A, %mul3A_1 : i32
    %jit3A = arith.constant 8 : i32
    %div3A = arith.divsi %add3A, %jit3A : i32
    %sign3A = arith.constant 0 : i32
    %sign3A_3 = arith.cmpi sgt, %add3A, %sign3A : i32
    %sign3A_4 = arith.extui %sign3A_3 : i1 to i32
    %sign3A_5 = arith.constant 0 : i32
    %sign3A_6 = arith.cmpi slt, %add3A, %sign3A_5 : i32
    %sign3A_7 = arith.extui %sign3A_6 : i1 to i32
    %sign3A_8 = arith.subi %sign3A_4, %sign3A_7 : i32
    %sign3A_9 = arith.constant 0 : i32
    %sign3A_10 = arith.cmpi sgt, %jit3A, %sign3A_9 : i32
    %sign3A_11 = arith.extui %sign3A_10 : i1 to i32
    %sign3A_12 = arith.constant 0 : i32
    %sign3A_13 = arith.cmpi slt, %jit3A, %sign3A_12 : i32
    %sign3A_14 = arith.extui %sign3A_13 : i1 to i32
    %sign3A_15 = arith.subi %sign3A_11, %sign3A_14 : i32
    %ne3A = arith.cmpi ne, %sign3A_8, %sign3A_15 : i32
    %rem3A = arith.remsi %add3A, %jit3A : i32
    %ne3A_16 = arith.constant 0 : i32
    %ne3A_17 = arith.cmpi ne, %rem3A, %ne3A_16 : i32
    %and3A = arith.andi %ne3A, %ne3A_17 : i1
    %sub3A = arith.constant 1 : i32
    %sub3A_18 = arith.subi %div3A, %sub3A : i32
    %select_n3A = arith.select %and3A, %sub3A_18, %div3A : i32
    %jit3A_19 = arith.constant 8 : i32
    %eq3A = arith.constant 0 : i32
    %eq3A_20 = arith.cmpi eq, %jit3A_19, %eq3A : i32
    %jit3A_21 = arith.constant 1 : i32
    %select_n3A_22 = arith.select %eq3A_20, %jit3A_21, %jit3A_19 : i32
    %rem3A_23 = arith.remsi %add3A, %select_n3A_22 : i32
    %ne3A_24 = arith.constant 0 : i32
    %ne3A_25 = arith.cmpi ne, %rem3A_23, %ne3A_24 : i32
    %lt3A = arith.constant 0 : i32
    %lt3A_26 = arith.cmpi slt, %rem3A_23, %lt3A : i32
    %lt3A_27 = arith.constant 0 : i32
    %lt3A_28 = arith.cmpi slt, %select_n3A_22, %lt3A_27 : i32
    %ne3A_29 = arith.xori %lt3A_26, %lt3A_28 : i1
    %and3A_30 = arith.andi %ne3A_29, %ne3A_25 : i1
    %add3A_31 = arith.addi %rem3A_23, %select_n3A_22 : i32
    %select_n3A_32 = arith.select %and3A_30, %add3A_31, %rem3A_23 : i32
    %mul3A_33 = arith.constant 2048 : i32
    %mul3A_34 = arith.muli %select_n3A_32, %mul3A_33 : i32
    "tpu.region"() ({
      %run_scoped3A = tpu.sem_alloc : memref<!tpu.dma_semaphore, #tpu.memory_space<semaphore_mem>>
      %dma_start3A_1415 = tpu.memref_slice %arg3[%mul3A_2] : memref<65536xi32, #tpu.memory_space<hbm>> -> memref<2048xi32, #tpu.memory_space<hbm>>
      %dma_start3A_1416 = tpu.memref_slice %arg3[%mul3A_2] : memref<65536xi32, #tpu.memory_space<hbm>> -> memref<2048xi32, #tpu.memory_space<hbm>>
      tpu.enqueue_dma source(%dma_start3A_1416 : memref<2048xi32, #tpu.memory_space<hbm>>) target(%arg8 : memref<2048xi32, #tpu.memory_space<vmem>>) target_semaphore(%run_scoped3A : memref<!tpu.dma_semaphore, #tpu.memory_space<semaphore_mem>>)
      %dma_wait3A_1417 = tpu.memref_slice %arg3[%mul3A_2] : memref<65536xi32, #tpu.memory_space<hbm>> -> memref<2048xi32, #tpu.memory_space<hbm>>
      %dma_wait3A_1418 = tpu.memref_slice %arg3[%mul3A_2] : memref<65536xi32, #tpu.memory_space<hbm>> -> memref<2048xi32, #tpu.memory_space<hbm>>
      tpu.wait_dma2 semaphore(%run_scoped3A : memref<!tpu.dma_semaphore, #tpu.memory_space<semaphore_mem>>) src(%dma_wait3A_1418 : memref<2048xi32, #tpu.memory_space<hbm>>) dst(%arg8 : memref<2048xi32, #tpu.memory_space<vmem>>)
      tpu.yield
    }) : () -> ()
    "tpu.region"() ({
      %run_scoped3A = tpu.sem_alloc : memref<!tpu.dma_semaphore, #tpu.memory_space<semaphore_mem>>
      tpu.enqueue_dma source(%arg5 : memref<16xi32, #tpu.memory_space<hbm>>) target(%arg11 : memref<16xi32, #tpu.memory_space<vmem>>) target_semaphore(%run_scoped3A : memref<!tpu.dma_semaphore, #tpu.memory_space<semaphore_mem>>)
      tpu.wait_dma2 semaphore(%run_scoped3A : memref<!tpu.dma_semaphore, #tpu.memory_space<semaphore_mem>>) src(%arg5 : memref<16xi32, #tpu.memory_space<hbm>>) dst(%arg11 : memref<16xi32, #tpu.memory_space<vmem>>)
      tpu.yield
    }) : () -> ()
    %get3A = arith.constant 0 : index
    %get3A_35 = tpu.vector_load %arg11[%get3A] {strides = array<i32>} : memref<16xi32, #tpu.memory_space<vmem>>, vector<16xi32>,
    %scan3A = arith.constant 0 : i32
    %scan3A_36 = arith.constant 0 : i32
    %scan3A_37 = arith.constant 128 : i32
    %scan3A_38 = arith.addi %scan3A_36, %scan3A_37 : i32
    %scan3A_39 = arith.constant 1 : i32
    %scan3A_40 = scf.for %scan3A_1415 = %scan3A_36 to %scan3A_38 step %scan3A_39 iter_args(%scan3A_1416 = %scan3A) -> (i32)  : i32 {
      %mul3A_1417 = arith.constant 16 : i32
      %mul3A_1418 = arith.muli %scan3A_1415, %mul3A_1417 : i32
      %multiple_of3A = tpu.assume_multiple %mul3A_1418, 16 : i32
      %get3A_1419 = arith.index_cast %multiple_of3A : i32 to index
      %get3A_1420 = tpu.vector_load %arg8[%get3A_1419] {strides = array<i32>} : memref<2048xi32, #tpu.memory_space<vmem>>, vector<16xi32>,
      %shift_right_arithmetic3A = arith.constant 2 : i32
      %shift_right_arithmetic3A_1421 = vector.broadcast %shift_right_arithmetic3A : i32 to vector<16xi32>
      %shift_right_arithmetic3A_1422 = arith.shrsi %get3A_1420, %shift_right_arithmetic3A_1421 : vector<16xi32>
      %swap3A = arith.index_cast %multiple_of3A : i32 to index
      %swap3A_1423 = tpu.vector_load %arg9[%swap3A] {strides = array<i32>} : memref<2048xi32, #tpu.memory_space<vmem>>, vector<16xi32>,
      tpu.vector_store %arg9[%swap3A], %shift_right_arithmetic3A_1422 {strides = array<i32>} : memref<2048xi32, #tpu.memory_space<vmem>>, vector<16xi32>,
      %and3A_1424 = arith.constant 3 : i32
      %and3A_1425 = vector.broadcast %and3A_1424 : i32 to vector<16xi32>
      %and3A_1426 = arith.andi %get3A_1420, %and3A_1425 : vector<16xi32>
      %swap3A_1427 = arith.index_cast %multiple_of3A : i32 to index
      %swap3A_1428 = tpu.vector_load %arg10[%swap3A_1427] {strides = array<i32>} : memref<2048xi32, #tpu.memory_space<vmem>>, vector<16xi32>,
      tpu.vector_store %arg10[%swap3A_1427], %and3A_1426 {strides = array<i32>} : memref<2048xi32, #tpu.memory_space<vmem>>, vector<16xi32>,
      %and3A_1429 = arith.constant 3 : i32
      %and3A_1430 = vector.broadcast %and3A_1429 : i32 to vector<16xi32>
      %and3A_1431 = arith.andi %get3A_1420, %and3A_1430 : vector<16xi32>
      %shift_left3A = arith.constant 14 : i32
      %shift_left3A_1432 = vector.broadcast %shift_left3A : i32 to vector<16xi32>
      %shift_left3A_1433 = arith.shli %and3A_1431, %shift_left3A_1432 : vector<16xi32>
      %shift_right_arithmetic3A_1434 = arith.constant 2 : i32
      %shift_right_arithmetic3A_1435 = vector.broadcast %shift_right_arithmetic3A_1434 : i32 to vector<16xi32>
      %shift_right_arithmetic3A_1436 = arith.shrsi %get3A_1420, %shift_right_arithmetic3A_1435 : vector<16xi32>
      %or3A = arith.ori %shift_left3A_1433, %shift_right_arithmetic3A_1436 : vector<16xi32>
      %swap3A_1437 = arith.index_cast %multiple_of3A : i32 to index
      %swap3A_1438 = tpu.vector_load %arg8[%swap3A_1437] {strides = array<i32>} : memref<2048xi32, #tpu.memory_space<vmem>>, vector<16xi32>,
      tpu.vector_store %arg8[%swap3A_1437], %or3A {strides = array<i32>} : memref<2048xi32, #tpu.memory_space<vmem>>, vector<16xi32>,
      %scan3A_1439 = arith.constant 0 : i32
      scf.yield %scan3A_1439 : i32
    }
    %scan3A_41 = arith.constant 128 : i32
    %dma_start3A = arith.constant 0 : i32
    %dma_start3A_42 = tpu.memref_slice %arg9[%dma_start3A] : memref<2048xi32, #tpu.memory_space<vmem>> -> memref<128xi32, #tpu.memory_space<vmem>>
    %dma_start3A_43 = arith.constant 0 : i32
    %dma_start3A_44 = arith.constant 0 : i32
    %dma_start3A_45 = tpu.memref_slice %arg2[%dma_start3A_43, %dma_start3A_44] : memref<16384x200xi32, #tpu.memory_space<hbm>> -> memref<16384x200xi32, #tpu.memory_space<hbm>>
    tpu.enqueue_indirect_dma source(%dma_start3A_45 : memref<16384x200xi32, #tpu.memory_space<hbm>>) target(%arg12 : memref<128x200xi32, #tpu.memory_space<vmem>>) offsets(%dma_start3A_42 : memref<128xi32, #tpu.memory_space<vmem>>) semaphore(%arg15 : memref<!tpu.dma_semaphore, #tpu.memory_space<semaphore_mem>>)
    %dma_start3A_46 = arith.constant 128 : i32
    %dma_start3A_47 = tpu.memref_slice %arg9[%dma_start3A_46] : memref<2048xi32, #tpu.memory_space<vmem>> -> memref<128xi32, #tpu.memory_space<vmem>>
    %dma_start3A_48 = arith.constant 0 : i32
    %dma_start3A_49 = arith.constant 0 : i32
    %dma_start3A_50 = tpu.memref_slice %arg2[%dma_start3A_48, %dma_start3A_49] : memref<16384x200xi32, #tpu.memory_space<hbm>> -> memref<16384x200xi32, #tpu.memory_space<hbm>>
    tpu.enqueue_indirect_dma source(%dma_start3A_50 : memref<16384x200xi32, #tpu.memory_space<hbm>>) target(%arg13 : memref<128x200xi32, #tpu.memory_space<vmem>>) offsets(%dma_start3A_47 : memref<128xi32, #tpu.memory_space<vmem>>) semaphore(%arg16 : memref<!tpu.dma_semaphore, #tpu.memory_space<semaphore_mem>>)
    %dma_wait3A = arith.constant 0 : i32
    %dma_wait3A_51 = tpu.memref_slice %arg9[%dma_wait3A] : memref<2048xi32, #tpu.memory_space<vmem>> -> memref<128xi32, #tpu.memory_space<vmem>>
    %dma_wait3A_52 = arith.constant 0 : i32
    %dma_wait3A_53 = arith.constant 0 : i32
    %dma_wait3A_54 = tpu.memref_slice %arg2[%dma_wait3A_52, %dma_wait3A_53] : memref<16384x200xi32, #tpu.memory_space<hbm>> -> memref<16384x200xi32, #tpu.memory_space<hbm>>
    tpu.wait_indirect_dma semaphore(%arg15 : memref<!tpu.dma_semaphore, #tpu.memory_space<semaphore_mem>>) src(%dma_wait3A_54 : memref<16384x200xi32, #tpu.memory_space<hbm>>) dst(%arg12 : memref<128x200xi32, #tpu.memory_space<vmem>>)
    %iota3A = tpu.iota {dimensions = array<i32: 0>} : vector<16xi32>
    %add3A_55 = arith.constant 0 : i32
    %add3A_56 = vector.broadcast %add3A_55 : i32 to vector<16xi32>
    %add3A_57 = arith.addi %iota3A, %add3A_56 : vector<16xi32>
    %get3A_58 = arith.constant 0 : index
    %get3A_59 = tpu.vector_load %arg10[%get3A_58] {strides = array<i32>} : memref<2048xi32, #tpu.memory_space<vmem>>, vector<16xi32>,
    tpu.vector_store_idx %arg12[%add3A_57, %get3A_35], %get3A_59 : memref<128x200xi32, #tpu.memory_space<vmem>>[vector<16xi32>, vector<16xi32>], vector<16xi32>,
    %iota3A_60 = tpu.iota {dimensions = array<i32: 0>} : vector<16xi32>
    %add3A_61 = arith.constant 16 : i32
    %add3A_62 = vector.broadcast %add3A_61 : i32 to vector<16xi32>
    %add3A_63 = arith.addi %iota3A_60, %add3A_62 : vector<16xi32>
    %get3A_64 = arith.constant 16 : index
    %get3A_65 = tpu.vector_load %arg10[%get3A_64] {strides = array<i32>} : memref<2048xi32, #tpu.memory_space<vmem>>, vector<16xi32>,
    tpu.vector_store_idx %arg12[%add3A_63, %get3A_35], %get3A_65 : memref<128x200xi32, #tpu.memory_space<vmem>>[vector<16xi32>, vector<16xi32>], vector<16xi32>,
    %iota3A_66 = tpu.iota {dimensions = array<i32: 0>} : vector<16xi32>
    %add3A_67 = arith.constant 32 : i32
    %add3A_68 = vector.broadcast %add3A_67 : i32 to vector<16xi32>
    %add3A_69 = arith.addi %iota3A_66, %add3A_68 : vector<16xi32>
    %get3A_70 = arith.constant 32 : index
    %get3A_71 = tpu.vector_load %arg10[%get3A_70] {strides = array<i32>} : memref<2048xi32, #tpu.memory_space<vmem>>, vector<16xi32>,
    tpu.vector_store_idx %arg12[%add3A_69, %get3A_35], %get3A_71 : memref<128x200xi32, #tpu.memory_space<vmem>>[vector<16xi32>, vector<16xi32>], vector<16xi32>,
    %iota3A_72 = tpu.iota {dimensions = array<i32: 0>} : vector<16xi32>
    %add3A_73 = arith.constant 48 : i32
    %add3A_74 = vector.broadcast %add3A_73 : i32 to vector<16xi32>
    %add3A_75 = arith.addi %iota3A_72, %add3A_74 : vector<16xi32>
    %get3A_76 = arith.constant 48 : index
    %get3A_77 = tpu.vector_load %arg10[%get3A_76] {strides = array<i32>} : memref<2048xi32, #tpu.memory_space<vmem>>, vector<16xi32>,
    tpu.vector_store_idx %arg12[%add3A_75, %get3A_35], %get3A_77 : memref<128x200xi32, #tpu.memory_space<vmem>>[vector<16xi32>, vector<16xi32>], vector<16xi32>,
    %iota3A_78 = tpu.iota {dimensions = array<i32: 0>} : vector<16xi32>
    %add3A_79 = arith.constant 64 : i32
    %add3A_80 = vector.broadcast %add3A_79 : i32 to vector<16xi32>
    %add3A_81 = arith.addi %iota3A_78, %add3A_80 : vector<16xi32>
    %get3A_82 = arith.constant 64 : index
    %get3A_83 = tpu.vector_load %arg10[%get3A_82] {strides = array<i32>} : memref<2048xi32, #tpu.memory_space<vmem>>, vector<16xi32>,
    tpu.vector_store_idx %arg12[%add3A_81, %get3A_35], %get3A_83 : memref<128x200xi32, #tpu.memory_space<vmem>>[vector<16xi32>, vector<16xi32>], vector<16xi32>,
    %iota3A_84 = tpu.iota {dimensions = array<i32: 0>} : vector<16xi32>
    %add3A_85 = arith.constant 80 : i32
    %add3A_86 = vector.broadcast %add3A_85 : i32 to vector<16xi32>
    %add3A_87 = arith.addi %iota3A_84, %add3A_86 : vector<16xi32>
    %get3A_88 = arith.constant 80 : index
    %get3A_89 = tpu.vector_load %arg10[%get3A_88] {strides = array<i32>} : memref<2048xi32, #tpu.memory_space<vmem>>, vector<16xi32>,
    tpu.vector_store_idx %arg12[%add3A_87, %get3A_35], %get3A_89 : memref<128x200xi32, #tpu.memory_space<vmem>>[vector<16xi32>, vector<16xi32>], vector<16xi32>,
    %iota3A_90 = tpu.iota {dimensions = array<i32: 0>} : vector<16xi32>
    %add3A_91 = arith.constant 96 : i32
    %add3A_92 = vector.broadcast %add3A_91 : i32 to vector<16xi32>
    %add3A_93 = arith.addi %iota3A_90, %add3A_92 : vector<16xi32>
    %get3A_94 = arith.constant 96 : index
    %get3A_95 = tpu.vector_load %arg10[%get3A_94] {strides = array<i32>} : memref<2048xi32, #tpu.memory_space<vmem>>, vector<16xi32>,
    tpu.vector_store_idx %arg12[%add3A_93, %get3A_35], %get3A_95 : memref<128x200xi32, #tpu.memory_space<vmem>>[vector<16xi32>, vector<16xi32>], vector<16xi32>,
    %iota3A_96 = tpu.iota {dimensions = array<i32: 0>} : vector<16xi32>
    %add3A_97 = arith.constant 112 : i32
    %add3A_98 = vector.broadcast %add3A_97 : i32 to vector<16xi32>
    %add3A_99 = arith.addi %iota3A_96, %add3A_98 : vector<16xi32>
    %get3A_100 = arith.constant 112 : index
    %get3A_101 = tpu.vector_load %arg10[%get3A_100] {strides = array<i32>} : memref<2048xi32, #tpu.memory_space<vmem>>, vector<16xi32>,
    tpu.vector_store_idx %arg12[%add3A_99, %get3A_35], %get3A_101 : memref<128x200xi32, #tpu.memory_space<vmem>>[vector<16xi32>, vector<16xi32>], vector<16xi32>,
    %add3A_102 = arith.constant 0 : i32
    %add3A_103 = arith.addi %mul3A_34, %add3A_102 : i32
    %dma_start3A_104 = arith.constant 0 : i32
    %dma_start3A_105 = tpu.memref_slice %arg6[%select_n3A, %add3A_103, %dma_start3A_104] : memref<4x16384x200xi32, #tpu.memory_space<hbm>> -> memref<1x128x200xi32, #tpu.memory_space<hbm>>
    %dma_start3A_106 = tpu.memref_squeeze %dma_start3A_105 : memref<1x128x200xi32, #tpu.memory_space<hbm>> -> memref<128x200xi32, #tpu.memory_space<hbm>>
    %dma_start3A_107 = arith.constant 0 : i32
    %dma_start3A_108 = tpu.memref_slice %arg6[%select_n3A, %add3A_103, %dma_start3A_107] : memref<4x16384x200xi32, #tpu.memory_space<hbm>> -> memref<1x128x200xi32, #tpu.memory_space<hbm>>
    %dma_start3A_109 = tpu.memref_squeeze %dma_start3A_108 : memref<1x128x200xi32, #tpu.memory_space<hbm>> -> memref<128x200xi32, #tpu.memory_space<hbm>>
    tpu.enqueue_dma source(%arg12 : memref<128x200xi32, #tpu.memory_space<vmem>>) target(%dma_start3A_109 : memref<128x200xi32, #tpu.memory_space<hbm>>) target_semaphore(%arg17 : memref<!tpu.dma_semaphore, #tpu.memory_space<semaphore_mem>>)
    %add3A_110 = arith.constant 0 : i32
    %add3A_111 = arith.addi %mul3A_34, %add3A_110 : i32
    %dma_wait3A_112 = arith.constant 0 : i32
    %dma_wait3A_113 = tpu.memref_slice %arg6[%select_n3A, %add3A_111, %dma_wait3A_112] : memref<4x16384x200xi32, #tpu.memory_space<hbm>> -> memref<1x128x200xi32, #tpu.memory_space<hbm>>
    %dma_wait3A_114 = tpu.memref_squeeze %dma_wait3A_113 : memref<1x128x200xi32, #tpu.memory_space<hbm>> -> memref<128x200xi32, #tpu.memory_space<hbm>>
    %dma_wait3A_115 = arith.constant 0 : i32
    %dma_wait3A_116 = tpu.memref_slice %arg6[%select_n3A, %add3A_111, %dma_wait3A_115] : memref<4x16384x200xi32, #tpu.memory_space<hbm>> -> memref<1x128x200xi32, #tpu.memory_space<hbm>>
    %dma_wait3A_117 = tpu.memref_squeeze %dma_wait3A_116 : memref<1x128x200xi32, #tpu.memory_space<hbm>> -> memref<128x200xi32, #tpu.memory_space<hbm>>
    tpu.wait_dma2 semaphore(%arg17 : memref<!tpu.dma_semaphore, #tpu.memory_space<semaphore_mem>>) src(%arg12 : memref<128x200xi32, #tpu.memory_space<vmem>>) dst(%dma_wait3A_117 : memref<128x200xi32, #tpu.memory_space<hbm>>)
    %dma_start3A_118 = arith.constant 256 : i32
    %dma_start3A_119 = tpu.memref_slice %arg9[%dma_start3A_118] : memref<2048xi32, #tpu.memory_space<vmem>> -> memref<128xi32, #tpu.memory_space<vmem>>
    %dma_start3A_120 = arith.constant 0 : i32
    %dma_start3A_121 = arith.constant 0 : i32
    %dma_start3A_122 = tpu.memref_slice %arg2[%dma_start3A_120, %dma_start3A_121] : memref<16384x200xi32, #tpu.memory_space<hbm>> -> memref<16384x200xi32, #tpu.memory_space<hbm>>
    tpu.enqueue_indirect_dma source(%dma_start3A_122 : memref<16384x200xi32, #tpu.memory_space<hbm>>) target(%arg12 : memref<128x200xi32, #tpu.memory_space<vmem>>) offsets(%dma_start3A_119 : memref<128xi32, #tpu.memory_space<vmem>>) semaphore(%arg15 : memref<!tpu.dma_semaphore, #tpu.memory_space<semaphore_mem>>)
    %dma_wait3A_123 = arith.constant 128 : i32
    %dma_wait3A_124 = tpu.memref_slice %arg9[%dma_wait3A_123] : memref<2048xi32, #tpu.memory_space<vmem>> -> memref<128xi32, #tpu.memory_space<vmem>>
    %dma_wait3A_125 = arith.constant 0 : i32
    %dma_wait3A_126 = arith.constant 0 : i32
    %dma_wait3A_127 = tpu.memref_slice %arg2[%dma_wait3A_125, %dma_wait3A_126] : memref<16384x200xi32, #tpu.memory_space<hbm>> -> memref<16384x200xi32, #tpu.memory_space<hbm>>
    tpu.wait_indirect_dma semaphore(%arg16 : memref<!tpu.dma_semaphore, #tpu.memory_space<semaphore_mem>>) src(%dma_wait3A_127 : memref<16384x200xi32, #tpu.memory_space<hbm>>) dst(%arg13 : memref<128x200xi32, #tpu.memory_space<vmem>>)
    %iota3A_128 = tpu.iota {dimensions = array<i32: 0>} : vector<16xi32>
    %add3A_129 = arith.constant 0 : i32
    %add3A_130 = vector.broadcast %add3A_129 : i32 to vector<16xi32>
    %add3A_131 = arith.addi %iota3A_128, %add3A_130 : vector<16xi32>
    %get3A_132 = arith.constant 128 : index
    %get3A_133 = tpu.vector_load %arg10[%get3A_132] {strides = array<i32>} : memref<2048xi32, #tpu.memory_space<vmem>>, vector<16xi32>,
    tpu.vector_store_idx %arg13[%add3A_131, %get3A_35], %get3A_133 : memref<128x200xi32, #tpu.memory_space<vmem>>[vector<16xi32>, vector<16xi32>], vector<16xi32>,
    %iota3A_134 = tpu.iota {dimensions = array<i32: 0>} : vector<16xi32>
    %add3A_135 = arith.constant 16 : i32
    %add3A_136 = vector.broadcast %add3A_135 : i32 to vector<16xi32>
    %add3A_137 = arith.addi %iota3A_134, %add3A_136 : vector<16xi32>
    %get3A_138 = arith.constant 144 : index
    %get3A_139 = tpu.vector_load %arg10[%get3A_138] {strides = array<i32>} : memref<2048xi32, #tpu.memory_space<vmem>>, vector<16xi32>,
    tpu.vector_store_idx %arg13[%add3A_137, %get3A_35], %get3A_139 : memref<128x200xi32, #tpu.memory_space<vmem>>[vector<16xi32>, vector<16xi32>], vector<16xi32>,
    %iota3A_140 = tpu.iota {dimensions = array<i32: 0>} : vector<16xi32>
    %add3A_141 = arith.constant 32 : i32
    %add3A_142 = vector.broadcast %add3A_141 : i32 to vector<16xi32>
    %add3A_143 = arith.addi %iota3A_140, %add3A_142 : vector<16xi32>
    %get3A_144 = arith.constant 160 : index
    %get3A_145 = tpu.vector_load %arg10[%get3A_144] {strides = array<i32>} : memref<2048xi32, #tpu.memory_space<vmem>>, vector<16xi32>,
    tpu.vector_store_idx %arg13[%add3A_143, %get3A_35], %get3A_145 : memref<128x200xi32, #tpu.memory_space<vmem>>[vector<16xi32>, vector<16xi32>], vector<16xi32>,
    %iota3A_146 = tpu.iota {dimensions = array<i32: 0>} : vector<16xi32>
    %add3A_147 = arith.constant 48 : i32
    %add3A_148 = vector.broadcast %add3A_147 : i32 to vector<16xi32>
    %add3A_149 = arith.addi %iota3A_146, %add3A_148 : vector<16xi32>
    %get3A_150 = arith.constant 176 : index
    %get3A_151 = tpu.vector_load %arg10[%get3A_150] {strides = array<i32>} : memref<2048xi32, #tpu.memory_space<vmem>>, vector<16xi32>,
    tpu.vector_store_idx %arg13[%add3A_149, %get3A_35], %get3A_151 : memref<128x200xi32, #tpu.memory_space<vmem>>[vector<16xi32>, vector<16xi32>], vector<16xi32>,
    %iota3A_152 = tpu.iota {dimensions = array<i32: 0>} : vector<16xi32>
    %add3A_153 = arith.constant 64 : i32
    %add3A_154 = vector.broadcast %add3A_153 : i32 to vector<16xi32>
    %add3A_155 = arith.addi %iota3A_152, %add3A_154 : vector<16xi32>
    %get3A_156 = arith.constant 192 : index
    %get3A_157 = tpu.vector_load %arg10[%get3A_156] {strides = array<i32>} : memref<2048xi32, #tpu.memory_space<vmem>>, vector<16xi32>,
    tpu.vector_store_idx %arg13[%add3A_155, %get3A_35], %get3A_157 : memref<128x200xi32, #tpu.memory_space<vmem>>[vector<16xi32>, vector<16xi32>], vector<16xi32>,
    %iota3A_158 = tpu.iota {dimensions = array<i32: 0>} : vector<16xi32>
    %add3A_159 = arith.constant 80 : i32
    %add3A_160 = vector.broadcast %add3A_159 : i32 to vector<16xi32>
    %add3A_161 = arith.addi %iota3A_158, %add3A_160 : vector<16xi32>
    %get3A_162 = arith.constant 208 : index
    %get3A_163 = tpu.vector_load %arg10[%get3A_162] {strides = array<i32>} : memref<2048xi32, #tpu.memory_space<vmem>>, vector<16xi32>,
    tpu.vector_store_idx %arg13[%add3A_161, %get3A_35], %get3A_163 : memref<128x200xi32, #tpu.memory_space<vmem>>[vector<16xi32>, vector<16xi32>], vector<16xi32>,
    %iota3A_164 = tpu.iota {dimensions = array<i32: 0>} : vector<16xi32>
    %add3A_165 = arith.constant 96 : i32
    %add3A_166 = vector.broadcast %add3A_165 : i32 to vector<16xi32>
    %add3A_167 = arith.addi %iota3A_164, %add3A_166 : vector<16xi32>
    %get3A_168 = arith.constant 224 : index
    %get3A_169 = tpu.vector_load %arg10[%get3A_168] {strides = array<i32>} : memref<2048xi32, #tpu.memory_space<vmem>>, vector<16xi32>,
    tpu.vector_store_idx %arg13[%add3A_167, %get3A_35], %get3A_169 : memref<128x200xi32, #tpu.memory_space<vmem>>[vector<16xi32>, vector<16xi32>], vector<16xi32>,
    %iota3A_170 = tpu.iota {dimensions = array<i32: 0>} : vector<16xi32>
    %add3A_171 = arith.constant 112 : i32
    %add3A_172 = vector.broadcast %add3A_171 : i32 to vector<16xi32>
    %add3A_173 = arith.addi %iota3A_170, %add3A_172 : vector<16xi32>
    %get3A_174 = arith.constant 240 : index
    %get3A_175 = tpu.vector_load %arg10[%get3A_174] {strides = array<i32>} : memref<2048xi32, #tpu.memory_space<vmem>>, vector<16xi32>,
    tpu.vector_store_idx %arg13[%add3A_173, %get3A_35], %get3A_175 : memref<128x200xi32, #tpu.memory_space<vmem>>[vector<16xi32>, vector<16xi32>], vector<16xi32>,
    %add3A_176 = arith.constant 128 : i32
    %add3A_177 = arith.addi %mul3A_34, %add3A_176 : i32
    %dma_start3A_178 = arith.constant 0 : i32
    %dma_start3A_179 = tpu.memref_slice %arg6[%select_n3A, %add3A_177, %dma_start3A_178] : memref<4x16384x200xi32, #tpu.memory_space<hbm>> -> memref<1x128x200xi32, #tpu.memory_space<hbm>>
    %dma_start3A_180 = tpu.memref_squeeze %dma_start3A_179 : memref<1x128x200xi32, #tpu.memory_space<hbm>> -> memref<128x200xi32, #tpu.memory_space<hbm>>
    %dma_start3A_181 = arith.constant 0 : i32
    %dma_start3A_182 = tpu.memref_slice %arg6[%select_n3A, %add3A_177, %dma_start3A_181] : memref<4x16384x200xi32, #tpu.memory_space<hbm>> -> memref<1x128x200xi32, #tpu.memory_space<hbm>>
    %dma_start3A_183 = tpu.memref_squeeze %dma_start3A_182 : memref<1x128x200xi32, #tpu.memory_space<hbm>> -> memref<128x200xi32, #tpu.memory_space<hbm>>
    tpu.enqueue_dma source(%arg13 : memref<128x200xi32, #tpu.memory_space<vmem>>) target(%dma_start3A_183 : memref<128x200xi32, #tpu.memory_space<hbm>>) target_semaphore(%arg18 : memref<!tpu.dma_semaphore, #tpu.memory_space<semaphore_mem>>)
    %add3A_184 = arith.constant 128 : i32
    %add3A_185 = arith.addi %mul3A_34, %add3A_184 : i32
    %dma_wait3A_186 = arith.constant 0 : i32
    %dma_wait3A_187 = tpu.memref_slice %arg6[%select_n3A, %add3A_185, %dma_wait3A_186] : memref<4x16384x200xi32, #tpu.memory_space<hbm>> -> memref<1x128x200xi32, #tpu.memory_space<hbm>>
    %dma_wait3A_188 = tpu.memref_squeeze %dma_wait3A_187 : memref<1x128x200xi32, #tpu.memory_space<hbm>> -> memref<128x200xi32, #tpu.memory_space<hbm>>
    %dma_wait3A_189 = arith.constant 0 : i32
    %dma_wait3A_190 = tpu.memref_slice %arg6[%select_n3A, %add3A_185, %dma_wait3A_189] : memref<4x16384x200xi32, #tpu.memory_space<hbm>> -> memref<1x128x200xi32, #tpu.memory_space<hbm>>
    %dma_wait3A_191 = tpu.memref_squeeze %dma_wait3A_190 : memref<1x128x200xi32, #tpu.memory_space<hbm>> -> memref<128x200xi32, #tpu.memory_space<hbm>>
    tpu.wait_dma2 semaphore(%arg18 : memref<!tpu.dma_semaphore, #tpu.memory_space<semaphore_mem>>) src(%arg13 : memref<128x200xi32, #tpu.memory_space<vmem>>) dst(%dma_wait3A_191 : memref<128x200xi32, #tpu.memory_space<hbm>>)
    %dma_start3A_192 = arith.constant 384 : i32
    %dma_start3A_193 = tpu.memref_slice %arg9[%dma_start3A_192] : memref<2048xi32, #tpu.memory_space<vmem>> -> memref<128xi32, #tpu.memory_space<vmem>>
    %dma_start3A_194 = arith.constant 0 : i32
    %dma_start3A_195 = arith.constant 0 : i32
    %dma_start3A_196 = tpu.memref_slice %arg2[%dma_start3A_194, %dma_start3A_195] : memref<16384x200xi32, #tpu.memory_space<hbm>> -> memref<16384x200xi32, #tpu.memory_space<hbm>>
    tpu.enqueue_indirect_dma source(%dma_start3A_196 : memref<16384x200xi32, #tpu.memory_space<hbm>>) target(%arg13 : memref<128x200xi32, #tpu.memory_space<vmem>>) offsets(%dma_start3A_193 : memref<128xi32, #tpu.memory_space<vmem>>) semaphore(%arg16 : memref<!tpu.dma_semaphore, #tpu.memory_space<semaphore_mem>>)
    %dma_wait3A_197 = arith.constant 256 : i32
    %dma_wait3A_198 = tpu.memref_slice %arg9[%dma_wait3A_197] : memref<2048xi32, #tpu.memory_space<vmem>> -> memref<128xi32, #tpu.memory_space<vmem>>
    %dma_wait3A_199 = arith.constant 0 : i32
    %dma_wait3A_200 = arith.constant 0 : i32
    %dma_wait3A_201 = tpu.memref_slice %arg2[%dma_wait3A_199, %dma_wait3A_200] : memref<16384x200xi32, #tpu.memory_space<hbm>> -> memref<16384x200xi32, #tpu.memory_space<hbm>>
    tpu.wait_indirect_dma semaphore(%arg15 : memref<!tpu.dma_semaphore, #tpu.memory_space<semaphore_mem>>) src(%dma_wait3A_201 : memref<16384x200xi32, #tpu.memory_space<hbm>>) dst(%arg12 : memref<128x200xi32, #tpu.memory_space<vmem>>)
    %iota3A_202 = tpu.iota {dimensions = array<i32: 0>} : vector<16xi32>
    %add3A_203 = arith.constant 0 : i32
    %add3A_204 = vector.broadcast %add3A_203 : i32 to vector<16xi32>
    %add3A_205 = arith.addi %iota3A_202, %add3A_204 : vector<16xi32>
    %get3A_206 = arith.constant 256 : index
    %get3A_207 = tpu.vector_load %arg10[%get3A_206] {strides = array<i32>} : memref<2048xi32, #tpu.memory_space<vmem>>, vector<16xi32>,
    tpu.vector_store_idx %arg12[%add3A_205, %get3A_35], %get3A_207 : memref<128x200xi32, #tpu.memory_space<vmem>>[vector<16xi32>, vector<16xi32>], vector<16xi32>,
    %iota3A_208 = tpu.iota {dimensions = array<i32: 0>} : vector<16xi32>
    %add3A_209 = arith.constant 16 : i32
    %add3A_210 = vector.broadcast %add3A_209 : i32 to vector<16xi32>
    %add3A_211 = arith.addi %iota3A_208, %add3A_210 : vector<16xi32>
    %get3A_212 = arith.constant 272 : index
    %get3A_213 = tpu.vector_load %arg10[%get3A_212] {strides = array<i32>} : memref<2048xi32, #tpu.memory_space<vmem>>, vector<16xi32>,
    tpu.vector_store_idx %arg12[%add3A_211, %get3A_35], %get3A_213 : memref<128x200xi32, #tpu.memory_space<vmem>>[vector<16xi32>, vector<16xi32>], vector<16xi32>,
    %iota3A_214 = tpu.iota {dimensions = array<i32: 0>} : vector<16xi32>
    %add3A_215 = arith.constant 32 : i32
    %add3A_216 = vector.broadcast %add3A_215 : i32 to vector<16xi32>
    %add3A_217 = arith.addi %iota3A_214, %add3A_216 : vector<16xi32>
    %get3A_218 = arith.constant 288 : index
    %get3A_219 = tpu.vector_load %arg10[%get3A_218] {strides = array<i32>} : memref<2048xi32, #tpu.memory_space<vmem>>, vector<16xi32>,
    tpu.vector_store_idx %arg12[%add3A_217, %get3A_35], %get3A_219 : memref<128x200xi32, #tpu.memory_space<vmem>>[vector<16xi32>, vector<16xi32>], vector<16xi32>,
    %iota3A_220 = tpu.iota {dimensions = array<i32: 0>} : vector<16xi32>
    %add3A_221 = arith.constant 48 : i32
    %add3A_222 = vector.broadcast %add3A_221 : i32 to vector<16xi32>
    %add3A_223 = arith.addi %iota3A_220, %add3A_222 : vector<16xi32>
    %get3A_224 = arith.constant 304 : index
    %get3A_225 = tpu.vector_load %arg10[%get3A_224] {strides = array<i32>} : memref<2048xi32, #tpu.memory_space<vmem>>, vector<16xi32>,
    tpu.vector_store_idx %arg12[%add3A_223, %get3A_35], %get3A_225 : memref<128x200xi32, #tpu.memory_space<vmem>>[vector<16xi32>, vector<16xi32>], vector<16xi32>,
    %iota3A_226 = tpu.iota {dimensions = array<i32: 0>} : vector<16xi32>
    %add3A_227 = arith.constant 64 : i32
    %add3A_228 = vector.broadcast %add3A_227 : i32 to vector<16xi32>
    %add3A_229 = arith.addi %iota3A_226, %add3A_228 : vector<16xi32>
    %get3A_230 = arith.constant 320 : index
    %get3A_231 = tpu.vector_load %arg10[%get3A_230] {strides = array<i32>} : memref<2048xi32, #tpu.memory_space<vmem>>, vector<16xi32>,
    tpu.vector_store_idx %arg12[%add3A_229, %get3A_35], %get3A_231 : memref<128x200xi32, #tpu.memory_space<vmem>>[vector<16xi32>, vector<16xi32>], vector<16xi32>,
    %iota3A_232 = tpu.iota {dimensions = array<i32: 0>} : vector<16xi32>
    %add3A_233 = arith.constant 80 : i32
    %add3A_234 = vector.broadcast %add3A_233 : i32 to vector<16xi32>
    %add3A_235 = arith.addi %iota3A_232, %add3A_234 : vector<16xi32>
    %get3A_236 = arith.constant 336 : index
    %get3A_237 = tpu.vector_load %arg10[%get3A_236] {strides = array<i32>} : memref<2048xi32, #tpu.memory_space<vmem>>, vector<16xi32>,
    tpu.vector_store_idx %arg12[%add3A_235, %get3A_35], %get3A_237 : memref<128x200xi32, #tpu.memory_space<vmem>>[vector<16xi32>, vector<16xi32>], vector<16xi32>,
    %iota3A_238 = tpu.iota {dimensions = array<i32: 0>} : vector<16xi32>
    %add3A_239 = arith.constant 96 : i32
    %add3A_240 = vector.broadcast %add3A_239 : i32 to vector<16xi32>
    %add3A_241 = arith.addi %iota3A_238, %add3A_240 : vector<16xi32>
    %get3A_242 = arith.constant 352 : index
    %get3A_243 = tpu.vector_load %arg10[%get3A_242] {strides = array<i32>} : memref<2048xi32, #tpu.memory_space<vmem>>, vector<16xi32>,
    tpu.vector_store_idx %arg12[%add3A_241, %get3A_35], %get3A_243 : memref<128x200xi32, #tpu.memory_space<vmem>>[vector<16xi32>, vector<16xi32>], vector<16xi32>,
    %iota3A_244 = tpu.iota {dimensions = array<i32: 0>} : vector<16xi32>
    %add3A_245 = arith.constant 112 : i32
    %add3A_246 = vector.broadcast %add3A_245 : i32 to vector<16xi32>
    %add3A_247 = arith.addi %iota3A_244, %add3A_246 : vector<16xi32>
    %get3A_248 = arith.constant 368 : index
    %get3A_249 = tpu.vector_load %arg10[%get3A_248] {strides = array<i32>} : memref<2048xi32, #tpu.memory_space<vmem>>, vector<16xi32>,
    tpu.vector_store_idx %arg12[%add3A_247, %get3A_35], %get3A_249 : memref<128x200xi32, #tpu.memory_space<vmem>>[vector<16xi32>, vector<16xi32>], vector<16xi32>,
    %add3A_250 = arith.constant 256 : i32
    %add3A_251 = arith.addi %mul3A_34, %add3A_250 : i32
    %dma_start3A_252 = arith.constant 0 : i32
    %dma_start3A_253 = tpu.memref_slice %arg6[%select_n3A, %add3A_251, %dma_start3A_252] : memref<4x16384x200xi32, #tpu.memory_space<hbm>> -> memref<1x128x200xi32, #tpu.memory_space<hbm>>
    %dma_start3A_254 = tpu.memref_squeeze %dma_start3A_253 : memref<1x128x200xi32, #tpu.memory_space<hbm>> -> memref<128x200xi32, #tpu.memory_space<hbm>>
    %dma_start3A_255 = arith.constant 0 : i32
    %dma_start3A_256 = tpu.memref_slice %arg6[%select_n3A, %add3A_251, %dma_start3A_255] : memref<4x16384x200xi32, #tpu.memory_space<hbm>> -> memref<1x128x200xi32, #tpu.memory_space<hbm>>
    %dma_start3A_257 = tpu.memref_squeeze %dma_start3A_256 : memref<1x128x200xi32, #tpu.memory_space<hbm>> -> memref<128x200xi32, #tpu.memory_space<hbm>>
    tpu.enqueue_dma source(%arg12 : memref<128x200xi32, #tpu.memory_space<vmem>>) target(%dma_start3A_257 : memref<128x200xi32, #tpu.memory_space<hbm>>) target_semaphore(%arg17 : memref<!tpu.dma_semaphore, #tpu.memory_space<semaphore_mem>>)
    %add3A_258 = arith.constant 256 : i32
    %add3A_259 = arith.addi %mul3A_34, %add3A_258 : i32
    %dma_wait3A_260 = arith.constant 0 : i32
    %dma_wait3A_261 = tpu.memref_slice %arg6[%select_n3A, %add3A_259, %dma_wait3A_260] : memref<4x16384x200xi32, #tpu.memory_space<hbm>> -> memref<1x128x200xi32, #tpu.memory_space<hbm>>
    %dma_wait3A_262 = tpu.memref_squeeze %dma_wait3A_261 : memref<1x128x200xi32, #tpu.memory_space<hbm>> -> memref<128x200xi32, #tpu.memory_space<hbm>>
    %dma_wait3A_263 = arith.constant 0 : i32
    %dma_wait3A_264 = tpu.memref_slice %arg6[%select_n3A, %add3A_259, %dma_wait3A_263] : memref<4x16384x200xi32, #tpu.memory_space<hbm>> -> memref<1x128x200xi32, #tpu.memory_space<hbm>>
    %dma_wait3A_265 = tpu.memref_squeeze %dma_wait3A_264 : memref<1x128x200xi32, #tpu.memory_space<hbm>> -> memref<128x200xi32, #tpu.memory_space<hbm>>
    tpu.wait_dma2 semaphore(%arg17 : memref<!tpu.dma_semaphore, #tpu.memory_space<semaphore_mem>>) src(%arg12 : memref<128x200xi32, #tpu.memory_space<vmem>>) dst(%dma_wait3A_265 : memref<128x200xi32, #tpu.memory_space<hbm>>)
    %dma_start3A_266 = arith.constant 512 : i32
    %dma_start3A_267 = tpu.memref_slice %arg9[%dma_start3A_266] : memref<2048xi32, #tpu.memory_space<vmem>> -> memref<128xi32, #tpu.memory_space<vmem>>
    %dma_start3A_268 = arith.constant 0 : i32
    %dma_start3A_269 = arith.constant 0 : i32
    %dma_start3A_270 = tpu.memref_slice %arg2[%dma_start3A_268, %dma_start3A_269] : memref<16384x200xi32, #tpu.memory_space<hbm>> -> memref<16384x200xi32, #tpu.memory_space<hbm>>
    tpu.enqueue_indirect_dma source(%dma_start3A_270 : memref<16384x200xi32, #tpu.memory_space<hbm>>) target(%arg12 : memref<128x200xi32, #tpu.memory_space<vmem>>) offsets(%dma_start3A_267 : memref<128xi32, #tpu.memory_space<vmem>>) semaphore(%arg15 : memref<!tpu.dma_semaphore, #tpu.memory_space<semaphore_mem>>)
    %dma_wait3A_271 = arith.constant 384 : i32
    %dma_wait3A_272 = tpu.memref_slice %arg9[%dma_wait3A_271] : memref<2048xi32, #tpu.memory_space<vmem>> -> memref<128xi32, #tpu.memory_space<vmem>>
    %dma_wait3A_273 = arith.constant 0 : i32
    %dma_wait3A_274 = arith.constant 0 : i32
    %dma_wait3A_275 = tpu.memref_slice %arg2[%dma_wait3A_273, %dma_wait3A_274] : memref<16384x200xi32, #tpu.memory_space<hbm>> -> memref<16384x200xi32, #tpu.memory_space<hbm>>
    tpu.wait_indirect_dma semaphore(%arg16 : memref<!tpu.dma_semaphore, #tpu.memory_space<semaphore_mem>>) src(%dma_wait3A_275 : memref<16384x200xi32, #tpu.memory_space<hbm>>) dst(%arg13 : memref<128x200xi32, #tpu.memory_space<vmem>>)
    %iota3A_276 = tpu.iota {dimensions = array<i32: 0>} : vector<16xi32>
    %add3A_277 = arith.constant 0 : i32
    %add3A_278 = vector.broadcast %add3A_277 : i32 to vector<16xi32>
    %add3A_279 = arith.addi %iota3A_276, %add3A_278 : vector<16xi32>
    %get3A_280 = arith.constant 384 : index
    %get3A_281 = tpu.vector_load %arg10[%get3A_280] {strides = array<i32>} : memref<2048xi32, #tpu.memory_space<vmem>>, vector<16xi32>,
    tpu.vector_store_idx %arg13[%add3A_279, %get3A_35], %get3A_281 : memref<128x200xi32, #tpu.memory_space<vmem>>[vector<16xi32>, vector<16xi32>], vector<16xi32>,
    %iota3A_282 = tpu.iota {dimensions = array<i32: 0>} : vector<16xi32>
    %add3A_283 = arith.constant 16 : i32
    %add3A_284 = vector.broadcast %add3A_283 : i32 to vector<16xi32>
    %add3A_285 = arith.addi %iota3A_282, %add3A_284 : vector<16xi32>
    %get3A_286 = arith.constant 400 : index
    %get3A_287 = tpu.vector_load %arg10[%get3A_286] {strides = array<i32>} : memref<2048xi32, #tpu.memory_space<vmem>>, vector<16xi32>,
    tpu.vector_store_idx %arg13[%add3A_285, %get3A_35], %get3A_287 : memref<128x200xi32, #tpu.memory_space<vmem>>[vector<16xi32>, vector<16xi32>], vector<16xi32>,
    %iota3A_288 = tpu.iota {dimensions = array<i32: 0>} : vector<16xi32>
    %add3A_289 = arith.constant 32 : i32
    %add3A_290 = vector.broadcast %add3A_289 : i32 to vector<16xi32>
    %add3A_291 = arith.addi %iota3A_288, %add3A_290 : vector<16xi32>
    %get3A_292 = arith.constant 416 : index
    %get3A_293 = tpu.vector_load %arg10[%get3A_292] {strides = array<i32>} : memref<2048xi32, #tpu.memory_space<vmem>>, vector<16xi32>,
    tpu.vector_store_idx %arg13[%add3A_291, %get3A_35], %get3A_293 : memref<128x200xi32, #tpu.memory_space<vmem>>[vector<16xi32>, vector<16xi32>], vector<16xi32>,
    %iota3A_294 = tpu.iota {dimensions = array<i32: 0>} : vector<16xi32>
    %add3A_295 = arith.constant 48 : i32
    %add3A_296 = vector.broadcast %add3A_295 : i32 to vector<16xi32>
    %add3A_297 = arith.addi %iota3A_294, %add3A_296 : vector<16xi32>
    %get3A_298 = arith.constant 432 : index
    %get3A_299 = tpu.vector_load %arg10[%get3A_298] {strides = array<i32>} : memref<2048xi32, #tpu.memory_space<vmem>>, vector<16xi32>,
    tpu.vector_store_idx %arg13[%add3A_297, %get3A_35], %get3A_299 : memref<128x200xi32, #tpu.memory_space<vmem>>[vector<16xi32>, vector<16xi32>], vector<16xi32>,
    %iota3A_300 = tpu.iota {dimensions = array<i32: 0>} : vector<16xi32>
    %add3A_301 = arith.constant 64 : i32
    %add3A_302 = vector.broadcast %add3A_301 : i32 to vector<16xi32>
    %add3A_303 = arith.addi %iota3A_300, %add3A_302 : vector<16xi32>
    %get3A_304 = arith.constant 448 : index
    %get3A_305 = tpu.vector_load %arg10[%get3A_304] {strides = array<i32>} : memref<2048xi32, #tpu.memory_space<vmem>>, vector<16xi32>,
    tpu.vector_store_idx %arg13[%add3A_303, %get3A_35], %get3A_305 : memref<128x200xi32, #tpu.memory_space<vmem>>[vector<16xi32>, vector<16xi32>], vector<16xi32>,
    %iota3A_306 = tpu.iota {dimensions = array<i32: 0>} : vector<16xi32>
    %add3A_307 = arith.constant 80 : i32
    %add3A_308 = vector.broadcast %add3A_307 : i32 to vector<16xi32>
    %add3A_309 = arith.addi %iota3A_306, %add3A_308 : vector<16xi32>
    %get3A_310 = arith.constant 464 : index
    %get3A_311 = tpu.vector_load %arg10[%get3A_310] {strides = array<i32>} : memref<2048xi32, #tpu.memory_space<vmem>>, vector<16xi32>,
    tpu.vector_store_idx %arg13[%add3A_309, %get3A_35], %get3A_311 : memref<128x200xi32, #tpu.memory_space<vmem>>[vector<16xi32>, vector<16xi32>], vector<16xi32>,
    %iota3A_312 = tpu.iota {dimensions = array<i32: 0>} : vector<16xi32>
    %add3A_313 = arith.constant 96 : i32
    %add3A_314 = vector.broadcast %add3A_313 : i32 to vector<16xi32>
    %add3A_315 = arith.addi %iota3A_312, %add3A_314 : vector<16xi32>
    %get3A_316 = arith.constant 480 : index
    %get3A_317 = tpu.vector_load %arg10[%get3A_316] {strides = array<i32>} : memref<2048xi32, #tpu.memory_space<vmem>>, vector<16xi32>,
    tpu.vector_store_idx %arg13[%add3A_315, %get3A_35], %get3A_317 : memref<128x200xi32, #tpu.memory_space<vmem>>[vector<16xi32>, vector<16xi32>], vector<16xi32>,
    %iota3A_318 = tpu.iota {dimensions = array<i32: 0>} : vector<16xi32>
    %add3A_319 = arith.constant 112 : i32
    %add3A_320 = vector.broadcast %add3A_319 : i32 to vector<16xi32>
    %add3A_321 = arith.addi %iota3A_318, %add3A_320 : vector<16xi32>
    %get3A_322 = arith.constant 496 : index
    %get3A_323 = tpu.vector_load %arg10[%get3A_322] {strides = array<i32>} : memref<2048xi32, #tpu.memory_space<vmem>>, vector<16xi32>,
    tpu.vector_store_idx %arg13[%add3A_321, %get3A_35], %get3A_323 : memref<128x200xi32, #tpu.memory_space<vmem>>[vector<16xi32>, vector<16xi32>], vector<16xi32>,
    %add3A_324 = arith.constant 384 : i32
    %add3A_325 = arith.addi %mul3A_34, %add3A_324 : i32
    %dma_start3A_326 = arith.constant 0 : i32
    %dma_start3A_327 = tpu.memref_slice %arg6[%select_n3A, %add3A_325, %dma_start3A_326] : memref<4x16384x200xi32, #tpu.memory_space<hbm>> -> memref<1x128x200xi32, #tpu.memory_space<hbm>>
    %dma_start3A_328 = tpu.memref_squeeze %dma_start3A_327 : memref<1x128x200xi32, #tpu.memory_space<hbm>> -> memref<128x200xi32, #tpu.memory_space<hbm>>
    %dma_start3A_329 = arith.constant 0 : i32
    %dma_start3A_330 = tpu.memref_slice %arg6[%select_n3A, %add3A_325, %dma_start3A_329] : memref<4x16384x200xi32, #tpu.memory_space<hbm>> -> memref<1x128x200xi32, #tpu.memory_space<hbm>>
    %dma_start3A_331 = tpu.memref_squeeze %dma_start3A_330 : memref<1x128x200xi32, #tpu.memory_space<hbm>> -> memref<128x200xi32, #tpu.memory_space<hbm>>
    tpu.enqueue_dma source(%arg13 : memref<128x200xi32, #tpu.memory_space<vmem>>) target(%dma_start3A_331 : memref<128x200xi32, #tpu.memory_space<hbm>>) target_semaphore(%arg18 : memref<!tpu.dma_semaphore, #tpu.memory_space<semaphore_mem>>)
    %add3A_332 = arith.constant 384 : i32
    %add3A_333 = arith.addi %mul3A_34, %add3A_332 : i32
    %dma_wait3A_334 = arith.constant 0 : i32
    %dma_wait3A_335 = tpu.memref_slice %arg6[%select_n3A, %add3A_333, %dma_wait3A_334] : memref<4x16384x200xi32, #tpu.memory_space<hbm>> -> memref<1x128x200xi32, #tpu.memory_space<hbm>>
    %dma_wait3A_336 = tpu.memref_squeeze %dma_wait3A_335 : memref<1x128x200xi32, #tpu.memory_space<hbm>> -> memref<128x200xi32, #tpu.memory_space<hbm>>
    %dma_wait3A_337 = arith.constant 0 : i32
    %dma_wait3A_338 = tpu.memref_slice %arg6[%select_n3A, %add3A_333, %dma_wait3A_337] : memref<4x16384x200xi32, #tpu.memory_space<hbm>> -> memref<1x128x200xi32, #tpu.memory_space<hbm>>
    %dma_wait3A_339 = tpu.memref_squeeze %dma_wait3A_338 : memref<1x128x200xi32, #tpu.memory_space<hbm>> -> memref<128x200xi32, #tpu.memory_space<hbm>>
    tpu.wait_dma2 semaphore(%arg18 : memref<!tpu.dma_semaphore, #tpu.memory_space<semaphore_mem>>) src(%arg13 : memref<128x200xi32, #tpu.memory_space<vmem>>) dst(%dma_wait3A_339 : memref<128x200xi32, #tpu.memory_space<hbm>>)
    %dma_start3A_340 = arith.constant 640 : i32
    %dma_start3A_341 = tpu.memref_slice %arg9[%dma_start3A_340] : memref<2048xi32, #tpu.memory_space<vmem>> -> memref<128xi32, #tpu.memory_space<vmem>>
    %dma_start3A_342 = arith.constant 0 : i32
    %dma_start3A_343 = arith.constant 0 : i32
    %dma_start3A_344 = tpu.memref_slice %arg2[%dma_start3A_342, %dma_start3A_343] : memref<16384x200xi32, #tpu.memory_space<hbm>> -> memref<16384x200xi32, #tpu.memory_space<hbm>>
    tpu.enqueue_indirect_dma source(%dma_start3A_344 : memref<16384x200xi32, #tpu.memory_space<hbm>>) target(%arg13 : memref<128x200xi32, #tpu.memory_space<vmem>>) offsets(%dma_start3A_341 : memref<128xi32, #tpu.memory_space<vmem>>) semaphore(%arg16 : memref<!tpu.dma_semaphore, #tpu.memory_space<semaphore_mem>>)
    %dma_wait3A_345 = arith.constant 512 : i32
    %dma_wait3A_346 = tpu.memref_slice %arg9[%dma_wait3A_345] : memref<2048xi32, #tpu.memory_space<vmem>> -> memref<128xi32, #tpu.memory_space<vmem>>
    %dma_wait3A_347 = arith.constant 0 : i32
    %dma_wait3A_348 = arith.constant 0 : i32
    %dma_wait3A_349 = tpu.memref_slice %arg2[%dma_wait3A_347, %dma_wait3A_348] : memref<16384x200xi32, #tpu.memory_space<hbm>> -> memref<16384x200xi32, #tpu.memory_space<hbm>>
    tpu.wait_indirect_dma semaphore(%arg15 : memref<!tpu.dma_semaphore, #tpu.memory_space<semaphore_mem>>) src(%dma_wait3A_349 : memref<16384x200xi32, #tpu.memory_space<hbm>>) dst(%arg12 : memref<128x200xi32, #tpu.memory_space<vmem>>)
    %iota3A_350 = tpu.iota {dimensions = array<i32: 0>} : vector<16xi32>
    %add3A_351 = arith.constant 0 : i32
    %add3A_352 = vector.broadcast %add3A_351 : i32 to vector<16xi32>
    %add3A_353 = arith.addi %iota3A_350, %add3A_352 : vector<16xi32>
    %get3A_354 = arith.constant 512 : index
    %get3A_355 = tpu.vector_load %arg10[%get3A_354] {strides = array<i32>} : memref<2048xi32, #tpu.memory_space<vmem>>, vector<16xi32>,
    tpu.vector_store_idx %arg12[%add3A_353, %get3A_35], %get3A_355 : memref<128x200xi32, #tpu.memory_space<vmem>>[vector<16xi32>, vector<16xi32>], vector<16xi32>,
    %iota3A_356 = tpu.iota {dimensions = array<i32: 0>} : vector<16xi32>
    %add3A_357 = arith.constant 16 : i32
    %add3A_358 = vector.broadcast %add3A_357 : i32 to vector<16xi32>
    %add3A_359 = arith.addi %iota3A_356, %add3A_358 : vector<16xi32>
    %get3A_360 = arith.constant 528 : index
    %get3A_361 = tpu.vector_load %arg10[%get3A_360] {strides = array<i32>} : memref<2048xi32, #tpu.memory_space<vmem>>, vector<16xi32>,
    tpu.vector_store_idx %arg12[%add3A_359, %get3A_35], %get3A_361 : memref<128x200xi32, #tpu.memory_space<vmem>>[vector<16xi32>, vector<16xi32>], vector<16xi32>,
    %iota3A_362 = tpu.iota {dimensions = array<i32: 0>} : vector<16xi32>
    %add3A_363 = arith.constant 32 : i32
    %add3A_364 = vector.broadcast %add3A_363 : i32 to vector<16xi32>
    %add3A_365 = arith.addi %iota3A_362, %add3A_364 : vector<16xi32>
    %get3A_366 = arith.constant 544 : index
    %get3A_367 = tpu.vector_load %arg10[%get3A_366] {strides = array<i32>} : memref<2048xi32, #tpu.memory_space<vmem>>, vector<16xi32>,
    tpu.vector_store_idx %arg12[%add3A_365, %get3A_35], %get3A_367 : memref<128x200xi32, #tpu.memory_space<vmem>>[vector<16xi32>, vector<16xi32>], vector<16xi32>,
    %iota3A_368 = tpu.iota {dimensions = array<i32: 0>} : vector<16xi32>
    %add3A_369 = arith.constant 48 : i32
    %add3A_370 = vector.broadcast %add3A_369 : i32 to vector<16xi32>
    %add3A_371 = arith.addi %iota3A_368, %add3A_370 : vector<16xi32>
    %get3A_372 = arith.constant 560 : index
    %get3A_373 = tpu.vector_load %arg10[%get3A_372] {strides = array<i32>} : memref<2048xi32, #tpu.memory_space<vmem>>, vector<16xi32>,
    tpu.vector_store_idx %arg12[%add3A_371, %get3A_35], %get3A_373 : memref<128x200xi32, #tpu.memory_space<vmem>>[vector<16xi32>, vector<16xi32>], vector<16xi32>,
    %iota3A_374 = tpu.iota {dimensions = array<i32: 0>} : vector<16xi32>
    %add3A_375 = arith.constant 64 : i32
    %add3A_376 = vector.broadcast %add3A_375 : i32 to vector<16xi32>
    %add3A_377 = arith.addi %iota3A_374, %add3A_376 : vector<16xi32>
    %get3A_378 = arith.constant 576 : index
    %get3A_379 = tpu.vector_load %arg10[%get3A_378] {strides = array<i32>} : memref<2048xi32, #tpu.memory_space<vmem>>, vector<16xi32>,
    tpu.vector_store_idx %arg12[%add3A_377, %get3A_35], %get3A_379 : memref<128x200xi32, #tpu.memory_space<vmem>>[vector<16xi32>, vector<16xi32>], vector<16xi32>,
    %iota3A_380 = tpu.iota {dimensions = array<i32: 0>} : vector<16xi32>
    %add3A_381 = arith.constant 80 : i32
    %add3A_382 = vector.broadcast %add3A_381 : i32 to vector<16xi32>
    %add3A_383 = arith.addi %iota3A_380, %add3A_382 : vector<16xi32>
    %get3A_384 = arith.constant 592 : index
    %get3A_385 = tpu.vector_load %arg10[%get3A_384] {strides = array<i32>} : memref<2048xi32, #tpu.memory_space<vmem>>, vector<16xi32>,
    tpu.vector_store_idx %arg12[%add3A_383, %get3A_35], %get3A_385 : memref<128x200xi32, #tpu.memory_space<vmem>>[vector<16xi32>, vector<16xi32>], vector<16xi32>,
    %iota3A_386 = tpu.iota {dimensions = array<i32: 0>} : vector<16xi32>
    %add3A_387 = arith.constant 96 : i32
    %add3A_388 = vector.broadcast %add3A_387 : i32 to vector<16xi32>
    %add3A_389 = arith.addi %iota3A_386, %add3A_388 : vector<16xi32>
    %get3A_390 = arith.constant 608 : index
    %get3A_391 = tpu.vector_load %arg10[%get3A_390] {strides = array<i32>} : memref<2048xi32, #tpu.memory_space<vmem>>, vector<16xi32>,
    tpu.vector_store_idx %arg12[%add3A_389, %get3A_35], %get3A_391 : memref<128x200xi32, #tpu.memory_space<vmem>>[vector<16xi32>, vector<16xi32>], vector<16xi32>,
    %iota3A_392 = tpu.iota {dimensions = array<i32: 0>} : vector<16xi32>
    %add3A_393 = arith.constant 112 : i32
    %add3A_394 = vector.broadcast %add3A_393 : i32 to vector<16xi32>
    %add3A_395 = arith.addi %iota3A_392, %add3A_394 : vector<16xi32>
    %get3A_396 = arith.constant 624 : index
    %get3A_397 = tpu.vector_load %arg10[%get3A_396] {strides = array<i32>} : memref<2048xi32, #tpu.memory_space<vmem>>, vector<16xi32>,
    tpu.vector_store_idx %arg12[%add3A_395, %get3A_35], %get3A_397 : memref<128x200xi32, #tpu.memory_space<vmem>>[vector<16xi32>, vector<16xi32>], vector<16xi32>,
    %add3A_398 = arith.constant 512 : i32
    %add3A_399 = arith.addi %mul3A_34, %add3A_398 : i32
    %dma_start3A_400 = arith.constant 0 : i32
    %dma_start3A_401 = tpu.memref_slice %arg6[%select_n3A, %add3A_399, %dma_start3A_400] : memref<4x16384x200xi32, #tpu.memory_space<hbm>> -> memref<1x128x200xi32, #tpu.memory_space<hbm>>
    %dma_start3A_402 = tpu.memref_squeeze %dma_start3A_401 : memref<1x128x200xi32, #tpu.memory_space<hbm>> -> memref<128x200xi32, #tpu.memory_space<hbm>>
    %dma_start3A_403 = arith.constant 0 : i32
    %dma_start3A_404 = tpu.memref_slice %arg6[%select_n3A, %add3A_399, %dma_start3A_403] : memref<4x16384x200xi32, #tpu.memory_space<hbm>> -> memref<1x128x200xi32, #tpu.memory_space<hbm>>
    %dma_start3A_405 = tpu.memref_squeeze %dma_start3A_404 : memref<1x128x200xi32, #tpu.memory_space<hbm>> -> memref<128x200xi32, #tpu.memory_space<hbm>>
    tpu.enqueue_dma source(%arg12 : memref<128x200xi32, #tpu.memory_space<vmem>>) target(%dma_start3A_405 : memref<128x200xi32, #tpu.memory_space<hbm>>) target_semaphore(%arg17 : memref<!tpu.dma_semaphore, #tpu.memory_space<semaphore_mem>>)
    %add3A_406 = arith.constant 512 : i32
    %add3A_407 = arith.addi %mul3A_34, %add3A_406 : i32
    %dma_wait3A_408 = arith.constant 0 : i32
    %dma_wait3A_409 = tpu.memref_slice %arg6[%select_n3A, %add3A_407, %dma_wait3A_408] : memref<4x16384x200xi32, #tpu.memory_space<hbm>> -> memref<1x128x200xi32, #tpu.memory_space<hbm>>
    %dma_wait3A_410 = tpu.memref_squeeze %dma_wait3A_409 : memref<1x128x200xi32, #tpu.memory_space<hbm>> -> memref<128x200xi32, #tpu.memory_space<hbm>>
    %dma_wait3A_411 = arith.constant 0 : i32
    %dma_wait3A_412 = tpu.memref_slice %arg6[%select_n3A, %add3A_407, %dma_wait3A_411] : memref<4x16384x200xi32, #tpu.memory_space<hbm>> -> memref<1x128x200xi32, #tpu.memory_space<hbm>>
    %dma_wait3A_413 = tpu.memref_squeeze %dma_wait3A_412 : memref<1x128x200xi32, #tpu.memory_space<hbm>> -> memref<128x200xi32, #tpu.memory_space<hbm>>
    tpu.wait_dma2 semaphore(%arg17 : memref<!tpu.dma_semaphore, #tpu.memory_space<semaphore_mem>>) src(%arg12 : memref<128x200xi32, #tpu.memory_space<vmem>>) dst(%dma_wait3A_413 : memref<128x200xi32, #tpu.memory_space<hbm>>)
    %dma_start3A_414 = arith.constant 768 : i32
    %dma_start3A_415 = tpu.memref_slice %arg9[%dma_start3A_414] : memref<2048xi32, #tpu.memory_space<vmem>> -> memref<128xi32, #tpu.memory_space<vmem>>
    %dma_start3A_416 = arith.constant 0 : i32
    %dma_start3A_417 = arith.constant 0 : i32
    %dma_start3A_418 = tpu.memref_slice %arg2[%dma_start3A_416, %dma_start3A_417] : memref<16384x200xi32, #tpu.memory_space<hbm>> -> memref<16384x200xi32, #tpu.memory_space<hbm>>
    tpu.enqueue_indirect_dma source(%dma_start3A_418 : memref<16384x200xi32, #tpu.memory_space<hbm>>) target(%arg12 : memref<128x200xi32, #tpu.memory_space<vmem>>) offsets(%dma_start3A_415 : memref<128xi32, #tpu.memory_space<vmem>>) semaphore(%arg15 : memref<!tpu.dma_semaphore, #tpu.memory_space<semaphore_mem>>)
    %dma_wait3A_419 = arith.constant 640 : i32
    %dma_wait3A_420 = tpu.memref_slice %arg9[%dma_wait3A_419] : memref<2048xi32, #tpu.memory_space<vmem>> -> memref<128xi32, #tpu.memory_space<vmem>>
    %dma_wait3A_421 = arith.constant 0 : i32
    %dma_wait3A_422 = arith.constant 0 : i32
    %dma_wait3A_423 = tpu.memref_slice %arg2[%dma_wait3A_421, %dma_wait3A_422] : memref<16384x200xi32, #tpu.memory_space<hbm>> -> memref<16384x200xi32, #tpu.memory_space<hbm>>
    tpu.wait_indirect_dma semaphore(%arg16 : memref<!tpu.dma_semaphore, #tpu.memory_space<semaphore_mem>>) src(%dma_wait3A_423 : memref<16384x200xi32, #tpu.memory_space<hbm>>) dst(%arg13 : memref<128x200xi32, #tpu.memory_space<vmem>>)
    %iota3A_424 = tpu.iota {dimensions = array<i32: 0>} : vector<16xi32>
    %add3A_425 = arith.constant 0 : i32
    %add3A_426 = vector.broadcast %add3A_425 : i32 to vector<16xi32>
    %add3A_427 = arith.addi %iota3A_424, %add3A_426 : vector<16xi32>
    %get3A_428 = arith.constant 640 : index
    %get3A_429 = tpu.vector_load %arg10[%get3A_428] {strides = array<i32>} : memref<2048xi32, #tpu.memory_space<vmem>>, vector<16xi32>,
    tpu.vector_store_idx %arg13[%add3A_427, %get3A_35], %get3A_429 : memref<128x200xi32, #tpu.memory_space<vmem>>[vector<16xi32>, vector<16xi32>], vector<16xi32>,
    %iota3A_430 = tpu.iota {dimensions = array<i32: 0>} : vector<16xi32>
    %add3A_431 = arith.constant 16 : i32
    %add3A_432 = vector.broadcast %add3A_431 : i32 to vector<16xi32>
    %add3A_433 = arith.addi %iota3A_430, %add3A_432 : vector<16xi32>
    %get3A_434 = arith.constant 656 : index
    %get3A_435 = tpu.vector_load %arg10[%get3A_434] {strides = array<i32>} : memref<2048xi32, #tpu.memory_space<vmem>>, vector<16xi32>,
    tpu.vector_store_idx %arg13[%add3A_433, %get3A_35], %get3A_435 : memref<128x200xi32, #tpu.memory_space<vmem>>[vector<16xi32>, vector<16xi32>], vector<16xi32>,
    %iota3A_436 = tpu.iota {dimensions = array<i32: 0>} : vector<16xi32>
    %add3A_437 = arith.constant 32 : i32
    %add3A_438 = vector.broadcast %add3A_437 : i32 to vector<16xi32>
    %add3A_439 = arith.addi %iota3A_436, %add3A_438 : vector<16xi32>
    %get3A_440 = arith.constant 672 : index
    %get3A_441 = tpu.vector_load %arg10[%get3A_440] {strides = array<i32>} : memref<2048xi32, #tpu.memory_space<vmem>>, vector<16xi32>,
    tpu.vector_store_idx %arg13[%add3A_439, %get3A_35], %get3A_441 : memref<128x200xi32, #tpu.memory_space<vmem>>[vector<16xi32>, vector<16xi32>], vector<16xi32>,
    %iota3A_442 = tpu.iota {dimensions = array<i32: 0>} : vector<16xi32>
    %add3A_443 = arith.constant 48 : i32
    %add3A_444 = vector.broadcast %add3A_443 : i32 to vector<16xi32>
    %add3A_445 = arith.addi %iota3A_442, %add3A_444 : vector<16xi32>
    %get3A_446 = arith.constant 688 : index
    %get3A_447 = tpu.vector_load %arg10[%get3A_446] {strides = array<i32>} : memref<2048xi32, #tpu.memory_space<vmem>>, vector<16xi32>,
    tpu.vector_store_idx %arg13[%add3A_445, %get3A_35], %get3A_447 : memref<128x200xi32, #tpu.memory_space<vmem>>[vector<16xi32>, vector<16xi32>], vector<16xi32>,
    %iota3A_448 = tpu.iota {dimensions = array<i32: 0>} : vector<16xi32>
    %add3A_449 = arith.constant 64 : i32
    %add3A_450 = vector.broadcast %add3A_449 : i32 to vector<16xi32>
    %add3A_451 = arith.addi %iota3A_448, %add3A_450 : vector<16xi32>
    %get3A_452 = arith.constant 704 : index
    %get3A_453 = tpu.vector_load %arg10[%get3A_452] {strides = array<i32>} : memref<2048xi32, #tpu.memory_space<vmem>>, vector<16xi32>,
    tpu.vector_store_idx %arg13[%add3A_451, %get3A_35], %get3A_453 : memref<128x200xi32, #tpu.memory_space<vmem>>[vector<16xi32>, vector<16xi32>], vector<16xi32>,
    %iota3A_454 = tpu.iota {dimensions = array<i32: 0>} : vector<16xi32>
    %add3A_455 = arith.constant 80 : i32
    %add3A_456 = vector.broadcast %add3A_455 : i32 to vector<16xi32>
    %add3A_457 = arith.addi %iota3A_454, %add3A_456 : vector<16xi32>
    %get3A_458 = arith.constant 720 : index
    %get3A_459 = tpu.vector_load %arg10[%get3A_458] {strides = array<i32>} : memref<2048xi32, #tpu.memory_space<vmem>>, vector<16xi32>,
    tpu.vector_store_idx %arg13[%add3A_457, %get3A_35], %get3A_459 : memref<128x200xi32, #tpu.memory_space<vmem>>[vector<16xi32>, vector<16xi32>], vector<16xi32>,
    %iota3A_460 = tpu.iota {dimensions = array<i32: 0>} : vector<16xi32>
    %add3A_461 = arith.constant 96 : i32
    %add3A_462 = vector.broadcast %add3A_461 : i32 to vector<16xi32>
    %add3A_463 = arith.addi %iota3A_460, %add3A_462 : vector<16xi32>
    %get3A_464 = arith.constant 736 : index
    %get3A_465 = tpu.vector_load %arg10[%get3A_464] {strides = array<i32>} : memref<2048xi32, #tpu.memory_space<vmem>>, vector<16xi32>,
    tpu.vector_store_idx %arg13[%add3A_463, %get3A_35], %get3A_465 : memref<128x200xi32, #tpu.memory_space<vmem>>[vector<16xi32>, vector<16xi32>], vector<16xi32>,
    %iota3A_466 = tpu.iota {dimensions = array<i32: 0>} : vector<16xi32>
    %add3A_467 = arith.constant 112 : i32
    %add3A_468 = vector.broadcast %add3A_467 : i32 to vector<16xi32>
    %add3A_469 = arith.addi %iota3A_466, %add3A_468 : vector<16xi32>
    %get3A_470 = arith.constant 752 : index
    %get3A_471 = tpu.vector_load %arg10[%get3A_470] {strides = array<i32>} : memref<2048xi32, #tpu.memory_space<vmem>>, vector<16xi32>,
    tpu.vector_store_idx %arg13[%add3A_469, %get3A_35], %get3A_471 : memref<128x200xi32, #tpu.memory_space<vmem>>[vector<16xi32>, vector<16xi32>], vector<16xi32>,
    %add3A_472 = arith.constant 640 : i32
    %add3A_473 = arith.addi %mul3A_34, %add3A_472 : i32
    %dma_start3A_474 = arith.constant 0 : i32
    %dma_start3A_475 = tpu.memref_slice %arg6[%select_n3A, %add3A_473, %dma_start3A_474] : memref<4x16384x200xi32, #tpu.memory_space<hbm>> -> memref<1x128x200xi32, #tpu.memory_space<hbm>>
    %dma_start3A_476 = tpu.memref_squeeze %dma_start3A_475 : memref<1x128x200xi32, #tpu.memory_space<hbm>> -> memref<128x200xi32, #tpu.memory_space<hbm>>
    %dma_start3A_477 = arith.constant 0 : i32
    %dma_start3A_478 = tpu.memref_slice %arg6[%select_n3A, %add3A_473, %dma_start3A_477] : memref<4x16384x200xi32, #tpu.memory_space<hbm>> -> memref<1x128x200xi32, #tpu.memory_space<hbm>>
    %dma_start3A_479 = tpu.memref_squeeze %dma_start3A_478 : memref<1x128x200xi32, #tpu.memory_space<hbm>> -> memref<128x200xi32, #tpu.memory_space<hbm>>
    tpu.enqueue_dma source(%arg13 : memref<128x200xi32, #tpu.memory_space<vmem>>) target(%dma_start3A_479 : memref<128x200xi32, #tpu.memory_space<hbm>>) target_semaphore(%arg18 : memref<!tpu.dma_semaphore, #tpu.memory_space<semaphore_mem>>)
    %add3A_480 = arith.constant 640 : i32
    %add3A_481 = arith.addi %mul3A_34, %add3A_480 : i32
    %dma_wait3A_482 = arith.constant 0 : i32
    %dma_wait3A_483 = tpu.memref_slice %arg6[%select_n3A, %add3A_481, %dma_wait3A_482] : memref<4x16384x200xi32, #tpu.memory_space<hbm>> -> memref<1x128x200xi32, #tpu.memory_space<hbm>>
    %dma_wait3A_484 = tpu.memref_squeeze %dma_wait3A_483 : memref<1x128x200xi32, #tpu.memory_space<hbm>> -> memref<128x200xi32, #tpu.memory_space<hbm>>
    %dma_wait3A_485 = arith.constant 0 : i32
    %dma_wait3A_486 = tpu.memref_slice %arg6[%select_n3A, %add3A_481, %dma_wait3A_485] : memref<4x16384x200xi32, #tpu.memory_space<hbm>> -> memref<1x128x200xi32, #tpu.memory_space<hbm>>
    %dma_wait3A_487 = tpu.memref_squeeze %dma_wait3A_486 : memref<1x128x200xi32, #tpu.memory_space<hbm>> -> memref<128x200xi32, #tpu.memory_space<hbm>>
    tpu.wait_dma2 semaphore(%arg18 : memref<!tpu.dma_semaphore, #tpu.memory_space<semaphore_mem>>) src(%arg13 : memref<128x200xi32, #tpu.memory_space<vmem>>) dst(%dma_wait3A_487 : memref<128x200xi32, #tpu.memory_space<hbm>>)
    %dma_start3A_488 = arith.constant 896 : i32
    %dma_start3A_489 = tpu.memref_slice %arg9[%dma_start3A_488] : memref<2048xi32, #tpu.memory_space<vmem>> -> memref<128xi32, #tpu.memory_space<vmem>>
    %dma_start3A_490 = arith.constant 0 : i32
    %dma_start3A_491 = arith.constant 0 : i32
    %dma_start3A_492 = tpu.memref_slice %arg2[%dma_start3A_490, %dma_start3A_491] : memref<16384x200xi32, #tpu.memory_space<hbm>> -> memref<16384x200xi32, #tpu.memory_space<hbm>>
    tpu.enqueue_indirect_dma source(%dma_start3A_492 : memref<16384x200xi32, #tpu.memory_space<hbm>>) target(%arg13 : memref<128x200xi32, #tpu.memory_space<vmem>>) offsets(%dma_start3A_489 : memref<128xi32, #tpu.memory_space<vmem>>) semaphore(%arg16 : memref<!tpu.dma_semaphore, #tpu.memory_space<semaphore_mem>>)
    %dma_wait3A_493 = arith.constant 768 : i32
    %dma_wait3A_494 = tpu.memref_slice %arg9[%dma_wait3A_493] : memref<2048xi32, #tpu.memory_space<vmem>> -> memref<128xi32, #tpu.memory_space<vmem>>
    %dma_wait3A_495 = arith.constant 0 : i32
    %dma_wait3A_496 = arith.constant 0 : i32
    %dma_wait3A_497 = tpu.memref_slice %arg2[%dma_wait3A_495, %dma_wait3A_496] : memref<16384x200xi32, #tpu.memory_space<hbm>> -> memref<16384x200xi32, #tpu.memory_space<hbm>>
    tpu.wait_indirect_dma semaphore(%arg15 : memref<!tpu.dma_semaphore, #tpu.memory_space<semaphore_mem>>) src(%dma_wait3A_497 : memref<16384x200xi32, #tpu.memory_space<hbm>>) dst(%arg12 : memref<128x200xi32, #tpu.memory_space<vmem>>)
    %iota3A_498 = tpu.iota {dimensions = array<i32: 0>} : vector<16xi32>
    %add3A_499 = arith.constant 0 : i32
    %add3A_500 = vector.broadcast %add3A_499 : i32 to vector<16xi32>
    %add3A_501 = arith.addi %iota3A_498, %add3A_500 : vector<16xi32>
    %get3A_502 = arith.constant 768 : index
    %get3A_503 = tpu.vector_load %arg10[%get3A_502] {strides = array<i32>} : memref<2048xi32, #tpu.memory_space<vmem>>, vector<16xi32>,
    tpu.vector_store_idx %arg12[%add3A_501, %get3A_35], %get3A_503 : memref<128x200xi32, #tpu.memory_space<vmem>>[vector<16xi32>, vector<16xi32>], vector<16xi32>,
    %iota3A_504 = tpu.iota {dimensions = array<i32: 0>} : vector<16xi32>
    %add3A_505 = arith.constant 16 : i32
    %add3A_506 = vector.broadcast %add3A_505 : i32 to vector<16xi32>
    %add3A_507 = arith.addi %iota3A_504, %add3A_506 : vector<16xi32>
    %get3A_508 = arith.constant 784 : index
    %get3A_509 = tpu.vector_load %arg10[%get3A_508] {strides = array<i32>} : memref<2048xi32, #tpu.memory_space<vmem>>, vector<16xi32>,
    tpu.vector_store_idx %arg12[%add3A_507, %get3A_35], %get3A_509 : memref<128x200xi32, #tpu.memory_space<vmem>>[vector<16xi32>, vector<16xi32>], vector<16xi32>,
    %iota3A_510 = tpu.iota {dimensions = array<i32: 0>} : vector<16xi32>
    %add3A_511 = arith.constant 32 : i32
    %add3A_512 = vector.broadcast %add3A_511 : i32 to vector<16xi32>
    %add3A_513 = arith.addi %iota3A_510, %add3A_512 : vector<16xi32>
    %get3A_514 = arith.constant 800 : index
    %get3A_515 = tpu.vector_load %arg10[%get3A_514] {strides = array<i32>} : memref<2048xi32, #tpu.memory_space<vmem>>, vector<16xi32>,
    tpu.vector_store_idx %arg12[%add3A_513, %get3A_35], %get3A_515 : memref<128x200xi32, #tpu.memory_space<vmem>>[vector<16xi32>, vector<16xi32>], vector<16xi32>,
    %iota3A_516 = tpu.iota {dimensions = array<i32: 0>} : vector<16xi32>
    %add3A_517 = arith.constant 48 : i32
    %add3A_518 = vector.broadcast %add3A_517 : i32 to vector<16xi32>
    %add3A_519 = arith.addi %iota3A_516, %add3A_518 : vector<16xi32>
    %get3A_520 = arith.constant 816 : index
    %get3A_521 = tpu.vector_load %arg10[%get3A_520] {strides = array<i32>} : memref<2048xi32, #tpu.memory_space<vmem>>, vector<16xi32>,
    tpu.vector_store_idx %arg12[%add3A_519, %get3A_35], %get3A_521 : memref<128x200xi32, #tpu.memory_space<vmem>>[vector<16xi32>, vector<16xi32>], vector<16xi32>,
    %iota3A_522 = tpu.iota {dimensions = array<i32: 0>} : vector<16xi32>
    %add3A_523 = arith.constant 64 : i32
    %add3A_524 = vector.broadcast %add3A_523 : i32 to vector<16xi32>
    %add3A_525 = arith.addi %iota3A_522, %add3A_524 : vector<16xi32>
    %get3A_526 = arith.constant 832 : index
    %get3A_527 = tpu.vector_load %arg10[%get3A_526] {strides = array<i32>} : memref<2048xi32, #tpu.memory_space<vmem>>, vector<16xi32>,
    tpu.vector_store_idx %arg12[%add3A_525, %get3A_35], %get3A_527 : memref<128x200xi32, #tpu.memory_space<vmem>>[vector<16xi32>, vector<16xi32>], vector<16xi32>,
    %iota3A_528 = tpu.iota {dimensions = array<i32: 0>} : vector<16xi32>
    %add3A_529 = arith.constant 80 : i32
    %add3A_530 = vector.broadcast %add3A_529 : i32 to vector<16xi32>
    %add3A_531 = arith.addi %iota3A_528, %add3A_530 : vector<16xi32>
    %get3A_532 = arith.constant 848 : index
    %get3A_533 = tpu.vector_load %arg10[%get3A_532] {strides = array<i32>} : memref<2048xi32, #tpu.memory_space<vmem>>, vector<16xi32>,
    tpu.vector_store_idx %arg12[%add3A_531, %get3A_35], %get3A_533 : memref<128x200xi32, #tpu.memory_space<vmem>>[vector<16xi32>, vector<16xi32>], vector<16xi32>,
    %iota3A_534 = tpu.iota {dimensions = array<i32: 0>} : vector<16xi32>
    %add3A_535 = arith.constant 96 : i32
    %add3A_536 = vector.broadcast %add3A_535 : i32 to vector<16xi32>
    %add3A_537 = arith.addi %iota3A_534, %add3A_536 : vector<16xi32>
    %get3A_538 = arith.constant 864 : index
    %get3A_539 = tpu.vector_load %arg10[%get3A_538] {strides = array<i32>} : memref<2048xi32, #tpu.memory_space<vmem>>, vector<16xi32>,
    tpu.vector_store_idx %arg12[%add3A_537, %get3A_35], %get3A_539 : memref<128x200xi32, #tpu.memory_space<vmem>>[vector<16xi32>, vector<16xi32>], vector<16xi32>,
    %iota3A_540 = tpu.iota {dimensions = array<i32: 0>} : vector<16xi32>
    %add3A_541 = arith.constant 112 : i32
    %add3A_542 = vector.broadcast %add3A_541 : i32 to vector<16xi32>
    %add3A_543 = arith.addi %iota3A_540, %add3A_542 : vector<16xi32>
    %get3A_544 = arith.constant 880 : index
    %get3A_545 = tpu.vector_load %arg10[%get3A_544] {strides = array<i32>} : memref<2048xi32, #tpu.memory_space<vmem>>, vector<16xi32>,
    tpu.vector_store_idx %arg12[%add3A_543, %get3A_35], %get3A_545 : memref<128x200xi32, #tpu.memory_space<vmem>>[vector<16xi32>, vector<16xi32>], vector<16xi32>,
    %add3A_546 = arith.constant 768 : i32
    %add3A_547 = arith.addi %mul3A_34, %add3A_546 : i32
    %dma_start3A_548 = arith.constant 0 : i32
    %dma_start3A_549 = tpu.memref_slice %arg6[%select_n3A, %add3A_547, %dma_start3A_548] : memref<4x16384x200xi32, #tpu.memory_space<hbm>> -> memref<1x128x200xi32, #tpu.memory_space<hbm>>
    %dma_start3A_550 = tpu.memref_squeeze %dma_start3A_549 : memref<1x128x200xi32, #tpu.memory_space<hbm>> -> memref<128x200xi32, #tpu.memory_space<hbm>>
    %dma_start3A_551 = arith.constant 0 : i32
    %dma_start3A_552 = tpu.memref_slice %arg6[%select_n3A, %add3A_547, %dma_start3A_551] : memref<4x16384x200xi32, #tpu.memory_space<hbm>> -> memref<1x128x200xi32, #tpu.memory_space<hbm>>
    %dma_start3A_553 = tpu.memref_squeeze %dma_start3A_552 : memref<1x128x200xi32, #tpu.memory_space<hbm>> -> memref<128x200xi32, #tpu.memory_space<hbm>>
    tpu.enqueue_dma source(%arg12 : memref<128x200xi32, #tpu.memory_space<vmem>>) target(%dma_start3A_553 : memref<128x200xi32, #tpu.memory_space<hbm>>) target_semaphore(%arg17 : memref<!tpu.dma_semaphore, #tpu.memory_space<semaphore_mem>>)
    %add3A_554 = arith.constant 768 : i32
    %add3A_555 = arith.addi %mul3A_34, %add3A_554 : i32
    %dma_wait3A_556 = arith.constant 0 : i32
    %dma_wait3A_557 = tpu.memref_slice %arg6[%select_n3A, %add3A_555, %dma_wait3A_556] : memref<4x16384x200xi32, #tpu.memory_space<hbm>> -> memref<1x128x200xi32, #tpu.memory_space<hbm>>
    %dma_wait3A_558 = tpu.memref_squeeze %dma_wait3A_557 : memref<1x128x200xi32, #tpu.memory_space<hbm>> -> memref<128x200xi32, #tpu.memory_space<hbm>>
    %dma_wait3A_559 = arith.constant 0 : i32
    %dma_wait3A_560 = tpu.memref_slice %arg6[%select_n3A, %add3A_555, %dma_wait3A_559] : memref<4x16384x200xi32, #tpu.memory_space<hbm>> -> memref<1x128x200xi32, #tpu.memory_space<hbm>>
    %dma_wait3A_561 = tpu.memref_squeeze %dma_wait3A_560 : memref<1x128x200xi32, #tpu.memory_space<hbm>> -> memref<128x200xi32, #tpu.memory_space<hbm>>
    tpu.wait_dma2 semaphore(%arg17 : memref<!tpu.dma_semaphore, #tpu.memory_space<semaphore_mem>>) src(%arg12 : memref<128x200xi32, #tpu.memory_space<vmem>>) dst(%dma_wait3A_561 : memref<128x200xi32, #tpu.memory_space<hbm>>)
    %dma_start3A_562 = arith.constant 1024 : i32
    %dma_start3A_563 = tpu.memref_slice %arg9[%dma_start3A_562] : memref<2048xi32, #tpu.memory_space<vmem>> -> memref<128xi32, #tpu.memory_space<vmem>>
    %dma_start3A_564 = arith.constant 0 : i32
    %dma_start3A_565 = arith.constant 0 : i32
    %dma_start3A_566 = tpu.memref_slice %arg2[%dma_start3A_564, %dma_start3A_565] : memref<16384x200xi32, #tpu.memory_space<hbm>> -> memref<16384x200xi32, #tpu.memory_space<hbm>>
    tpu.enqueue_indirect_dma source(%dma_start3A_566 : memref<16384x200xi32, #tpu.memory_space<hbm>>) target(%arg12 : memref<128x200xi32, #tpu.memory_space<vmem>>) offsets(%dma_start3A_563 : memref<128xi32, #tpu.memory_space<vmem>>) semaphore(%arg15 : memref<!tpu.dma_semaphore, #tpu.memory_space<semaphore_mem>>)
    %dma_wait3A_567 = arith.constant 896 : i32
    %dma_wait3A_568 = tpu.memref_slice %arg9[%dma_wait3A_567] : memref<2048xi32, #tpu.memory_space<vmem>> -> memref<128xi32, #tpu.memory_space<vmem>>
    %dma_wait3A_569 = arith.constant 0 : i32
    %dma_wait3A_570 = arith.constant 0 : i32
    %dma_wait3A_571 = tpu.memref_slice %arg2[%dma_wait3A_569, %dma_wait3A_570] : memref<16384x200xi32, #tpu.memory_space<hbm>> -> memref<16384x200xi32, #tpu.memory_space<hbm>>
    tpu.wait_indirect_dma semaphore(%arg16 : memref<!tpu.dma_semaphore, #tpu.memory_space<semaphore_mem>>) src(%dma_wait3A_571 : memref<16384x200xi32, #tpu.memory_space<hbm>>) dst(%arg13 : memref<128x200xi32, #tpu.memory_space<vmem>>)
    %iota3A_572 = tpu.iota {dimensions = array<i32: 0>} : vector<16xi32>
    %add3A_573 = arith.constant 0 : i32
    %add3A_574 = vector.broadcast %add3A_573 : i32 to vector<16xi32>
    %add3A_575 = arith.addi %iota3A_572, %add3A_574 : vector<16xi32>
    %get3A_576 = arith.constant 896 : index
    %get3A_577 = tpu.vector_load %arg10[%get3A_576] {strides = array<i32>} : memref<2048xi32, #tpu.memory_space<vmem>>, vector<16xi32>,
    tpu.vector_store_idx %arg13[%add3A_575, %get3A_35], %get3A_577 : memref<128x200xi32, #tpu.memory_space<vmem>>[vector<16xi32>, vector<16xi32>], vector<16xi32>,
    %iota3A_578 = tpu.iota {dimensions = array<i32: 0>} : vector<16xi32>
    %add3A_579 = arith.constant 16 : i32
    %add3A_580 = vector.broadcast %add3A_579 : i32 to vector<16xi32>
    %add3A_581 = arith.addi %iota3A_578, %add3A_580 : vector<16xi32>
    %get3A_582 = arith.constant 912 : index
    %get3A_583 = tpu.vector_load %arg10[%get3A_582] {strides = array<i32>} : memref<2048xi32, #tpu.memory_space<vmem>>, vector<16xi32>,
    tpu.vector_store_idx %arg13[%add3A_581, %get3A_35], %get3A_583 : memref<128x200xi32, #tpu.memory_space<vmem>>[vector<16xi32>, vector<16xi32>], vector<16xi32>,
    %iota3A_584 = tpu.iota {dimensions = array<i32: 0>} : vector<16xi32>
    %add3A_585 = arith.constant 32 : i32
    %add3A_586 = vector.broadcast %add3A_585 : i32 to vector<16xi32>
    %add3A_587 = arith.addi %iota3A_584, %add3A_586 : vector<16xi32>
    %get3A_588 = arith.constant 928 : index
    %get3A_589 = tpu.vector_load %arg10[%get3A_588] {strides = array<i32>} : memref<2048xi32, #tpu.memory_space<vmem>>, vector<16xi32>,
    tpu.vector_store_idx %arg13[%add3A_587, %get3A_35], %get3A_589 : memref<128x200xi32, #tpu.memory_space<vmem>>[vector<16xi32>, vector<16xi32>], vector<16xi32>,
    %iota3A_590 = tpu.iota {dimensions = array<i32: 0>} : vector<16xi32>
    %add3A_591 = arith.constant 48 : i32
    %add3A_592 = vector.broadcast %add3A_591 : i32 to vector<16xi32>
    %add3A_593 = arith.addi %iota3A_590, %add3A_592 : vector<16xi32>
    %get3A_594 = arith.constant 944 : index
    %get3A_595 = tpu.vector_load %arg10[%get3A_594] {strides = array<i32>} : memref<2048xi32, #tpu.memory_space<vmem>>, vector<16xi32>,
    tpu.vector_store_idx %arg13[%add3A_593, %get3A_35], %get3A_595 : memref<128x200xi32, #tpu.memory_space<vmem>>[vector<16xi32>, vector<16xi32>], vector<16xi32>,
    %iota3A_596 = tpu.iota {dimensions = array<i32: 0>} : vector<16xi32>
    %add3A_597 = arith.constant 64 : i32
    %add3A_598 = vector.broadcast %add3A_597 : i32 to vector<16xi32>
    %add3A_599 = arith.addi %iota3A_596, %add3A_598 : vector<16xi32>
    %get3A_600 = arith.constant 960 : index
    %get3A_601 = tpu.vector_load %arg10[%get3A_600] {strides = array<i32>} : memref<2048xi32, #tpu.memory_space<vmem>>, vector<16xi32>,
    tpu.vector_store_idx %arg13[%add3A_599, %get3A_35], %get3A_601 : memref<128x200xi32, #tpu.memory_space<vmem>>[vector<16xi32>, vector<16xi32>], vector<16xi32>,
    %iota3A_602 = tpu.iota {dimensions = array<i32: 0>} : vector<16xi32>
    %add3A_603 = arith.constant 80 : i32
    %add3A_604 = vector.broadcast %add3A_603 : i32 to vector<16xi32>
    %add3A_605 = arith.addi %iota3A_602, %add3A_604 : vector<16xi32>
    %get3A_606 = arith.constant 976 : index
    %get3A_607 = tpu.vector_load %arg10[%get3A_606] {strides = array<i32>} : memref<2048xi32, #tpu.memory_space<vmem>>, vector<16xi32>,
    tpu.vector_store_idx %arg13[%add3A_605, %get3A_35], %get3A_607 : memref<128x200xi32, #tpu.memory_space<vmem>>[vector<16xi32>, vector<16xi32>], vector<16xi32>,
    %iota3A_608 = tpu.iota {dimensions = array<i32: 0>} : vector<16xi32>
    %add3A_609 = arith.constant 96 : i32
    %add3A_610 = vector.broadcast %add3A_609 : i32 to vector<16xi32>
    %add3A_611 = arith.addi %iota3A_608, %add3A_610 : vector<16xi32>
    %get3A_612 = arith.constant 992 : index
    %get3A_613 = tpu.vector_load %arg10[%get3A_612] {strides = array<i32>} : memref<2048xi32, #tpu.memory_space<vmem>>, vector<16xi32>,
    tpu.vector_store_idx %arg13[%add3A_611, %get3A_35], %get3A_613 : memref<128x200xi32, #tpu.memory_space<vmem>>[vector<16xi32>, vector<16xi32>], vector<16xi32>,
    %iota3A_614 = tpu.iota {dimensions = array<i32: 0>} : vector<16xi32>
    %add3A_615 = arith.constant 112 : i32
    %add3A_616 = vector.broadcast %add3A_615 : i32 to vector<16xi32>
    %add3A_617 = arith.addi %iota3A_614, %add3A_616 : vector<16xi32>
    %get3A_618 = arith.constant 1008 : index
    %get3A_619 = tpu.vector_load %arg10[%get3A_618] {strides = array<i32>} : memref<2048xi32, #tpu.memory_space<vmem>>, vector<16xi32>,
    tpu.vector_store_idx %arg13[%add3A_617, %get3A_35], %get3A_619 : memref<128x200xi32, #tpu.memory_space<vmem>>[vector<16xi32>, vector<16xi32>], vector<16xi32>,
    %add3A_620 = arith.constant 896 : i32
    %add3A_621 = arith.addi %mul3A_34, %add3A_620 : i32
    %dma_start3A_622 = arith.constant 0 : i32
    %dma_start3A_623 = tpu.memref_slice %arg6[%select_n3A, %add3A_621, %dma_start3A_622] : memref<4x16384x200xi32, #tpu.memory_space<hbm>> -> memref<1x128x200xi32, #tpu.memory_space<hbm>>
    %dma_start3A_624 = tpu.memref_squeeze %dma_start3A_623 : memref<1x128x200xi32, #tpu.memory_space<hbm>> -> memref<128x200xi32, #tpu.memory_space<hbm>>
    %dma_start3A_625 = arith.constant 0 : i32
    %dma_start3A_626 = tpu.memref_slice %arg6[%select_n3A, %add3A_621, %dma_start3A_625] : memref<4x16384x200xi32, #tpu.memory_space<hbm>> -> memref<1x128x200xi32, #tpu.memory_space<hbm>>
    %dma_start3A_627 = tpu.memref_squeeze %dma_start3A_626 : memref<1x128x200xi32, #tpu.memory_space<hbm>> -> memref<128x200xi32, #tpu.memory_space<hbm>>
    tpu.enqueue_dma source(%arg13 : memref<128x200xi32, #tpu.memory_space<vmem>>) target(%dma_start3A_627 : memref<128x200xi32, #tpu.memory_space<hbm>>) target_semaphore(%arg18 : memref<!tpu.dma_semaphore, #tpu.memory_space<semaphore_mem>>)
    %add3A_628 = arith.constant 896 : i32
    %add3A_629 = arith.addi %mul3A_34, %add3A_628 : i32
    %dma_wait3A_630 = arith.constant 0 : i32
    %dma_wait3A_631 = tpu.memref_slice %arg6[%select_n3A, %add3A_629, %dma_wait3A_630] : memref<4x16384x200xi32, #tpu.memory_space<hbm>> -> memref<1x128x200xi32, #tpu.memory_space<hbm>>
    %dma_wait3A_632 = tpu.memref_squeeze %dma_wait3A_631 : memref<1x128x200xi32, #tpu.memory_space<hbm>> -> memref<128x200xi32, #tpu.memory_space<hbm>>
    %dma_wait3A_633 = arith.constant 0 : i32
    %dma_wait3A_634 = tpu.memref_slice %arg6[%select_n3A, %add3A_629, %dma_wait3A_633] : memref<4x16384x200xi32, #tpu.memory_space<hbm>> -> memref<1x128x200xi32, #tpu.memory_space<hbm>>
    %dma_wait3A_635 = tpu.memref_squeeze %dma_wait3A_634 : memref<1x128x200xi32, #tpu.memory_space<hbm>> -> memref<128x200xi32, #tpu.memory_space<hbm>>
    tpu.wait_dma2 semaphore(%arg18 : memref<!tpu.dma_semaphore, #tpu.memory_space<semaphore_mem>>) src(%arg13 : memref<128x200xi32, #tpu.memory_space<vmem>>) dst(%dma_wait3A_635 : memref<128x200xi32, #tpu.memory_space<hbm>>)
    %dma_start3A_636 = arith.constant 1152 : i32
    %dma_start3A_637 = tpu.memref_slice %arg9[%dma_start3A_636] : memref<2048xi32, #tpu.memory_space<vmem>> -> memref<128xi32, #tpu.memory_space<vmem>>
    %dma_start3A_638 = arith.constant 0 : i32
    %dma_start3A_639 = arith.constant 0 : i32
    %dma_start3A_640 = tpu.memref_slice %arg2[%dma_start3A_638, %dma_start3A_639] : memref<16384x200xi32, #tpu.memory_space<hbm>> -> memref<16384x200xi32, #tpu.memory_space<hbm>>
    tpu.enqueue_indirect_dma source(%dma_start3A_640 : memref<16384x200xi32, #tpu.memory_space<hbm>>) target(%arg13 : memref<128x200xi32, #tpu.memory_space<vmem>>) offsets(%dma_start3A_637 : memref<128xi32, #tpu.memory_space<vmem>>) semaphore(%arg16 : memref<!tpu.dma_semaphore, #tpu.memory_space<semaphore_mem>>)
    %dma_wait3A_641 = arith.constant 1024 : i32
    %dma_wait3A_642 = tpu.memref_slice %arg9[%dma_wait3A_641] : memref<2048xi32, #tpu.memory_space<vmem>> -> memref<128xi32, #tpu.memory_space<vmem>>
    %dma_wait3A_643 = arith.constant 0 : i32
    %dma_wait3A_644 = arith.constant 0 : i32
    %dma_wait3A_645 = tpu.memref_slice %arg2[%dma_wait3A_643, %dma_wait3A_644] : memref<16384x200xi32, #tpu.memory_space<hbm>> -> memref<16384x200xi32, #tpu.memory_space<hbm>>
    tpu.wait_indirect_dma semaphore(%arg15 : memref<!tpu.dma_semaphore, #tpu.memory_space<semaphore_mem>>) src(%dma_wait3A_645 : memref<16384x200xi32, #tpu.memory_space<hbm>>) dst(%arg12 : memref<128x200xi32, #tpu.memory_space<vmem>>)
    %iota3A_646 = tpu.iota {dimensions = array<i32: 0>} : vector<16xi32>
    %add3A_647 = arith.constant 0 : i32
    %add3A_648 = vector.broadcast %add3A_647 : i32 to vector<16xi32>
    %add3A_649 = arith.addi %iota3A_646, %add3A_648 : vector<16xi32>
    %get3A_650 = arith.constant 1024 : index
    %get3A_651 = tpu.vector_load %arg10[%get3A_650] {strides = array<i32>} : memref<2048xi32, #tpu.memory_space<vmem>>, vector<16xi32>,
    tpu.vector_store_idx %arg12[%add3A_649, %get3A_35], %get3A_651 : memref<128x200xi32, #tpu.memory_space<vmem>>[vector<16xi32>, vector<16xi32>], vector<16xi32>,
    %iota3A_652 = tpu.iota {dimensions = array<i32: 0>} : vector<16xi32>
    %add3A_653 = arith.constant 16 : i32
    %add3A_654 = vector.broadcast %add3A_653 : i32 to vector<16xi32>
    %add3A_655 = arith.addi %iota3A_652, %add3A_654 : vector<16xi32>
    %get3A_656 = arith.constant 1040 : index
    %get3A_657 = tpu.vector_load %arg10[%get3A_656] {strides = array<i32>} : memref<2048xi32, #tpu.memory_space<vmem>>, vector<16xi32>,
    tpu.vector_store_idx %arg12[%add3A_655, %get3A_35], %get3A_657 : memref<128x200xi32, #tpu.memory_space<vmem>>[vector<16xi32>, vector<16xi32>], vector<16xi32>,
    %iota3A_658 = tpu.iota {dimensions = array<i32: 0>} : vector<16xi32>
    %add3A_659 = arith.constant 32 : i32
    %add3A_660 = vector.broadcast %add3A_659 : i32 to vector<16xi32>
    %add3A_661 = arith.addi %iota3A_658, %add3A_660 : vector<16xi32>
    %get3A_662 = arith.constant 1056 : index
    %get3A_663 = tpu.vector_load %arg10[%get3A_662] {strides = array<i32>} : memref<2048xi32, #tpu.memory_space<vmem>>, vector<16xi32>,
    tpu.vector_store_idx %arg12[%add3A_661, %get3A_35], %get3A_663 : memref<128x200xi32, #tpu.memory_space<vmem>>[vector<16xi32>, vector<16xi32>], vector<16xi32>,
    %iota3A_664 = tpu.iota {dimensions = array<i32: 0>} : vector<16xi32>
    %add3A_665 = arith.constant 48 : i32
    %add3A_666 = vector.broadcast %add3A_665 : i32 to vector<16xi32>
    %add3A_667 = arith.addi %iota3A_664, %add3A_666 : vector<16xi32>
    %get3A_668 = arith.constant 1072 : index
    %get3A_669 = tpu.vector_load %arg10[%get3A_668] {strides = array<i32>} : memref<2048xi32, #tpu.memory_space<vmem>>, vector<16xi32>,
    tpu.vector_store_idx %arg12[%add3A_667, %get3A_35], %get3A_669 : memref<128x200xi32, #tpu.memory_space<vmem>>[vector<16xi32>, vector<16xi32>], vector<16xi32>,
    %iota3A_670 = tpu.iota {dimensions = array<i32: 0>} : vector<16xi32>
    %add3A_671 = arith.constant 64 : i32
    %add3A_672 = vector.broadcast %add3A_671 : i32 to vector<16xi32>
    %add3A_673 = arith.addi %iota3A_670, %add3A_672 : vector<16xi32>
    %get3A_674 = arith.constant 1088 : index
    %get3A_675 = tpu.vector_load %arg10[%get3A_674] {strides = array<i32>} : memref<2048xi32, #tpu.memory_space<vmem>>, vector<16xi32>,
    tpu.vector_store_idx %arg12[%add3A_673, %get3A_35], %get3A_675 : memref<128x200xi32, #tpu.memory_space<vmem>>[vector<16xi32>, vector<16xi32>], vector<16xi32>,
    %iota3A_676 = tpu.iota {dimensions = array<i32: 0>} : vector<16xi32>
    %add3A_677 = arith.constant 80 : i32
    %add3A_678 = vector.broadcast %add3A_677 : i32 to vector<16xi32>
    %add3A_679 = arith.addi %iota3A_676, %add3A_678 : vector<16xi32>
    %get3A_680 = arith.constant 1104 : index
    %get3A_681 = tpu.vector_load %arg10[%get3A_680] {strides = array<i32>} : memref<2048xi32, #tpu.memory_space<vmem>>, vector<16xi32>,
    tpu.vector_store_idx %arg12[%add3A_679, %get3A_35], %get3A_681 : memref<128x200xi32, #tpu.memory_space<vmem>>[vector<16xi32>, vector<16xi32>], vector<16xi32>,
    %iota3A_682 = tpu.iota {dimensions = array<i32: 0>} : vector<16xi32>
    %add3A_683 = arith.constant 96 : i32
    %add3A_684 = vector.broadcast %add3A_683 : i32 to vector<16xi32>
    %add3A_685 = arith.addi %iota3A_682, %add3A_684 : vector<16xi32>
    %get3A_686 = arith.constant 1120 : index
    %get3A_687 = tpu.vector_load %arg10[%get3A_686] {strides = array<i32>} : memref<2048xi32, #tpu.memory_space<vmem>>, vector<16xi32>,
    tpu.vector_store_idx %arg12[%add3A_685, %get3A_35], %get3A_687 : memref<128x200xi32, #tpu.memory_space<vmem>>[vector<16xi32>, vector<16xi32>], vector<16xi32>,
    %iota3A_688 = tpu.iota {dimensions = array<i32: 0>} : vector<16xi32>
    %add3A_689 = arith.constant 112 : i32
    %add3A_690 = vector.broadcast %add3A_689 : i32 to vector<16xi32>
    %add3A_691 = arith.addi %iota3A_688, %add3A_690 : vector<16xi32>
    %get3A_692 = arith.constant 1136 : index
    %get3A_693 = tpu.vector_load %arg10[%get3A_692] {strides = array<i32>} : memref<2048xi32, #tpu.memory_space<vmem>>, vector<16xi32>,
    tpu.vector_store_idx %arg12[%add3A_691, %get3A_35], %get3A_693 : memref<128x200xi32, #tpu.memory_space<vmem>>[vector<16xi32>, vector<16xi32>], vector<16xi32>,
    %add3A_694 = arith.constant 1024 : i32
    %add3A_695 = arith.addi %mul3A_34, %add3A_694 : i32
    %dma_start3A_696 = arith.constant 0 : i32
    %dma_start3A_697 = tpu.memref_slice %arg6[%select_n3A, %add3A_695, %dma_start3A_696] : memref<4x16384x200xi32, #tpu.memory_space<hbm>> -> memref<1x128x200xi32, #tpu.memory_space<hbm>>
    %dma_start3A_698 = tpu.memref_squeeze %dma_start3A_697 : memref<1x128x200xi32, #tpu.memory_space<hbm>> -> memref<128x200xi32, #tpu.memory_space<hbm>>
    %dma_start3A_699 = arith.constant 0 : i32
    %dma_start3A_700 = tpu.memref_slice %arg6[%select_n3A, %add3A_695, %dma_start3A_699] : memref<4x16384x200xi32, #tpu.memory_space<hbm>> -> memref<1x128x200xi32, #tpu.memory_space<hbm>>
    %dma_start3A_701 = tpu.memref_squeeze %dma_start3A_700 : memref<1x128x200xi32, #tpu.memory_space<hbm>> -> memref<128x200xi32, #tpu.memory_space<hbm>>
    tpu.enqueue_dma source(%arg12 : memref<128x200xi32, #tpu.memory_space<vmem>>) target(%dma_start3A_701 : memref<128x200xi32, #tpu.memory_space<hbm>>) target_semaphore(%arg17 : memref<!tpu.dma_semaphore, #tpu.memory_space<semaphore_mem>>)
    %add3A_702 = arith.constant 1024 : i32
    %add3A_703 = arith.addi %mul3A_34, %add3A_702 : i32
    %dma_wait3A_704 = arith.constant 0 : i32
    %dma_wait3A_705 = tpu.memref_slice %arg6[%select_n3A, %add3A_703, %dma_wait3A_704] : memref<4x16384x200xi32, #tpu.memory_space<hbm>> -> memref<1x128x200xi32, #tpu.memory_space<hbm>>
    %dma_wait3A_706 = tpu.memref_squeeze %dma_wait3A_705 : memref<1x128x200xi32, #tpu.memory_space<hbm>> -> memref<128x200xi32, #tpu.memory_space<hbm>>
    %dma_wait3A_707 = arith.constant 0 : i32
    %dma_wait3A_708 = tpu.memref_slice %arg6[%select_n3A, %add3A_703, %dma_wait3A_707] : memref<4x16384x200xi32, #tpu.memory_space<hbm>> -> memref<1x128x200xi32, #tpu.memory_space<hbm>>
    %dma_wait3A_709 = tpu.memref_squeeze %dma_wait3A_708 : memref<1x128x200xi32, #tpu.memory_space<hbm>> -> memref<128x200xi32, #tpu.memory_space<hbm>>
    tpu.wait_dma2 semaphore(%arg17 : memref<!tpu.dma_semaphore, #tpu.memory_space<semaphore_mem>>) src(%arg12 : memref<128x200xi32, #tpu.memory_space<vmem>>) dst(%dma_wait3A_709 : memref<128x200xi32, #tpu.memory_space<hbm>>)
    %dma_start3A_710 = arith.constant 1280 : i32
    %dma_start3A_711 = tpu.memref_slice %arg9[%dma_start3A_710] : memref<2048xi32, #tpu.memory_space<vmem>> -> memref<128xi32, #tpu.memory_space<vmem>>
    %dma_start3A_712 = arith.constant 0 : i32
    %dma_start3A_713 = arith.constant 0 : i32
    %dma_start3A_714 = tpu.memref_slice %arg2[%dma_start3A_712, %dma_start3A_713] : memref<16384x200xi32, #tpu.memory_space<hbm>> -> memref<16384x200xi32, #tpu.memory_space<hbm>>
    tpu.enqueue_indirect_dma source(%dma_start3A_714 : memref<16384x200xi32, #tpu.memory_space<hbm>>) target(%arg12 : memref<128x200xi32, #tpu.memory_space<vmem>>) offsets(%dma_start3A_711 : memref<128xi32, #tpu.memory_space<vmem>>) semaphore(%arg15 : memref<!tpu.dma_semaphore, #tpu.memory_space<semaphore_mem>>)
    %dma_wait3A_715 = arith.constant 1152 : i32
    %dma_wait3A_716 = tpu.memref_slice %arg9[%dma_wait3A_715] : memref<2048xi32, #tpu.memory_space<vmem>> -> memref<128xi32, #tpu.memory_space<vmem>>
    %dma_wait3A_717 = arith.constant 0 : i32
    %dma_wait3A_718 = arith.constant 0 : i32
    %dma_wait3A_719 = tpu.memref_slice %arg2[%dma_wait3A_717, %dma_wait3A_718] : memref<16384x200xi32, #tpu.memory_space<hbm>> -> memref<16384x200xi32, #tpu.memory_space<hbm>>
    tpu.wait_indirect_dma semaphore(%arg16 : memref<!tpu.dma_semaphore, #tpu.memory_space<semaphore_mem>>) src(%dma_wait3A_719 : memref<16384x200xi32, #tpu.memory_space<hbm>>) dst(%arg13 : memref<128x200xi32, #tpu.memory_space<vmem>>)
    %iota3A_720 = tpu.iota {dimensions = array<i32: 0>} : vector<16xi32>
    %add3A_721 = arith.constant 0 : i32
    %add3A_722 = vector.broadcast %add3A_721 : i32 to vector<16xi32>
    %add3A_723 = arith.addi %iota3A_720, %add3A_722 : vector<16xi32>
    %get3A_724 = arith.constant 1152 : index
    %get3A_725 = tpu.vector_load %arg10[%get3A_724] {strides = array<i32>} : memref<2048xi32, #tpu.memory_space<vmem>>, vector<16xi32>,
    tpu.vector_store_idx %arg13[%add3A_723, %get3A_35], %get3A_725 : memref<128x200xi32, #tpu.memory_space<vmem>>[vector<16xi32>, vector<16xi32>], vector<16xi32>,
    %iota3A_726 = tpu.iota {dimensions = array<i32: 0>} : vector<16xi32>
    %add3A_727 = arith.constant 16 : i32
    %add3A_728 = vector.broadcast %add3A_727 : i32 to vector<16xi32>
    %add3A_729 = arith.addi %iota3A_726, %add3A_728 : vector<16xi32>
    %get3A_730 = arith.constant 1168 : index
    %get3A_731 = tpu.vector_load %arg10[%get3A_730] {strides = array<i32>} : memref<2048xi32, #tpu.memory_space<vmem>>, vector<16xi32>,
    tpu.vector_store_idx %arg13[%add3A_729, %get3A_35], %get3A_731 : memref<128x200xi32, #tpu.memory_space<vmem>>[vector<16xi32>, vector<16xi32>], vector<16xi32>,
    %iota3A_732 = tpu.iota {dimensions = array<i32: 0>} : vector<16xi32>
    %add3A_733 = arith.constant 32 : i32
    %add3A_734 = vector.broadcast %add3A_733 : i32 to vector<16xi32>
    %add3A_735 = arith.addi %iota3A_732, %add3A_734 : vector<16xi32>
    %get3A_736 = arith.constant 1184 : index
    %get3A_737 = tpu.vector_load %arg10[%get3A_736] {strides = array<i32>} : memref<2048xi32, #tpu.memory_space<vmem>>, vector<16xi32>,
    tpu.vector_store_idx %arg13[%add3A_735, %get3A_35], %get3A_737 : memref<128x200xi32, #tpu.memory_space<vmem>>[vector<16xi32>, vector<16xi32>], vector<16xi32>,
    %iota3A_738 = tpu.iota {dimensions = array<i32: 0>} : vector<16xi32>
    %add3A_739 = arith.constant 48 : i32
    %add3A_740 = vector.broadcast %add3A_739 : i32 to vector<16xi32>
    %add3A_741 = arith.addi %iota3A_738, %add3A_740 : vector<16xi32>
    %get3A_742 = arith.constant 1200 : index
    %get3A_743 = tpu.vector_load %arg10[%get3A_742] {strides = array<i32>} : memref<2048xi32, #tpu.memory_space<vmem>>, vector<16xi32>,
    tpu.vector_store_idx %arg13[%add3A_741, %get3A_35], %get3A_743 : memref<128x200xi32, #tpu.memory_space<vmem>>[vector<16xi32>, vector<16xi32>], vector<16xi32>,
    %iota3A_744 = tpu.iota {dimensions = array<i32: 0>} : vector<16xi32>
    %add3A_745 = arith.constant 64 : i32
    %add3A_746 = vector.broadcast %add3A_745 : i32 to vector<16xi32>
    %add3A_747 = arith.addi %iota3A_744, %add3A_746 : vector<16xi32>
    %get3A_748 = arith.constant 1216 : index
    %get3A_749 = tpu.vector_load %arg10[%get3A_748] {strides = array<i32>} : memref<2048xi32, #tpu.memory_space<vmem>>, vector<16xi32>,
    tpu.vector_store_idx %arg13[%add3A_747, %get3A_35], %get3A_749 : memref<128x200xi32, #tpu.memory_space<vmem>>[vector<16xi32>, vector<16xi32>], vector<16xi32>,
    %iota3A_750 = tpu.iota {dimensions = array<i32: 0>} : vector<16xi32>
    %add3A_751 = arith.constant 80 : i32
    %add3A_752 = vector.broadcast %add3A_751 : i32 to vector<16xi32>
    %add3A_753 = arith.addi %iota3A_750, %add3A_752 : vector<16xi32>
    %get3A_754 = arith.constant 1232 : index
    %get3A_755 = tpu.vector_load %arg10[%get3A_754] {strides = array<i32>} : memref<2048xi32, #tpu.memory_space<vmem>>, vector<16xi32>,
    tpu.vector_store_idx %arg13[%add3A_753, %get3A_35], %get3A_755 : memref<128x200xi32, #tpu.memory_space<vmem>>[vector<16xi32>, vector<16xi32>], vector<16xi32>,
    %iota3A_756 = tpu.iota {dimensions = array<i32: 0>} : vector<16xi32>
    %add3A_757 = arith.constant 96 : i32
    %add3A_758 = vector.broadcast %add3A_757 : i32 to vector<16xi32>
    %add3A_759 = arith.addi %iota3A_756, %add3A_758 : vector<16xi32>
    %get3A_760 = arith.constant 1248 : index
    %get3A_761 = tpu.vector_load %arg10[%get3A_760] {strides = array<i32>} : memref<2048xi32, #tpu.memory_space<vmem>>, vector<16xi32>,
    tpu.vector_store_idx %arg13[%add3A_759, %get3A_35], %get3A_761 : memref<128x200xi32, #tpu.memory_space<vmem>>[vector<16xi32>, vector<16xi32>], vector<16xi32>,
    %iota3A_762 = tpu.iota {dimensions = array<i32: 0>} : vector<16xi32>
    %add3A_763 = arith.constant 112 : i32
    %add3A_764 = vector.broadcast %add3A_763 : i32 to vector<16xi32>
    %add3A_765 = arith.addi %iota3A_762, %add3A_764 : vector<16xi32>
    %get3A_766 = arith.constant 1264 : index
    %get3A_767 = tpu.vector_load %arg10[%get3A_766] {strides = array<i32>} : memref<2048xi32, #tpu.memory_space<vmem>>, vector<16xi32>,
    tpu.vector_store_idx %arg13[%add3A_765, %get3A_35], %get3A_767 : memref<128x200xi32, #tpu.memory_space<vmem>>[vector<16xi32>, vector<16xi32>], vector<16xi32>,
    %add3A_768 = arith.constant 1152 : i32
    %add3A_769 = arith.addi %mul3A_34, %add3A_768 : i32
    %dma_start3A_770 = arith.constant 0 : i32
    %dma_start3A_771 = tpu.memref_slice %arg6[%select_n3A, %add3A_769, %dma_start3A_770] : memref<4x16384x200xi32, #tpu.memory_space<hbm>> -> memref<1x128x200xi32, #tpu.memory_space<hbm>>
    %dma_start3A_772 = tpu.memref_squeeze %dma_start3A_771 : memref<1x128x200xi32, #tpu.memory_space<hbm>> -> memref<128x200xi32, #tpu.memory_space<hbm>>
    %dma_start3A_773 = arith.constant 0 : i32
    %dma_start3A_774 = tpu.memref_slice %arg6[%select_n3A, %add3A_769, %dma_start3A_773] : memref<4x16384x200xi32, #tpu.memory_space<hbm>> -> memref<1x128x200xi32, #tpu.memory_space<hbm>>
    %dma_start3A_775 = tpu.memref_squeeze %dma_start3A_774 : memref<1x128x200xi32, #tpu.memory_space<hbm>> -> memref<128x200xi32, #tpu.memory_space<hbm>>
    tpu.enqueue_dma source(%arg13 : memref<128x200xi32, #tpu.memory_space<vmem>>) target(%dma_start3A_775 : memref<128x200xi32, #tpu.memory_space<hbm>>) target_semaphore(%arg18 : memref<!tpu.dma_semaphore, #tpu.memory_space<semaphore_mem>>)
    %add3A_776 = arith.constant 1152 : i32
    %add3A_777 = arith.addi %mul3A_34, %add3A_776 : i32
    %dma_wait3A_778 = arith.constant 0 : i32
    %dma_wait3A_779 = tpu.memref_slice %arg6[%select_n3A, %add3A_777, %dma_wait3A_778] : memref<4x16384x200xi32, #tpu.memory_space<hbm>> -> memref<1x128x200xi32, #tpu.memory_space<hbm>>
    %dma_wait3A_780 = tpu.memref_squeeze %dma_wait3A_779 : memref<1x128x200xi32, #tpu.memory_space<hbm>> -> memref<128x200xi32, #tpu.memory_space<hbm>>
    %dma_wait3A_781 = arith.constant 0 : i32
    %dma_wait3A_782 = tpu.memref_slice %arg6[%select_n3A, %add3A_777, %dma_wait3A_781] : memref<4x16384x200xi32, #tpu.memory_space<hbm>> -> memref<1x128x200xi32, #tpu.memory_space<hbm>>
    %dma_wait3A_783 = tpu.memref_squeeze %dma_wait3A_782 : memref<1x128x200xi32, #tpu.memory_space<hbm>> -> memref<128x200xi32, #tpu.memory_space<hbm>>
    tpu.wait_dma2 semaphore(%arg18 : memref<!tpu.dma_semaphore, #tpu.memory_space<semaphore_mem>>) src(%arg13 : memref<128x200xi32, #tpu.memory_space<vmem>>) dst(%dma_wait3A_783 : memref<128x200xi32, #tpu.memory_space<hbm>>)
    %dma_start3A_784 = arith.constant 1408 : i32
    %dma_start3A_785 = tpu.memref_slice %arg9[%dma_start3A_784] : memref<2048xi32, #tpu.memory_space<vmem>> -> memref<128xi32, #tpu.memory_space<vmem>>
    %dma_start3A_786 = arith.constant 0 : i32
    %dma_start3A_787 = arith.constant 0 : i32
    %dma_start3A_788 = tpu.memref_slice %arg2[%dma_start3A_786, %dma_start3A_787] : memref<16384x200xi32, #tpu.memory_space<hbm>> -> memref<16384x200xi32, #tpu.memory_space<hbm>>
    tpu.enqueue_indirect_dma source(%dma_start3A_788 : memref<16384x200xi32, #tpu.memory_space<hbm>>) target(%arg13 : memref<128x200xi32, #tpu.memory_space<vmem>>) offsets(%dma_start3A_785 : memref<128xi32, #tpu.memory_space<vmem>>) semaphore(%arg16 : memref<!tpu.dma_semaphore, #tpu.memory_space<semaphore_mem>>)
    %dma_wait3A_789 = arith.constant 1280 : i32
    %dma_wait3A_790 = tpu.memref_slice %arg9[%dma_wait3A_789] : memref<2048xi32, #tpu.memory_space<vmem>> -> memref<128xi32, #tpu.memory_space<vmem>>
    %dma_wait3A_791 = arith.constant 0 : i32
    %dma_wait3A_792 = arith.constant 0 : i32
    %dma_wait3A_793 = tpu.memref_slice %arg2[%dma_wait3A_791, %dma_wait3A_792] : memref<16384x200xi32, #tpu.memory_space<hbm>> -> memref<16384x200xi32, #tpu.memory_space<hbm>>
    tpu.wait_indirect_dma semaphore(%arg15 : memref<!tpu.dma_semaphore, #tpu.memory_space<semaphore_mem>>) src(%dma_wait3A_793 : memref<16384x200xi32, #tpu.memory_space<hbm>>) dst(%arg12 : memref<128x200xi32, #tpu.memory_space<vmem>>)
    %iota3A_794 = tpu.iota {dimensions = array<i32: 0>} : vector<16xi32>
    %add3A_795 = arith.constant 0 : i32
    %add3A_796 = vector.broadcast %add3A_795 : i32 to vector<16xi32>
    %add3A_797 = arith.addi %iota3A_794, %add3A_796 : vector<16xi32>
    %get3A_798 = arith.constant 1280 : index
    %get3A_799 = tpu.vector_load %arg10[%get3A_798] {strides = array<i32>} : memref<2048xi32, #tpu.memory_space<vmem>>, vector<16xi32>,
    tpu.vector_store_idx %arg12[%add3A_797, %get3A_35], %get3A_799 : memref<128x200xi32, #tpu.memory_space<vmem>>[vector<16xi32>, vector<16xi32>], vector<16xi32>,
    %iota3A_800 = tpu.iota {dimensions = array<i32: 0>} : vector<16xi32>
    %add3A_801 = arith.constant 16 : i32
    %add3A_802 = vector.broadcast %add3A_801 : i32 to vector<16xi32>
    %add3A_803 = arith.addi %iota3A_800, %add3A_802 : vector<16xi32>
    %get3A_804 = arith.constant 1296 : index
    %get3A_805 = tpu.vector_load %arg10[%get3A_804] {strides = array<i32>} : memref<2048xi32, #tpu.memory_space<vmem>>, vector<16xi32>,
    tpu.vector_store_idx %arg12[%add3A_803, %get3A_35], %get3A_805 : memref<128x200xi32, #tpu.memory_space<vmem>>[vector<16xi32>, vector<16xi32>], vector<16xi32>,
    %iota3A_806 = tpu.iota {dimensions = array<i32: 0>} : vector<16xi32>
    %add3A_807 = arith.constant 32 : i32
    %add3A_808 = vector.broadcast %add3A_807 : i32 to vector<16xi32>
    %add3A_809 = arith.addi %iota3A_806, %add3A_808 : vector<16xi32>
    %get3A_810 = arith.constant 1312 : index
    %get3A_811 = tpu.vector_load %arg10[%get3A_810] {strides = array<i32>} : memref<2048xi32, #tpu.memory_space<vmem>>, vector<16xi32>,
    tpu.vector_store_idx %arg12[%add3A_809, %get3A_35], %get3A_811 : memref<128x200xi32, #tpu.memory_space<vmem>>[vector<16xi32>, vector<16xi32>], vector<16xi32>,
    %iota3A_812 = tpu.iota {dimensions = array<i32: 0>} : vector<16xi32>
    %add3A_813 = arith.constant 48 : i32
    %add3A_814 = vector.broadcast %add3A_813 : i32 to vector<16xi32>
    %add3A_815 = arith.addi %iota3A_812, %add3A_814 : vector<16xi32>
    %get3A_816 = arith.constant 1328 : index
    %get3A_817 = tpu.vector_load %arg10[%get3A_816] {strides = array<i32>} : memref<2048xi32, #tpu.memory_space<vmem>>, vector<16xi32>,
    tpu.vector_store_idx %arg12[%add3A_815, %get3A_35], %get3A_817 : memref<128x200xi32, #tpu.memory_space<vmem>>[vector<16xi32>, vector<16xi32>], vector<16xi32>,
    %iota3A_818 = tpu.iota {dimensions = array<i32: 0>} : vector<16xi32>
    %add3A_819 = arith.constant 64 : i32
    %add3A_820 = vector.broadcast %add3A_819 : i32 to vector<16xi32>
    %add3A_821 = arith.addi %iota3A_818, %add3A_820 : vector<16xi32>
    %get3A_822 = arith.constant 1344 : index
    %get3A_823 = tpu.vector_load %arg10[%get3A_822] {strides = array<i32>} : memref<2048xi32, #tpu.memory_space<vmem>>, vector<16xi32>,
    tpu.vector_store_idx %arg12[%add3A_821, %get3A_35], %get3A_823 : memref<128x200xi32, #tpu.memory_space<vmem>>[vector<16xi32>, vector<16xi32>], vector<16xi32>,
    %iota3A_824 = tpu.iota {dimensions = array<i32: 0>} : vector<16xi32>
    %add3A_825 = arith.constant 80 : i32
    %add3A_826 = vector.broadcast %add3A_825 : i32 to vector<16xi32>
    %add3A_827 = arith.addi %iota3A_824, %add3A_826 : vector<16xi32>
    %get3A_828 = arith.constant 1360 : index
    %get3A_829 = tpu.vector_load %arg10[%get3A_828] {strides = array<i32>} : memref<2048xi32, #tpu.memory_space<vmem>>, vector<16xi32>,
    tpu.vector_store_idx %arg12[%add3A_827, %get3A_35], %get3A_829 : memref<128x200xi32, #tpu.memory_space<vmem>>[vector<16xi32>, vector<16xi32>], vector<16xi32>,
    %iota3A_830 = tpu.iota {dimensions = array<i32: 0>} : vector<16xi32>
    %add3A_831 = arith.constant 96 : i32
    %add3A_832 = vector.broadcast %add3A_831 : i32 to vector<16xi32>
    %add3A_833 = arith.addi %iota3A_830, %add3A_832 : vector<16xi32>
    %get3A_834 = arith.constant 1376 : index
    %get3A_835 = tpu.vector_load %arg10[%get3A_834] {strides = array<i32>} : memref<2048xi32, #tpu.memory_space<vmem>>, vector<16xi32>,
    tpu.vector_store_idx %arg12[%add3A_833, %get3A_35], %get3A_835 : memref<128x200xi32, #tpu.memory_space<vmem>>[vector<16xi32>, vector<16xi32>], vector<16xi32>,
    %iota3A_836 = tpu.iota {dimensions = array<i32: 0>} : vector<16xi32>
    %add3A_837 = arith.constant 112 : i32
    %add3A_838 = vector.broadcast %add3A_837 : i32 to vector<16xi32>
    %add3A_839 = arith.addi %iota3A_836, %add3A_838 : vector<16xi32>
    %get3A_840 = arith.constant 1392 : index
    %get3A_841 = tpu.vector_load %arg10[%get3A_840] {strides = array<i32>} : memref<2048xi32, #tpu.memory_space<vmem>>, vector<16xi32>,
    tpu.vector_store_idx %arg12[%add3A_839, %get3A_35], %get3A_841 : memref<128x200xi32, #tpu.memory_space<vmem>>[vector<16xi32>, vector<16xi32>], vector<16xi32>,
    %add3A_842 = arith.constant 1280 : i32
    %add3A_843 = arith.addi %mul3A_34, %add3A_842 : i32
    %dma_start3A_844 = arith.constant 0 : i32
    %dma_start3A_845 = tpu.memref_slice %arg6[%select_n3A, %add3A_843, %dma_start3A_844] : memref<4x16384x200xi32, #tpu.memory_space<hbm>> -> memref<1x128x200xi32, #tpu.memory_space<hbm>>
    %dma_start3A_846 = tpu.memref_squeeze %dma_start3A_845 : memref<1x128x200xi32, #tpu.memory_space<hbm>> -> memref<128x200xi32, #tpu.memory_space<hbm>>
    %dma_start3A_847 = arith.constant 0 : i32
    %dma_start3A_848 = tpu.memref_slice %arg6[%select_n3A, %add3A_843, %dma_start3A_847] : memref<4x16384x200xi32, #tpu.memory_space<hbm>> -> memref<1x128x200xi32, #tpu.memory_space<hbm>>
    %dma_start3A_849 = tpu.memref_squeeze %dma_start3A_848 : memref<1x128x200xi32, #tpu.memory_space<hbm>> -> memref<128x200xi32, #tpu.memory_space<hbm>>
    tpu.enqueue_dma source(%arg12 : memref<128x200xi32, #tpu.memory_space<vmem>>) target(%dma_start3A_849 : memref<128x200xi32, #tpu.memory_space<hbm>>) target_semaphore(%arg17 : memref<!tpu.dma_semaphore, #tpu.memory_space<semaphore_mem>>)
    %add3A_850 = arith.constant 1280 : i32
    %add3A_851 = arith.addi %mul3A_34, %add3A_850 : i32
    %dma_wait3A_852 = arith.constant 0 : i32
    %dma_wait3A_853 = tpu.memref_slice %arg6[%select_n3A, %add3A_851, %dma_wait3A_852] : memref<4x16384x200xi32, #tpu.memory_space<hbm>> -> memref<1x128x200xi32, #tpu.memory_space<hbm>>
    %dma_wait3A_854 = tpu.memref_squeeze %dma_wait3A_853 : memref<1x128x200xi32, #tpu.memory_space<hbm>> -> memref<128x200xi32, #tpu.memory_space<hbm>>
    %dma_wait3A_855 = arith.constant 0 : i32
    %dma_wait3A_856 = tpu.memref_slice %arg6[%select_n3A, %add3A_851, %dma_wait3A_855] : memref<4x16384x200xi32, #tpu.memory_space<hbm>> -> memref<1x128x200xi32, #tpu.memory_space<hbm>>
    %dma_wait3A_857 = tpu.memref_squeeze %dma_wait3A_856 : memref<1x128x200xi32, #tpu.memory_space<hbm>> -> memref<128x200xi32, #tpu.memory_space<hbm>>
    tpu.wait_dma2 semaphore(%arg17 : memref<!tpu.dma_semaphore, #tpu.memory_space<semaphore_mem>>) src(%arg12 : memref<128x200xi32, #tpu.memory_space<vmem>>) dst(%dma_wait3A_857 : memref<128x200xi32, #tpu.memory_space<hbm>>)
    %dma_start3A_858 = arith.constant 1536 : i32
    %dma_start3A_859 = tpu.memref_slice %arg9[%dma_start3A_858] : memref<2048xi32, #tpu.memory_space<vmem>> -> memref<128xi32, #tpu.memory_space<vmem>>
    %dma_start3A_860 = arith.constant 0 : i32
    %dma_start3A_861 = arith.constant 0 : i32
    %dma_start3A_862 = tpu.memref_slice %arg2[%dma_start3A_860, %dma_start3A_861] : memref<16384x200xi32, #tpu.memory_space<hbm>> -> memref<16384x200xi32, #tpu.memory_space<hbm>>
    tpu.enqueue_indirect_dma source(%dma_start3A_862 : memref<16384x200xi32, #tpu.memory_space<hbm>>) target(%arg12 : memref<128x200xi32, #tpu.memory_space<vmem>>) offsets(%dma_start3A_859 : memref<128xi32, #tpu.memory_space<vmem>>) semaphore(%arg15 : memref<!tpu.dma_semaphore, #tpu.memory_space<semaphore_mem>>)
    %dma_wait3A_863 = arith.constant 1408 : i32
    %dma_wait3A_864 = tpu.memref_slice %arg9[%dma_wait3A_863] : memref<2048xi32, #tpu.memory_space<vmem>> -> memref<128xi32, #tpu.memory_space<vmem>>
    %dma_wait3A_865 = arith.constant 0 : i32
    %dma_wait3A_866 = arith.constant 0 : i32
    %dma_wait3A_867 = tpu.memref_slice %arg2[%dma_wait3A_865, %dma_wait3A_866] : memref<16384x200xi32, #tpu.memory_space<hbm>> -> memref<16384x200xi32, #tpu.memory_space<hbm>>
    tpu.wait_indirect_dma semaphore(%arg16 : memref<!tpu.dma_semaphore, #tpu.memory_space<semaphore_mem>>) src(%dma_wait3A_867 : memref<16384x200xi32, #tpu.memory_space<hbm>>) dst(%arg13 : memref<128x200xi32, #tpu.memory_space<vmem>>)
    %iota3A_868 = tpu.iota {dimensions = array<i32: 0>} : vector<16xi32>
    %add3A_869 = arith.constant 0 : i32
    %add3A_870 = vector.broadcast %add3A_869 : i32 to vector<16xi32>
    %add3A_871 = arith.addi %iota3A_868, %add3A_870 : vector<16xi32>
    %get3A_872 = arith.constant 1408 : index
    %get3A_873 = tpu.vector_load %arg10[%get3A_872] {strides = array<i32>} : memref<2048xi32, #tpu.memory_space<vmem>>, vector<16xi32>,
    tpu.vector_store_idx %arg13[%add3A_871, %get3A_35], %get3A_873 : memref<128x200xi32, #tpu.memory_space<vmem>>[vector<16xi32>, vector<16xi32>], vector<16xi32>,
    %iota3A_874 = tpu.iota {dimensions = array<i32: 0>} : vector<16xi32>
    %add3A_875 = arith.constant 16 : i32
    %add3A_876 = vector.broadcast %add3A_875 : i32 to vector<16xi32>
    %add3A_877 = arith.addi %iota3A_874, %add3A_876 : vector<16xi32>
    %get3A_878 = arith.constant 1424 : index
    %get3A_879 = tpu.vector_load %arg10[%get3A_878] {strides = array<i32>} : memref<2048xi32, #tpu.memory_space<vmem>>, vector<16xi32>,
    tpu.vector_store_idx %arg13[%add3A_877, %get3A_35], %get3A_879 : memref<128x200xi32, #tpu.memory_space<vmem>>[vector<16xi32>, vector<16xi32>], vector<16xi32>,
    %iota3A_880 = tpu.iota {dimensions = array<i32: 0>} : vector<16xi32>
    %add3A_881 = arith.constant 32 : i32
    %add3A_882 = vector.broadcast %add3A_881 : i32 to vector<16xi32>
    %add3A_883 = arith.addi %iota3A_880, %add3A_882 : vector<16xi32>
    %get3A_884 = arith.constant 1440 : index
    %get3A_885 = tpu.vector_load %arg10[%get3A_884] {strides = array<i32>} : memref<2048xi32, #tpu.memory_space<vmem>>, vector<16xi32>,
    tpu.vector_store_idx %arg13[%add3A_883, %get3A_35], %get3A_885 : memref<128x200xi32, #tpu.memory_space<vmem>>[vector<16xi32>, vector<16xi32>], vector<16xi32>,
    %iota3A_886 = tpu.iota {dimensions = array<i32: 0>} : vector<16xi32>
    %add3A_887 = arith.constant 48 : i32
    %add3A_888 = vector.broadcast %add3A_887 : i32 to vector<16xi32>
    %add3A_889 = arith.addi %iota3A_886, %add3A_888 : vector<16xi32>
    %get3A_890 = arith.constant 1456 : index
    %get3A_891 = tpu.vector_load %arg10[%get3A_890] {strides = array<i32>} : memref<2048xi32, #tpu.memory_space<vmem>>, vector<16xi32>,
    tpu.vector_store_idx %arg13[%add3A_889, %get3A_35], %get3A_891 : memref<128x200xi32, #tpu.memory_space<vmem>>[vector<16xi32>, vector<16xi32>], vector<16xi32>,
    %iota3A_892 = tpu.iota {dimensions = array<i32: 0>} : vector<16xi32>
    %add3A_893 = arith.constant 64 : i32
    %add3A_894 = vector.broadcast %add3A_893 : i32 to vector<16xi32>
    %add3A_895 = arith.addi %iota3A_892, %add3A_894 : vector<16xi32>
    %get3A_896 = arith.constant 1472 : index
    %get3A_897 = tpu.vector_load %arg10[%get3A_896] {strides = array<i32>} : memref<2048xi32, #tpu.memory_space<vmem>>, vector<16xi32>,
    tpu.vector_store_idx %arg13[%add3A_895, %get3A_35], %get3A_897 : memref<128x200xi32, #tpu.memory_space<vmem>>[vector<16xi32>, vector<16xi32>], vector<16xi32>,
    %iota3A_898 = tpu.iota {dimensions = array<i32: 0>} : vector<16xi32>
    %add3A_899 = arith.constant 80 : i32
    %add3A_900 = vector.broadcast %add3A_899 : i32 to vector<16xi32>
    %add3A_901 = arith.addi %iota3A_898, %add3A_900 : vector<16xi32>
    %get3A_902 = arith.constant 1488 : index
    %get3A_903 = tpu.vector_load %arg10[%get3A_902] {strides = array<i32>} : memref<2048xi32, #tpu.memory_space<vmem>>, vector<16xi32>,
    tpu.vector_store_idx %arg13[%add3A_901, %get3A_35], %get3A_903 : memref<128x200xi32, #tpu.memory_space<vmem>>[vector<16xi32>, vector<16xi32>], vector<16xi32>,
    %iota3A_904 = tpu.iota {dimensions = array<i32: 0>} : vector<16xi32>
    %add3A_905 = arith.constant 96 : i32
    %add3A_906 = vector.broadcast %add3A_905 : i32 to vector<16xi32>
    %add3A_907 = arith.addi %iota3A_904, %add3A_906 : vector<16xi32>
    %get3A_908 = arith.constant 1504 : index
    %get3A_909 = tpu.vector_load %arg10[%get3A_908] {strides = array<i32>} : memref<2048xi32, #tpu.memory_space<vmem>>, vector<16xi32>,
    tpu.vector_store_idx %arg13[%add3A_907, %get3A_35], %get3A_909 : memref<128x200xi32, #tpu.memory_space<vmem>>[vector<16xi32>, vector<16xi32>], vector<16xi32>,
    %iota3A_910 = tpu.iota {dimensions = array<i32: 0>} : vector<16xi32>
    %add3A_911 = arith.constant 112 : i32
    %add3A_912 = vector.broadcast %add3A_911 : i32 to vector<16xi32>
    %add3A_913 = arith.addi %iota3A_910, %add3A_912 : vector<16xi32>
    %get3A_914 = arith.constant 1520 : index
    %get3A_915 = tpu.vector_load %arg10[%get3A_914] {strides = array<i32>} : memref<2048xi32, #tpu.memory_space<vmem>>, vector<16xi32>,
    tpu.vector_store_idx %arg13[%add3A_913, %get3A_35], %get3A_915 : memref<128x200xi32, #tpu.memory_space<vmem>>[vector<16xi32>, vector<16xi32>], vector<16xi32>,
    %add3A_916 = arith.constant 1408 : i32
    %add3A_917 = arith.addi %mul3A_34, %add3A_916 : i32
    %dma_start3A_918 = arith.constant 0 : i32
    %dma_start3A_919 = tpu.memref_slice %arg6[%select_n3A, %add3A_917, %dma_start3A_918] : memref<4x16384x200xi32, #tpu.memory_space<hbm>> -> memref<1x128x200xi32, #tpu.memory_space<hbm>>
    %dma_start3A_920 = tpu.memref_squeeze %dma_start3A_919 : memref<1x128x200xi32, #tpu.memory_space<hbm>> -> memref<128x200xi32, #tpu.memory_space<hbm>>
    %dma_start3A_921 = arith.constant 0 : i32
    %dma_start3A_922 = tpu.memref_slice %arg6[%select_n3A, %add3A_917, %dma_start3A_921] : memref<4x16384x200xi32, #tpu.memory_space<hbm>> -> memref<1x128x200xi32, #tpu.memory_space<hbm>>
    %dma_start3A_923 = tpu.memref_squeeze %dma_start3A_922 : memref<1x128x200xi32, #tpu.memory_space<hbm>> -> memref<128x200xi32, #tpu.memory_space<hbm>>
    tpu.enqueue_dma source(%arg13 : memref<128x200xi32, #tpu.memory_space<vmem>>) target(%dma_start3A_923 : memref<128x200xi32, #tpu.memory_space<hbm>>) target_semaphore(%arg18 : memref<!tpu.dma_semaphore, #tpu.memory_space<semaphore_mem>>)
    %add3A_924 = arith.constant 1408 : i32
    %add3A_925 = arith.addi %mul3A_34, %add3A_924 : i32
    %dma_wait3A_926 = arith.constant 0 : i32
    %dma_wait3A_927 = tpu.memref_slice %arg6[%select_n3A, %add3A_925, %dma_wait3A_926] : memref<4x16384x200xi32, #tpu.memory_space<hbm>> -> memref<1x128x200xi32, #tpu.memory_space<hbm>>
    %dma_wait3A_928 = tpu.memref_squeeze %dma_wait3A_927 : memref<1x128x200xi32, #tpu.memory_space<hbm>> -> memref<128x200xi32, #tpu.memory_space<hbm>>
    %dma_wait3A_929 = arith.constant 0 : i32
    %dma_wait3A_930 = tpu.memref_slice %arg6[%select_n3A, %add3A_925, %dma_wait3A_929] : memref<4x16384x200xi32, #tpu.memory_space<hbm>> -> memref<1x128x200xi32, #tpu.memory_space<hbm>>
    %dma_wait3A_931 = tpu.memref_squeeze %dma_wait3A_930 : memref<1x128x200xi32, #tpu.memory_space<hbm>> -> memref<128x200xi32, #tpu.memory_space<hbm>>
    tpu.wait_dma2 semaphore(%arg18 : memref<!tpu.dma_semaphore, #tpu.memory_space<semaphore_mem>>) src(%arg13 : memref<128x200xi32, #tpu.memory_space<vmem>>) dst(%dma_wait3A_931 : memref<128x200xi32, #tpu.memory_space<hbm>>)
    %dma_start3A_932 = arith.constant 1664 : i32
    %dma_start3A_933 = tpu.memref_slice %arg9[%dma_start3A_932] : memref<2048xi32, #tpu.memory_space<vmem>> -> memref<128xi32, #tpu.memory_space<vmem>>
    %dma_start3A_934 = arith.constant 0 : i32
    %dma_start3A_935 = arith.constant 0 : i32
    %dma_start3A_936 = tpu.memref_slice %arg2[%dma_start3A_934, %dma_start3A_935] : memref<16384x200xi32, #tpu.memory_space<hbm>> -> memref<16384x200xi32, #tpu.memory_space<hbm>>
    tpu.enqueue_indirect_dma source(%dma_start3A_936 : memref<16384x200xi32, #tpu.memory_space<hbm>>) target(%arg13 : memref<128x200xi32, #tpu.memory_space<vmem>>) offsets(%dma_start3A_933 : memref<128xi32, #tpu.memory_space<vmem>>) semaphore(%arg16 : memref<!tpu.dma_semaphore, #tpu.memory_space<semaphore_mem>>)
    %dma_wait3A_937 = arith.constant 1536 : i32
    %dma_wait3A_938 = tpu.memref_slice %arg9[%dma_wait3A_937] : memref<2048xi32, #tpu.memory_space<vmem>> -> memref<128xi32, #tpu.memory_space<vmem>>
    %dma_wait3A_939 = arith.constant 0 : i32
    %dma_wait3A_940 = arith.constant 0 : i32
    %dma_wait3A_941 = tpu.memref_slice %arg2[%dma_wait3A_939, %dma_wait3A_940] : memref<16384x200xi32, #tpu.memory_space<hbm>> -> memref<16384x200xi32, #tpu.memory_space<hbm>>
    tpu.wait_indirect_dma semaphore(%arg15 : memref<!tpu.dma_semaphore, #tpu.memory_space<semaphore_mem>>) src(%dma_wait3A_941 : memref<16384x200xi32, #tpu.memory_space<hbm>>) dst(%arg12 : memref<128x200xi32, #tpu.memory_space<vmem>>)
    %iota3A_942 = tpu.iota {dimensions = array<i32: 0>} : vector<16xi32>
    %add3A_943 = arith.constant 0 : i32
    %add3A_944 = vector.broadcast %add3A_943 : i32 to vector<16xi32>
    %add3A_945 = arith.addi %iota3A_942, %add3A_944 : vector<16xi32>
    %get3A_946 = arith.constant 1536 : index
    %get3A_947 = tpu.vector_load %arg10[%get3A_946] {strides = array<i32>} : memref<2048xi32, #tpu.memory_space<vmem>>, vector<16xi32>,
    tpu.vector_store_idx %arg12[%add3A_945, %get3A_35], %get3A_947 : memref<128x200xi32, #tpu.memory_space<vmem>>[vector<16xi32>, vector<16xi32>], vector<16xi32>,
    %iota3A_948 = tpu.iota {dimensions = array<i32: 0>} : vector<16xi32>
    %add3A_949 = arith.constant 16 : i32
    %add3A_950 = vector.broadcast %add3A_949 : i32 to vector<16xi32>
    %add3A_951 = arith.addi %iota3A_948, %add3A_950 : vector<16xi32>
    %get3A_952 = arith.constant 1552 : index
    %get3A_953 = tpu.vector_load %arg10[%get3A_952] {strides = array<i32>} : memref<2048xi32, #tpu.memory_space<vmem>>, vector<16xi32>,
    tpu.vector_store_idx %arg12[%add3A_951, %get3A_35], %get3A_953 : memref<128x200xi32, #tpu.memory_space<vmem>>[vector<16xi32>, vector<16xi32>], vector<16xi32>,
    %iota3A_954 = tpu.iota {dimensions = array<i32: 0>} : vector<16xi32>
    %add3A_955 = arith.constant 32 : i32
    %add3A_956 = vector.broadcast %add3A_955 : i32 to vector<16xi32>
    %add3A_957 = arith.addi %iota3A_954, %add3A_956 : vector<16xi32>
    %get3A_958 = arith.constant 1568 : index
    %get3A_959 = tpu.vector_load %arg10[%get3A_958] {strides = array<i32>} : memref<2048xi32, #tpu.memory_space<vmem>>, vector<16xi32>,
    tpu.vector_store_idx %arg12[%add3A_957, %get3A_35], %get3A_959 : memref<128x200xi32, #tpu.memory_space<vmem>>[vector<16xi32>, vector<16xi32>], vector<16xi32>,
    %iota3A_960 = tpu.iota {dimensions = array<i32: 0>} : vector<16xi32>
    %add3A_961 = arith.constant 48 : i32
    %add3A_962 = vector.broadcast %add3A_961 : i32 to vector<16xi32>
    %add3A_963 = arith.addi %iota3A_960, %add3A_962 : vector<16xi32>
    %get3A_964 = arith.constant 1584 : index
    %get3A_965 = tpu.vector_load %arg10[%get3A_964] {strides = array<i32>} : memref<2048xi32, #tpu.memory_space<vmem>>, vector<16xi32>,
    tpu.vector_store_idx %arg12[%add3A_963, %get3A_35], %get3A_965 : memref<128x200xi32, #tpu.memory_space<vmem>>[vector<16xi32>, vector<16xi32>], vector<16xi32>,
    %iota3A_966 = tpu.iota {dimensions = array<i32: 0>} : vector<16xi32>
    %add3A_967 = arith.constant 64 : i32
    %add3A_968 = vector.broadcast %add3A_967 : i32 to vector<16xi32>
    %add3A_969 = arith.addi %iota3A_966, %add3A_968 : vector<16xi32>
    %get3A_970 = arith.constant 1600 : index
    %get3A_971 = tpu.vector_load %arg10[%get3A_970] {strides = array<i32>} : memref<2048xi32, #tpu.memory_space<vmem>>, vector<16xi32>,
    tpu.vector_store_idx %arg12[%add3A_969, %get3A_35], %get3A_971 : memref<128x200xi32, #tpu.memory_space<vmem>>[vector<16xi32>, vector<16xi32>], vector<16xi32>,
    %iota3A_972 = tpu.iota {dimensions = array<i32: 0>} : vector<16xi32>
    %add3A_973 = arith.constant 80 : i32
    %add3A_974 = vector.broadcast %add3A_973 : i32 to vector<16xi32>
    %add3A_975 = arith.addi %iota3A_972, %add3A_974 : vector<16xi32>
    %get3A_976 = arith.constant 1616 : index
    %get3A_977 = tpu.vector_load %arg10[%get3A_976] {strides = array<i32>} : memref<2048xi32, #tpu.memory_space<vmem>>, vector<16xi32>,
    tpu.vector_store_idx %arg12[%add3A_975, %get3A_35], %get3A_977 : memref<128x200xi32, #tpu.memory_space<vmem>>[vector<16xi32>, vector<16xi32>], vector<16xi32>,
    %iota3A_978 = tpu.iota {dimensions = array<i32: 0>} : vector<16xi32>
    %add3A_979 = arith.constant 96 : i32
    %add3A_980 = vector.broadcast %add3A_979 : i32 to vector<16xi32>
    %add3A_981 = arith.addi %iota3A_978, %add3A_980 : vector<16xi32>
    %get3A_982 = arith.constant 1632 : index
    %get3A_983 = tpu.vector_load %arg10[%get3A_982] {strides = array<i32>} : memref<2048xi32, #tpu.memory_space<vmem>>, vector<16xi32>,
    tpu.vector_store_idx %arg12[%add3A_981, %get3A_35], %get3A_983 : memref<128x200xi32, #tpu.memory_space<vmem>>[vector<16xi32>, vector<16xi32>], vector<16xi32>,
    %iota3A_984 = tpu.iota {dimensions = array<i32: 0>} : vector<16xi32>
    %add3A_985 = arith.constant 112 : i32
    %add3A_986 = vector.broadcast %add3A_985 : i32 to vector<16xi32>
    %add3A_987 = arith.addi %iota3A_984, %add3A_986 : vector<16xi32>
    %get3A_988 = arith.constant 1648 : index
    %get3A_989 = tpu.vector_load %arg10[%get3A_988] {strides = array<i32>} : memref<2048xi32, #tpu.memory_space<vmem>>, vector<16xi32>,
    tpu.vector_store_idx %arg12[%add3A_987, %get3A_35], %get3A_989 : memref<128x200xi32, #tpu.memory_space<vmem>>[vector<16xi32>, vector<16xi32>], vector<16xi32>,
    %add3A_990 = arith.constant 1536 : i32
    %add3A_991 = arith.addi %mul3A_34, %add3A_990 : i32
    %dma_start3A_992 = arith.constant 0 : i32
    %dma_start3A_993 = tpu.memref_slice %arg6[%select_n3A, %add3A_991, %dma_start3A_992] : memref<4x16384x200xi32, #tpu.memory_space<hbm>> -> memref<1x128x200xi32, #tpu.memory_space<hbm>>
    %dma_start3A_994 = tpu.memref_squeeze %dma_start3A_993 : memref<1x128x200xi32, #tpu.memory_space<hbm>> -> memref<128x200xi32, #tpu.memory_space<hbm>>
    %dma_start3A_995 = arith.constant 0 : i32
    %dma_start3A_996 = tpu.memref_slice %arg6[%select_n3A, %add3A_991, %dma_start3A_995] : memref<4x16384x200xi32, #tpu.memory_space<hbm>> -> memref<1x128x200xi32, #tpu.memory_space<hbm>>
    %dma_start3A_997 = tpu.memref_squeeze %dma_start3A_996 : memref<1x128x200xi32, #tpu.memory_space<hbm>> -> memref<128x200xi32, #tpu.memory_space<hbm>>
    tpu.enqueue_dma source(%arg12 : memref<128x200xi32, #tpu.memory_space<vmem>>) target(%dma_start3A_997 : memref<128x200xi32, #tpu.memory_space<hbm>>) target_semaphore(%arg17 : memref<!tpu.dma_semaphore, #tpu.memory_space<semaphore_mem>>)
    %add3A_998 = arith.constant 1536 : i32
    %add3A_999 = arith.addi %mul3A_34, %add3A_998 : i32
    %dma_wait3A_1000 = arith.constant 0 : i32
    %dma_wait3A_1001 = tpu.memref_slice %arg6[%select_n3A, %add3A_999, %dma_wait3A_1000] : memref<4x16384x200xi32, #tpu.memory_space<hbm>> -> memref<1x128x200xi32, #tpu.memory_space<hbm>>
    %dma_wait3A_1002 = tpu.memref_squeeze %dma_wait3A_1001 : memref<1x128x200xi32, #tpu.memory_space<hbm>> -> memref<128x200xi32, #tpu.memory_space<hbm>>
    %dma_wait3A_1003 = arith.constant 0 : i32
    %dma_wait3A_1004 = tpu.memref_slice %arg6[%select_n3A, %add3A_999, %dma_wait3A_1003] : memref<4x16384x200xi32, #tpu.memory_space<hbm>> -> memref<1x128x200xi32, #tpu.memory_space<hbm>>
    %dma_wait3A_1005 = tpu.memref_squeeze %dma_wait3A_1004 : memref<1x128x200xi32, #tpu.memory_space<hbm>> -> memref<128x200xi32, #tpu.memory_space<hbm>>
    tpu.wait_dma2 semaphore(%arg17 : memref<!tpu.dma_semaphore, #tpu.memory_space<semaphore_mem>>) src(%arg12 : memref<128x200xi32, #tpu.memory_space<vmem>>) dst(%dma_wait3A_1005 : memref<128x200xi32, #tpu.memory_space<hbm>>)
    %dma_start3A_1006 = arith.constant 1792 : i32
    %dma_start3A_1007 = tpu.memref_slice %arg9[%dma_start3A_1006] : memref<2048xi32, #tpu.memory_space<vmem>> -> memref<128xi32, #tpu.memory_space<vmem>>
    %dma_start3A_1008 = arith.constant 0 : i32
    %dma_start3A_1009 = arith.constant 0 : i32
    %dma_start3A_1010 = tpu.memref_slice %arg2[%dma_start3A_1008, %dma_start3A_1009] : memref<16384x200xi32, #tpu.memory_space<hbm>> -> memref<16384x200xi32, #tpu.memory_space<hbm>>
    tpu.enqueue_indirect_dma source(%dma_start3A_1010 : memref<16384x200xi32, #tpu.memory_space<hbm>>) target(%arg12 : memref<128x200xi32, #tpu.memory_space<vmem>>) offsets(%dma_start3A_1007 : memref<128xi32, #tpu.memory_space<vmem>>) semaphore(%arg15 : memref<!tpu.dma_semaphore, #tpu.memory_space<semaphore_mem>>)
    %dma_wait3A_1011 = arith.constant 1664 : i32
    %dma_wait3A_1012 = tpu.memref_slice %arg9[%dma_wait3A_1011] : memref<2048xi32, #tpu.memory_space<vmem>> -> memref<128xi32, #tpu.memory_space<vmem>>
    %dma_wait3A_1013 = arith.constant 0 : i32
    %dma_wait3A_1014 = arith.constant 0 : i32
    %dma_wait3A_1015 = tpu.memref_slice %arg2[%dma_wait3A_1013, %dma_wait3A_1014] : memref<16384x200xi32, #tpu.memory_space<hbm>> -> memref<16384x200xi32, #tpu.memory_space<hbm>>
    tpu.wait_indirect_dma semaphore(%arg16 : memref<!tpu.dma_semaphore, #tpu.memory_space<semaphore_mem>>) src(%dma_wait3A_1015 : memref<16384x200xi32, #tpu.memory_space<hbm>>) dst(%arg13 : memref<128x200xi32, #tpu.memory_space<vmem>>)
    %iota3A_1016 = tpu.iota {dimensions = array<i32: 0>} : vector<16xi32>
    %add3A_1017 = arith.constant 0 : i32
    %add3A_1018 = vector.broadcast %add3A_1017 : i32 to vector<16xi32>
    %add3A_1019 = arith.addi %iota3A_1016, %add3A_1018 : vector<16xi32>
    %get3A_1020 = arith.constant 1664 : index
    %get3A_1021 = tpu.vector_load %arg10[%get3A_1020] {strides = array<i32>} : memref<2048xi32, #tpu.memory_space<vmem>>, vector<16xi32>,
    tpu.vector_store_idx %arg13[%add3A_1019, %get3A_35], %get3A_1021 : memref<128x200xi32, #tpu.memory_space<vmem>>[vector<16xi32>, vector<16xi32>], vector<16xi32>,
    %iota3A_1022 = tpu.iota {dimensions = array<i32: 0>} : vector<16xi32>
    %add3A_1023 = arith.constant 16 : i32
    %add3A_1024 = vector.broadcast %add3A_1023 : i32 to vector<16xi32>
    %add3A_1025 = arith.addi %iota3A_1022, %add3A_1024 : vector<16xi32>
    %get3A_1026 = arith.constant 1680 : index
    %get3A_1027 = tpu.vector_load %arg10[%get3A_1026] {strides = array<i32>} : memref<2048xi32, #tpu.memory_space<vmem>>, vector<16xi32>,
    tpu.vector_store_idx %arg13[%add3A_1025, %get3A_35], %get3A_1027 : memref<128x200xi32, #tpu.memory_space<vmem>>[vector<16xi32>, vector<16xi32>], vector<16xi32>,
    %iota3A_1028 = tpu.iota {dimensions = array<i32: 0>} : vector<16xi32>
    %add3A_1029 = arith.constant 32 : i32
    %add3A_1030 = vector.broadcast %add3A_1029 : i32 to vector<16xi32>
    %add3A_1031 = arith.addi %iota3A_1028, %add3A_1030 : vector<16xi32>
    %get3A_1032 = arith.constant 1696 : index
    %get3A_1033 = tpu.vector_load %arg10[%get3A_1032] {strides = array<i32>} : memref<2048xi32, #tpu.memory_space<vmem>>, vector<16xi32>,
    tpu.vector_store_idx %arg13[%add3A_1031, %get3A_35], %get3A_1033 : memref<128x200xi32, #tpu.memory_space<vmem>>[vector<16xi32>, vector<16xi32>], vector<16xi32>,
    %iota3A_1034 = tpu.iota {dimensions = array<i32: 0>} : vector<16xi32>
    %add3A_1035 = arith.constant 48 : i32
    %add3A_1036 = vector.broadcast %add3A_1035 : i32 to vector<16xi32>
    %add3A_1037 = arith.addi %iota3A_1034, %add3A_1036 : vector<16xi32>
    %get3A_1038 = arith.constant 1712 : index
    %get3A_1039 = tpu.vector_load %arg10[%get3A_1038] {strides = array<i32>} : memref<2048xi32, #tpu.memory_space<vmem>>, vector<16xi32>,
    tpu.vector_store_idx %arg13[%add3A_1037, %get3A_35], %get3A_1039 : memref<128x200xi32, #tpu.memory_space<vmem>>[vector<16xi32>, vector<16xi32>], vector<16xi32>,
    %iota3A_1040 = tpu.iota {dimensions = array<i32: 0>} : vector<16xi32>
    %add3A_1041 = arith.constant 64 : i32
    %add3A_1042 = vector.broadcast %add3A_1041 : i32 to vector<16xi32>
    %add3A_1043 = arith.addi %iota3A_1040, %add3A_1042 : vector<16xi32>
    %get3A_1044 = arith.constant 1728 : index
    %get3A_1045 = tpu.vector_load %arg10[%get3A_1044] {strides = array<i32>} : memref<2048xi32, #tpu.memory_space<vmem>>, vector<16xi32>,
    tpu.vector_store_idx %arg13[%add3A_1043, %get3A_35], %get3A_1045 : memref<128x200xi32, #tpu.memory_space<vmem>>[vector<16xi32>, vector<16xi32>], vector<16xi32>,
    %iota3A_1046 = tpu.iota {dimensions = array<i32: 0>} : vector<16xi32>
    %add3A_1047 = arith.constant 80 : i32
    %add3A_1048 = vector.broadcast %add3A_1047 : i32 to vector<16xi32>
    %add3A_1049 = arith.addi %iota3A_1046, %add3A_1048 : vector<16xi32>
    %get3A_1050 = arith.constant 1744 : index
    %get3A_1051 = tpu.vector_load %arg10[%get3A_1050] {strides = array<i32>} : memref<2048xi32, #tpu.memory_space<vmem>>, vector<16xi32>,
    tpu.vector_store_idx %arg13[%add3A_1049, %get3A_35], %get3A_1051 : memref<128x200xi32, #tpu.memory_space<vmem>>[vector<16xi32>, vector<16xi32>], vector<16xi32>,
    %iota3A_1052 = tpu.iota {dimensions = array<i32: 0>} : vector<16xi32>
    %add3A_1053 = arith.constant 96 : i32
    %add3A_1054 = vector.broadcast %add3A_1053 : i32 to vector<16xi32>
    %add3A_1055 = arith.addi %iota3A_1052, %add3A_1054 : vector<16xi32>
    %get3A_1056 = arith.constant 1760 : index
    %get3A_1057 = tpu.vector_load %arg10[%get3A_1056] {strides = array<i32>} : memref<2048xi32, #tpu.memory_space<vmem>>, vector<16xi32>,
    tpu.vector_store_idx %arg13[%add3A_1055, %get3A_35], %get3A_1057 : memref<128x200xi32, #tpu.memory_space<vmem>>[vector<16xi32>, vector<16xi32>], vector<16xi32>,
    %iota3A_1058 = tpu.iota {dimensions = array<i32: 0>} : vector<16xi32>
    %add3A_1059 = arith.constant 112 : i32
    %add3A_1060 = vector.broadcast %add3A_1059 : i32 to vector<16xi32>
    %add3A_1061 = arith.addi %iota3A_1058, %add3A_1060 : vector<16xi32>
    %get3A_1062 = arith.constant 1776 : index
    %get3A_1063 = tpu.vector_load %arg10[%get3A_1062] {strides = array<i32>} : memref<2048xi32, #tpu.memory_space<vmem>>, vector<16xi32>,
    tpu.vector_store_idx %arg13[%add3A_1061, %get3A_35], %get3A_1063 : memref<128x200xi32, #tpu.memory_space<vmem>>[vector<16xi32>, vector<16xi32>], vector<16xi32>,
    %add3A_1064 = arith.constant 1664 : i32
    %add3A_1065 = arith.addi %mul3A_34, %add3A_1064 : i32
    %dma_start3A_1066 = arith.constant 0 : i32
    %dma_start3A_1067 = tpu.memref_slice %arg6[%select_n3A, %add3A_1065, %dma_start3A_1066] : memref<4x16384x200xi32, #tpu.memory_space<hbm>> -> memref<1x128x200xi32, #tpu.memory_space<hbm>>
    %dma_start3A_1068 = tpu.memref_squeeze %dma_start3A_1067 : memref<1x128x200xi32, #tpu.memory_space<hbm>> -> memref<128x200xi32, #tpu.memory_space<hbm>>
    %dma_start3A_1069 = arith.constant 0 : i32
    %dma_start3A_1070 = tpu.memref_slice %arg6[%select_n3A, %add3A_1065, %dma_start3A_1069] : memref<4x16384x200xi32, #tpu.memory_space<hbm>> -> memref<1x128x200xi32, #tpu.memory_space<hbm>>
    %dma_start3A_1071 = tpu.memref_squeeze %dma_start3A_1070 : memref<1x128x200xi32, #tpu.memory_space<hbm>> -> memref<128x200xi32, #tpu.memory_space<hbm>>
    tpu.enqueue_dma source(%arg13 : memref<128x200xi32, #tpu.memory_space<vmem>>) target(%dma_start3A_1071 : memref<128x200xi32, #tpu.memory_space<hbm>>) target_semaphore(%arg18 : memref<!tpu.dma_semaphore, #tpu.memory_space<semaphore_mem>>)
    %add3A_1072 = arith.constant 1664 : i32
    %add3A_1073 = arith.addi %mul3A_34, %add3A_1072 : i32
    %dma_wait3A_1074 = arith.constant 0 : i32
    %dma_wait3A_1075 = tpu.memref_slice %arg6[%select_n3A, %add3A_1073, %dma_wait3A_1074] : memref<4x16384x200xi32, #tpu.memory_space<hbm>> -> memref<1x128x200xi32, #tpu.memory_space<hbm>>
    %dma_wait3A_1076 = tpu.memref_squeeze %dma_wait3A_1075 : memref<1x128x200xi32, #tpu.memory_space<hbm>> -> memref<128x200xi32, #tpu.memory_space<hbm>>
    %dma_wait3A_1077 = arith.constant 0 : i32
    %dma_wait3A_1078 = tpu.memref_slice %arg6[%select_n3A, %add3A_1073, %dma_wait3A_1077] : memref<4x16384x200xi32, #tpu.memory_space<hbm>> -> memref<1x128x200xi32, #tpu.memory_space<hbm>>
    %dma_wait3A_1079 = tpu.memref_squeeze %dma_wait3A_1078 : memref<1x128x200xi32, #tpu.memory_space<hbm>> -> memref<128x200xi32, #tpu.memory_space<hbm>>
    tpu.wait_dma2 semaphore(%arg18 : memref<!tpu.dma_semaphore, #tpu.memory_space<semaphore_mem>>) src(%arg13 : memref<128x200xi32, #tpu.memory_space<vmem>>) dst(%dma_wait3A_1079 : memref<128x200xi32, #tpu.memory_space<hbm>>)
    %dma_start3A_1080 = arith.constant 1920 : i32
    %dma_start3A_1081 = tpu.memref_slice %arg9[%dma_start3A_1080] : memref<2048xi32, #tpu.memory_space<vmem>> -> memref<128xi32, #tpu.memory_space<vmem>>
    %dma_start3A_1082 = arith.constant 0 : i32
    %dma_start3A_1083 = arith.constant 0 : i32
    %dma_start3A_1084 = tpu.memref_slice %arg2[%dma_start3A_1082, %dma_start3A_1083] : memref<16384x200xi32, #tpu.memory_space<hbm>> -> memref<16384x200xi32, #tpu.memory_space<hbm>>
    tpu.enqueue_indirect_dma source(%dma_start3A_1084 : memref<16384x200xi32, #tpu.memory_space<hbm>>) target(%arg13 : memref<128x200xi32, #tpu.memory_space<vmem>>) offsets(%dma_start3A_1081 : memref<128xi32, #tpu.memory_space<vmem>>) semaphore(%arg16 : memref<!tpu.dma_semaphore, #tpu.memory_space<semaphore_mem>>)
    %dma_wait3A_1085 = arith.constant 1792 : i32
    %dma_wait3A_1086 = tpu.memref_slice %arg9[%dma_wait3A_1085] : memref<2048xi32, #tpu.memory_space<vmem>> -> memref<128xi32, #tpu.memory_space<vmem>>
    %dma_wait3A_1087 = arith.constant 0 : i32
    %dma_wait3A_1088 = arith.constant 0 : i32
    %dma_wait3A_1089 = tpu.memref_slice %arg2[%dma_wait3A_1087, %dma_wait3A_1088] : memref<16384x200xi32, #tpu.memory_space<hbm>> -> memref<16384x200xi32, #tpu.memory_space<hbm>>
    tpu.wait_indirect_dma semaphore(%arg15 : memref<!tpu.dma_semaphore, #tpu.memory_space<semaphore_mem>>) src(%dma_wait3A_1089 : memref<16384x200xi32, #tpu.memory_space<hbm>>) dst(%arg12 : memref<128x200xi32, #tpu.memory_space<vmem>>)
    %iota3A_1090 = tpu.iota {dimensions = array<i32: 0>} : vector<16xi32>
    %add3A_1091 = arith.constant 0 : i32
    %add3A_1092 = vector.broadcast %add3A_1091 : i32 to vector<16xi32>
    %add3A_1093 = arith.addi %iota3A_1090, %add3A_1092 : vector<16xi32>
    %get3A_1094 = arith.constant 1792 : index
    %get3A_1095 = tpu.vector_load %arg10[%get3A_1094] {strides = array<i32>} : memref<2048xi32, #tpu.memory_space<vmem>>, vector<16xi32>,
    tpu.vector_store_idx %arg12[%add3A_1093, %get3A_35], %get3A_1095 : memref<128x200xi32, #tpu.memory_space<vmem>>[vector<16xi32>, vector<16xi32>], vector<16xi32>,
    %iota3A_1096 = tpu.iota {dimensions = array<i32: 0>} : vector<16xi32>
    %add3A_1097 = arith.constant 16 : i32
    %add3A_1098 = vector.broadcast %add3A_1097 : i32 to vector<16xi32>
    %add3A_1099 = arith.addi %iota3A_1096, %add3A_1098 : vector<16xi32>
    %get3A_1100 = arith.constant 1808 : index
    %get3A_1101 = tpu.vector_load %arg10[%get3A_1100] {strides = array<i32>} : memref<2048xi32, #tpu.memory_space<vmem>>, vector<16xi32>,
    tpu.vector_store_idx %arg12[%add3A_1099, %get3A_35], %get3A_1101 : memref<128x200xi32, #tpu.memory_space<vmem>>[vector<16xi32>, vector<16xi32>], vector<16xi32>,
    %iota3A_1102 = tpu.iota {dimensions = array<i32: 0>} : vector<16xi32>
    %add3A_1103 = arith.constant 32 : i32
    %add3A_1104 = vector.broadcast %add3A_1103 : i32 to vector<16xi32>
    %add3A_1105 = arith.addi %iota3A_1102, %add3A_1104 : vector<16xi32>
    %get3A_1106 = arith.constant 1824 : index
    %get3A_1107 = tpu.vector_load %arg10[%get3A_1106] {strides = array<i32>} : memref<2048xi32, #tpu.memory_space<vmem>>, vector<16xi32>,
    tpu.vector_store_idx %arg12[%add3A_1105, %get3A_35], %get3A_1107 : memref<128x200xi32, #tpu.memory_space<vmem>>[vector<16xi32>, vector<16xi32>], vector<16xi32>,
    %iota3A_1108 = tpu.iota {dimensions = array<i32: 0>} : vector<16xi32>
    %add3A_1109 = arith.constant 48 : i32
    %add3A_1110 = vector.broadcast %add3A_1109 : i32 to vector<16xi32>
    %add3A_1111 = arith.addi %iota3A_1108, %add3A_1110 : vector<16xi32>
    %get3A_1112 = arith.constant 1840 : index
    %get3A_1113 = tpu.vector_load %arg10[%get3A_1112] {strides = array<i32>} : memref<2048xi32, #tpu.memory_space<vmem>>, vector<16xi32>,
    tpu.vector_store_idx %arg12[%add3A_1111, %get3A_35], %get3A_1113 : memref<128x200xi32, #tpu.memory_space<vmem>>[vector<16xi32>, vector<16xi32>], vector<16xi32>,
    %iota3A_1114 = tpu.iota {dimensions = array<i32: 0>} : vector<16xi32>
    %add3A_1115 = arith.constant 64 : i32
    %add3A_1116 = vector.broadcast %add3A_1115 : i32 to vector<16xi32>
    %add3A_1117 = arith.addi %iota3A_1114, %add3A_1116 : vector<16xi32>
    %get3A_1118 = arith.constant 1856 : index
    %get3A_1119 = tpu.vector_load %arg10[%get3A_1118] {strides = array<i32>} : memref<2048xi32, #tpu.memory_space<vmem>>, vector<16xi32>,
    tpu.vector_store_idx %arg12[%add3A_1117, %get3A_35], %get3A_1119 : memref<128x200xi32, #tpu.memory_space<vmem>>[vector<16xi32>, vector<16xi32>], vector<16xi32>,
    %iota3A_1120 = tpu.iota {dimensions = array<i32: 0>} : vector<16xi32>
    %add3A_1121 = arith.constant 80 : i32
    %add3A_1122 = vector.broadcast %add3A_1121 : i32 to vector<16xi32>
    %add3A_1123 = arith.addi %iota3A_1120, %add3A_1122 : vector<16xi32>
    %get3A_1124 = arith.constant 1872 : index
    %get3A_1125 = tpu.vector_load %arg10[%get3A_1124] {strides = array<i32>} : memref<2048xi32, #tpu.memory_space<vmem>>, vector<16xi32>,
    tpu.vector_store_idx %arg12[%add3A_1123, %get3A_35], %get3A_1125 : memref<128x200xi32, #tpu.memory_space<vmem>>[vector<16xi32>, vector<16xi32>], vector<16xi32>,
    %iota3A_1126 = tpu.iota {dimensions = array<i32: 0>} : vector<16xi32>
    %add3A_1127 = arith.constant 96 : i32
    %add3A_1128 = vector.broadcast %add3A_1127 : i32 to vector<16xi32>
    %add3A_1129 = arith.addi %iota3A_1126, %add3A_1128 : vector<16xi32>
    %get3A_1130 = arith.constant 1888 : index
    %get3A_1131 = tpu.vector_load %arg10[%get3A_1130] {strides = array<i32>} : memref<2048xi32, #tpu.memory_space<vmem>>, vector<16xi32>,
    tpu.vector_store_idx %arg12[%add3A_1129, %get3A_35], %get3A_1131 : memref<128x200xi32, #tpu.memory_space<vmem>>[vector<16xi32>, vector<16xi32>], vector<16xi32>,
    %iota3A_1132 = tpu.iota {dimensions = array<i32: 0>} : vector<16xi32>
    %add3A_1133 = arith.constant 112 : i32
    %add3A_1134 = vector.broadcast %add3A_1133 : i32 to vector<16xi32>
    %add3A_1135 = arith.addi %iota3A_1132, %add3A_1134 : vector<16xi32>
    %get3A_1136 = arith.constant 1904 : index
    %get3A_1137 = tpu.vector_load %arg10[%get3A_1136] {strides = array<i32>} : memref<2048xi32, #tpu.memory_space<vmem>>, vector<16xi32>,
    tpu.vector_store_idx %arg12[%add3A_1135, %get3A_35], %get3A_1137 : memref<128x200xi32, #tpu.memory_space<vmem>>[vector<16xi32>, vector<16xi32>], vector<16xi32>,
    %add3A_1138 = arith.constant 1792 : i32
    %add3A_1139 = arith.addi %mul3A_34, %add3A_1138 : i32
    %dma_start3A_1140 = arith.constant 0 : i32
    %dma_start3A_1141 = tpu.memref_slice %arg6[%select_n3A, %add3A_1139, %dma_start3A_1140] : memref<4x16384x200xi32, #tpu.memory_space<hbm>> -> memref<1x128x200xi32, #tpu.memory_space<hbm>>
    %dma_start3A_1142 = tpu.memref_squeeze %dma_start3A_1141 : memref<1x128x200xi32, #tpu.memory_space<hbm>> -> memref<128x200xi32, #tpu.memory_space<hbm>>
    %dma_start3A_1143 = arith.constant 0 : i32
    %dma_start3A_1144 = tpu.memref_slice %arg6[%select_n3A, %add3A_1139, %dma_start3A_1143] : memref<4x16384x200xi32, #tpu.memory_space<hbm>> -> memref<1x128x200xi32, #tpu.memory_space<hbm>>
    %dma_start3A_1145 = tpu.memref_squeeze %dma_start3A_1144 : memref<1x128x200xi32, #tpu.memory_space<hbm>> -> memref<128x200xi32, #tpu.memory_space<hbm>>
    tpu.enqueue_dma source(%arg12 : memref<128x200xi32, #tpu.memory_space<vmem>>) target(%dma_start3A_1145 : memref<128x200xi32, #tpu.memory_space<hbm>>) target_semaphore(%arg17 : memref<!tpu.dma_semaphore, #tpu.memory_space<semaphore_mem>>)
    %dma_wait3A_1146 = arith.constant 1920 : i32
    %dma_wait3A_1147 = tpu.memref_slice %arg9[%dma_wait3A_1146] : memref<2048xi32, #tpu.memory_space<vmem>> -> memref<128xi32, #tpu.memory_space<vmem>>
    %dma_wait3A_1148 = arith.constant 0 : i32
    %dma_wait3A_1149 = arith.constant 0 : i32
    %dma_wait3A_1150 = tpu.memref_slice %arg2[%dma_wait3A_1148, %dma_wait3A_1149] : memref<16384x200xi32, #tpu.memory_space<hbm>> -> memref<16384x200xi32, #tpu.memory_space<hbm>>
    tpu.wait_indirect_dma semaphore(%arg16 : memref<!tpu.dma_semaphore, #tpu.memory_space<semaphore_mem>>) src(%dma_wait3A_1150 : memref<16384x200xi32, #tpu.memory_space<hbm>>) dst(%arg13 : memref<128x200xi32, #tpu.memory_space<vmem>>)
    %iota3A_1151 = tpu.iota {dimensions = array<i32: 0>} : vector<16xi32>
    %add3A_1152 = arith.constant 0 : i32
    %add3A_1153 = vector.broadcast %add3A_1152 : i32 to vector<16xi32>
    %add3A_1154 = arith.addi %iota3A_1151, %add3A_1153 : vector<16xi32>
    %get3A_1155 = arith.constant 1920 : index
    %get3A_1156 = tpu.vector_load %arg10[%get3A_1155] {strides = array<i32>} : memref<2048xi32, #tpu.memory_space<vmem>>, vector<16xi32>,
    tpu.vector_store_idx %arg13[%add3A_1154, %get3A_35], %get3A_1156 : memref<128x200xi32, #tpu.memory_space<vmem>>[vector<16xi32>, vector<16xi32>], vector<16xi32>,
    %iota3A_1157 = tpu.iota {dimensions = array<i32: 0>} : vector<16xi32>
    %add3A_1158 = arith.constant 16 : i32
    %add3A_1159 = vector.broadcast %add3A_1158 : i32 to vector<16xi32>
    %add3A_1160 = arith.addi %iota3A_1157, %add3A_1159 : vector<16xi32>
    %get3A_1161 = arith.constant 1936 : index
    %get3A_1162 = tpu.vector_load %arg10[%get3A_1161] {strides = array<i32>} : memref<2048xi32, #tpu.memory_space<vmem>>, vector<16xi32>,
    tpu.vector_store_idx %arg13[%add3A_1160, %get3A_35], %get3A_1162 : memref<128x200xi32, #tpu.memory_space<vmem>>[vector<16xi32>, vector<16xi32>], vector<16xi32>,
    %iota3A_1163 = tpu.iota {dimensions = array<i32: 0>} : vector<16xi32>
    %add3A_1164 = arith.constant 32 : i32
    %add3A_1165 = vector.broadcast %add3A_1164 : i32 to vector<16xi32>
    %add3A_1166 = arith.addi %iota3A_1163, %add3A_1165 : vector<16xi32>
    %get3A_1167 = arith.constant 1952 : index
    %get3A_1168 = tpu.vector_load %arg10[%get3A_1167] {strides = array<i32>} : memref<2048xi32, #tpu.memory_space<vmem>>, vector<16xi32>,
    tpu.vector_store_idx %arg13[%add3A_1166, %get3A_35], %get3A_1168 : memref<128x200xi32, #tpu.memory_space<vmem>>[vector<16xi32>, vector<16xi32>], vector<16xi32>,
    %iota3A_1169 = tpu.iota {dimensions = array<i32: 0>} : vector<16xi32>
    %add3A_1170 = arith.constant 48 : i32
    %add3A_1171 = vector.broadcast %add3A_1170 : i32 to vector<16xi32>
    %add3A_1172 = arith.addi %iota3A_1169, %add3A_1171 : vector<16xi32>
    %get3A_1173 = arith.constant 1968 : index
    %get3A_1174 = tpu.vector_load %arg10[%get3A_1173] {strides = array<i32>} : memref<2048xi32, #tpu.memory_space<vmem>>, vector<16xi32>,
    tpu.vector_store_idx %arg13[%add3A_1172, %get3A_35], %get3A_1174 : memref<128x200xi32, #tpu.memory_space<vmem>>[vector<16xi32>, vector<16xi32>], vector<16xi32>,
    %iota3A_1175 = tpu.iota {dimensions = array<i32: 0>} : vector<16xi32>
    %add3A_1176 = arith.constant 64 : i32
    %add3A_1177 = vector.broadcast %add3A_1176 : i32 to vector<16xi32>
    %add3A_1178 = arith.addi %iota3A_1175, %add3A_1177 : vector<16xi32>
    %get3A_1179 = arith.constant 1984 : index
    %get3A_1180 = tpu.vector_load %arg10[%get3A_1179] {strides = array<i32>} : memref<2048xi32, #tpu.memory_space<vmem>>, vector<16xi32>,
    tpu.vector_store_idx %arg13[%add3A_1178, %get3A_35], %get3A_1180 : memref<128x200xi32, #tpu.memory_space<vmem>>[vector<16xi32>, vector<16xi32>], vector<16xi32>,
    %iota3A_1181 = tpu.iota {dimensions = array<i32: 0>} : vector<16xi32>
    %add3A_1182 = arith.constant 80 : i32
    %add3A_1183 = vector.broadcast %add3A_1182 : i32 to vector<16xi32>
    %add3A_1184 = arith.addi %iota3A_1181, %add3A_1183 : vector<16xi32>
    %get3A_1185 = arith.constant 2000 : index
    %get3A_1186 = tpu.vector_load %arg10[%get3A_1185] {strides = array<i32>} : memref<2048xi32, #tpu.memory_space<vmem>>, vector<16xi32>,
    tpu.vector_store_idx %arg13[%add3A_1184, %get3A_35], %get3A_1186 : memref<128x200xi32, #tpu.memory_space<vmem>>[vector<16xi32>, vector<16xi32>], vector<16xi32>,
    %iota3A_1187 = tpu.iota {dimensions = array<i32: 0>} : vector<16xi32>
    %add3A_1188 = arith.constant 96 : i32
    %add3A_1189 = vector.broadcast %add3A_1188 : i32 to vector<16xi32>
    %add3A_1190 = arith.addi %iota3A_1187, %add3A_1189 : vector<16xi32>
    %get3A_1191 = arith.constant 2016 : index
    %get3A_1192 = tpu.vector_load %arg10[%get3A_1191] {strides = array<i32>} : memref<2048xi32, #tpu.memory_space<vmem>>, vector<16xi32>,
    tpu.vector_store_idx %arg13[%add3A_1190, %get3A_35], %get3A_1192 : memref<128x200xi32, #tpu.memory_space<vmem>>[vector<16xi32>, vector<16xi32>], vector<16xi32>,
    %iota3A_1193 = tpu.iota {dimensions = array<i32: 0>} : vector<16xi32>
    %add3A_1194 = arith.constant 112 : i32
    %add3A_1195 = vector.broadcast %add3A_1194 : i32 to vector<16xi32>
    %add3A_1196 = arith.addi %iota3A_1193, %add3A_1195 : vector<16xi32>
    %get3A_1197 = arith.constant 2032 : index
    %get3A_1198 = tpu.vector_load %arg10[%get3A_1197] {strides = array<i32>} : memref<2048xi32, #tpu.memory_space<vmem>>, vector<16xi32>,
    tpu.vector_store_idx %arg13[%add3A_1196, %get3A_35], %get3A_1198 : memref<128x200xi32, #tpu.memory_space<vmem>>[vector<16xi32>, vector<16xi32>], vector<16xi32>,
    %add3A_1199 = arith.constant 1920 : i32
    %add3A_1200 = arith.addi %mul3A_34, %add3A_1199 : i32
    %dma_start3A_1201 = arith.constant 0 : i32
    %dma_start3A_1202 = tpu.memref_slice %arg6[%select_n3A, %add3A_1200, %dma_start3A_1201] : memref<4x16384x200xi32, #tpu.memory_space<hbm>> -> memref<1x128x200xi32, #tpu.memory_space<hbm>>
    %dma_start3A_1203 = tpu.memref_squeeze %dma_start3A_1202 : memref<1x128x200xi32, #tpu.memory_space<hbm>> -> memref<128x200xi32, #tpu.memory_space<hbm>>
    %dma_start3A_1204 = arith.constant 0 : i32
    %dma_start3A_1205 = tpu.memref_slice %arg6[%select_n3A, %add3A_1200, %dma_start3A_1204] : memref<4x16384x200xi32, #tpu.memory_space<hbm>> -> memref<1x128x200xi32, #tpu.memory_space<hbm>>
    %dma_start3A_1206 = tpu.memref_squeeze %dma_start3A_1205 : memref<1x128x200xi32, #tpu.memory_space<hbm>> -> memref<128x200xi32, #tpu.memory_space<hbm>>
    tpu.enqueue_dma source(%arg13 : memref<128x200xi32, #tpu.memory_space<vmem>>) target(%dma_start3A_1206 : memref<128x200xi32, #tpu.memory_space<hbm>>) target_semaphore(%arg18 : memref<!tpu.dma_semaphore, #tpu.memory_space<semaphore_mem>>)
    %add3A_1207 = arith.constant 1792 : i32
    %add3A_1208 = arith.addi %mul3A_34, %add3A_1207 : i32
    %dma_wait3A_1209 = arith.constant 0 : i32
    %dma_wait3A_1210 = tpu.memref_slice %arg6[%select_n3A, %add3A_1208, %dma_wait3A_1209] : memref<4x16384x200xi32, #tpu.memory_space<hbm>> -> memref<1x128x200xi32, #tpu.memory_space<hbm>>
    %dma_wait3A_1211 = tpu.memref_squeeze %dma_wait3A_1210 : memref<1x128x200xi32, #tpu.memory_space<hbm>> -> memref<128x200xi32, #tpu.memory_space<hbm>>
    %dma_wait3A_1212 = arith.constant 0 : i32
    %dma_wait3A_1213 = tpu.memref_slice %arg6[%select_n3A, %add3A_1208, %dma_wait3A_1212] : memref<4x16384x200xi32, #tpu.memory_space<hbm>> -> memref<1x128x200xi32, #tpu.memory_space<hbm>>
    %dma_wait3A_1214 = tpu.memref_squeeze %dma_wait3A_1213 : memref<1x128x200xi32, #tpu.memory_space<hbm>> -> memref<128x200xi32, #tpu.memory_space<hbm>>
    tpu.wait_dma2 semaphore(%arg17 : memref<!tpu.dma_semaphore, #tpu.memory_space<semaphore_mem>>) src(%arg12 : memref<128x200xi32, #tpu.memory_space<vmem>>) dst(%dma_wait3A_1214 : memref<128x200xi32, #tpu.memory_space<hbm>>)
    %add3A_1215 = arith.constant 1920 : i32
    %add3A_1216 = arith.addi %mul3A_34, %add3A_1215 : i32
    %dma_wait3A_1217 = arith.constant 0 : i32
    %dma_wait3A_1218 = tpu.memref_slice %arg6[%select_n3A, %add3A_1216, %dma_wait3A_1217] : memref<4x16384x200xi32, #tpu.memory_space<hbm>> -> memref<1x128x200xi32, #tpu.memory_space<hbm>>
    %dma_wait3A_1219 = tpu.memref_squeeze %dma_wait3A_1218 : memref<1x128x200xi32, #tpu.memory_space<hbm>> -> memref<128x200xi32, #tpu.memory_space<hbm>>
    %dma_wait3A_1220 = arith.constant 0 : i32
    %dma_wait3A_1221 = tpu.memref_slice %arg6[%select_n3A, %add3A_1216, %dma_wait3A_1220] : memref<4x16384x200xi32, #tpu.memory_space<hbm>> -> memref<1x128x200xi32, #tpu.memory_space<hbm>>
    %dma_wait3A_1222 = tpu.memref_squeeze %dma_wait3A_1221 : memref<1x128x200xi32, #tpu.memory_space<hbm>> -> memref<128x200xi32, #tpu.memory_space<hbm>>
    tpu.wait_dma2 semaphore(%arg18 : memref<!tpu.dma_semaphore, #tpu.memory_space<semaphore_mem>>) src(%arg13 : memref<128x200xi32, #tpu.memory_space<vmem>>) dst(%dma_wait3A_1222 : memref<128x200xi32, #tpu.memory_space<hbm>>)
    %dma_start3A_1223 = arith.constant 0 : i32
    %dma_start3A_1224 = tpu.memref_slice %arg14[%dma_start3A_1223] : memref<2048xf32, #tpu.memory_space<vmem>> -> memref<128xf32, #tpu.memory_space<vmem>>
    %dma_start3A_1225 = arith.constant 0 : i32
    %dma_start3A_1226 = tpu.memref_slice %arg8[%dma_start3A_1225] : memref<2048xi32, #tpu.memory_space<vmem>> -> memref<128xi32, #tpu.memory_space<vmem>>
    %dma_start3A_1227 = arith.constant 0 : i32
    %dma_start3A_1228 = tpu.memref_slice %arg4[%dma_start3A_1227] : memref<65536xf32, #tpu.memory_space<hbm>> -> memref<65536xf32, #tpu.memory_space<hbm>>
    tpu.enqueue_indirect_dma source(%dma_start3A_1228 : memref<65536xf32, #tpu.memory_space<hbm>>) target(%dma_start3A_1224 : memref<128xf32, #tpu.memory_space<vmem>>) offsets(%dma_start3A_1226 : memref<128xi32, #tpu.memory_space<vmem>>) semaphore(%arg15 : memref<!tpu.dma_semaphore, #tpu.memory_space<semaphore_mem>>)
    %dma_start3A_1229 = arith.constant 128 : i32
    %dma_start3A_1230 = tpu.memref_slice %arg14[%dma_start3A_1229] : memref<2048xf32, #tpu.memory_space<vmem>> -> memref<128xf32, #tpu.memory_space<vmem>>
    %dma_start3A_1231 = arith.constant 128 : i32
    %dma_start3A_1232 = tpu.memref_slice %arg8[%dma_start3A_1231] : memref<2048xi32, #tpu.memory_space<vmem>> -> memref<128xi32, #tpu.memory_space<vmem>>
    %dma_start3A_1233 = arith.constant 0 : i32
    %dma_start3A_1234 = tpu.memref_slice %arg4[%dma_start3A_1233] : memref<65536xf32, #tpu.memory_space<hbm>> -> memref<65536xf32, #tpu.memory_space<hbm>>
    tpu.enqueue_indirect_dma source(%dma_start3A_1234 : memref<65536xf32, #tpu.memory_space<hbm>>) target(%dma_start3A_1230 : memref<128xf32, #tpu.memory_space<vmem>>) offsets(%dma_start3A_1232 : memref<128xi32, #tpu.memory_space<vmem>>) semaphore(%arg15 : memref<!tpu.dma_semaphore, #tpu.memory_space<semaphore_mem>>)
    %dma_start3A_1235 = arith.constant 256 : i32
    %dma_start3A_1236 = tpu.memref_slice %arg14[%dma_start3A_1235] : memref<2048xf32, #tpu.memory_space<vmem>> -> memref<128xf32, #tpu.memory_space<vmem>>
    %dma_start3A_1237 = arith.constant 256 : i32
    %dma_start3A_1238 = tpu.memref_slice %arg8[%dma_start3A_1237] : memref<2048xi32, #tpu.memory_space<vmem>> -> memref<128xi32, #tpu.memory_space<vmem>>
    %dma_start3A_1239 = arith.constant 0 : i32
    %dma_start3A_1240 = tpu.memref_slice %arg4[%dma_start3A_1239] : memref<65536xf32, #tpu.memory_space<hbm>> -> memref<65536xf32, #tpu.memory_space<hbm>>
    tpu.enqueue_indirect_dma source(%dma_start3A_1240 : memref<65536xf32, #tpu.memory_space<hbm>>) target(%dma_start3A_1236 : memref<128xf32, #tpu.memory_space<vmem>>) offsets(%dma_start3A_1238 : memref<128xi32, #tpu.memory_space<vmem>>) semaphore(%arg15 : memref<!tpu.dma_semaphore, #tpu.memory_space<semaphore_mem>>)
    %dma_start3A_1241 = arith.constant 384 : i32
    %dma_start3A_1242 = tpu.memref_slice %arg14[%dma_start3A_1241] : memref<2048xf32, #tpu.memory_space<vmem>> -> memref<128xf32, #tpu.memory_space<vmem>>
    %dma_start3A_1243 = arith.constant 384 : i32
    %dma_start3A_1244 = tpu.memref_slice %arg8[%dma_start3A_1243] : memref<2048xi32, #tpu.memory_space<vmem>> -> memref<128xi32, #tpu.memory_space<vmem>>
    %dma_start3A_1245 = arith.constant 0 : i32
    %dma_start3A_1246 = tpu.memref_slice %arg4[%dma_start3A_1245] : memref<65536xf32, #tpu.memory_space<hbm>> -> memref<65536xf32, #tpu.memory_space<hbm>>
    tpu.enqueue_indirect_dma source(%dma_start3A_1246 : memref<65536xf32, #tpu.memory_space<hbm>>) target(%dma_start3A_1242 : memref<128xf32, #tpu.memory_space<vmem>>) offsets(%dma_start3A_1244 : memref<128xi32, #tpu.memory_space<vmem>>) semaphore(%arg15 : memref<!tpu.dma_semaphore, #tpu.memory_space<semaphore_mem>>)
    %dma_start3A_1247 = arith.constant 512 : i32
    %dma_start3A_1248 = tpu.memref_slice %arg14[%dma_start3A_1247] : memref<2048xf32, #tpu.memory_space<vmem>> -> memref<128xf32, #tpu.memory_space<vmem>>
    %dma_start3A_1249 = arith.constant 512 : i32
    %dma_start3A_1250 = tpu.memref_slice %arg8[%dma_start3A_1249] : memref<2048xi32, #tpu.memory_space<vmem>> -> memref<128xi32, #tpu.memory_space<vmem>>
    %dma_start3A_1251 = arith.constant 0 : i32
    %dma_start3A_1252 = tpu.memref_slice %arg4[%dma_start3A_1251] : memref<65536xf32, #tpu.memory_space<hbm>> -> memref<65536xf32, #tpu.memory_space<hbm>>
    tpu.enqueue_indirect_dma source(%dma_start3A_1252 : memref<65536xf32, #tpu.memory_space<hbm>>) target(%dma_start3A_1248 : memref<128xf32, #tpu.memory_space<vmem>>) offsets(%dma_start3A_1250 : memref<128xi32, #tpu.memory_space<vmem>>) semaphore(%arg15 : memref<!tpu.dma_semaphore, #tpu.memory_space<semaphore_mem>>)
    %dma_start3A_1253 = arith.constant 640 : i32
    %dma_start3A_1254 = tpu.memref_slice %arg14[%dma_start3A_1253] : memref<2048xf32, #tpu.memory_space<vmem>> -> memref<128xf32, #tpu.memory_space<vmem>>
    %dma_start3A_1255 = arith.constant 640 : i32
    %dma_start3A_1256 = tpu.memref_slice %arg8[%dma_start3A_1255] : memref<2048xi32, #tpu.memory_space<vmem>> -> memref<128xi32, #tpu.memory_space<vmem>>
    %dma_start3A_1257 = arith.constant 0 : i32
    %dma_start3A_1258 = tpu.memref_slice %arg4[%dma_start3A_1257] : memref<65536xf32, #tpu.memory_space<hbm>> -> memref<65536xf32, #tpu.memory_space<hbm>>
    tpu.enqueue_indirect_dma source(%dma_start3A_1258 : memref<65536xf32, #tpu.memory_space<hbm>>) target(%dma_start3A_1254 : memref<128xf32, #tpu.memory_space<vmem>>) offsets(%dma_start3A_1256 : memref<128xi32, #tpu.memory_space<vmem>>) semaphore(%arg15 : memref<!tpu.dma_semaphore, #tpu.memory_space<semaphore_mem>>)
    %dma_start3A_1259 = arith.constant 768 : i32
    %dma_start3A_1260 = tpu.memref_slice %arg14[%dma_start3A_1259] : memref<2048xf32, #tpu.memory_space<vmem>> -> memref<128xf32, #tpu.memory_space<vmem>>
    %dma_start3A_1261 = arith.constant 768 : i32
    %dma_start3A_1262 = tpu.memref_slice %arg8[%dma_start3A_1261] : memref<2048xi32, #tpu.memory_space<vmem>> -> memref<128xi32, #tpu.memory_space<vmem>>
    %dma_start3A_1263 = arith.constant 0 : i32
    %dma_start3A_1264 = tpu.memref_slice %arg4[%dma_start3A_1263] : memref<65536xf32, #tpu.memory_space<hbm>> -> memref<65536xf32, #tpu.memory_space<hbm>>
    tpu.enqueue_indirect_dma source(%dma_start3A_1264 : memref<65536xf32, #tpu.memory_space<hbm>>) target(%dma_start3A_1260 : memref<128xf32, #tpu.memory_space<vmem>>) offsets(%dma_start3A_1262 : memref<128xi32, #tpu.memory_space<vmem>>) semaphore(%arg15 : memref<!tpu.dma_semaphore, #tpu.memory_space<semaphore_mem>>)
    %dma_start3A_1265 = arith.constant 896 : i32
    %dma_start3A_1266 = tpu.memref_slice %arg14[%dma_start3A_1265] : memref<2048xf32, #tpu.memory_space<vmem>> -> memref<128xf32, #tpu.memory_space<vmem>>
    %dma_start3A_1267 = arith.constant 896 : i32
    %dma_start3A_1268 = tpu.memref_slice %arg8[%dma_start3A_1267] : memref<2048xi32, #tpu.memory_space<vmem>> -> memref<128xi32, #tpu.memory_space<vmem>>
    %dma_start3A_1269 = arith.constant 0 : i32
    %dma_start3A_1270 = tpu.memref_slice %arg4[%dma_start3A_1269] : memref<65536xf32, #tpu.memory_space<hbm>> -> memref<65536xf32, #tpu.memory_space<hbm>>
    tpu.enqueue_indirect_dma source(%dma_start3A_1270 : memref<65536xf32, #tpu.memory_space<hbm>>) target(%dma_start3A_1266 : memref<128xf32, #tpu.memory_space<vmem>>) offsets(%dma_start3A_1268 : memref<128xi32, #tpu.memory_space<vmem>>) semaphore(%arg15 : memref<!tpu.dma_semaphore, #tpu.memory_space<semaphore_mem>>)
    %dma_start3A_1271 = arith.constant 1024 : i32
    %dma_start3A_1272 = tpu.memref_slice %arg14[%dma_start3A_1271] : memref<2048xf32, #tpu.memory_space<vmem>> -> memref<128xf32, #tpu.memory_space<vmem>>
    %dma_start3A_1273 = arith.constant 1024 : i32
    %dma_start3A_1274 = tpu.memref_slice %arg8[%dma_start3A_1273] : memref<2048xi32, #tpu.memory_space<vmem>> -> memref<128xi32, #tpu.memory_space<vmem>>
    %dma_start3A_1275 = arith.constant 0 : i32
    %dma_start3A_1276 = tpu.memref_slice %arg4[%dma_start3A_1275] : memref<65536xf32, #tpu.memory_space<hbm>> -> memref<65536xf32, #tpu.memory_space<hbm>>
    tpu.enqueue_indirect_dma source(%dma_start3A_1276 : memref<65536xf32, #tpu.memory_space<hbm>>) target(%dma_start3A_1272 : memref<128xf32, #tpu.memory_space<vmem>>) offsets(%dma_start3A_1274 : memref<128xi32, #tpu.memory_space<vmem>>) semaphore(%arg15 : memref<!tpu.dma_semaphore, #tpu.memory_space<semaphore_mem>>)
    %dma_start3A_1277 = arith.constant 1152 : i32
    %dma_start3A_1278 = tpu.memref_slice %arg14[%dma_start3A_1277] : memref<2048xf32, #tpu.memory_space<vmem>> -> memref<128xf32, #tpu.memory_space<vmem>>
    %dma_start3A_1279 = arith.constant 1152 : i32
    %dma_start3A_1280 = tpu.memref_slice %arg8[%dma_start3A_1279] : memref<2048xi32, #tpu.memory_space<vmem>> -> memref<128xi32, #tpu.memory_space<vmem>>
    %dma_start3A_1281 = arith.constant 0 : i32
    %dma_start3A_1282 = tpu.memref_slice %arg4[%dma_start3A_1281] : memref<65536xf32, #tpu.memory_space<hbm>> -> memref<65536xf32, #tpu.memory_space<hbm>>
    tpu.enqueue_indirect_dma source(%dma_start3A_1282 : memref<65536xf32, #tpu.memory_space<hbm>>) target(%dma_start3A_1278 : memref<128xf32, #tpu.memory_space<vmem>>) offsets(%dma_start3A_1280 : memref<128xi32, #tpu.memory_space<vmem>>) semaphore(%arg15 : memref<!tpu.dma_semaphore, #tpu.memory_space<semaphore_mem>>)
    %dma_start3A_1283 = arith.constant 1280 : i32
    %dma_start3A_1284 = tpu.memref_slice %arg14[%dma_start3A_1283] : memref<2048xf32, #tpu.memory_space<vmem>> -> memref<128xf32, #tpu.memory_space<vmem>>
    %dma_start3A_1285 = arith.constant 1280 : i32
    %dma_start3A_1286 = tpu.memref_slice %arg8[%dma_start3A_1285] : memref<2048xi32, #tpu.memory_space<vmem>> -> memref<128xi32, #tpu.memory_space<vmem>>
    %dma_start3A_1287 = arith.constant 0 : i32
    %dma_start3A_1288 = tpu.memref_slice %arg4[%dma_start3A_1287] : memref<65536xf32, #tpu.memory_space<hbm>> -> memref<65536xf32, #tpu.memory_space<hbm>>
    tpu.enqueue_indirect_dma source(%dma_start3A_1288 : memref<65536xf32, #tpu.memory_space<hbm>>) target(%dma_start3A_1284 : memref<128xf32, #tpu.memory_space<vmem>>) offsets(%dma_start3A_1286 : memref<128xi32, #tpu.memory_space<vmem>>) semaphore(%arg15 : memref<!tpu.dma_semaphore, #tpu.memory_space<semaphore_mem>>)
    %dma_start3A_1289 = arith.constant 1408 : i32
    %dma_start3A_1290 = tpu.memref_slice %arg14[%dma_start3A_1289] : memref<2048xf32, #tpu.memory_space<vmem>> -> memref<128xf32, #tpu.memory_space<vmem>>
    %dma_start3A_1291 = arith.constant 1408 : i32
    %dma_start3A_1292 = tpu.memref_slice %arg8[%dma_start3A_1291] : memref<2048xi32, #tpu.memory_space<vmem>> -> memref<128xi32, #tpu.memory_space<vmem>>
    %dma_start3A_1293 = arith.constant 0 : i32
    %dma_start3A_1294 = tpu.memref_slice %arg4[%dma_start3A_1293] : memref<65536xf32, #tpu.memory_space<hbm>> -> memref<65536xf32, #tpu.memory_space<hbm>>
    tpu.enqueue_indirect_dma source(%dma_start3A_1294 : memref<65536xf32, #tpu.memory_space<hbm>>) target(%dma_start3A_1290 : memref<128xf32, #tpu.memory_space<vmem>>) offsets(%dma_start3A_1292 : memref<128xi32, #tpu.memory_space<vmem>>) semaphore(%arg15 : memref<!tpu.dma_semaphore, #tpu.memory_space<semaphore_mem>>)
    %dma_start3A_1295 = arith.constant 1536 : i32
    %dma_start3A_1296 = tpu.memref_slice %arg14[%dma_start3A_1295] : memref<2048xf32, #tpu.memory_space<vmem>> -> memref<128xf32, #tpu.memory_space<vmem>>
    %dma_start3A_1297 = arith.constant 1536 : i32
    %dma_start3A_1298 = tpu.memref_slice %arg8[%dma_start3A_1297] : memref<2048xi32, #tpu.memory_space<vmem>> -> memref<128xi32, #tpu.memory_space<vmem>>
    %dma_start3A_1299 = arith.constant 0 : i32
    %dma_start3A_1300 = tpu.memref_slice %arg4[%dma_start3A_1299] : memref<65536xf32, #tpu.memory_space<hbm>> -> memref<65536xf32, #tpu.memory_space<hbm>>
    tpu.enqueue_indirect_dma source(%dma_start3A_1300 : memref<65536xf32, #tpu.memory_space<hbm>>) target(%dma_start3A_1296 : memref<128xf32, #tpu.memory_space<vmem>>) offsets(%dma_start3A_1298 : memref<128xi32, #tpu.memory_space<vmem>>) semaphore(%arg15 : memref<!tpu.dma_semaphore, #tpu.memory_space<semaphore_mem>>)
    %dma_start3A_1301 = arith.constant 1664 : i32
    %dma_start3A_1302 = tpu.memref_slice %arg14[%dma_start3A_1301] : memref<2048xf32, #tpu.memory_space<vmem>> -> memref<128xf32, #tpu.memory_space<vmem>>
    %dma_start3A_1303 = arith.constant 1664 : i32
    %dma_start3A_1304 = tpu.memref_slice %arg8[%dma_start3A_1303] : memref<2048xi32, #tpu.memory_space<vmem>> -> memref<128xi32, #tpu.memory_space<vmem>>
    %dma_start3A_1305 = arith.constant 0 : i32
    %dma_start3A_1306 = tpu.memref_slice %arg4[%dma_start3A_1305] : memref<65536xf32, #tpu.memory_space<hbm>> -> memref<65536xf32, #tpu.memory_space<hbm>>
    tpu.enqueue_indirect_dma source(%dma_start3A_1306 : memref<65536xf32, #tpu.memory_space<hbm>>) target(%dma_start3A_1302 : memref<128xf32, #tpu.memory_space<vmem>>) offsets(%dma_start3A_1304 : memref<128xi32, #tpu.memory_space<vmem>>) semaphore(%arg15 : memref<!tpu.dma_semaphore, #tpu.memory_space<semaphore_mem>>)
    %dma_start3A_1307 = arith.constant 1792 : i32
    %dma_start3A_1308 = tpu.memref_slice %arg14[%dma_start3A_1307] : memref<2048xf32, #tpu.memory_space<vmem>> -> memref<128xf32, #tpu.memory_space<vmem>>
    %dma_start3A_1309 = arith.constant 1792 : i32
    %dma_start3A_1310 = tpu.memref_slice %arg8[%dma_start3A_1309] : memref<2048xi32, #tpu.memory_space<vmem>> -> memref<128xi32, #tpu.memory_space<vmem>>
    %dma_start3A_1311 = arith.constant 0 : i32
    %dma_start3A_1312 = tpu.memref_slice %arg4[%dma_start3A_1311] : memref<65536xf32, #tpu.memory_space<hbm>> -> memref<65536xf32, #tpu.memory_space<hbm>>
    tpu.enqueue_indirect_dma source(%dma_start3A_1312 : memref<65536xf32, #tpu.memory_space<hbm>>) target(%dma_start3A_1308 : memref<128xf32, #tpu.memory_space<vmem>>) offsets(%dma_start3A_1310 : memref<128xi32, #tpu.memory_space<vmem>>) semaphore(%arg15 : memref<!tpu.dma_semaphore, #tpu.memory_space<semaphore_mem>>)
    %dma_start3A_1313 = arith.constant 1920 : i32
    %dma_start3A_1314 = tpu.memref_slice %arg14[%dma_start3A_1313] : memref<2048xf32, #tpu.memory_space<vmem>> -> memref<128xf32, #tpu.memory_space<vmem>>
    %dma_start3A_1315 = arith.constant 1920 : i32
    %dma_start3A_1316 = tpu.memref_slice %arg8[%dma_start3A_1315] : memref<2048xi32, #tpu.memory_space<vmem>> -> memref<128xi32, #tpu.memory_space<vmem>>
    %dma_start3A_1317 = arith.constant 0 : i32
    %dma_start3A_1318 = tpu.memref_slice %arg4[%dma_start3A_1317] : memref<65536xf32, #tpu.memory_space<hbm>> -> memref<65536xf32, #tpu.memory_space<hbm>>
    tpu.enqueue_indirect_dma source(%dma_start3A_1318 : memref<65536xf32, #tpu.memory_space<hbm>>) target(%dma_start3A_1314 : memref<128xf32, #tpu.memory_space<vmem>>) offsets(%dma_start3A_1316 : memref<128xi32, #tpu.memory_space<vmem>>) semaphore(%arg15 : memref<!tpu.dma_semaphore, #tpu.memory_space<semaphore_mem>>)
    %dma_wait3A_1319 = arith.constant 0 : i32
    %dma_wait3A_1320 = tpu.memref_slice %arg14[%dma_wait3A_1319] : memref<2048xf32, #tpu.memory_space<vmem>> -> memref<128xf32, #tpu.memory_space<vmem>>
    %dma_wait3A_1321 = arith.constant 0 : i32
    %dma_wait3A_1322 = tpu.memref_slice %arg8[%dma_wait3A_1321] : memref<2048xi32, #tpu.memory_space<vmem>> -> memref<128xi32, #tpu.memory_space<vmem>>
    %dma_wait3A_1323 = arith.constant 0 : i32
    %dma_wait3A_1324 = tpu.memref_slice %arg4[%dma_wait3A_1323] : memref<65536xf32, #tpu.memory_space<hbm>> -> memref<65536xf32, #tpu.memory_space<hbm>>
    tpu.wait_indirect_dma semaphore(%arg15 : memref<!tpu.dma_semaphore, #tpu.memory_space<semaphore_mem>>) src(%dma_wait3A_1324 : memref<65536xf32, #tpu.memory_space<hbm>>) dst(%dma_wait3A_1320 : memref<128xf32, #tpu.memory_space<vmem>>)
    %dma_wait3A_1325 = arith.constant 128 : i32
    %dma_wait3A_1326 = tpu.memref_slice %arg14[%dma_wait3A_1325] : memref<2048xf32, #tpu.memory_space<vmem>> -> memref<128xf32, #tpu.memory_space<vmem>>
    %dma_wait3A_1327 = arith.constant 128 : i32
    %dma_wait3A_1328 = tpu.memref_slice %arg8[%dma_wait3A_1327] : memref<2048xi32, #tpu.memory_space<vmem>> -> memref<128xi32, #tpu.memory_space<vmem>>
    %dma_wait3A_1329 = arith.constant 0 : i32
    %dma_wait3A_1330 = tpu.memref_slice %arg4[%dma_wait3A_1329] : memref<65536xf32, #tpu.memory_space<hbm>> -> memref<65536xf32, #tpu.memory_space<hbm>>
    tpu.wait_indirect_dma semaphore(%arg15 : memref<!tpu.dma_semaphore, #tpu.memory_space<semaphore_mem>>) src(%dma_wait3A_1330 : memref<65536xf32, #tpu.memory_space<hbm>>) dst(%dma_wait3A_1326 : memref<128xf32, #tpu.memory_space<vmem>>)
    %dma_wait3A_1331 = arith.constant 256 : i32
    %dma_wait3A_1332 = tpu.memref_slice %arg14[%dma_wait3A_1331] : memref<2048xf32, #tpu.memory_space<vmem>> -> memref<128xf32, #tpu.memory_space<vmem>>
    %dma_wait3A_1333 = arith.constant 256 : i32
    %dma_wait3A_1334 = tpu.memref_slice %arg8[%dma_wait3A_1333] : memref<2048xi32, #tpu.memory_space<vmem>> -> memref<128xi32, #tpu.memory_space<vmem>>
    %dma_wait3A_1335 = arith.constant 0 : i32
    %dma_wait3A_1336 = tpu.memref_slice %arg4[%dma_wait3A_1335] : memref<65536xf32, #tpu.memory_space<hbm>> -> memref<65536xf32, #tpu.memory_space<hbm>>
    tpu.wait_indirect_dma semaphore(%arg15 : memref<!tpu.dma_semaphore, #tpu.memory_space<semaphore_mem>>) src(%dma_wait3A_1336 : memref<65536xf32, #tpu.memory_space<hbm>>) dst(%dma_wait3A_1332 : memref<128xf32, #tpu.memory_space<vmem>>)
    %dma_wait3A_1337 = arith.constant 384 : i32
    %dma_wait3A_1338 = tpu.memref_slice %arg14[%dma_wait3A_1337] : memref<2048xf32, #tpu.memory_space<vmem>> -> memref<128xf32, #tpu.memory_space<vmem>>
    %dma_wait3A_1339 = arith.constant 384 : i32
    %dma_wait3A_1340 = tpu.memref_slice %arg8[%dma_wait3A_1339] : memref<2048xi32, #tpu.memory_space<vmem>> -> memref<128xi32, #tpu.memory_space<vmem>>
    %dma_wait3A_1341 = arith.constant 0 : i32
    %dma_wait3A_1342 = tpu.memref_slice %arg4[%dma_wait3A_1341] : memref<65536xf32, #tpu.memory_space<hbm>> -> memref<65536xf32, #tpu.memory_space<hbm>>
    tpu.wait_indirect_dma semaphore(%arg15 : memref<!tpu.dma_semaphore, #tpu.memory_space<semaphore_mem>>) src(%dma_wait3A_1342 : memref<65536xf32, #tpu.memory_space<hbm>>) dst(%dma_wait3A_1338 : memref<128xf32, #tpu.memory_space<vmem>>)
    %dma_wait3A_1343 = arith.constant 512 : i32
    %dma_wait3A_1344 = tpu.memref_slice %arg14[%dma_wait3A_1343] : memref<2048xf32, #tpu.memory_space<vmem>> -> memref<128xf32, #tpu.memory_space<vmem>>
    %dma_wait3A_1345 = arith.constant 512 : i32
    %dma_wait3A_1346 = tpu.memref_slice %arg8[%dma_wait3A_1345] : memref<2048xi32, #tpu.memory_space<vmem>> -> memref<128xi32, #tpu.memory_space<vmem>>
    %dma_wait3A_1347 = arith.constant 0 : i32
    %dma_wait3A_1348 = tpu.memref_slice %arg4[%dma_wait3A_1347] : memref<65536xf32, #tpu.memory_space<hbm>> -> memref<65536xf32, #tpu.memory_space<hbm>>
    tpu.wait_indirect_dma semaphore(%arg15 : memref<!tpu.dma_semaphore, #tpu.memory_space<semaphore_mem>>) src(%dma_wait3A_1348 : memref<65536xf32, #tpu.memory_space<hbm>>) dst(%dma_wait3A_1344 : memref<128xf32, #tpu.memory_space<vmem>>)
    %dma_wait3A_1349 = arith.constant 640 : i32
    %dma_wait3A_1350 = tpu.memref_slice %arg14[%dma_wait3A_1349] : memref<2048xf32, #tpu.memory_space<vmem>> -> memref<128xf32, #tpu.memory_space<vmem>>
    %dma_wait3A_1351 = arith.constant 640 : i32
    %dma_wait3A_1352 = tpu.memref_slice %arg8[%dma_wait3A_1351] : memref<2048xi32, #tpu.memory_space<vmem>> -> memref<128xi32, #tpu.memory_space<vmem>>
    %dma_wait3A_1353 = arith.constant 0 : i32
    %dma_wait3A_1354 = tpu.memref_slice %arg4[%dma_wait3A_1353] : memref<65536xf32, #tpu.memory_space<hbm>> -> memref<65536xf32, #tpu.memory_space<hbm>>
    tpu.wait_indirect_dma semaphore(%arg15 : memref<!tpu.dma_semaphore, #tpu.memory_space<semaphore_mem>>) src(%dma_wait3A_1354 : memref<65536xf32, #tpu.memory_space<hbm>>) dst(%dma_wait3A_1350 : memref<128xf32, #tpu.memory_space<vmem>>)
    %dma_wait3A_1355 = arith.constant 768 : i32
    %dma_wait3A_1356 = tpu.memref_slice %arg14[%dma_wait3A_1355] : memref<2048xf32, #tpu.memory_space<vmem>> -> memref<128xf32, #tpu.memory_space<vmem>>
    %dma_wait3A_1357 = arith.constant 768 : i32
    %dma_wait3A_1358 = tpu.memref_slice %arg8[%dma_wait3A_1357] : memref<2048xi32, #tpu.memory_space<vmem>> -> memref<128xi32, #tpu.memory_space<vmem>>
    %dma_wait3A_1359 = arith.constant 0 : i32
    %dma_wait3A_1360 = tpu.memref_slice %arg4[%dma_wait3A_1359] : memref<65536xf32, #tpu.memory_space<hbm>> -> memref<65536xf32, #tpu.memory_space<hbm>>
    tpu.wait_indirect_dma semaphore(%arg15 : memref<!tpu.dma_semaphore, #tpu.memory_space<semaphore_mem>>) src(%dma_wait3A_1360 : memref<65536xf32, #tpu.memory_space<hbm>>) dst(%dma_wait3A_1356 : memref<128xf32, #tpu.memory_space<vmem>>)
    %dma_wait3A_1361 = arith.constant 896 : i32
    %dma_wait3A_1362 = tpu.memref_slice %arg14[%dma_wait3A_1361] : memref<2048xf32, #tpu.memory_space<vmem>> -> memref<128xf32, #tpu.memory_space<vmem>>
    %dma_wait3A_1363 = arith.constant 896 : i32
    %dma_wait3A_1364 = tpu.memref_slice %arg8[%dma_wait3A_1363] : memref<2048xi32, #tpu.memory_space<vmem>> -> memref<128xi32, #tpu.memory_space<vmem>>
    %dma_wait3A_1365 = arith.constant 0 : i32
    %dma_wait3A_1366 = tpu.memref_slice %arg4[%dma_wait3A_1365] : memref<65536xf32, #tpu.memory_space<hbm>> -> memref<65536xf32, #tpu.memory_space<hbm>>
    tpu.wait_indirect_dma semaphore(%arg15 : memref<!tpu.dma_semaphore, #tpu.memory_space<semaphore_mem>>) src(%dma_wait3A_1366 : memref<65536xf32, #tpu.memory_space<hbm>>) dst(%dma_wait3A_1362 : memref<128xf32, #tpu.memory_space<vmem>>)
    %dma_wait3A_1367 = arith.constant 1024 : i32
    %dma_wait3A_1368 = tpu.memref_slice %arg14[%dma_wait3A_1367] : memref<2048xf32, #tpu.memory_space<vmem>> -> memref<128xf32, #tpu.memory_space<vmem>>
    %dma_wait3A_1369 = arith.constant 1024 : i32
    %dma_wait3A_1370 = tpu.memref_slice %arg8[%dma_wait3A_1369] : memref<2048xi32, #tpu.memory_space<vmem>> -> memref<128xi32, #tpu.memory_space<vmem>>
    %dma_wait3A_1371 = arith.constant 0 : i32
    %dma_wait3A_1372 = tpu.memref_slice %arg4[%dma_wait3A_1371] : memref<65536xf32, #tpu.memory_space<hbm>> -> memref<65536xf32, #tpu.memory_space<hbm>>
    tpu.wait_indirect_dma semaphore(%arg15 : memref<!tpu.dma_semaphore, #tpu.memory_space<semaphore_mem>>) src(%dma_wait3A_1372 : memref<65536xf32, #tpu.memory_space<hbm>>) dst(%dma_wait3A_1368 : memref<128xf32, #tpu.memory_space<vmem>>)
    %dma_wait3A_1373 = arith.constant 1152 : i32
    %dma_wait3A_1374 = tpu.memref_slice %arg14[%dma_wait3A_1373] : memref<2048xf32, #tpu.memory_space<vmem>> -> memref<128xf32, #tpu.memory_space<vmem>>
    %dma_wait3A_1375 = arith.constant 1152 : i32
    %dma_wait3A_1376 = tpu.memref_slice %arg8[%dma_wait3A_1375] : memref<2048xi32, #tpu.memory_space<vmem>> -> memref<128xi32, #tpu.memory_space<vmem>>
    %dma_wait3A_1377 = arith.constant 0 : i32
    %dma_wait3A_1378 = tpu.memref_slice %arg4[%dma_wait3A_1377] : memref<65536xf32, #tpu.memory_space<hbm>> -> memref<65536xf32, #tpu.memory_space<hbm>>
    tpu.wait_indirect_dma semaphore(%arg15 : memref<!tpu.dma_semaphore, #tpu.memory_space<semaphore_mem>>) src(%dma_wait3A_1378 : memref<65536xf32, #tpu.memory_space<hbm>>) dst(%dma_wait3A_1374 : memref<128xf32, #tpu.memory_space<vmem>>)
    %dma_wait3A_1379 = arith.constant 1280 : i32
    %dma_wait3A_1380 = tpu.memref_slice %arg14[%dma_wait3A_1379] : memref<2048xf32, #tpu.memory_space<vmem>> -> memref<128xf32, #tpu.memory_space<vmem>>
    %dma_wait3A_1381 = arith.constant 1280 : i32
    %dma_wait3A_1382 = tpu.memref_slice %arg8[%dma_wait3A_1381] : memref<2048xi32, #tpu.memory_space<vmem>> -> memref<128xi32, #tpu.memory_space<vmem>>
    %dma_wait3A_1383 = arith.constant 0 : i32
    %dma_wait3A_1384 = tpu.memref_slice %arg4[%dma_wait3A_1383] : memref<65536xf32, #tpu.memory_space<hbm>> -> memref<65536xf32, #tpu.memory_space<hbm>>
    tpu.wait_indirect_dma semaphore(%arg15 : memref<!tpu.dma_semaphore, #tpu.memory_space<semaphore_mem>>) src(%dma_wait3A_1384 : memref<65536xf32, #tpu.memory_space<hbm>>) dst(%dma_wait3A_1380 : memref<128xf32, #tpu.memory_space<vmem>>)
    %dma_wait3A_1385 = arith.constant 1408 : i32
    %dma_wait3A_1386 = tpu.memref_slice %arg14[%dma_wait3A_1385] : memref<2048xf32, #tpu.memory_space<vmem>> -> memref<128xf32, #tpu.memory_space<vmem>>
    %dma_wait3A_1387 = arith.constant 1408 : i32
    %dma_wait3A_1388 = tpu.memref_slice %arg8[%dma_wait3A_1387] : memref<2048xi32, #tpu.memory_space<vmem>> -> memref<128xi32, #tpu.memory_space<vmem>>
    %dma_wait3A_1389 = arith.constant 0 : i32
    %dma_wait3A_1390 = tpu.memref_slice %arg4[%dma_wait3A_1389] : memref<65536xf32, #tpu.memory_space<hbm>> -> memref<65536xf32, #tpu.memory_space<hbm>>
    tpu.wait_indirect_dma semaphore(%arg15 : memref<!tpu.dma_semaphore, #tpu.memory_space<semaphore_mem>>) src(%dma_wait3A_1390 : memref<65536xf32, #tpu.memory_space<hbm>>) dst(%dma_wait3A_1386 : memref<128xf32, #tpu.memory_space<vmem>>)
    %dma_wait3A_1391 = arith.constant 1536 : i32
    %dma_wait3A_1392 = tpu.memref_slice %arg14[%dma_wait3A_1391] : memref<2048xf32, #tpu.memory_space<vmem>> -> memref<128xf32, #tpu.memory_space<vmem>>
    %dma_wait3A_1393 = arith.constant 1536 : i32
    %dma_wait3A_1394 = tpu.memref_slice %arg8[%dma_wait3A_1393] : memref<2048xi32, #tpu.memory_space<vmem>> -> memref<128xi32, #tpu.memory_space<vmem>>
    %dma_wait3A_1395 = arith.constant 0 : i32
    %dma_wait3A_1396 = tpu.memref_slice %arg4[%dma_wait3A_1395] : memref<65536xf32, #tpu.memory_space<hbm>> -> memref<65536xf32, #tpu.memory_space<hbm>>
    tpu.wait_indirect_dma semaphore(%arg15 : memref<!tpu.dma_semaphore, #tpu.memory_space<semaphore_mem>>) src(%dma_wait3A_1396 : memref<65536xf32, #tpu.memory_space<hbm>>) dst(%dma_wait3A_1392 : memref<128xf32, #tpu.memory_space<vmem>>)
    %dma_wait3A_1397 = arith.constant 1664 : i32
    %dma_wait3A_1398 = tpu.memref_slice %arg14[%dma_wait3A_1397] : memref<2048xf32, #tpu.memory_space<vmem>> -> memref<128xf32, #tpu.memory_space<vmem>>
    %dma_wait3A_1399 = arith.constant 1664 : i32
    %dma_wait3A_1400 = tpu.memref_slice %arg8[%dma_wait3A_1399] : memref<2048xi32, #tpu.memory_space<vmem>> -> memref<128xi32, #tpu.memory_space<vmem>>
    %dma_wait3A_1401 = arith.constant 0 : i32
    %dma_wait3A_1402 = tpu.memref_slice %arg4[%dma_wait3A_1401] : memref<65536xf32, #tpu.memory_space<hbm>> -> memref<65536xf32, #tpu.memory_space<hbm>>
    tpu.wait_indirect_dma semaphore(%arg15 : memref<!tpu.dma_semaphore, #tpu.memory_space<semaphore_mem>>) src(%dma_wait3A_1402 : memref<65536xf32, #tpu.memory_space<hbm>>) dst(%dma_wait3A_1398 : memref<128xf32, #tpu.memory_space<vmem>>)
    %dma_wait3A_1403 = arith.constant 1792 : i32
    %dma_wait3A_1404 = tpu.memref_slice %arg14[%dma_wait3A_1403] : memref<2048xf32, #tpu.memory_space<vmem>> -> memref<128xf32, #tpu.memory_space<vmem>>
    %dma_wait3A_1405 = arith.constant 1792 : i32
    %dma_wait3A_1406 = tpu.memref_slice %arg8[%dma_wait3A_1405] : memref<2048xi32, #tpu.memory_space<vmem>> -> memref<128xi32, #tpu.memory_space<vmem>>
    %dma_wait3A_1407 = arith.constant 0 : i32
    %dma_wait3A_1408 = tpu.memref_slice %arg4[%dma_wait3A_1407] : memref<65536xf32, #tpu.memory_space<hbm>> -> memref<65536xf32, #tpu.memory_space<hbm>>
    tpu.wait_indirect_dma semaphore(%arg15 : memref<!tpu.dma_semaphore, #tpu.memory_space<semaphore_mem>>) src(%dma_wait3A_1408 : memref<65536xf32, #tpu.memory_space<hbm>>) dst(%dma_wait3A_1404 : memref<128xf32, #tpu.memory_space<vmem>>)
    %dma_wait3A_1409 = arith.constant 1920 : i32
    %dma_wait3A_1410 = tpu.memref_slice %arg14[%dma_wait3A_1409] : memref<2048xf32, #tpu.memory_space<vmem>> -> memref<128xf32, #tpu.memory_space<vmem>>
    %dma_wait3A_1411 = arith.constant 1920 : i32
    %dma_wait3A_1412 = tpu.memref_slice %arg8[%dma_wait3A_1411] : memref<2048xi32, #tpu.memory_space<vmem>> -> memref<128xi32, #tpu.memory_space<vmem>>
    %dma_wait3A_1413 = arith.constant 0 : i32
    %dma_wait3A_1414 = tpu.memref_slice %arg4[%dma_wait3A_1413] : memref<65536xf32, #tpu.memory_space<hbm>> -> memref<65536xf32, #tpu.memory_space<hbm>>
    tpu.wait_indirect_dma semaphore(%arg15 : memref<!tpu.dma_semaphore, #tpu.memory_space<semaphore_mem>>) src(%dma_wait3A_1414 : memref<65536xf32, #tpu.memory_space<hbm>>) dst(%dma_wait3A_1410 : memref<128xf32, #tpu.memory_space<vmem>>)
    "tpu.region"() ({
      %run_scoped3A = tpu.sem_alloc : memref<!tpu.dma_semaphore, #tpu.memory_space<semaphore_mem>>
      %dma_start3A_1415 = tpu.memref_slice %arg7[%mul3A_2] : memref<65536xf32, #tpu.memory_space<hbm>> -> memref<2048xf32, #tpu.memory_space<hbm>>
      %dma_start3A_1416 = tpu.memref_slice %arg7[%mul3A_2] : memref<65536xf32, #tpu.memory_space<hbm>> -> memref<2048xf32, #tpu.memory_space<hbm>>
      tpu.enqueue_dma source(%arg14 : memref<2048xf32, #tpu.memory_space<vmem>>) target(%dma_start3A_1416 : memref<2048xf32, #tpu.memory_space<hbm>>) target_semaphore(%run_scoped3A : memref<!tpu.dma_semaphore, #tpu.memory_space<semaphore_mem>>)
      %dma_wait3A_1417 = tpu.memref_slice %arg7[%mul3A_2] : memref<65536xf32, #tpu.memory_space<hbm>> -> memref<2048xf32, #tpu.memory_space<hbm>>
      %dma_wait3A_1418 = tpu.memref_slice %arg7[%mul3A_2] : memref<65536xf32, #tpu.memory_space<hbm>> -> memref<2048xf32, #tpu.memory_space<hbm>>
      tpu.wait_dma2 semaphore(%run_scoped3A : memref<!tpu.dma_semaphore, #tpu.memory_space<semaphore_mem>>) src(%arg14 : memref<2048xf32, #tpu.memory_space<vmem>>) dst(%dma_wait3A_1418 : memref<2048xf32, #tpu.memory_space<hbm>>)
      tpu.yield
    }) : () -> ()
    return
  }
}

module attributes {stable_mosaic.version = 14 : i64} {
  func.func @_sort_body(%arg0: memref<512x128xf32, #tpu.memory_space<vmem>>, %arg1: memref<200x16384xi32, #tpu.memory_space<vmem>>, %arg2: memref<512x128xf32, #tpu.memory_space<vmem>>, %arg3: memref<512x128xi32, #tpu.memory_space<vmem>>, %arg4: memref<16384x200xi32, #tpu.memory_space<vmem>>, %arg5: memref<512x128xi32, #tpu.memory_space<vmem>>, %arg6: memref<512x128xi32, #tpu.memory_space<vmem>>) attributes {dimension_semantics = [], scalar_prefetch = 0 : i64, scratch_operands = 2 : i64, tpu.core_type = #tpu.core_type<tc>} {
    %get3A = arith.constant 0 : index
    %get3A_0 = arith.constant 0 : index
    %get3A_1 = vector.load %arg1[%get3A, %get3A_0] : memref<200x16384xi32, #tpu.memory_space<vmem>>, vector<200x1024xi32>
    %transpose3A = tpu.transpose %get3A_1, [1, 0] : vector<200x1024xi32> -> vector<1024x200xi32>
    %swap3A = arith.constant 0 : index
    %swap3A_2 = arith.constant 0 : index
    %swap3A_3 = vector.load %arg4[%swap3A, %swap3A_2] : memref<16384x200xi32, #tpu.memory_space<vmem>>, vector<1024x200xi32>
    tpu.vector_store %arg4[%swap3A, %swap3A_2], %transpose3A {strides = array<i32>} : memref<16384x200xi32, #tpu.memory_space<vmem>>, vector<1024x200xi32>,
    %get3A_4 = arith.constant 0 : index
    %get3A_5 = arith.constant 1024 : index
    %get3A_6 = vector.load %arg1[%get3A_4, %get3A_5] : memref<200x16384xi32, #tpu.memory_space<vmem>>, vector<200x1024xi32>
    %transpose3A_7 = tpu.transpose %get3A_6, [1, 0] : vector<200x1024xi32> -> vector<1024x200xi32>
    %swap3A_8 = arith.constant 1024 : index
    %swap3A_9 = arith.constant 0 : index
    %swap3A_10 = vector.load %arg4[%swap3A_8, %swap3A_9] : memref<16384x200xi32, #tpu.memory_space<vmem>>, vector<1024x200xi32>
    tpu.vector_store %arg4[%swap3A_8, %swap3A_9], %transpose3A_7 {strides = array<i32>} : memref<16384x200xi32, #tpu.memory_space<vmem>>, vector<1024x200xi32>,
    %get3A_11 = arith.constant 0 : index
    %get3A_12 = arith.constant 2048 : index
    %get3A_13 = vector.load %arg1[%get3A_11, %get3A_12] : memref<200x16384xi32, #tpu.memory_space<vmem>>, vector<200x1024xi32>
    %transpose3A_14 = tpu.transpose %get3A_13, [1, 0] : vector<200x1024xi32> -> vector<1024x200xi32>
    %swap3A_15 = arith.constant 2048 : index
    %swap3A_16 = arith.constant 0 : index
    %swap3A_17 = vector.load %arg4[%swap3A_15, %swap3A_16] : memref<16384x200xi32, #tpu.memory_space<vmem>>, vector<1024x200xi32>
    tpu.vector_store %arg4[%swap3A_15, %swap3A_16], %transpose3A_14 {strides = array<i32>} : memref<16384x200xi32, #tpu.memory_space<vmem>>, vector<1024x200xi32>,
    %get3A_18 = arith.constant 0 : index
    %get3A_19 = arith.constant 3072 : index
    %get3A_20 = vector.load %arg1[%get3A_18, %get3A_19] : memref<200x16384xi32, #tpu.memory_space<vmem>>, vector<200x1024xi32>
    %transpose3A_21 = tpu.transpose %get3A_20, [1, 0] : vector<200x1024xi32> -> vector<1024x200xi32>
    %swap3A_22 = arith.constant 3072 : index
    %swap3A_23 = arith.constant 0 : index
    %swap3A_24 = vector.load %arg4[%swap3A_22, %swap3A_23] : memref<16384x200xi32, #tpu.memory_space<vmem>>, vector<1024x200xi32>
    tpu.vector_store %arg4[%swap3A_22, %swap3A_23], %transpose3A_21 {strides = array<i32>} : memref<16384x200xi32, #tpu.memory_space<vmem>>, vector<1024x200xi32>,
    %get3A_25 = arith.constant 0 : index
    %get3A_26 = arith.constant 4096 : index
    %get3A_27 = vector.load %arg1[%get3A_25, %get3A_26] : memref<200x16384xi32, #tpu.memory_space<vmem>>, vector<200x1024xi32>
    %transpose3A_28 = tpu.transpose %get3A_27, [1, 0] : vector<200x1024xi32> -> vector<1024x200xi32>
    %swap3A_29 = arith.constant 4096 : index
    %swap3A_30 = arith.constant 0 : index
    %swap3A_31 = vector.load %arg4[%swap3A_29, %swap3A_30] : memref<16384x200xi32, #tpu.memory_space<vmem>>, vector<1024x200xi32>
    tpu.vector_store %arg4[%swap3A_29, %swap3A_30], %transpose3A_28 {strides = array<i32>} : memref<16384x200xi32, #tpu.memory_space<vmem>>, vector<1024x200xi32>,
    %get3A_32 = arith.constant 0 : index
    %get3A_33 = arith.constant 5120 : index
    %get3A_34 = vector.load %arg1[%get3A_32, %get3A_33] : memref<200x16384xi32, #tpu.memory_space<vmem>>, vector<200x1024xi32>
    %transpose3A_35 = tpu.transpose %get3A_34, [1, 0] : vector<200x1024xi32> -> vector<1024x200xi32>
    %swap3A_36 = arith.constant 5120 : index
    %swap3A_37 = arith.constant 0 : index
    %swap3A_38 = vector.load %arg4[%swap3A_36, %swap3A_37] : memref<16384x200xi32, #tpu.memory_space<vmem>>, vector<1024x200xi32>
    tpu.vector_store %arg4[%swap3A_36, %swap3A_37], %transpose3A_35 {strides = array<i32>} : memref<16384x200xi32, #tpu.memory_space<vmem>>, vector<1024x200xi32>,
    %get3A_39 = arith.constant 0 : index
    %get3A_40 = arith.constant 6144 : index
    %get3A_41 = vector.load %arg1[%get3A_39, %get3A_40] : memref<200x16384xi32, #tpu.memory_space<vmem>>, vector<200x1024xi32>
    %transpose3A_42 = tpu.transpose %get3A_41, [1, 0] : vector<200x1024xi32> -> vector<1024x200xi32>
    %swap3A_43 = arith.constant 6144 : index
    %swap3A_44 = arith.constant 0 : index
    %swap3A_45 = vector.load %arg4[%swap3A_43, %swap3A_44] : memref<16384x200xi32, #tpu.memory_space<vmem>>, vector<1024x200xi32>
    tpu.vector_store %arg4[%swap3A_43, %swap3A_44], %transpose3A_42 {strides = array<i32>} : memref<16384x200xi32, #tpu.memory_space<vmem>>, vector<1024x200xi32>,
    %get3A_46 = arith.constant 0 : index
    %get3A_47 = arith.constant 7168 : index
    %get3A_48 = vector.load %arg1[%get3A_46, %get3A_47] : memref<200x16384xi32, #tpu.memory_space<vmem>>, vector<200x1024xi32>
    %transpose3A_49 = tpu.transpose %get3A_48, [1, 0] : vector<200x1024xi32> -> vector<1024x200xi32>
    %swap3A_50 = arith.constant 7168 : index
    %swap3A_51 = arith.constant 0 : index
    %swap3A_52 = vector.load %arg4[%swap3A_50, %swap3A_51] : memref<16384x200xi32, #tpu.memory_space<vmem>>, vector<1024x200xi32>
    tpu.vector_store %arg4[%swap3A_50, %swap3A_51], %transpose3A_49 {strides = array<i32>} : memref<16384x200xi32, #tpu.memory_space<vmem>>, vector<1024x200xi32>,
    %get3A_53 = arith.constant 0 : index
    %get3A_54 = arith.constant 8192 : index
    %get3A_55 = vector.load %arg1[%get3A_53, %get3A_54] : memref<200x16384xi32, #tpu.memory_space<vmem>>, vector<200x1024xi32>
    %transpose3A_56 = tpu.transpose %get3A_55, [1, 0] : vector<200x1024xi32> -> vector<1024x200xi32>
    %swap3A_57 = arith.constant 8192 : index
    %swap3A_58 = arith.constant 0 : index
    %swap3A_59 = vector.load %arg4[%swap3A_57, %swap3A_58] : memref<16384x200xi32, #tpu.memory_space<vmem>>, vector<1024x200xi32>
    tpu.vector_store %arg4[%swap3A_57, %swap3A_58], %transpose3A_56 {strides = array<i32>} : memref<16384x200xi32, #tpu.memory_space<vmem>>, vector<1024x200xi32>,
    %get3A_60 = arith.constant 0 : index
    %get3A_61 = arith.constant 9216 : index
    %get3A_62 = vector.load %arg1[%get3A_60, %get3A_61] : memref<200x16384xi32, #tpu.memory_space<vmem>>, vector<200x1024xi32>
    %transpose3A_63 = tpu.transpose %get3A_62, [1, 0] : vector<200x1024xi32> -> vector<1024x200xi32>
    %swap3A_64 = arith.constant 9216 : index
    %swap3A_65 = arith.constant 0 : index
    %swap3A_66 = vector.load %arg4[%swap3A_64, %swap3A_65] : memref<16384x200xi32, #tpu.memory_space<vmem>>, vector<1024x200xi32>
    tpu.vector_store %arg4[%swap3A_64, %swap3A_65], %transpose3A_63 {strides = array<i32>} : memref<16384x200xi32, #tpu.memory_space<vmem>>, vector<1024x200xi32>,
    %get3A_67 = arith.constant 0 : index
    %get3A_68 = arith.constant 10240 : index
    %get3A_69 = vector.load %arg1[%get3A_67, %get3A_68] : memref<200x16384xi32, #tpu.memory_space<vmem>>, vector<200x1024xi32>
    %transpose3A_70 = tpu.transpose %get3A_69, [1, 0] : vector<200x1024xi32> -> vector<1024x200xi32>
    %swap3A_71 = arith.constant 10240 : index
    %swap3A_72 = arith.constant 0 : index
    %swap3A_73 = vector.load %arg4[%swap3A_71, %swap3A_72] : memref<16384x200xi32, #tpu.memory_space<vmem>>, vector<1024x200xi32>
    tpu.vector_store %arg4[%swap3A_71, %swap3A_72], %transpose3A_70 {strides = array<i32>} : memref<16384x200xi32, #tpu.memory_space<vmem>>, vector<1024x200xi32>,
    %get3A_74 = arith.constant 0 : index
    %get3A_75 = arith.constant 11264 : index
    %get3A_76 = vector.load %arg1[%get3A_74, %get3A_75] : memref<200x16384xi32, #tpu.memory_space<vmem>>, vector<200x1024xi32>
    %transpose3A_77 = tpu.transpose %get3A_76, [1, 0] : vector<200x1024xi32> -> vector<1024x200xi32>
    %swap3A_78 = arith.constant 11264 : index
    %swap3A_79 = arith.constant 0 : index
    %swap3A_80 = vector.load %arg4[%swap3A_78, %swap3A_79] : memref<16384x200xi32, #tpu.memory_space<vmem>>, vector<1024x200xi32>
    tpu.vector_store %arg4[%swap3A_78, %swap3A_79], %transpose3A_77 {strides = array<i32>} : memref<16384x200xi32, #tpu.memory_space<vmem>>, vector<1024x200xi32>,
    %get3A_81 = arith.constant 0 : index
    %get3A_82 = arith.constant 12288 : index
    %get3A_83 = vector.load %arg1[%get3A_81, %get3A_82] : memref<200x16384xi32, #tpu.memory_space<vmem>>, vector<200x1024xi32>
    %transpose3A_84 = tpu.transpose %get3A_83, [1, 0] : vector<200x1024xi32> -> vector<1024x200xi32>
    %swap3A_85 = arith.constant 12288 : index
    %swap3A_86 = arith.constant 0 : index
    %swap3A_87 = vector.load %arg4[%swap3A_85, %swap3A_86] : memref<16384x200xi32, #tpu.memory_space<vmem>>, vector<1024x200xi32>
    tpu.vector_store %arg4[%swap3A_85, %swap3A_86], %transpose3A_84 {strides = array<i32>} : memref<16384x200xi32, #tpu.memory_space<vmem>>, vector<1024x200xi32>,
    %get3A_88 = arith.constant 0 : index
    %get3A_89 = arith.constant 13312 : index
    %get3A_90 = vector.load %arg1[%get3A_88, %get3A_89] : memref<200x16384xi32, #tpu.memory_space<vmem>>, vector<200x1024xi32>
    %transpose3A_91 = tpu.transpose %get3A_90, [1, 0] : vector<200x1024xi32> -> vector<1024x200xi32>
    %swap3A_92 = arith.constant 13312 : index
    %swap3A_93 = arith.constant 0 : index
    %swap3A_94 = vector.load %arg4[%swap3A_92, %swap3A_93] : memref<16384x200xi32, #tpu.memory_space<vmem>>, vector<1024x200xi32>
    tpu.vector_store %arg4[%swap3A_92, %swap3A_93], %transpose3A_91 {strides = array<i32>} : memref<16384x200xi32, #tpu.memory_space<vmem>>, vector<1024x200xi32>,
    %get3A_95 = arith.constant 0 : index
    %get3A_96 = arith.constant 14336 : index
    %get3A_97 = vector.load %arg1[%get3A_95, %get3A_96] : memref<200x16384xi32, #tpu.memory_space<vmem>>, vector<200x1024xi32>
    %transpose3A_98 = tpu.transpose %get3A_97, [1, 0] : vector<200x1024xi32> -> vector<1024x200xi32>
    %swap3A_99 = arith.constant 14336 : index
    %swap3A_100 = arith.constant 0 : index
    %swap3A_101 = vector.load %arg4[%swap3A_99, %swap3A_100] : memref<16384x200xi32, #tpu.memory_space<vmem>>, vector<1024x200xi32>
    tpu.vector_store %arg4[%swap3A_99, %swap3A_100], %transpose3A_98 {strides = array<i32>} : memref<16384x200xi32, #tpu.memory_space<vmem>>, vector<1024x200xi32>,
    %get3A_102 = arith.constant 0 : index
    %get3A_103 = arith.constant 15360 : index
    %get3A_104 = vector.load %arg1[%get3A_102, %get3A_103] : memref<200x16384xi32, #tpu.memory_space<vmem>>, vector<200x1024xi32>
    %transpose3A_105 = tpu.transpose %get3A_104, [1, 0] : vector<200x1024xi32> -> vector<1024x200xi32>
    %swap3A_106 = arith.constant 15360 : index
    %swap3A_107 = arith.constant 0 : index
    %swap3A_108 = vector.load %arg4[%swap3A_106, %swap3A_107] : memref<16384x200xi32, #tpu.memory_space<vmem>>, vector<1024x200xi32>
    tpu.vector_store %arg4[%swap3A_106, %swap3A_107], %transpose3A_105 {strides = array<i32>} : memref<16384x200xi32, #tpu.memory_space<vmem>>, vector<1024x200xi32>,
    %iota3A = tpu.iota {dimensions = array<i32: 0>} : vector<512x128xi32>
    %iota3A_109 = tpu.iota {dimensions = array<i32: 1>} : vector<512x128xi32>
    %mul3A = arith.constant 128 : i32
    %mul3A_110 = vector.broadcast %mul3A : i32 to vector<512x128xi32>
    %mul3A_111 = arith.muli %iota3A, %mul3A_110 : vector<512x128xi32>
    %add3A = arith.addi %mul3A_111, %iota3A_109 : vector<512x128xi32>
    %get3A_112 = arith.constant 0 : index
    %get3A_113 = arith.constant 0 : index
    %get3A_114 = vector.load %arg0[%get3A_112, %get3A_113] : memref<512x128xf32, #tpu.memory_space<vmem>>, vector<512x128xf32>
    %bitcast_convert_type3A = tpu.bitcast %get3A_114 : vector<512x128xf32> -> vector<512x128xi32>
    %shift_right_arithmetic3A = arith.constant 31 : i32
    %shift_right_arithmetic3A_115 = vector.broadcast %shift_right_arithmetic3A : i32 to vector<512x128xi32>
    %shift_right_arithmetic3A_116 = arith.shrsi %bitcast_convert_type3A, %shift_right_arithmetic3A_115 : vector<512x128xi32>
    %and3A = arith.constant 2147483647 : i32
    %and3A_117 = vector.broadcast %and3A : i32 to vector<512x128xi32>
    %and3A_118 = arith.andi %shift_right_arithmetic3A_116, %and3A_117 : vector<512x128xi32>
    %xor3A = arith.xori %bitcast_convert_type3A, %and3A_118 : vector<512x128xi32>
    %swap3A_119 = arith.constant 0 : index
    %swap3A_120 = arith.constant 0 : index
    %swap3A_121 = vector.load %arg5[%swap3A_119, %swap3A_120] : memref<512x128xi32, #tpu.memory_space<vmem>>, vector<512x128xi32>
    tpu.vector_store %arg5[%swap3A_119, %swap3A_120], %xor3A {strides = array<i32>} : memref<512x128xi32, #tpu.memory_space<vmem>>, vector<512x128xi32>,
    %and3A_122 = arith.constant 16383 : i32
    %and3A_123 = vector.broadcast %and3A_122 : i32 to vector<512x128xi32>
    %and3A_124 = arith.andi %add3A, %and3A_123 : vector<512x128xi32>
    %shift_left3A = arith.constant 2 : i32
    %shift_left3A_125 = vector.broadcast %shift_left3A : i32 to vector<512x128xi32>
    %shift_left3A_126 = arith.shli %and3A_124, %shift_left3A_125 : vector<512x128xi32>
    %shift_right_arithmetic3A_127 = arith.constant 14 : i32
    %shift_right_arithmetic3A_128 = vector.broadcast %shift_right_arithmetic3A_127 : i32 to vector<512x128xi32>
    %shift_right_arithmetic3A_129 = arith.shrsi %add3A, %shift_right_arithmetic3A_128 : vector<512x128xi32>
    %or3A = arith.ori %shift_left3A_126, %shift_right_arithmetic3A_129 : vector<512x128xi32>
    %swap3A_130 = arith.constant 0 : index
    %swap3A_131 = arith.constant 0 : index
    %swap3A_132 = vector.load %arg6[%swap3A_130, %swap3A_131] : memref<512x128xi32, #tpu.memory_space<vmem>>, vector<512x128xi32>
    tpu.vector_store %arg6[%swap3A_130, %swap3A_131], %or3A {strides = array<i32>} : memref<512x128xi32, #tpu.memory_space<vmem>>, vector<512x128xi32>,
    %scan3A = arith.constant 1 : i32
    %scan3A_133 = arith.constant 16 : i32
    %scan3A_134 = arith.addi %scan3A, %scan3A_133 : i32
    %scan3A_135 = arith.constant 1 : i32
    scf.for %scan3A_157 = %scan3A to %scan3A_134 step %scan3A_135  : i32 {
      %gt3A = arith.constant 15 : i32
      %gt3A_158 = arith.cmpi sgt, %scan3A_157, %gt3A : i32
      %convert_element_type3A = arith.extui %gt3A_158 : i1 to i32
      %cond3A = arith.constant 0 : i32
      %cond3A_159 = arith.cmpi ne, %convert_element_type3A, %cond3A : i32
      scf.if %cond3A_159 {
        %get3A_235 = arith.constant 0 : index
        %get3A_236 = arith.constant 0 : index
        %get3A_237 = vector.load %arg5[%get3A_235, %get3A_236] : memref<512x128xi32, #tpu.memory_space<vmem>>, vector<512x128xi32>
        %get3A_238 = arith.constant 0 : index
        %get3A_239 = arith.constant 0 : index
        %get3A_240 = vector.load %arg6[%get3A_238, %get3A_239] : memref<512x128xi32, #tpu.memory_space<vmem>>, vector<512x128xi32>
        %and3A_241 = arith.constant 256 : i32
        %and3A_242 = vector.broadcast %and3A_241 : i32 to vector<512x128xi32>
        %and3A_243 = arith.andi %iota3A, %and3A_242 : vector<512x128xi32>
        %ne3A = arith.constant 0 : i32
        %ne3A_244 = vector.broadcast %ne3A : i32 to vector<512x128xi32>
        %ne3A_245 = arith.cmpi ne, %and3A_243, %ne3A_244 : vector<512x128xi32>
        %roll3A = arith.constant 256 : i32
        %roll3A_246 = tpu.dynamic_rotate %get3A_237 by %roll3A dim 0 : vector<512x128xi32>, i32 -> vector<512x128xi32>
        %roll3A_247 = arith.constant 256 : i32
        %roll3A_248 = tpu.dynamic_rotate %get3A_237 by %roll3A_247 dim 0 : vector<512x128xi32>, i32 -> vector<512x128xi32>
        %select_n3A = arith.select %ne3A_245, %roll3A_246, %roll3A_248 : vector<512x128xi1>, vector<512x128xi32>
        %roll3A_249 = arith.constant 256 : i32
        %roll3A_250 = tpu.dynamic_rotate %get3A_240 by %roll3A_249 dim 0 : vector<512x128xi32>, i32 -> vector<512x128xi32>
        %roll3A_251 = arith.constant 256 : i32
        %roll3A_252 = tpu.dynamic_rotate %get3A_240 by %roll3A_251 dim 0 : vector<512x128xi32>, i32 -> vector<512x128xi32>
        %select_n3A_253 = arith.select %ne3A_245, %roll3A_250, %roll3A_252 : vector<512x128xi1>, vector<512x128xi32>
        %gt3A_254 = arith.cmpi sgt, %get3A_237, %select_n3A : vector<512x128xi32>
        %eq3A = arith.cmpi eq, %get3A_237, %select_n3A : vector<512x128xi32>
        %lt3A = arith.cmpi slt, %get3A_240, %select_n3A_253 : vector<512x128xi32>
        %and3A_255 = arith.andi %eq3A, %lt3A : vector<512x128xi1>
        %or3A_256 = arith.ori %gt3A_254, %and3A_255 : vector<512x128xi1>
        %shift_right_arithmetic3A_257 = vector.broadcast %scan3A_157 : i32 to vector<512x128xi32>
        %shift_right_arithmetic3A_258 = arith.shrsi %add3A, %shift_right_arithmetic3A_257 : vector<512x128xi32>
        %and3A_259 = arith.constant 1 : i32
        %and3A_260 = vector.broadcast %and3A_259 : i32 to vector<512x128xi32>
        %and3A_261 = arith.andi %shift_right_arithmetic3A_258, %and3A_260 : vector<512x128xi32>
        %ne3A_262 = arith.constant 0 : i32
        %ne3A_263 = vector.broadcast %ne3A_262 : i32 to vector<512x128xi32>
        %ne3A_264 = arith.cmpi ne, %and3A_261, %ne3A_263 : vector<512x128xi32>
        %xor3A_265 = arith.xori %or3A_256, %ne3A_264 : vector<512x128xi1>
        %xor3A_266 = arith.xori %xor3A_265, %ne3A_245 : vector<512x128xi1>
        %select_n3A_267 = arith.select %xor3A_266, %get3A_237, %select_n3A : vector<512x128xi1>, vector<512x128xi32>
        %swap3A_268 = arith.constant 0 : index
        %swap3A_269 = arith.constant 0 : index
        %swap3A_270 = vector.load %arg5[%swap3A_268, %swap3A_269] : memref<512x128xi32, #tpu.memory_space<vmem>>, vector<512x128xi32>
        tpu.vector_store %arg5[%swap3A_268, %swap3A_269], %select_n3A_267 {strides = array<i32>} : memref<512x128xi32, #tpu.memory_space<vmem>>, vector<512x128xi32>,
        %select_n3A_271 = arith.select %xor3A_266, %get3A_240, %select_n3A_253 : vector<512x128xi1>, vector<512x128xi32>
        %swap3A_272 = arith.constant 0 : index
        %swap3A_273 = arith.constant 0 : index
        %swap3A_274 = vector.load %arg6[%swap3A_272, %swap3A_273] : memref<512x128xi32, #tpu.memory_space<vmem>>, vector<512x128xi32>
        tpu.vector_store %arg6[%swap3A_272, %swap3A_273], %select_n3A_271 {strides = array<i32>} : memref<512x128xi32, #tpu.memory_space<vmem>>, vector<512x128xi32>,
      } else {
      }
      %gt3A_160 = arith.constant 14 : i32
      %gt3A_161 = arith.cmpi sgt, %scan3A_157, %gt3A_160 : i32
      %convert_element_type3A_162 = arith.extui %gt3A_161 : i1 to i32
      %cond3A_163 = arith.constant 0 : i32
      %cond3A_164 = arith.cmpi ne, %convert_element_type3A_162, %cond3A_163 : i32
      scf.if %cond3A_164 {
        %get3A_235 = arith.constant 0 : index
        %get3A_236 = arith.constant 0 : index
        %get3A_237 = vector.load %arg5[%get3A_235, %get3A_236] : memref<512x128xi32, #tpu.memory_space<vmem>>, vector<512x128xi32>
        %get3A_238 = arith.constant 0 : index
        %get3A_239 = arith.constant 0 : index
        %get3A_240 = vector.load %arg6[%get3A_238, %get3A_239] : memref<512x128xi32, #tpu.memory_space<vmem>>, vector<512x128xi32>
        %and3A_241 = arith.constant 128 : i32
        %and3A_242 = vector.broadcast %and3A_241 : i32 to vector<512x128xi32>
        %and3A_243 = arith.andi %iota3A, %and3A_242 : vector<512x128xi32>
        %ne3A = arith.constant 0 : i32
        %ne3A_244 = vector.broadcast %ne3A : i32 to vector<512x128xi32>
        %ne3A_245 = arith.cmpi ne, %and3A_243, %ne3A_244 : vector<512x128xi32>
        %roll3A = arith.constant 128 : i32
        %roll3A_246 = tpu.dynamic_rotate %get3A_237 by %roll3A dim 0 : vector<512x128xi32>, i32 -> vector<512x128xi32>
        %roll3A_247 = arith.constant 384 : i32
        %roll3A_248 = tpu.dynamic_rotate %get3A_237 by %roll3A_247 dim 0 : vector<512x128xi32>, i32 -> vector<512x128xi32>
        %select_n3A = arith.select %ne3A_245, %roll3A_246, %roll3A_248 : vector<512x128xi1>, vector<512x128xi32>
        %roll3A_249 = arith.constant 128 : i32
        %roll3A_250 = tpu.dynamic_rotate %get3A_240 by %roll3A_249 dim 0 : vector<512x128xi32>, i32 -> vector<512x128xi32>
        %roll3A_251 = arith.constant 384 : i32
        %roll3A_252 = tpu.dynamic_rotate %get3A_240 by %roll3A_251 dim 0 : vector<512x128xi32>, i32 -> vector<512x128xi32>
        %select_n3A_253 = arith.select %ne3A_245, %roll3A_250, %roll3A_252 : vector<512x128xi1>, vector<512x128xi32>
        %gt3A_254 = arith.cmpi sgt, %get3A_237, %select_n3A : vector<512x128xi32>
        %eq3A = arith.cmpi eq, %get3A_237, %select_n3A : vector<512x128xi32>
        %lt3A = arith.cmpi slt, %get3A_240, %select_n3A_253 : vector<512x128xi32>
        %and3A_255 = arith.andi %eq3A, %lt3A : vector<512x128xi1>
        %or3A_256 = arith.ori %gt3A_254, %and3A_255 : vector<512x128xi1>
        %shift_right_arithmetic3A_257 = vector.broadcast %scan3A_157 : i32 to vector<512x128xi32>
        %shift_right_arithmetic3A_258 = arith.shrsi %add3A, %shift_right_arithmetic3A_257 : vector<512x128xi32>
        %and3A_259 = arith.constant 1 : i32
        %and3A_260 = vector.broadcast %and3A_259 : i32 to vector<512x128xi32>
        %and3A_261 = arith.andi %shift_right_arithmetic3A_258, %and3A_260 : vector<512x128xi32>
        %ne3A_262 = arith.constant 0 : i32
        %ne3A_263 = vector.broadcast %ne3A_262 : i32 to vector<512x128xi32>
        %ne3A_264 = arith.cmpi ne, %and3A_261, %ne3A_263 : vector<512x128xi32>
        %xor3A_265 = arith.xori %or3A_256, %ne3A_264 : vector<512x128xi1>
        %xor3A_266 = arith.xori %xor3A_265, %ne3A_245 : vector<512x128xi1>
        %select_n3A_267 = arith.select %xor3A_266, %get3A_237, %select_n3A : vector<512x128xi1>, vector<512x128xi32>
        %swap3A_268 = arith.constant 0 : index
        %swap3A_269 = arith.constant 0 : index
        %swap3A_270 = vector.load %arg5[%swap3A_268, %swap3A_269] : memref<512x128xi32, #tpu.memory_space<vmem>>, vector<512x128xi32>
        tpu.vector_store %arg5[%swap3A_268, %swap3A_269], %select_n3A_267 {strides = array<i32>} : memref<512x128xi32, #tpu.memory_space<vmem>>, vector<512x128xi32>,
        %select_n3A_271 = arith.select %xor3A_266, %get3A_240, %select_n3A_253 : vector<512x128xi1>, vector<512x128xi32>
        %swap3A_272 = arith.constant 0 : index
        %swap3A_273 = arith.constant 0 : index
        %swap3A_274 = vector.load %arg6[%swap3A_272, %swap3A_273] : memref<512x128xi32, #tpu.memory_space<vmem>>, vector<512x128xi32>
        tpu.vector_store %arg6[%swap3A_272, %swap3A_273], %select_n3A_271 {strides = array<i32>} : memref<512x128xi32, #tpu.memory_space<vmem>>, vector<512x128xi32>,
      } else {
      }
      %gt3A_165 = arith.constant 13 : i32
      %gt3A_166 = arith.cmpi sgt, %scan3A_157, %gt3A_165 : i32
      %convert_element_type3A_167 = arith.extui %gt3A_166 : i1 to i32
      %cond3A_168 = arith.constant 0 : i32
      %cond3A_169 = arith.cmpi ne, %convert_element_type3A_167, %cond3A_168 : i32
      scf.if %cond3A_169 {
        %get3A_235 = arith.constant 0 : index
        %get3A_236 = arith.constant 0 : index
        %get3A_237 = vector.load %arg5[%get3A_235, %get3A_236] : memref<512x128xi32, #tpu.memory_space<vmem>>, vector<512x128xi32>
        %get3A_238 = arith.constant 0 : index
        %get3A_239 = arith.constant 0 : index
        %get3A_240 = vector.load %arg6[%get3A_238, %get3A_239] : memref<512x128xi32, #tpu.memory_space<vmem>>, vector<512x128xi32>
        %and3A_241 = arith.constant 64 : i32
        %and3A_242 = vector.broadcast %and3A_241 : i32 to vector<512x128xi32>
        %and3A_243 = arith.andi %iota3A, %and3A_242 : vector<512x128xi32>
        %ne3A = arith.constant 0 : i32
        %ne3A_244 = vector.broadcast %ne3A : i32 to vector<512x128xi32>
        %ne3A_245 = arith.cmpi ne, %and3A_243, %ne3A_244 : vector<512x128xi32>
        %roll3A = arith.constant 64 : i32
        %roll3A_246 = tpu.dynamic_rotate %get3A_237 by %roll3A dim 0 : vector<512x128xi32>, i32 -> vector<512x128xi32>
        %roll3A_247 = arith.constant 448 : i32
        %roll3A_248 = tpu.dynamic_rotate %get3A_237 by %roll3A_247 dim 0 : vector<512x128xi32>, i32 -> vector<512x128xi32>
        %select_n3A = arith.select %ne3A_245, %roll3A_246, %roll3A_248 : vector<512x128xi1>, vector<512x128xi32>
        %roll3A_249 = arith.constant 64 : i32
        %roll3A_250 = tpu.dynamic_rotate %get3A_240 by %roll3A_249 dim 0 : vector<512x128xi32>, i32 -> vector<512x128xi32>
        %roll3A_251 = arith.constant 448 : i32
        %roll3A_252 = tpu.dynamic_rotate %get3A_240 by %roll3A_251 dim 0 : vector<512x128xi32>, i32 -> vector<512x128xi32>
        %select_n3A_253 = arith.select %ne3A_245, %roll3A_250, %roll3A_252 : vector<512x128xi1>, vector<512x128xi32>
        %gt3A_254 = arith.cmpi sgt, %get3A_237, %select_n3A : vector<512x128xi32>
        %eq3A = arith.cmpi eq, %get3A_237, %select_n3A : vector<512x128xi32>
        %lt3A = arith.cmpi slt, %get3A_240, %select_n3A_253 : vector<512x128xi32>
        %and3A_255 = arith.andi %eq3A, %lt3A : vector<512x128xi1>
        %or3A_256 = arith.ori %gt3A_254, %and3A_255 : vector<512x128xi1>
        %shift_right_arithmetic3A_257 = vector.broadcast %scan3A_157 : i32 to vector<512x128xi32>
        %shift_right_arithmetic3A_258 = arith.shrsi %add3A, %shift_right_arithmetic3A_257 : vector<512x128xi32>
        %and3A_259 = arith.constant 1 : i32
        %and3A_260 = vector.broadcast %and3A_259 : i32 to vector<512x128xi32>
        %and3A_261 = arith.andi %shift_right_arithmetic3A_258, %and3A_260 : vector<512x128xi32>
        %ne3A_262 = arith.constant 0 : i32
        %ne3A_263 = vector.broadcast %ne3A_262 : i32 to vector<512x128xi32>
        %ne3A_264 = arith.cmpi ne, %and3A_261, %ne3A_263 : vector<512x128xi32>
        %xor3A_265 = arith.xori %or3A_256, %ne3A_264 : vector<512x128xi1>
        %xor3A_266 = arith.xori %xor3A_265, %ne3A_245 : vector<512x128xi1>
        %select_n3A_267 = arith.select %xor3A_266, %get3A_237, %select_n3A : vector<512x128xi1>, vector<512x128xi32>
        %swap3A_268 = arith.constant 0 : index
        %swap3A_269 = arith.constant 0 : index
        %swap3A_270 = vector.load %arg5[%swap3A_268, %swap3A_269] : memref<512x128xi32, #tpu.memory_space<vmem>>, vector<512x128xi32>
        tpu.vector_store %arg5[%swap3A_268, %swap3A_269], %select_n3A_267 {strides = array<i32>} : memref<512x128xi32, #tpu.memory_space<vmem>>, vector<512x128xi32>,
        %select_n3A_271 = arith.select %xor3A_266, %get3A_240, %select_n3A_253 : vector<512x128xi1>, vector<512x128xi32>
        %swap3A_272 = arith.constant 0 : index
        %swap3A_273 = arith.constant 0 : index
        %swap3A_274 = vector.load %arg6[%swap3A_272, %swap3A_273] : memref<512x128xi32, #tpu.memory_space<vmem>>, vector<512x128xi32>
        tpu.vector_store %arg6[%swap3A_272, %swap3A_273], %select_n3A_271 {strides = array<i32>} : memref<512x128xi32, #tpu.memory_space<vmem>>, vector<512x128xi32>,
      } else {
      }
      %gt3A_170 = arith.constant 12 : i32
      %gt3A_171 = arith.cmpi sgt, %scan3A_157, %gt3A_170 : i32
      %convert_element_type3A_172 = arith.extui %gt3A_171 : i1 to i32
      %cond3A_173 = arith.constant 0 : i32
      %cond3A_174 = arith.cmpi ne, %convert_element_type3A_172, %cond3A_173 : i32
      scf.if %cond3A_174 {
        %get3A_235 = arith.constant 0 : index
        %get3A_236 = arith.constant 0 : index
        %get3A_237 = vector.load %arg5[%get3A_235, %get3A_236] : memref<512x128xi32, #tpu.memory_space<vmem>>, vector<512x128xi32>
        %get3A_238 = arith.constant 0 : index
        %get3A_239 = arith.constant 0 : index
        %get3A_240 = vector.load %arg6[%get3A_238, %get3A_239] : memref<512x128xi32, #tpu.memory_space<vmem>>, vector<512x128xi32>
        %and3A_241 = arith.constant 32 : i32
        %and3A_242 = vector.broadcast %and3A_241 : i32 to vector<512x128xi32>
        %and3A_243 = arith.andi %iota3A, %and3A_242 : vector<512x128xi32>
        %ne3A = arith.constant 0 : i32
        %ne3A_244 = vector.broadcast %ne3A : i32 to vector<512x128xi32>
        %ne3A_245 = arith.cmpi ne, %and3A_243, %ne3A_244 : vector<512x128xi32>
        %roll3A = arith.constant 32 : i32
        %roll3A_246 = tpu.dynamic_rotate %get3A_237 by %roll3A dim 0 : vector<512x128xi32>, i32 -> vector<512x128xi32>
        %roll3A_247 = arith.constant 480 : i32
        %roll3A_248 = tpu.dynamic_rotate %get3A_237 by %roll3A_247 dim 0 : vector<512x128xi32>, i32 -> vector<512x128xi32>
        %select_n3A = arith.select %ne3A_245, %roll3A_246, %roll3A_248 : vector<512x128xi1>, vector<512x128xi32>
        %roll3A_249 = arith.constant 32 : i32
        %roll3A_250 = tpu.dynamic_rotate %get3A_240 by %roll3A_249 dim 0 : vector<512x128xi32>, i32 -> vector<512x128xi32>
        %roll3A_251 = arith.constant 480 : i32
        %roll3A_252 = tpu.dynamic_rotate %get3A_240 by %roll3A_251 dim 0 : vector<512x128xi32>, i32 -> vector<512x128xi32>
        %select_n3A_253 = arith.select %ne3A_245, %roll3A_250, %roll3A_252 : vector<512x128xi1>, vector<512x128xi32>
        %gt3A_254 = arith.cmpi sgt, %get3A_237, %select_n3A : vector<512x128xi32>
        %eq3A = arith.cmpi eq, %get3A_237, %select_n3A : vector<512x128xi32>
        %lt3A = arith.cmpi slt, %get3A_240, %select_n3A_253 : vector<512x128xi32>
        %and3A_255 = arith.andi %eq3A, %lt3A : vector<512x128xi1>
        %or3A_256 = arith.ori %gt3A_254, %and3A_255 : vector<512x128xi1>
        %shift_right_arithmetic3A_257 = vector.broadcast %scan3A_157 : i32 to vector<512x128xi32>
        %shift_right_arithmetic3A_258 = arith.shrsi %add3A, %shift_right_arithmetic3A_257 : vector<512x128xi32>
        %and3A_259 = arith.constant 1 : i32
        %and3A_260 = vector.broadcast %and3A_259 : i32 to vector<512x128xi32>
        %and3A_261 = arith.andi %shift_right_arithmetic3A_258, %and3A_260 : vector<512x128xi32>
        %ne3A_262 = arith.constant 0 : i32
        %ne3A_263 = vector.broadcast %ne3A_262 : i32 to vector<512x128xi32>
        %ne3A_264 = arith.cmpi ne, %and3A_261, %ne3A_263 : vector<512x128xi32>
        %xor3A_265 = arith.xori %or3A_256, %ne3A_264 : vector<512x128xi1>
        %xor3A_266 = arith.xori %xor3A_265, %ne3A_245 : vector<512x128xi1>
        %select_n3A_267 = arith.select %xor3A_266, %get3A_237, %select_n3A : vector<512x128xi1>, vector<512x128xi32>
        %swap3A_268 = arith.constant 0 : index
        %swap3A_269 = arith.constant 0 : index
        %swap3A_270 = vector.load %arg5[%swap3A_268, %swap3A_269] : memref<512x128xi32, #tpu.memory_space<vmem>>, vector<512x128xi32>
        tpu.vector_store %arg5[%swap3A_268, %swap3A_269], %select_n3A_267 {strides = array<i32>} : memref<512x128xi32, #tpu.memory_space<vmem>>, vector<512x128xi32>,
        %select_n3A_271 = arith.select %xor3A_266, %get3A_240, %select_n3A_253 : vector<512x128xi1>, vector<512x128xi32>
        %swap3A_272 = arith.constant 0 : index
        %swap3A_273 = arith.constant 0 : index
        %swap3A_274 = vector.load %arg6[%swap3A_272, %swap3A_273] : memref<512x128xi32, #tpu.memory_space<vmem>>, vector<512x128xi32>
        tpu.vector_store %arg6[%swap3A_272, %swap3A_273], %select_n3A_271 {strides = array<i32>} : memref<512x128xi32, #tpu.memory_space<vmem>>, vector<512x128xi32>,
      } else {
      }
      %gt3A_175 = arith.constant 11 : i32
      %gt3A_176 = arith.cmpi sgt, %scan3A_157, %gt3A_175 : i32
      %convert_element_type3A_177 = arith.extui %gt3A_176 : i1 to i32
      %cond3A_178 = arith.constant 0 : i32
      %cond3A_179 = arith.cmpi ne, %convert_element_type3A_177, %cond3A_178 : i32
      scf.if %cond3A_179 {
        %get3A_235 = arith.constant 0 : index
        %get3A_236 = arith.constant 0 : index
        %get3A_237 = vector.load %arg5[%get3A_235, %get3A_236] : memref<512x128xi32, #tpu.memory_space<vmem>>, vector<512x128xi32>
        %get3A_238 = arith.constant 0 : index
        %get3A_239 = arith.constant 0 : index
        %get3A_240 = vector.load %arg6[%get3A_238, %get3A_239] : memref<512x128xi32, #tpu.memory_space<vmem>>, vector<512x128xi32>
        %and3A_241 = arith.constant 16 : i32
        %and3A_242 = vector.broadcast %and3A_241 : i32 to vector<512x128xi32>
        %and3A_243 = arith.andi %iota3A, %and3A_242 : vector<512x128xi32>
        %ne3A = arith.constant 0 : i32
        %ne3A_244 = vector.broadcast %ne3A : i32 to vector<512x128xi32>
        %ne3A_245 = arith.cmpi ne, %and3A_243, %ne3A_244 : vector<512x128xi32>
        %roll3A = arith.constant 16 : i32
        %roll3A_246 = tpu.dynamic_rotate %get3A_237 by %roll3A dim 0 : vector<512x128xi32>, i32 -> vector<512x128xi32>
        %roll3A_247 = arith.constant 496 : i32
        %roll3A_248 = tpu.dynamic_rotate %get3A_237 by %roll3A_247 dim 0 : vector<512x128xi32>, i32 -> vector<512x128xi32>
        %select_n3A = arith.select %ne3A_245, %roll3A_246, %roll3A_248 : vector<512x128xi1>, vector<512x128xi32>
        %roll3A_249 = arith.constant 16 : i32
        %roll3A_250 = tpu.dynamic_rotate %get3A_240 by %roll3A_249 dim 0 : vector<512x128xi32>, i32 -> vector<512x128xi32>
        %roll3A_251 = arith.constant 496 : i32
        %roll3A_252 = tpu.dynamic_rotate %get3A_240 by %roll3A_251 dim 0 : vector<512x128xi32>, i32 -> vector<512x128xi32>
        %select_n3A_253 = arith.select %ne3A_245, %roll3A_250, %roll3A_252 : vector<512x128xi1>, vector<512x128xi32>
        %gt3A_254 = arith.cmpi sgt, %get3A_237, %select_n3A : vector<512x128xi32>
        %eq3A = arith.cmpi eq, %get3A_237, %select_n3A : vector<512x128xi32>
        %lt3A = arith.cmpi slt, %get3A_240, %select_n3A_253 : vector<512x128xi32>
        %and3A_255 = arith.andi %eq3A, %lt3A : vector<512x128xi1>
        %or3A_256 = arith.ori %gt3A_254, %and3A_255 : vector<512x128xi1>
        %shift_right_arithmetic3A_257 = vector.broadcast %scan3A_157 : i32 to vector<512x128xi32>
        %shift_right_arithmetic3A_258 = arith.shrsi %add3A, %shift_right_arithmetic3A_257 : vector<512x128xi32>
        %and3A_259 = arith.constant 1 : i32
        %and3A_260 = vector.broadcast %and3A_259 : i32 to vector<512x128xi32>
        %and3A_261 = arith.andi %shift_right_arithmetic3A_258, %and3A_260 : vector<512x128xi32>
        %ne3A_262 = arith.constant 0 : i32
        %ne3A_263 = vector.broadcast %ne3A_262 : i32 to vector<512x128xi32>
        %ne3A_264 = arith.cmpi ne, %and3A_261, %ne3A_263 : vector<512x128xi32>
        %xor3A_265 = arith.xori %or3A_256, %ne3A_264 : vector<512x128xi1>
        %xor3A_266 = arith.xori %xor3A_265, %ne3A_245 : vector<512x128xi1>
        %select_n3A_267 = arith.select %xor3A_266, %get3A_237, %select_n3A : vector<512x128xi1>, vector<512x128xi32>
        %swap3A_268 = arith.constant 0 : index
        %swap3A_269 = arith.constant 0 : index
        %swap3A_270 = vector.load %arg5[%swap3A_268, %swap3A_269] : memref<512x128xi32, #tpu.memory_space<vmem>>, vector<512x128xi32>
        tpu.vector_store %arg5[%swap3A_268, %swap3A_269], %select_n3A_267 {strides = array<i32>} : memref<512x128xi32, #tpu.memory_space<vmem>>, vector<512x128xi32>,
        %select_n3A_271 = arith.select %xor3A_266, %get3A_240, %select_n3A_253 : vector<512x128xi1>, vector<512x128xi32>
        %swap3A_272 = arith.constant 0 : index
        %swap3A_273 = arith.constant 0 : index
        %swap3A_274 = vector.load %arg6[%swap3A_272, %swap3A_273] : memref<512x128xi32, #tpu.memory_space<vmem>>, vector<512x128xi32>
        tpu.vector_store %arg6[%swap3A_272, %swap3A_273], %select_n3A_271 {strides = array<i32>} : memref<512x128xi32, #tpu.memory_space<vmem>>, vector<512x128xi32>,
      } else {
      }
      %gt3A_180 = arith.constant 10 : i32
      %gt3A_181 = arith.cmpi sgt, %scan3A_157, %gt3A_180 : i32
      %convert_element_type3A_182 = arith.extui %gt3A_181 : i1 to i32
      %cond3A_183 = arith.constant 0 : i32
      %cond3A_184 = arith.cmpi ne, %convert_element_type3A_182, %cond3A_183 : i32
      scf.if %cond3A_184 {
        %get3A_235 = arith.constant 0 : index
        %get3A_236 = arith.constant 0 : index
        %get3A_237 = vector.load %arg5[%get3A_235, %get3A_236] : memref<512x128xi32, #tpu.memory_space<vmem>>, vector<512x128xi32>
        %get3A_238 = arith.constant 0 : index
        %get3A_239 = arith.constant 0 : index
        %get3A_240 = vector.load %arg6[%get3A_238, %get3A_239] : memref<512x128xi32, #tpu.memory_space<vmem>>, vector<512x128xi32>
        %and3A_241 = arith.constant 8 : i32
        %and3A_242 = vector.broadcast %and3A_241 : i32 to vector<512x128xi32>
        %and3A_243 = arith.andi %iota3A, %and3A_242 : vector<512x128xi32>
        %ne3A = arith.constant 0 : i32
        %ne3A_244 = vector.broadcast %ne3A : i32 to vector<512x128xi32>
        %ne3A_245 = arith.cmpi ne, %and3A_243, %ne3A_244 : vector<512x128xi32>
        %roll3A = arith.constant 8 : i32
        %roll3A_246 = tpu.dynamic_rotate %get3A_237 by %roll3A dim 0 : vector<512x128xi32>, i32 -> vector<512x128xi32>
        %roll3A_247 = arith.constant 504 : i32
        %roll3A_248 = tpu.dynamic_rotate %get3A_237 by %roll3A_247 dim 0 : vector<512x128xi32>, i32 -> vector<512x128xi32>
        %select_n3A = arith.select %ne3A_245, %roll3A_246, %roll3A_248 : vector<512x128xi1>, vector<512x128xi32>
        %roll3A_249 = arith.constant 8 : i32
        %roll3A_250 = tpu.dynamic_rotate %get3A_240 by %roll3A_249 dim 0 : vector<512x128xi32>, i32 -> vector<512x128xi32>
        %roll3A_251 = arith.constant 504 : i32
        %roll3A_252 = tpu.dynamic_rotate %get3A_240 by %roll3A_251 dim 0 : vector<512x128xi32>, i32 -> vector<512x128xi32>
        %select_n3A_253 = arith.select %ne3A_245, %roll3A_250, %roll3A_252 : vector<512x128xi1>, vector<512x128xi32>
        %gt3A_254 = arith.cmpi sgt, %get3A_237, %select_n3A : vector<512x128xi32>
        %eq3A = arith.cmpi eq, %get3A_237, %select_n3A : vector<512x128xi32>
        %lt3A = arith.cmpi slt, %get3A_240, %select_n3A_253 : vector<512x128xi32>
        %and3A_255 = arith.andi %eq3A, %lt3A : vector<512x128xi1>
        %or3A_256 = arith.ori %gt3A_254, %and3A_255 : vector<512x128xi1>
        %shift_right_arithmetic3A_257 = vector.broadcast %scan3A_157 : i32 to vector<512x128xi32>
        %shift_right_arithmetic3A_258 = arith.shrsi %add3A, %shift_right_arithmetic3A_257 : vector<512x128xi32>
        %and3A_259 = arith.constant 1 : i32
        %and3A_260 = vector.broadcast %and3A_259 : i32 to vector<512x128xi32>
        %and3A_261 = arith.andi %shift_right_arithmetic3A_258, %and3A_260 : vector<512x128xi32>
        %ne3A_262 = arith.constant 0 : i32
        %ne3A_263 = vector.broadcast %ne3A_262 : i32 to vector<512x128xi32>
        %ne3A_264 = arith.cmpi ne, %and3A_261, %ne3A_263 : vector<512x128xi32>
        %xor3A_265 = arith.xori %or3A_256, %ne3A_264 : vector<512x128xi1>
        %xor3A_266 = arith.xori %xor3A_265, %ne3A_245 : vector<512x128xi1>
        %select_n3A_267 = arith.select %xor3A_266, %get3A_237, %select_n3A : vector<512x128xi1>, vector<512x128xi32>
        %swap3A_268 = arith.constant 0 : index
        %swap3A_269 = arith.constant 0 : index
        %swap3A_270 = vector.load %arg5[%swap3A_268, %swap3A_269] : memref<512x128xi32, #tpu.memory_space<vmem>>, vector<512x128xi32>
        tpu.vector_store %arg5[%swap3A_268, %swap3A_269], %select_n3A_267 {strides = array<i32>} : memref<512x128xi32, #tpu.memory_space<vmem>>, vector<512x128xi32>,
        %select_n3A_271 = arith.select %xor3A_266, %get3A_240, %select_n3A_253 : vector<512x128xi1>, vector<512x128xi32>
        %swap3A_272 = arith.constant 0 : index
        %swap3A_273 = arith.constant 0 : index
        %swap3A_274 = vector.load %arg6[%swap3A_272, %swap3A_273] : memref<512x128xi32, #tpu.memory_space<vmem>>, vector<512x128xi32>
        tpu.vector_store %arg6[%swap3A_272, %swap3A_273], %select_n3A_271 {strides = array<i32>} : memref<512x128xi32, #tpu.memory_space<vmem>>, vector<512x128xi32>,
      } else {
      }
      %gt3A_185 = arith.constant 9 : i32
      %gt3A_186 = arith.cmpi sgt, %scan3A_157, %gt3A_185 : i32
      %convert_element_type3A_187 = arith.extui %gt3A_186 : i1 to i32
      %cond3A_188 = arith.constant 0 : i32
      %cond3A_189 = arith.cmpi ne, %convert_element_type3A_187, %cond3A_188 : i32
      scf.if %cond3A_189 {
        %get3A_235 = arith.constant 0 : index
        %get3A_236 = arith.constant 0 : index
        %get3A_237 = vector.load %arg5[%get3A_235, %get3A_236] : memref<512x128xi32, #tpu.memory_space<vmem>>, vector<512x128xi32>
        %get3A_238 = arith.constant 0 : index
        %get3A_239 = arith.constant 0 : index
        %get3A_240 = vector.load %arg6[%get3A_238, %get3A_239] : memref<512x128xi32, #tpu.memory_space<vmem>>, vector<512x128xi32>
        %and3A_241 = arith.constant 4 : i32
        %and3A_242 = vector.broadcast %and3A_241 : i32 to vector<512x128xi32>
        %and3A_243 = arith.andi %iota3A, %and3A_242 : vector<512x128xi32>
        %ne3A = arith.constant 0 : i32
        %ne3A_244 = vector.broadcast %ne3A : i32 to vector<512x128xi32>
        %ne3A_245 = arith.cmpi ne, %and3A_243, %ne3A_244 : vector<512x128xi32>
        %roll3A = arith.constant 4 : i32
        %roll3A_246 = tpu.dynamic_rotate %get3A_237 by %roll3A dim 0 : vector<512x128xi32>, i32 -> vector<512x128xi32>
        %roll3A_247 = arith.constant 508 : i32
        %roll3A_248 = tpu.dynamic_rotate %get3A_237 by %roll3A_247 dim 0 : vector<512x128xi32>, i32 -> vector<512x128xi32>
        %select_n3A = arith.select %ne3A_245, %roll3A_246, %roll3A_248 : vector<512x128xi1>, vector<512x128xi32>
        %roll3A_249 = arith.constant 4 : i32
        %roll3A_250 = tpu.dynamic_rotate %get3A_240 by %roll3A_249 dim 0 : vector<512x128xi32>, i32 -> vector<512x128xi32>
        %roll3A_251 = arith.constant 508 : i32
        %roll3A_252 = tpu.dynamic_rotate %get3A_240 by %roll3A_251 dim 0 : vector<512x128xi32>, i32 -> vector<512x128xi32>
        %select_n3A_253 = arith.select %ne3A_245, %roll3A_250, %roll3A_252 : vector<512x128xi1>, vector<512x128xi32>
        %gt3A_254 = arith.cmpi sgt, %get3A_237, %select_n3A : vector<512x128xi32>
        %eq3A = arith.cmpi eq, %get3A_237, %select_n3A : vector<512x128xi32>
        %lt3A = arith.cmpi slt, %get3A_240, %select_n3A_253 : vector<512x128xi32>
        %and3A_255 = arith.andi %eq3A, %lt3A : vector<512x128xi1>
        %or3A_256 = arith.ori %gt3A_254, %and3A_255 : vector<512x128xi1>
        %shift_right_arithmetic3A_257 = vector.broadcast %scan3A_157 : i32 to vector<512x128xi32>
        %shift_right_arithmetic3A_258 = arith.shrsi %add3A, %shift_right_arithmetic3A_257 : vector<512x128xi32>
        %and3A_259 = arith.constant 1 : i32
        %and3A_260 = vector.broadcast %and3A_259 : i32 to vector<512x128xi32>
        %and3A_261 = arith.andi %shift_right_arithmetic3A_258, %and3A_260 : vector<512x128xi32>
        %ne3A_262 = arith.constant 0 : i32
        %ne3A_263 = vector.broadcast %ne3A_262 : i32 to vector<512x128xi32>
        %ne3A_264 = arith.cmpi ne, %and3A_261, %ne3A_263 : vector<512x128xi32>
        %xor3A_265 = arith.xori %or3A_256, %ne3A_264 : vector<512x128xi1>
        %xor3A_266 = arith.xori %xor3A_265, %ne3A_245 : vector<512x128xi1>
        %select_n3A_267 = arith.select %xor3A_266, %get3A_237, %select_n3A : vector<512x128xi1>, vector<512x128xi32>
        %swap3A_268 = arith.constant 0 : index
        %swap3A_269 = arith.constant 0 : index
        %swap3A_270 = vector.load %arg5[%swap3A_268, %swap3A_269] : memref<512x128xi32, #tpu.memory_space<vmem>>, vector<512x128xi32>
        tpu.vector_store %arg5[%swap3A_268, %swap3A_269], %select_n3A_267 {strides = array<i32>} : memref<512x128xi32, #tpu.memory_space<vmem>>, vector<512x128xi32>,
        %select_n3A_271 = arith.select %xor3A_266, %get3A_240, %select_n3A_253 : vector<512x128xi1>, vector<512x128xi32>
        %swap3A_272 = arith.constant 0 : index
        %swap3A_273 = arith.constant 0 : index
        %swap3A_274 = vector.load %arg6[%swap3A_272, %swap3A_273] : memref<512x128xi32, #tpu.memory_space<vmem>>, vector<512x128xi32>
        tpu.vector_store %arg6[%swap3A_272, %swap3A_273], %select_n3A_271 {strides = array<i32>} : memref<512x128xi32, #tpu.memory_space<vmem>>, vector<512x128xi32>,
      } else {
      }
      %gt3A_190 = arith.constant 8 : i32
      %gt3A_191 = arith.cmpi sgt, %scan3A_157, %gt3A_190 : i32
      %convert_element_type3A_192 = arith.extui %gt3A_191 : i1 to i32
      %cond3A_193 = arith.constant 0 : i32
      %cond3A_194 = arith.cmpi ne, %convert_element_type3A_192, %cond3A_193 : i32
      scf.if %cond3A_194 {
        %get3A_235 = arith.constant 0 : index
        %get3A_236 = arith.constant 0 : index
        %get3A_237 = vector.load %arg5[%get3A_235, %get3A_236] : memref<512x128xi32, #tpu.memory_space<vmem>>, vector<512x128xi32>
        %get3A_238 = arith.constant 0 : index
        %get3A_239 = arith.constant 0 : index
        %get3A_240 = vector.load %arg6[%get3A_238, %get3A_239] : memref<512x128xi32, #tpu.memory_space<vmem>>, vector<512x128xi32>
        %and3A_241 = arith.constant 2 : i32
        %and3A_242 = vector.broadcast %and3A_241 : i32 to vector<512x128xi32>
        %and3A_243 = arith.andi %iota3A, %and3A_242 : vector<512x128xi32>
        %ne3A = arith.constant 0 : i32
        %ne3A_244 = vector.broadcast %ne3A : i32 to vector<512x128xi32>
        %ne3A_245 = arith.cmpi ne, %and3A_243, %ne3A_244 : vector<512x128xi32>
        %roll3A = arith.constant 2 : i32
        %roll3A_246 = tpu.dynamic_rotate %get3A_237 by %roll3A dim 0 : vector<512x128xi32>, i32 -> vector<512x128xi32>
        %roll3A_247 = arith.constant 510 : i32
        %roll3A_248 = tpu.dynamic_rotate %get3A_237 by %roll3A_247 dim 0 : vector<512x128xi32>, i32 -> vector<512x128xi32>
        %select_n3A = arith.select %ne3A_245, %roll3A_246, %roll3A_248 : vector<512x128xi1>, vector<512x128xi32>
        %roll3A_249 = arith.constant 2 : i32
        %roll3A_250 = tpu.dynamic_rotate %get3A_240 by %roll3A_249 dim 0 : vector<512x128xi32>, i32 -> vector<512x128xi32>
        %roll3A_251 = arith.constant 510 : i32
        %roll3A_252 = tpu.dynamic_rotate %get3A_240 by %roll3A_251 dim 0 : vector<512x128xi32>, i32 -> vector<512x128xi32>
        %select_n3A_253 = arith.select %ne3A_245, %roll3A_250, %roll3A_252 : vector<512x128xi1>, vector<512x128xi32>
        %gt3A_254 = arith.cmpi sgt, %get3A_237, %select_n3A : vector<512x128xi32>
        %eq3A = arith.cmpi eq, %get3A_237, %select_n3A : vector<512x128xi32>
        %lt3A = arith.cmpi slt, %get3A_240, %select_n3A_253 : vector<512x128xi32>
        %and3A_255 = arith.andi %eq3A, %lt3A : vector<512x128xi1>
        %or3A_256 = arith.ori %gt3A_254, %and3A_255 : vector<512x128xi1>
        %shift_right_arithmetic3A_257 = vector.broadcast %scan3A_157 : i32 to vector<512x128xi32>
        %shift_right_arithmetic3A_258 = arith.shrsi %add3A, %shift_right_arithmetic3A_257 : vector<512x128xi32>
        %and3A_259 = arith.constant 1 : i32
        %and3A_260 = vector.broadcast %and3A_259 : i32 to vector<512x128xi32>
        %and3A_261 = arith.andi %shift_right_arithmetic3A_258, %and3A_260 : vector<512x128xi32>
        %ne3A_262 = arith.constant 0 : i32
        %ne3A_263 = vector.broadcast %ne3A_262 : i32 to vector<512x128xi32>
        %ne3A_264 = arith.cmpi ne, %and3A_261, %ne3A_263 : vector<512x128xi32>
        %xor3A_265 = arith.xori %or3A_256, %ne3A_264 : vector<512x128xi1>
        %xor3A_266 = arith.xori %xor3A_265, %ne3A_245 : vector<512x128xi1>
        %select_n3A_267 = arith.select %xor3A_266, %get3A_237, %select_n3A : vector<512x128xi1>, vector<512x128xi32>
        %swap3A_268 = arith.constant 0 : index
        %swap3A_269 = arith.constant 0 : index
        %swap3A_270 = vector.load %arg5[%swap3A_268, %swap3A_269] : memref<512x128xi32, #tpu.memory_space<vmem>>, vector<512x128xi32>
        tpu.vector_store %arg5[%swap3A_268, %swap3A_269], %select_n3A_267 {strides = array<i32>} : memref<512x128xi32, #tpu.memory_space<vmem>>, vector<512x128xi32>,
        %select_n3A_271 = arith.select %xor3A_266, %get3A_240, %select_n3A_253 : vector<512x128xi1>, vector<512x128xi32>
        %swap3A_272 = arith.constant 0 : index
        %swap3A_273 = arith.constant 0 : index
        %swap3A_274 = vector.load %arg6[%swap3A_272, %swap3A_273] : memref<512x128xi32, #tpu.memory_space<vmem>>, vector<512x128xi32>
        tpu.vector_store %arg6[%swap3A_272, %swap3A_273], %select_n3A_271 {strides = array<i32>} : memref<512x128xi32, #tpu.memory_space<vmem>>, vector<512x128xi32>,
      } else {
      }
      %gt3A_195 = arith.constant 7 : i32
      %gt3A_196 = arith.cmpi sgt, %scan3A_157, %gt3A_195 : i32
      %convert_element_type3A_197 = arith.extui %gt3A_196 : i1 to i32
      %cond3A_198 = arith.constant 0 : i32
      %cond3A_199 = arith.cmpi ne, %convert_element_type3A_197, %cond3A_198 : i32
      scf.if %cond3A_199 {
        %get3A_235 = arith.constant 0 : index
        %get3A_236 = arith.constant 0 : index
        %get3A_237 = vector.load %arg5[%get3A_235, %get3A_236] : memref<512x128xi32, #tpu.memory_space<vmem>>, vector<512x128xi32>
        %get3A_238 = arith.constant 0 : index
        %get3A_239 = arith.constant 0 : index
        %get3A_240 = vector.load %arg6[%get3A_238, %get3A_239] : memref<512x128xi32, #tpu.memory_space<vmem>>, vector<512x128xi32>
        %and3A_241 = arith.constant 1 : i32
        %and3A_242 = vector.broadcast %and3A_241 : i32 to vector<512x128xi32>
        %and3A_243 = arith.andi %iota3A, %and3A_242 : vector<512x128xi32>
        %ne3A = arith.constant 0 : i32
        %ne3A_244 = vector.broadcast %ne3A : i32 to vector<512x128xi32>
        %ne3A_245 = arith.cmpi ne, %and3A_243, %ne3A_244 : vector<512x128xi32>
        %roll3A = arith.constant 1 : i32
        %roll3A_246 = tpu.dynamic_rotate %get3A_237 by %roll3A dim 0 : vector<512x128xi32>, i32 -> vector<512x128xi32>
        %roll3A_247 = arith.constant 511 : i32
        %roll3A_248 = tpu.dynamic_rotate %get3A_237 by %roll3A_247 dim 0 : vector<512x128xi32>, i32 -> vector<512x128xi32>
        %select_n3A = arith.select %ne3A_245, %roll3A_246, %roll3A_248 : vector<512x128xi1>, vector<512x128xi32>
        %roll3A_249 = arith.constant 1 : i32
        %roll3A_250 = tpu.dynamic_rotate %get3A_240 by %roll3A_249 dim 0 : vector<512x128xi32>, i32 -> vector<512x128xi32>
        %roll3A_251 = arith.constant 511 : i32
        %roll3A_252 = tpu.dynamic_rotate %get3A_240 by %roll3A_251 dim 0 : vector<512x128xi32>, i32 -> vector<512x128xi32>
        %select_n3A_253 = arith.select %ne3A_245, %roll3A_250, %roll3A_252 : vector<512x128xi1>, vector<512x128xi32>
        %gt3A_254 = arith.cmpi sgt, %get3A_237, %select_n3A : vector<512x128xi32>
        %eq3A = arith.cmpi eq, %get3A_237, %select_n3A : vector<512x128xi32>
        %lt3A = arith.cmpi slt, %get3A_240, %select_n3A_253 : vector<512x128xi32>
        %and3A_255 = arith.andi %eq3A, %lt3A : vector<512x128xi1>
        %or3A_256 = arith.ori %gt3A_254, %and3A_255 : vector<512x128xi1>
        %shift_right_arithmetic3A_257 = vector.broadcast %scan3A_157 : i32 to vector<512x128xi32>
        %shift_right_arithmetic3A_258 = arith.shrsi %add3A, %shift_right_arithmetic3A_257 : vector<512x128xi32>
        %and3A_259 = arith.constant 1 : i32
        %and3A_260 = vector.broadcast %and3A_259 : i32 to vector<512x128xi32>
        %and3A_261 = arith.andi %shift_right_arithmetic3A_258, %and3A_260 : vector<512x128xi32>
        %ne3A_262 = arith.constant 0 : i32
        %ne3A_263 = vector.broadcast %ne3A_262 : i32 to vector<512x128xi32>
        %ne3A_264 = arith.cmpi ne, %and3A_261, %ne3A_263 : vector<512x128xi32>
        %xor3A_265 = arith.xori %or3A_256, %ne3A_264 : vector<512x128xi1>
        %xor3A_266 = arith.xori %xor3A_265, %ne3A_245 : vector<512x128xi1>
        %select_n3A_267 = arith.select %xor3A_266, %get3A_237, %select_n3A : vector<512x128xi1>, vector<512x128xi32>
        %swap3A_268 = arith.constant 0 : index
        %swap3A_269 = arith.constant 0 : index
        %swap3A_270 = vector.load %arg5[%swap3A_268, %swap3A_269] : memref<512x128xi32, #tpu.memory_space<vmem>>, vector<512x128xi32>
        tpu.vector_store %arg5[%swap3A_268, %swap3A_269], %select_n3A_267 {strides = array<i32>} : memref<512x128xi32, #tpu.memory_space<vmem>>, vector<512x128xi32>,
        %select_n3A_271 = arith.select %xor3A_266, %get3A_240, %select_n3A_253 : vector<512x128xi1>, vector<512x128xi32>
        %swap3A_272 = arith.constant 0 : index
        %swap3A_273 = arith.constant 0 : index
        %swap3A_274 = vector.load %arg6[%swap3A_272, %swap3A_273] : memref<512x128xi32, #tpu.memory_space<vmem>>, vector<512x128xi32>
        tpu.vector_store %arg6[%swap3A_272, %swap3A_273], %select_n3A_271 {strides = array<i32>} : memref<512x128xi32, #tpu.memory_space<vmem>>, vector<512x128xi32>,
      } else {
      }
      %gt3A_200 = arith.constant 6 : i32
      %gt3A_201 = arith.cmpi sgt, %scan3A_157, %gt3A_200 : i32
      %convert_element_type3A_202 = arith.extui %gt3A_201 : i1 to i32
      %cond3A_203 = arith.constant 0 : i32
      %cond3A_204 = arith.cmpi ne, %convert_element_type3A_202, %cond3A_203 : i32
      scf.if %cond3A_204 {
        %get3A_235 = arith.constant 0 : index
        %get3A_236 = arith.constant 0 : index
        %get3A_237 = vector.load %arg5[%get3A_235, %get3A_236] : memref<512x128xi32, #tpu.memory_space<vmem>>, vector<512x128xi32>
        %get3A_238 = arith.constant 0 : index
        %get3A_239 = arith.constant 0 : index
        %get3A_240 = vector.load %arg6[%get3A_238, %get3A_239] : memref<512x128xi32, #tpu.memory_space<vmem>>, vector<512x128xi32>
        %and3A_241 = arith.constant 64 : i32
        %and3A_242 = vector.broadcast %and3A_241 : i32 to vector<512x128xi32>
        %and3A_243 = arith.andi %iota3A_109, %and3A_242 : vector<512x128xi32>
        %ne3A = arith.constant 0 : i32
        %ne3A_244 = vector.broadcast %ne3A : i32 to vector<512x128xi32>
        %ne3A_245 = arith.cmpi ne, %and3A_243, %ne3A_244 : vector<512x128xi32>
        %roll3A = arith.constant 64 : i32
        %roll3A_246 = tpu.dynamic_rotate %get3A_237 by %roll3A dim 1 : vector<512x128xi32>, i32 -> vector<512x128xi32>
        %roll3A_247 = arith.constant 64 : i32
        %roll3A_248 = tpu.dynamic_rotate %get3A_237 by %roll3A_247 dim 1 : vector<512x128xi32>, i32 -> vector<512x128xi32>
        %select_n3A = arith.select %ne3A_245, %roll3A_246, %roll3A_248 : vector<512x128xi1>, vector<512x128xi32>
        %roll3A_249 = arith.constant 64 : i32
        %roll3A_250 = tpu.dynamic_rotate %get3A_240 by %roll3A_249 dim 1 : vector<512x128xi32>, i32 -> vector<512x128xi32>
        %roll3A_251 = arith.constant 64 : i32
        %roll3A_252 = tpu.dynamic_rotate %get3A_240 by %roll3A_251 dim 1 : vector<512x128xi32>, i32 -> vector<512x128xi32>
        %select_n3A_253 = arith.select %ne3A_245, %roll3A_250, %roll3A_252 : vector<512x128xi1>, vector<512x128xi32>
        %gt3A_254 = arith.cmpi sgt, %get3A_237, %select_n3A : vector<512x128xi32>
        %eq3A = arith.cmpi eq, %get3A_237, %select_n3A : vector<512x128xi32>
        %lt3A = arith.cmpi slt, %get3A_240, %select_n3A_253 : vector<512x128xi32>
        %and3A_255 = arith.andi %eq3A, %lt3A : vector<512x128xi1>
        %or3A_256 = arith.ori %gt3A_254, %and3A_255 : vector<512x128xi1>
        %shift_right_arithmetic3A_257 = vector.broadcast %scan3A_157 : i32 to vector<512x128xi32>
        %shift_right_arithmetic3A_258 = arith.shrsi %add3A, %shift_right_arithmetic3A_257 : vector<512x128xi32>
        %and3A_259 = arith.constant 1 : i32
        %and3A_260 = vector.broadcast %and3A_259 : i32 to vector<512x128xi32>
        %and3A_261 = arith.andi %shift_right_arithmetic3A_258, %and3A_260 : vector<512x128xi32>
        %ne3A_262 = arith.constant 0 : i32
        %ne3A_263 = vector.broadcast %ne3A_262 : i32 to vector<512x128xi32>
        %ne3A_264 = arith.cmpi ne, %and3A_261, %ne3A_263 : vector<512x128xi32>
        %xor3A_265 = arith.xori %or3A_256, %ne3A_264 : vector<512x128xi1>
        %xor3A_266 = arith.xori %xor3A_265, %ne3A_245 : vector<512x128xi1>
        %select_n3A_267 = arith.select %xor3A_266, %get3A_237, %select_n3A : vector<512x128xi1>, vector<512x128xi32>
        %swap3A_268 = arith.constant 0 : index
        %swap3A_269 = arith.constant 0 : index
        %swap3A_270 = vector.load %arg5[%swap3A_268, %swap3A_269] : memref<512x128xi32, #tpu.memory_space<vmem>>, vector<512x128xi32>
        tpu.vector_store %arg5[%swap3A_268, %swap3A_269], %select_n3A_267 {strides = array<i32>} : memref<512x128xi32, #tpu.memory_space<vmem>>, vector<512x128xi32>,
        %select_n3A_271 = arith.select %xor3A_266, %get3A_240, %select_n3A_253 : vector<512x128xi1>, vector<512x128xi32>
        %swap3A_272 = arith.constant 0 : index
        %swap3A_273 = arith.constant 0 : index
        %swap3A_274 = vector.load %arg6[%swap3A_272, %swap3A_273] : memref<512x128xi32, #tpu.memory_space<vmem>>, vector<512x128xi32>
        tpu.vector_store %arg6[%swap3A_272, %swap3A_273], %select_n3A_271 {strides = array<i32>} : memref<512x128xi32, #tpu.memory_space<vmem>>, vector<512x128xi32>,
      } else {
      }
      %gt3A_205 = arith.constant 5 : i32
      %gt3A_206 = arith.cmpi sgt, %scan3A_157, %gt3A_205 : i32
      %convert_element_type3A_207 = arith.extui %gt3A_206 : i1 to i32
      %cond3A_208 = arith.constant 0 : i32
      %cond3A_209 = arith.cmpi ne, %convert_element_type3A_207, %cond3A_208 : i32
      scf.if %cond3A_209 {
        %get3A_235 = arith.constant 0 : index
        %get3A_236 = arith.constant 0 : index
        %get3A_237 = vector.load %arg5[%get3A_235, %get3A_236] : memref<512x128xi32, #tpu.memory_space<vmem>>, vector<512x128xi32>
        %get3A_238 = arith.constant 0 : index
        %get3A_239 = arith.constant 0 : index
        %get3A_240 = vector.load %arg6[%get3A_238, %get3A_239] : memref<512x128xi32, #tpu.memory_space<vmem>>, vector<512x128xi32>
        %and3A_241 = arith.constant 32 : i32
        %and3A_242 = vector.broadcast %and3A_241 : i32 to vector<512x128xi32>
        %and3A_243 = arith.andi %iota3A_109, %and3A_242 : vector<512x128xi32>
        %ne3A = arith.constant 0 : i32
        %ne3A_244 = vector.broadcast %ne3A : i32 to vector<512x128xi32>
        %ne3A_245 = arith.cmpi ne, %and3A_243, %ne3A_244 : vector<512x128xi32>
        %roll3A = arith.constant 32 : i32
        %roll3A_246 = tpu.dynamic_rotate %get3A_237 by %roll3A dim 1 : vector<512x128xi32>, i32 -> vector<512x128xi32>
        %roll3A_247 = arith.constant 96 : i32
        %roll3A_248 = tpu.dynamic_rotate %get3A_237 by %roll3A_247 dim 1 : vector<512x128xi32>, i32 -> vector<512x128xi32>
        %select_n3A = arith.select %ne3A_245, %roll3A_246, %roll3A_248 : vector<512x128xi1>, vector<512x128xi32>
        %roll3A_249 = arith.constant 32 : i32
        %roll3A_250 = tpu.dynamic_rotate %get3A_240 by %roll3A_249 dim 1 : vector<512x128xi32>, i32 -> vector<512x128xi32>
        %roll3A_251 = arith.constant 96 : i32
        %roll3A_252 = tpu.dynamic_rotate %get3A_240 by %roll3A_251 dim 1 : vector<512x128xi32>, i32 -> vector<512x128xi32>
        %select_n3A_253 = arith.select %ne3A_245, %roll3A_250, %roll3A_252 : vector<512x128xi1>, vector<512x128xi32>
        %gt3A_254 = arith.cmpi sgt, %get3A_237, %select_n3A : vector<512x128xi32>
        %eq3A = arith.cmpi eq, %get3A_237, %select_n3A : vector<512x128xi32>
        %lt3A = arith.cmpi slt, %get3A_240, %select_n3A_253 : vector<512x128xi32>
        %and3A_255 = arith.andi %eq3A, %lt3A : vector<512x128xi1>
        %or3A_256 = arith.ori %gt3A_254, %and3A_255 : vector<512x128xi1>
        %shift_right_arithmetic3A_257 = vector.broadcast %scan3A_157 : i32 to vector<512x128xi32>
        %shift_right_arithmetic3A_258 = arith.shrsi %add3A, %shift_right_arithmetic3A_257 : vector<512x128xi32>
        %and3A_259 = arith.constant 1 : i32
        %and3A_260 = vector.broadcast %and3A_259 : i32 to vector<512x128xi32>
        %and3A_261 = arith.andi %shift_right_arithmetic3A_258, %and3A_260 : vector<512x128xi32>
        %ne3A_262 = arith.constant 0 : i32
        %ne3A_263 = vector.broadcast %ne3A_262 : i32 to vector<512x128xi32>
        %ne3A_264 = arith.cmpi ne, %and3A_261, %ne3A_263 : vector<512x128xi32>
        %xor3A_265 = arith.xori %or3A_256, %ne3A_264 : vector<512x128xi1>
        %xor3A_266 = arith.xori %xor3A_265, %ne3A_245 : vector<512x128xi1>
        %select_n3A_267 = arith.select %xor3A_266, %get3A_237, %select_n3A : vector<512x128xi1>, vector<512x128xi32>
        %swap3A_268 = arith.constant 0 : index
        %swap3A_269 = arith.constant 0 : index
        %swap3A_270 = vector.load %arg5[%swap3A_268, %swap3A_269] : memref<512x128xi32, #tpu.memory_space<vmem>>, vector<512x128xi32>
        tpu.vector_store %arg5[%swap3A_268, %swap3A_269], %select_n3A_267 {strides = array<i32>} : memref<512x128xi32, #tpu.memory_space<vmem>>, vector<512x128xi32>,
        %select_n3A_271 = arith.select %xor3A_266, %get3A_240, %select_n3A_253 : vector<512x128xi1>, vector<512x128xi32>
        %swap3A_272 = arith.constant 0 : index
        %swap3A_273 = arith.constant 0 : index
        %swap3A_274 = vector.load %arg6[%swap3A_272, %swap3A_273] : memref<512x128xi32, #tpu.memory_space<vmem>>, vector<512x128xi32>
        tpu.vector_store %arg6[%swap3A_272, %swap3A_273], %select_n3A_271 {strides = array<i32>} : memref<512x128xi32, #tpu.memory_space<vmem>>, vector<512x128xi32>,
      } else {
      }
      %gt3A_210 = arith.constant 4 : i32
      %gt3A_211 = arith.cmpi sgt, %scan3A_157, %gt3A_210 : i32
      %convert_element_type3A_212 = arith.extui %gt3A_211 : i1 to i32
      %cond3A_213 = arith.constant 0 : i32
      %cond3A_214 = arith.cmpi ne, %convert_element_type3A_212, %cond3A_213 : i32
      scf.if %cond3A_214 {
        %get3A_235 = arith.constant 0 : index
        %get3A_236 = arith.constant 0 : index
        %get3A_237 = vector.load %arg5[%get3A_235, %get3A_236] : memref<512x128xi32, #tpu.memory_space<vmem>>, vector<512x128xi32>
        %get3A_238 = arith.constant 0 : index
        %get3A_239 = arith.constant 0 : index
        %get3A_240 = vector.load %arg6[%get3A_238, %get3A_239] : memref<512x128xi32, #tpu.memory_space<vmem>>, vector<512x128xi32>
        %and3A_241 = arith.constant 16 : i32
        %and3A_242 = vector.broadcast %and3A_241 : i32 to vector<512x128xi32>
        %and3A_243 = arith.andi %iota3A_109, %and3A_242 : vector<512x128xi32>
        %ne3A = arith.constant 0 : i32
        %ne3A_244 = vector.broadcast %ne3A : i32 to vector<512x128xi32>
        %ne3A_245 = arith.cmpi ne, %and3A_243, %ne3A_244 : vector<512x128xi32>
        %roll3A = arith.constant 16 : i32
        %roll3A_246 = tpu.dynamic_rotate %get3A_237 by %roll3A dim 1 : vector<512x128xi32>, i32 -> vector<512x128xi32>
        %roll3A_247 = arith.constant 112 : i32
        %roll3A_248 = tpu.dynamic_rotate %get3A_237 by %roll3A_247 dim 1 : vector<512x128xi32>, i32 -> vector<512x128xi32>
        %select_n3A = arith.select %ne3A_245, %roll3A_246, %roll3A_248 : vector<512x128xi1>, vector<512x128xi32>
        %roll3A_249 = arith.constant 16 : i32
        %roll3A_250 = tpu.dynamic_rotate %get3A_240 by %roll3A_249 dim 1 : vector<512x128xi32>, i32 -> vector<512x128xi32>
        %roll3A_251 = arith.constant 112 : i32
        %roll3A_252 = tpu.dynamic_rotate %get3A_240 by %roll3A_251 dim 1 : vector<512x128xi32>, i32 -> vector<512x128xi32>
        %select_n3A_253 = arith.select %ne3A_245, %roll3A_250, %roll3A_252 : vector<512x128xi1>, vector<512x128xi32>
        %gt3A_254 = arith.cmpi sgt, %get3A_237, %select_n3A : vector<512x128xi32>
        %eq3A = arith.cmpi eq, %get3A_237, %select_n3A : vector<512x128xi32>
        %lt3A = arith.cmpi slt, %get3A_240, %select_n3A_253 : vector<512x128xi32>
        %and3A_255 = arith.andi %eq3A, %lt3A : vector<512x128xi1>
        %or3A_256 = arith.ori %gt3A_254, %and3A_255 : vector<512x128xi1>
        %shift_right_arithmetic3A_257 = vector.broadcast %scan3A_157 : i32 to vector<512x128xi32>
        %shift_right_arithmetic3A_258 = arith.shrsi %add3A, %shift_right_arithmetic3A_257 : vector<512x128xi32>
        %and3A_259 = arith.constant 1 : i32
        %and3A_260 = vector.broadcast %and3A_259 : i32 to vector<512x128xi32>
        %and3A_261 = arith.andi %shift_right_arithmetic3A_258, %and3A_260 : vector<512x128xi32>
        %ne3A_262 = arith.constant 0 : i32
        %ne3A_263 = vector.broadcast %ne3A_262 : i32 to vector<512x128xi32>
        %ne3A_264 = arith.cmpi ne, %and3A_261, %ne3A_263 : vector<512x128xi32>
        %xor3A_265 = arith.xori %or3A_256, %ne3A_264 : vector<512x128xi1>
        %xor3A_266 = arith.xori %xor3A_265, %ne3A_245 : vector<512x128xi1>
        %select_n3A_267 = arith.select %xor3A_266, %get3A_237, %select_n3A : vector<512x128xi1>, vector<512x128xi32>
        %swap3A_268 = arith.constant 0 : index
        %swap3A_269 = arith.constant 0 : index
        %swap3A_270 = vector.load %arg5[%swap3A_268, %swap3A_269] : memref<512x128xi32, #tpu.memory_space<vmem>>, vector<512x128xi32>
        tpu.vector_store %arg5[%swap3A_268, %swap3A_269], %select_n3A_267 {strides = array<i32>} : memref<512x128xi32, #tpu.memory_space<vmem>>, vector<512x128xi32>,
        %select_n3A_271 = arith.select %xor3A_266, %get3A_240, %select_n3A_253 : vector<512x128xi1>, vector<512x128xi32>
        %swap3A_272 = arith.constant 0 : index
        %swap3A_273 = arith.constant 0 : index
        %swap3A_274 = vector.load %arg6[%swap3A_272, %swap3A_273] : memref<512x128xi32, #tpu.memory_space<vmem>>, vector<512x128xi32>
        tpu.vector_store %arg6[%swap3A_272, %swap3A_273], %select_n3A_271 {strides = array<i32>} : memref<512x128xi32, #tpu.memory_space<vmem>>, vector<512x128xi32>,
      } else {
      }
      %gt3A_215 = arith.constant 3 : i32
      %gt3A_216 = arith.cmpi sgt, %scan3A_157, %gt3A_215 : i32
      %convert_element_type3A_217 = arith.extui %gt3A_216 : i1 to i32
      %cond3A_218 = arith.constant 0 : i32
      %cond3A_219 = arith.cmpi ne, %convert_element_type3A_217, %cond3A_218 : i32
      scf.if %cond3A_219 {
        %get3A_235 = arith.constant 0 : index
        %get3A_236 = arith.constant 0 : index
        %get3A_237 = vector.load %arg5[%get3A_235, %get3A_236] : memref<512x128xi32, #tpu.memory_space<vmem>>, vector<512x128xi32>
        %get3A_238 = arith.constant 0 : index
        %get3A_239 = arith.constant 0 : index
        %get3A_240 = vector.load %arg6[%get3A_238, %get3A_239] : memref<512x128xi32, #tpu.memory_space<vmem>>, vector<512x128xi32>
        %and3A_241 = arith.constant 8 : i32
        %and3A_242 = vector.broadcast %and3A_241 : i32 to vector<512x128xi32>
        %and3A_243 = arith.andi %iota3A_109, %and3A_242 : vector<512x128xi32>
        %ne3A = arith.constant 0 : i32
        %ne3A_244 = vector.broadcast %ne3A : i32 to vector<512x128xi32>
        %ne3A_245 = arith.cmpi ne, %and3A_243, %ne3A_244 : vector<512x128xi32>
        %roll3A = arith.constant 8 : i32
        %roll3A_246 = tpu.dynamic_rotate %get3A_237 by %roll3A dim 1 : vector<512x128xi32>, i32 -> vector<512x128xi32>
        %roll3A_247 = arith.constant 120 : i32
        %roll3A_248 = tpu.dynamic_rotate %get3A_237 by %roll3A_247 dim 1 : vector<512x128xi32>, i32 -> vector<512x128xi32>
        %select_n3A = arith.select %ne3A_245, %roll3A_246, %roll3A_248 : vector<512x128xi1>, vector<512x128xi32>
        %roll3A_249 = arith.constant 8 : i32
        %roll3A_250 = tpu.dynamic_rotate %get3A_240 by %roll3A_249 dim 1 : vector<512x128xi32>, i32 -> vector<512x128xi32>
        %roll3A_251 = arith.constant 120 : i32
        %roll3A_252 = tpu.dynamic_rotate %get3A_240 by %roll3A_251 dim 1 : vector<512x128xi32>, i32 -> vector<512x128xi32>
        %select_n3A_253 = arith.select %ne3A_245, %roll3A_250, %roll3A_252 : vector<512x128xi1>, vector<512x128xi32>
        %gt3A_254 = arith.cmpi sgt, %get3A_237, %select_n3A : vector<512x128xi32>
        %eq3A = arith.cmpi eq, %get3A_237, %select_n3A : vector<512x128xi32>
        %lt3A = arith.cmpi slt, %get3A_240, %select_n3A_253 : vector<512x128xi32>
        %and3A_255 = arith.andi %eq3A, %lt3A : vector<512x128xi1>
        %or3A_256 = arith.ori %gt3A_254, %and3A_255 : vector<512x128xi1>
        %shift_right_arithmetic3A_257 = vector.broadcast %scan3A_157 : i32 to vector<512x128xi32>
        %shift_right_arithmetic3A_258 = arith.shrsi %add3A, %shift_right_arithmetic3A_257 : vector<512x128xi32>
        %and3A_259 = arith.constant 1 : i32
        %and3A_260 = vector.broadcast %and3A_259 : i32 to vector<512x128xi32>
        %and3A_261 = arith.andi %shift_right_arithmetic3A_258, %and3A_260 : vector<512x128xi32>
        %ne3A_262 = arith.constant 0 : i32
        %ne3A_263 = vector.broadcast %ne3A_262 : i32 to vector<512x128xi32>
        %ne3A_264 = arith.cmpi ne, %and3A_261, %ne3A_263 : vector<512x128xi32>
        %xor3A_265 = arith.xori %or3A_256, %ne3A_264 : vector<512x128xi1>
        %xor3A_266 = arith.xori %xor3A_265, %ne3A_245 : vector<512x128xi1>
        %select_n3A_267 = arith.select %xor3A_266, %get3A_237, %select_n3A : vector<512x128xi1>, vector<512x128xi32>
        %swap3A_268 = arith.constant 0 : index
        %swap3A_269 = arith.constant 0 : index
        %swap3A_270 = vector.load %arg5[%swap3A_268, %swap3A_269] : memref<512x128xi32, #tpu.memory_space<vmem>>, vector<512x128xi32>
        tpu.vector_store %arg5[%swap3A_268, %swap3A_269], %select_n3A_267 {strides = array<i32>} : memref<512x128xi32, #tpu.memory_space<vmem>>, vector<512x128xi32>,
        %select_n3A_271 = arith.select %xor3A_266, %get3A_240, %select_n3A_253 : vector<512x128xi1>, vector<512x128xi32>
        %swap3A_272 = arith.constant 0 : index
        %swap3A_273 = arith.constant 0 : index
        %swap3A_274 = vector.load %arg6[%swap3A_272, %swap3A_273] : memref<512x128xi32, #tpu.memory_space<vmem>>, vector<512x128xi32>
        tpu.vector_store %arg6[%swap3A_272, %swap3A_273], %select_n3A_271 {strides = array<i32>} : memref<512x128xi32, #tpu.memory_space<vmem>>, vector<512x128xi32>,
      } else {
      }
      %gt3A_220 = arith.constant 2 : i32
      %gt3A_221 = arith.cmpi sgt, %scan3A_157, %gt3A_220 : i32
      %convert_element_type3A_222 = arith.extui %gt3A_221 : i1 to i32
      %cond3A_223 = arith.constant 0 : i32
      %cond3A_224 = arith.cmpi ne, %convert_element_type3A_222, %cond3A_223 : i32
      scf.if %cond3A_224 {
        %get3A_235 = arith.constant 0 : index
        %get3A_236 = arith.constant 0 : index
        %get3A_237 = vector.load %arg5[%get3A_235, %get3A_236] : memref<512x128xi32, #tpu.memory_space<vmem>>, vector<512x128xi32>
        %get3A_238 = arith.constant 0 : index
        %get3A_239 = arith.constant 0 : index
        %get3A_240 = vector.load %arg6[%get3A_238, %get3A_239] : memref<512x128xi32, #tpu.memory_space<vmem>>, vector<512x128xi32>
        %and3A_241 = arith.constant 4 : i32
        %and3A_242 = vector.broadcast %and3A_241 : i32 to vector<512x128xi32>
        %and3A_243 = arith.andi %iota3A_109, %and3A_242 : vector<512x128xi32>
        %ne3A = arith.constant 0 : i32
        %ne3A_244 = vector.broadcast %ne3A : i32 to vector<512x128xi32>
        %ne3A_245 = arith.cmpi ne, %and3A_243, %ne3A_244 : vector<512x128xi32>
        %roll3A = arith.constant 4 : i32
        %roll3A_246 = tpu.dynamic_rotate %get3A_237 by %roll3A dim 1 : vector<512x128xi32>, i32 -> vector<512x128xi32>
        %roll3A_247 = arith.constant 124 : i32
        %roll3A_248 = tpu.dynamic_rotate %get3A_237 by %roll3A_247 dim 1 : vector<512x128xi32>, i32 -> vector<512x128xi32>
        %select_n3A = arith.select %ne3A_245, %roll3A_246, %roll3A_248 : vector<512x128xi1>, vector<512x128xi32>
        %roll3A_249 = arith.constant 4 : i32
        %roll3A_250 = tpu.dynamic_rotate %get3A_240 by %roll3A_249 dim 1 : vector<512x128xi32>, i32 -> vector<512x128xi32>
        %roll3A_251 = arith.constant 124 : i32
        %roll3A_252 = tpu.dynamic_rotate %get3A_240 by %roll3A_251 dim 1 : vector<512x128xi32>, i32 -> vector<512x128xi32>
        %select_n3A_253 = arith.select %ne3A_245, %roll3A_250, %roll3A_252 : vector<512x128xi1>, vector<512x128xi32>
        %gt3A_254 = arith.cmpi sgt, %get3A_237, %select_n3A : vector<512x128xi32>
        %eq3A = arith.cmpi eq, %get3A_237, %select_n3A : vector<512x128xi32>
        %lt3A = arith.cmpi slt, %get3A_240, %select_n3A_253 : vector<512x128xi32>
        %and3A_255 = arith.andi %eq3A, %lt3A : vector<512x128xi1>
        %or3A_256 = arith.ori %gt3A_254, %and3A_255 : vector<512x128xi1>
        %shift_right_arithmetic3A_257 = vector.broadcast %scan3A_157 : i32 to vector<512x128xi32>
        %shift_right_arithmetic3A_258 = arith.shrsi %add3A, %shift_right_arithmetic3A_257 : vector<512x128xi32>
        %and3A_259 = arith.constant 1 : i32
        %and3A_260 = vector.broadcast %and3A_259 : i32 to vector<512x128xi32>
        %and3A_261 = arith.andi %shift_right_arithmetic3A_258, %and3A_260 : vector<512x128xi32>
        %ne3A_262 = arith.constant 0 : i32
        %ne3A_263 = vector.broadcast %ne3A_262 : i32 to vector<512x128xi32>
        %ne3A_264 = arith.cmpi ne, %and3A_261, %ne3A_263 : vector<512x128xi32>
        %xor3A_265 = arith.xori %or3A_256, %ne3A_264 : vector<512x128xi1>
        %xor3A_266 = arith.xori %xor3A_265, %ne3A_245 : vector<512x128xi1>
        %select_n3A_267 = arith.select %xor3A_266, %get3A_237, %select_n3A : vector<512x128xi1>, vector<512x128xi32>
        %swap3A_268 = arith.constant 0 : index
        %swap3A_269 = arith.constant 0 : index
        %swap3A_270 = vector.load %arg5[%swap3A_268, %swap3A_269] : memref<512x128xi32, #tpu.memory_space<vmem>>, vector<512x128xi32>
        tpu.vector_store %arg5[%swap3A_268, %swap3A_269], %select_n3A_267 {strides = array<i32>} : memref<512x128xi32, #tpu.memory_space<vmem>>, vector<512x128xi32>,
        %select_n3A_271 = arith.select %xor3A_266, %get3A_240, %select_n3A_253 : vector<512x128xi1>, vector<512x128xi32>
        %swap3A_272 = arith.constant 0 : index
        %swap3A_273 = arith.constant 0 : index
        %swap3A_274 = vector.load %arg6[%swap3A_272, %swap3A_273] : memref<512x128xi32, #tpu.memory_space<vmem>>, vector<512x128xi32>
        tpu.vector_store %arg6[%swap3A_272, %swap3A_273], %select_n3A_271 {strides = array<i32>} : memref<512x128xi32, #tpu.memory_space<vmem>>, vector<512x128xi32>,
      } else {
      }
      %gt3A_225 = arith.constant 1 : i32
      %gt3A_226 = arith.cmpi sgt, %scan3A_157, %gt3A_225 : i32
      %convert_element_type3A_227 = arith.extui %gt3A_226 : i1 to i32
      %cond3A_228 = arith.constant 0 : i32
      %cond3A_229 = arith.cmpi ne, %convert_element_type3A_227, %cond3A_228 : i32
      scf.if %cond3A_229 {
        %get3A_235 = arith.constant 0 : index
        %get3A_236 = arith.constant 0 : index
        %get3A_237 = vector.load %arg5[%get3A_235, %get3A_236] : memref<512x128xi32, #tpu.memory_space<vmem>>, vector<512x128xi32>
        %get3A_238 = arith.constant 0 : index
        %get3A_239 = arith.constant 0 : index
        %get3A_240 = vector.load %arg6[%get3A_238, %get3A_239] : memref<512x128xi32, #tpu.memory_space<vmem>>, vector<512x128xi32>
        %and3A_241 = arith.constant 2 : i32
        %and3A_242 = vector.broadcast %and3A_241 : i32 to vector<512x128xi32>
        %and3A_243 = arith.andi %iota3A_109, %and3A_242 : vector<512x128xi32>
        %ne3A = arith.constant 0 : i32
        %ne3A_244 = vector.broadcast %ne3A : i32 to vector<512x128xi32>
        %ne3A_245 = arith.cmpi ne, %and3A_243, %ne3A_244 : vector<512x128xi32>
        %roll3A = arith.constant 2 : i32
        %roll3A_246 = tpu.dynamic_rotate %get3A_237 by %roll3A dim 1 : vector<512x128xi32>, i32 -> vector<512x128xi32>
        %roll3A_247 = arith.constant 126 : i32
        %roll3A_248 = tpu.dynamic_rotate %get3A_237 by %roll3A_247 dim 1 : vector<512x128xi32>, i32 -> vector<512x128xi32>
        %select_n3A = arith.select %ne3A_245, %roll3A_246, %roll3A_248 : vector<512x128xi1>, vector<512x128xi32>
        %roll3A_249 = arith.constant 2 : i32
        %roll3A_250 = tpu.dynamic_rotate %get3A_240 by %roll3A_249 dim 1 : vector<512x128xi32>, i32 -> vector<512x128xi32>
        %roll3A_251 = arith.constant 126 : i32
        %roll3A_252 = tpu.dynamic_rotate %get3A_240 by %roll3A_251 dim 1 : vector<512x128xi32>, i32 -> vector<512x128xi32>
        %select_n3A_253 = arith.select %ne3A_245, %roll3A_250, %roll3A_252 : vector<512x128xi1>, vector<512x128xi32>
        %gt3A_254 = arith.cmpi sgt, %get3A_237, %select_n3A : vector<512x128xi32>
        %eq3A = arith.cmpi eq, %get3A_237, %select_n3A : vector<512x128xi32>
        %lt3A = arith.cmpi slt, %get3A_240, %select_n3A_253 : vector<512x128xi32>
        %and3A_255 = arith.andi %eq3A, %lt3A : vector<512x128xi1>
        %or3A_256 = arith.ori %gt3A_254, %and3A_255 : vector<512x128xi1>
        %shift_right_arithmetic3A_257 = vector.broadcast %scan3A_157 : i32 to vector<512x128xi32>
        %shift_right_arithmetic3A_258 = arith.shrsi %add3A, %shift_right_arithmetic3A_257 : vector<512x128xi32>
        %and3A_259 = arith.constant 1 : i32
        %and3A_260 = vector.broadcast %and3A_259 : i32 to vector<512x128xi32>
        %and3A_261 = arith.andi %shift_right_arithmetic3A_258, %and3A_260 : vector<512x128xi32>
        %ne3A_262 = arith.constant 0 : i32
        %ne3A_263 = vector.broadcast %ne3A_262 : i32 to vector<512x128xi32>
        %ne3A_264 = arith.cmpi ne, %and3A_261, %ne3A_263 : vector<512x128xi32>
        %xor3A_265 = arith.xori %or3A_256, %ne3A_264 : vector<512x128xi1>
        %xor3A_266 = arith.xori %xor3A_265, %ne3A_245 : vector<512x128xi1>
        %select_n3A_267 = arith.select %xor3A_266, %get3A_237, %select_n3A : vector<512x128xi1>, vector<512x128xi32>
        %swap3A_268 = arith.constant 0 : index
        %swap3A_269 = arith.constant 0 : index
        %swap3A_270 = vector.load %arg5[%swap3A_268, %swap3A_269] : memref<512x128xi32, #tpu.memory_space<vmem>>, vector<512x128xi32>
        tpu.vector_store %arg5[%swap3A_268, %swap3A_269], %select_n3A_267 {strides = array<i32>} : memref<512x128xi32, #tpu.memory_space<vmem>>, vector<512x128xi32>,
        %select_n3A_271 = arith.select %xor3A_266, %get3A_240, %select_n3A_253 : vector<512x128xi1>, vector<512x128xi32>
        %swap3A_272 = arith.constant 0 : index
        %swap3A_273 = arith.constant 0 : index
        %swap3A_274 = vector.load %arg6[%swap3A_272, %swap3A_273] : memref<512x128xi32, #tpu.memory_space<vmem>>, vector<512x128xi32>
        tpu.vector_store %arg6[%swap3A_272, %swap3A_273], %select_n3A_271 {strides = array<i32>} : memref<512x128xi32, #tpu.memory_space<vmem>>, vector<512x128xi32>,
      } else {
      }
      %gt3A_230 = arith.constant 0 : i32
      %gt3A_231 = arith.cmpi sgt, %scan3A_157, %gt3A_230 : i32
      %convert_element_type3A_232 = arith.extui %gt3A_231 : i1 to i32
      %cond3A_233 = arith.constant 0 : i32
      %cond3A_234 = arith.cmpi ne, %convert_element_type3A_232, %cond3A_233 : i32
      scf.if %cond3A_234 {
        %get3A_235 = arith.constant 0 : index
        %get3A_236 = arith.constant 0 : index
        %get3A_237 = vector.load %arg5[%get3A_235, %get3A_236] : memref<512x128xi32, #tpu.memory_space<vmem>>, vector<512x128xi32>
        %get3A_238 = arith.constant 0 : index
        %get3A_239 = arith.constant 0 : index
        %get3A_240 = vector.load %arg6[%get3A_238, %get3A_239] : memref<512x128xi32, #tpu.memory_space<vmem>>, vector<512x128xi32>
        %and3A_241 = arith.constant 1 : i32
        %and3A_242 = vector.broadcast %and3A_241 : i32 to vector<512x128xi32>
        %and3A_243 = arith.andi %iota3A_109, %and3A_242 : vector<512x128xi32>
        %ne3A = arith.constant 0 : i32
        %ne3A_244 = vector.broadcast %ne3A : i32 to vector<512x128xi32>
        %ne3A_245 = arith.cmpi ne, %and3A_243, %ne3A_244 : vector<512x128xi32>
        %roll3A = arith.constant 1 : i32
        %roll3A_246 = tpu.dynamic_rotate %get3A_237 by %roll3A dim 1 : vector<512x128xi32>, i32 -> vector<512x128xi32>
        %roll3A_247 = arith.constant 127 : i32
        %roll3A_248 = tpu.dynamic_rotate %get3A_237 by %roll3A_247 dim 1 : vector<512x128xi32>, i32 -> vector<512x128xi32>
        %select_n3A = arith.select %ne3A_245, %roll3A_246, %roll3A_248 : vector<512x128xi1>, vector<512x128xi32>
        %roll3A_249 = arith.constant 1 : i32
        %roll3A_250 = tpu.dynamic_rotate %get3A_240 by %roll3A_249 dim 1 : vector<512x128xi32>, i32 -> vector<512x128xi32>
        %roll3A_251 = arith.constant 127 : i32
        %roll3A_252 = tpu.dynamic_rotate %get3A_240 by %roll3A_251 dim 1 : vector<512x128xi32>, i32 -> vector<512x128xi32>
        %select_n3A_253 = arith.select %ne3A_245, %roll3A_250, %roll3A_252 : vector<512x128xi1>, vector<512x128xi32>
        %gt3A_254 = arith.cmpi sgt, %get3A_237, %select_n3A : vector<512x128xi32>
        %eq3A = arith.cmpi eq, %get3A_237, %select_n3A : vector<512x128xi32>
        %lt3A = arith.cmpi slt, %get3A_240, %select_n3A_253 : vector<512x128xi32>
        %and3A_255 = arith.andi %eq3A, %lt3A : vector<512x128xi1>
        %or3A_256 = arith.ori %gt3A_254, %and3A_255 : vector<512x128xi1>
        %shift_right_arithmetic3A_257 = vector.broadcast %scan3A_157 : i32 to vector<512x128xi32>
        %shift_right_arithmetic3A_258 = arith.shrsi %add3A, %shift_right_arithmetic3A_257 : vector<512x128xi32>
        %and3A_259 = arith.constant 1 : i32
        %and3A_260 = vector.broadcast %and3A_259 : i32 to vector<512x128xi32>
        %and3A_261 = arith.andi %shift_right_arithmetic3A_258, %and3A_260 : vector<512x128xi32>
        %ne3A_262 = arith.constant 0 : i32
        %ne3A_263 = vector.broadcast %ne3A_262 : i32 to vector<512x128xi32>
        %ne3A_264 = arith.cmpi ne, %and3A_261, %ne3A_263 : vector<512x128xi32>
        %xor3A_265 = arith.xori %or3A_256, %ne3A_264 : vector<512x128xi1>
        %xor3A_266 = arith.xori %xor3A_265, %ne3A_245 : vector<512x128xi1>
        %select_n3A_267 = arith.select %xor3A_266, %get3A_237, %select_n3A : vector<512x128xi1>, vector<512x128xi32>
        %swap3A_268 = arith.constant 0 : index
        %swap3A_269 = arith.constant 0 : index
        %swap3A_270 = vector.load %arg5[%swap3A_268, %swap3A_269] : memref<512x128xi32, #tpu.memory_space<vmem>>, vector<512x128xi32>
        tpu.vector_store %arg5[%swap3A_268, %swap3A_269], %select_n3A_267 {strides = array<i32>} : memref<512x128xi32, #tpu.memory_space<vmem>>, vector<512x128xi32>,
        %select_n3A_271 = arith.select %xor3A_266, %get3A_240, %select_n3A_253 : vector<512x128xi1>, vector<512x128xi32>
        %swap3A_272 = arith.constant 0 : index
        %swap3A_273 = arith.constant 0 : index
        %swap3A_274 = vector.load %arg6[%swap3A_272, %swap3A_273] : memref<512x128xi32, #tpu.memory_space<vmem>>, vector<512x128xi32>
        tpu.vector_store %arg6[%swap3A_272, %swap3A_273], %select_n3A_271 {strides = array<i32>} : memref<512x128xi32, #tpu.memory_space<vmem>>, vector<512x128xi32>,
      } else {
      }
    }
    %scan3A_136 = arith.constant 16 : i32
    %get3A_137 = arith.constant 0 : index
    %get3A_138 = arith.constant 0 : index
    %get3A_139 = vector.load %arg5[%get3A_137, %get3A_138] : memref<512x128xi32, #tpu.memory_space<vmem>>, vector<512x128xi32>
    %shift_right_arithmetic3A_140 = arith.constant 31 : i32
    %shift_right_arithmetic3A_141 = vector.broadcast %shift_right_arithmetic3A_140 : i32 to vector<512x128xi32>
    %shift_right_arithmetic3A_142 = arith.shrsi %get3A_139, %shift_right_arithmetic3A_141 : vector<512x128xi32>
    %and3A_143 = arith.constant 2147483647 : i32
    %and3A_144 = vector.broadcast %and3A_143 : i32 to vector<512x128xi32>
    %and3A_145 = arith.andi %shift_right_arithmetic3A_142, %and3A_144 : vector<512x128xi32>
    %xor3A_146 = arith.xori %get3A_139, %and3A_145 : vector<512x128xi32>
    %bitcast_convert_type3A_147 = tpu.bitcast %xor3A_146 : vector<512x128xi32> -> vector<512x128xf32>
    %swap3A_148 = arith.constant 0 : index
    %swap3A_149 = arith.constant 0 : index
    %swap3A_150 = vector.load %arg2[%swap3A_148, %swap3A_149] : memref<512x128xf32, #tpu.memory_space<vmem>>, vector<512x128xf32>
    tpu.vector_store %arg2[%swap3A_148, %swap3A_149], %bitcast_convert_type3A_147 {strides = array<i32>} : memref<512x128xf32, #tpu.memory_space<vmem>>, vector<512x128xf32>,
    %get3A_151 = arith.constant 0 : index
    %get3A_152 = arith.constant 0 : index
    %get3A_153 = vector.load %arg6[%get3A_151, %get3A_152] : memref<512x128xi32, #tpu.memory_space<vmem>>, vector<512x128xi32>
    %swap3A_154 = arith.constant 0 : index
    %swap3A_155 = arith.constant 0 : index
    %swap3A_156 = vector.load %arg3[%swap3A_154, %swap3A_155] : memref<512x128xi32, #tpu.memory_space<vmem>>, vector<512x128xi32>
    tpu.vector_store %arg3[%swap3A_154, %swap3A_155], %get3A_153 {strides = array<i32>} : memref<512x128xi32, #tpu.memory_space<vmem>>, vector<512x128xi32>,
    return
  }
}

</mosaic_0001>

<sc_bundles>
// kernel: kernel.5.cloned.1.call-start
scs
__scs_entry_jumppad:
0x0: {  	(pc) =	sbr.rel $0x88, $3  }
0x1: {  	(tag) =	ssettag $0x0;
	lr =	simm.s32 $0x1  }
0x2: {  	[smem:$0x3F9A] =	sst lr;
	_ =	strace $0xD0000000  }
0x3: {  	_ = 	snop  }
0x4: {  	_ = 	snop  }
0x5: {  	_ = 	snop  }
0x6: {  	_ = 	snop  }
0x7: {  	_ = 	snop  }
__scs_overlays_trampoline_lowered:
0x8: {  	[smem:$0x3FA9] =	sst s0  }
0x9: {  	[smem:$0x3FAA] =	sst s1  }
0xa: {  	[smem:$0x3FAB] =	sst s2  }
0xb: {  	[smem:$0x3FAC] =	sst s3  }
0xc: {  	[smem:$0x3FAD] =	sst s4  }
0xd: {  	[smem:$0x3FAE] =	sst s5  }
0xe: {  	[smem:$0x3FAF] =	sst s6  }
0xf: {  	[smem:$0x3FB0] =	sst s7  }
0x10: {  	[smem:$0x3FB1] =	sst s8  }
0x11: {  	[smem:$0x3FB2] =	sst s9;
	s0 =	simm.s32 @!p0 $0x0  }
0x12: {  	s1 =	sld [smem:$0x3F98];
	s0 =	simm.s32 @p0 $0x1  }
0x13: {  	[smem:$0x3FB3] =	sst s0;
	s0 =	simm.s32 @!p1 $0x0  }
0x14: {  	s2 =	sld [smem:$0x3F97];
	s0 =	simm.s32 @p1 $0x1  }
0x15: {  	[smem:$0x3FB4] =	sst s0;
	s0 =	simm.s32 @!p2 $0x0  }
0x16: {  	s3 =	sld [smem:$0x3FDB];
	s0 =	simm.s32 @p2 $0x1  }
0x17: {  	s4 =	simm.s32 $0x1BF5;
	[smem:$0x3FB6] =	sst s0  }
0x18: {  	s0 =	sld [smem:$0x3F99];
	_ =	swait.ge [sflag:s4], $0x0  }
0x19: {  	s7 =	sld [smem:$0x3F9A]  }
0x1a: {  	s8 =	sadd.s32 $0xFFFFE003, lr  }
0x1b: {  	s9 =	sadd.s32 $0xFFFFFEF7, lr;
	s5 =	simm.s32 $0xFFFFFFFF;
	p2 =	slt.u32 s8, $0xFFFFF086  }
0x1c: {  	p1 =	slt.u32 s9, $0xF7A;
	s5 =	simm.s32 @!p2 $0x0  }
0x1d: {  	s5 =	simm.s32 @p1 $0x1;
	p0 =	seq.s32 s7, s2  }
0x1e: {  	s7 =	smul.u32 @!p0 $0xF7A, s2;
	p2 =	seq.s32 @!p0 s5, $0x0  }
0x1f: {  	s9 =	smul.u32 $0xF7A, s1;
	s8 =	simm.s32 @!p0 $0x1BF5;
	p2 =	por !p2, p0  }
0x20: {  	[sflag:s8] =	ssyncset.s32 @!p0 $0xFFFFF086;
	s6 =	sadd.s32 @!p0 s3, s7;
	s7 =	simm.s32 @!p0 $0x108  }
0x21: {  	s3 =	sadd.s32 s3, s9;
	s6 =	sadd.s32 @!p0 $0x88, s6;
	s7 =	simm.s32 @p2 $0x1082  }
0x22: {  	[simem:s7], [sflag:s8] =	dma.local @!p0 [hbm:s6], $0xF7A  }
0x23: {  	s9 =	sor.u32 $0xD0000000, s2;
	s6 =	simm.s32 $0x108;
	_ =	swait.ge @!p0 [sflag:s8], $0x0  }
0x24: {  	s3 =	sadd.s32 $0x88, s3;
	s6 =	simm.s32 @!p1 $0x1082;
	[sflag:s4] =	ssyncset.s32 $0xFFFFF086  }
0x25: {  	[simem:s6], [sflag:s4] =	dma.local [hbm:s3], $0xF7A  }
0x26: {  	[smem:$0x3F9A] =	sst s1;
	(tag) =	ssettag s2;
	_ =	strace s9  }
0x27: {  	s1 =	sld [smem:$0x3FAA]  }
0x28: {  	s2 =	sld [smem:$0x3FAB]  }
0x29: {  	s4 =	sld [smem:$0x3FAD]  }
0x2a: {  	p0 =	seq.s32 s5, $0x0;
	s5 =	sld [smem:$0x3FAE]  }
0x2b: {  	s6 =	sld [smem:$0x3FAF]  }
0x2c: {  	s7 =	sld [smem:$0x3FB0]  }
0x2d: {  	s3 =	simm.s32 $0x108;
	s8 =	sld [smem:$0x3FB1]  }
0x2e: {  	s3 =	simm.s32 @!p0 $0x1082;
	s9 =	sld [smem:$0x3FB2]  }
0x2f: {  	lr =	sadd.s32 s0, s3;
	s0 =	sld [smem:$0x3FA9]  }
0x30: {  	s3 =	sld [smem:$0x3FAC]  }
0x31: {  	[smem:$0x3FB5] =	sst s10  }
0x32: {  	s10 =	sld [smem:$0x3FB3];
	_ =	sdelay $0x3  }
0x33: {  	p0 =	seq.s32 s10, $0x1;
	s10 =	sld [smem:$0x3FB5];
	_ =	sdelay $0x3  }
0x34: {  	[smem:$0x3FB5] =	sst s10  }
0x35: {  	s10 =	sld [smem:$0x3FB4];
	_ =	sdelay $0x3  }
0x36: {  	p1 =	seq.s32 s10, $0x1;
	s10 =	sld [smem:$0x3FB5];
	_ =	sdelay $0x3  }
0x37: {  	[smem:$0x3FB5] =	sst s10  }
0x38: {  	s10 =	sld [smem:$0x3FB6]  }
0x39: {  	_ = 	snop;
	(pc) =	sbr.ind lr, $3  }
0x3a: {  	_ = 	snop  }
0x3b: {  	_ = 	snop  }
0x3c: {  	p2 =	seq.s32 s10, $0x1;
	s10 =	sld [smem:$0x3FB5]  }
0x3d: {  	_ =	shalt  }
0x3e: {  	_ =	shalt  }
0x3f: {  	_ =	shalt  }
0x40: {  	_ =	shalt  }
0x41: {  	_ =	shalt  }
0x42: {  	_ =	shalt  }
0x43: {  	_ =	shalt  }
0x44: {  	_ =	shalt  }
0x45: {  	_ =	shalt  }
0x46: {  	_ =	shalt  }
0x47: {  	_ =	shalt  }
0x48: {  	_ =	shalt  }
0x49: {  	_ =	shalt  }
0x4a: {  	_ =	shalt  }
0x4b: {  	_ =	shalt  }
0x4c: {  	_ =	shalt  }
0x4d: {  	_ =	shalt  }
0x4e: {  	_ =	shalt  }
0x4f: {  	_ =	shalt  }
0x50: {  	_ =	shalt  }
0x51: {  	_ =	shalt  }
0x52: {  	_ =	shalt  }
0x53: {  	_ =	shalt  }
0x54: {  	_ =	shalt  }
0x55: {  	_ =	shalt  }
0x56: {  	_ =	shalt  }
0x57: {  	_ =	shalt  }
0x58: {  	_ =	shalt  }
0x59: {  	_ =	shalt  }
0x5a: {  	_ =	shalt  }
0x5b: {  	_ =	shalt  }
0x5c: {  	_ =	shalt  }
0x5d: {  	_ =	shalt  }
0x5e: {  	_ =	shalt  }
0x5f: {  	_ =	shalt  }
0x60: {  	_ =	shalt  }
0x61: {  	_ =	shalt  }
0x62: {  	_ =	shalt  }
0x63: {  	_ =	shalt  }
0x64: {  	_ =	shalt  }
0x65: {  	_ =	shalt  }
0x66: {  	_ =	shalt  }
0x67: {  	_ =	shalt  }
0x68: {  	_ =	shalt  }
0x69: {  	_ =	shalt  }
0x6a: {  	_ =	shalt  }
0x6b: {  	_ =	shalt  }
0x6c: {  	_ =	shalt  }
0x6d: {  	_ =	shalt  }
0x6e: {  	_ =	shalt  }
0x6f: {  	_ =	shalt  }
0x70: {  	_ =	shalt  }
0x71: {  	_ =	shalt  }
0x72: {  	_ =	shalt  }
0x73: {  	_ =	shalt  }
0x74: {  	_ =	shalt  }
0x75: {  	_ =	shalt  }
0x76: {  	_ =	shalt  }
0x77: {  	_ =	shalt  }
0x78: {  	_ =	shalt  }
0x79: {  	_ =	shalt  }
0x7a: {  	_ =	shalt  }
0x7b: {  	_ =	shalt  }
0x7c: {  	_ =	shalt  }
0x7d: {  	_ =	shalt  }
0x7e: {  	_ =	shalt  }
0x7f: {  	_ =	shalt  }
0x80: {  	_ =	shalt  }
0x81: {  	_ =	shalt  }
0x82: {  	_ =	shalt  }
0x83: {  	_ =	shalt  }
0x84: {  	_ =	shalt  }
0x85: {  	_ =	shalt  }
0x86: {  	_ =	shalt  }
0x87: {  	_ =	shalt  }
.Lfunc_end0:
.L_simem_size_0:
called_computation.1_lowered:
.L_overlay_start_0:
0x88: {  	s2 =	sld [smem:$0x3FD9]  }
0x89: {  	s3 =	sld [smem:$0x3FFE];
	_ =	sdelay $0x1  }
0x8a: {  	s1 =	srdreg.scid  }
0x8b: {  	s0 =	sand.u32 $0x1, s1  }
0x8c: {  	s15 =	sshll.u32 s0, $0xA;
	s2 =	sadd.s32 s3, s2  }
0x8d: {  	s2 =	sadd.s32 s2, s15  }
0x8e: {  	[smem:$0x3FC1] =	sst s2  }
0x8f: {  	_ = 	snop  }
0x90: {  	s16 =	sld [smem:$0x3FD0];
	_ =	sdelay $0x2  }
0x91: {  	s4 =	simm.s32 $0xB;
	s5 =	simm.s32 $0x10;
	s2 =	sld [smem:$0x3FC4]  }
0x92: {  	[smem:s5], [sflag:s4] =	dma.local [hbm:s16], $0x1  }
0x93: {  	_ =	swait.eq [sflag:s4], $0x1  }
0x94: {  	[sflag:s4] =	ssyncset.done $0x0  }
0x95: {  	[sflag:s4] =	ssyncadd.s32 $0xFFFFFFFF  }
0x96: {  	s17 =	sld [smem:$0x13];
	(tm) =	ssettm $0x1  }
0x97: {  	s18 =	sld [smem:$0x3FFB];
	_ =	sdelay $0x3  }
0x98: {  	_ =	strace s18  }
0x99: {  	s3 =	sld [smem:$0x3FFC];
	_ =	sdelay $0x3  }
0x9a: {  	_ =	strace s3  }
0x9b: {  	s3 =	sld [smem:$0x3FFD];
	_ =	sdelay $0x3  }
0x9c: {  	_ =	strace s3  }
0x9d: {  	_ =	strace $0x8FFFFFFF  }
0x9e: {  	s19 =	sld [smem:$0x3FDB];
	_ =	sdelay $0x1  }
0x9f: {  	s20 =	simm.s32 $_scs_section_size  }
0xa0: {  	s6 =	simm.s32 $_size__tile_overlayer_lowered;
	s7 =	simm.s32 $_tile_overlayer_lowered  }
0xa1: {  	s8 =	simm.s32 $0x1BFF;
	s21 =	sshll.u32 s7, $0x1;
	s5 =	sadd.s32 s20, s19  }
0xa2: {  	s22 =	simm.s32 $0x0;
	s6 =	sshll.u32 s6, $0x1;
	s7 =	sadd.s32 s21, s5  }
0xa3: {  	[timem:s22], [sflag:s8] =	dma.local [hbm:s7], s6  }
0xa4: {  	_ =	swait.ge [sflag:s8], s6  }
0xa5: {  	s6 =	ssub.s32 $0x0, s6;
	[sflag:s8] =	ssyncset.done $0x0  }
0xa6: {  	[sflag:s8] =	ssyncadd.s32 s6;
	_ =	sdelay $0x1  }
0xa7: {  	s23 =	simm.s32 $0x1B8B  }
0xa8: {  	_ =	swait.ge [sflag:s23], $0x1  }
0xa9: {  	[sflag:s23] =	ssyncset.done $0x0  }
0xaa: {  	[sflag:s23] =	ssyncadd.s32 $0xFFFFFFFF  }
0xab: {  	s6 =	sld [smem:$0x0]  }
0xac: {  	s7 =	sand.u32 $0xFFFFFFFE, s1  }
0xad: {  	p0 =	sne.s32 s1, s7  }
0xae: {  	s7 =	sshll.u32 @p0 s7, $0xE  }
0xaf: {  	s7 =	sadd.s32 @p0 $0x11B8D, s7;
	s8 =	sshll.u32 @p0 s6, $0x11  }
0xb0: {  	s7 =	sor.u32 @p0 s8, s7  }
0xb1: {  	[sflag:s7] =	ssyncadd.remote.s32 @p0 $0x1;
	_ =	sdelay $0x1  }
0xb2: {  	s7 =	simm.s32 @p0 $0x1B8D  }
0xb3: {  	_ =	swait.eq @p0 [sflag:s7], $0x1  }
0xb4: {  	[sflag:s7] =	ssyncadd.s32 @p0 $0xFFFFFFFF  }
0xb5: {  	s8 =	sshll.u32 @!p0 s1, $0xE  }
0xb6: {  	s8 =	sor.u32 @!p0 $0x4000, s8;
	s7 =	simm.s32 @!p0 $0x1B8D  }
0xb7: {  	s6 =	sshll.u32 @!p0 s6, $0x11;
	s8 =	sadd.s32 @!p0 $0x11B8D, s8;
	_ =	swait.eq @!p0 [sflag:s7], $0x1  }
0xb8: {  	s6 =	sor.u32 @!p0 s6, s8;
	[sflag:s7] =	ssyncadd.s32 @!p0 $0xFFFFFFFF  }
0xb9: {  	s25 =	simm.s32 $0x1B8E;
	s24 =	sld [smem:$0x3FFE];
	[sflag:s6] =	ssyncadd.remote.s32 @!p0 $0x1  }
0xba: {  	s26 =	simm.s32 $execute0_lowered;
	[smem:$0x3FD2] =	sst s25  }
0xbb: {  	s7 =	sshll.u32 s26, $0x1;
	_ =	strace $0x80000049;
	[dreg:$0x1] =	wrdreg $0xFFFFFFFF  }
0xbc: {  	s28 =	simm.s32 $_size_execute0_lowered;
	s5 =	sadd.s32 s5, s7;
	[dreg:$0x0] =	wrdreg $0x0  }
0xbd: {  	s7 =	sshll.u32 s28, $0x1;
	[dreg:$0x2] =	wrdreg s5  }
0xbe: {  	[dreg:$0x3] =	wrdreg s7  }
0xbf: {  	[dreg:$0x4] =	wrdreg $0xC0  }
0xc0: {  	_ =	task [dreg:s22], $0x5FFFF  }
0xc1: {  	[dreg:$0x1] =	wrdreg $0xFFFFFFFF  }
0xc2: {  	[dreg:$0x0] =	wrdreg $0x60  }
0xc3: {  	[dreg:$0x2] =	wrdreg s2  }
0xc4: {  	[dreg:$0x3] =	wrdreg s24  }
0xc5: {  	[dreg:$0x4] =	wrdreg s17  }
0xc6: {  	[dreg:$0x5] =	wrdreg $0x9  }
0xc7: {  	_ =	task.clear_ibuf [dreg:s22], $0x6FFFF;
	_ =	strace $0x90000049  }
0xc8: {  	s29 =	simm.s32 $0x9;
	_ =	strace $0x8000004B  }
0xc9: {  	_ =	swait.ge [sflag:s29], $0x1  }
0xca: {  	[sflag:s29] =	ssyncadd.s32 $0xFFFFFFFF  }
0xcb: {  	_ =	strace $0x9000004B  }
0xcc: {  	_ =	sfence  }
0xcd: {  	s30 =	sld [smem:$0x0];
	_ =	sdelay $0x2  }
0xce: {  	s31 =	sshll.u32 s1, $0xD;
	s1 =	sshrl.u32 s1, $0x2  }
0xcf: {  	s4 =	sand.u32 $0x4000, s31;
	s1 =	sadd.s32 s1, s30  }
0xd0: {  	s0 =	sor.u32 s4, s0;
	s1 =	sshll.u32 s1, $0x11  }
0xd1: {  	s0 =	sor.u32 s1, s0  }
0xd2: {  	s0 =	sadd.s32 $0x8F2B, s0  }
0xd3: {  	[sflag:s0] =	ssyncadd.remote.s32 $0x1  }
0xd4: {  	_ =	sfence.sel $0xFFFF  }
0xd5: {  	[dreg:$0x0] =	wrdreg $0xFFFFFFFF;
	(pc) =	sbr.abs _section_cstart, $3  }
0xd6: {  	[dreg:$0x1] =	wrdreg $0xFFFFFFFF  }
0xd7: {  	_ =	task.clear_ibuf [dreg:s22], $0x2FFFF;
	_ =	strace $0x9FFFFFFF  }
0xd8: {  	(tm) =	ssettm $0x7FFFFFFF  }
0xd9: {  	_ =	shalt  }
tec
execute0_lowered:
.L_overlay_start_1:
0x0: {  	(tag) =	ssettag $0x1  }
0x1: {  	s1 =	rddreg [dreg:$0x0]  }
0x2: {  	s0 =	rddreg [dreg:$0x1]  }
0x3: {  	s2 =	rddreg [dreg:$0x2];
	s3 =	srdreg.scid  }
0x4: {  	s5 =	stileid.u32;
	s14 =	simm.s32 $0x5;
	s15 =	simm.s32 $0x200  }
0x5: {  	s16 =	simm.s32 $0xA00;
	s17 =	simm.s32 $0x1200;
	s18 =	simm.s32 $0x1A00  }
0x6: {  	s19 =	simm.s32 $0x2200;
	s20 =	simm.s32 $0x2A00;
	s21 =	simm.s32 $0x3200  }
0x7: {  	s28 =	simm.s32 $0x6200;
	s29 =	simm.s32 $0x6A00;
	s30 =	simm.s32 $0x7200  }
0x8: {  	s31 =	simm.s32 $0x7A00;
	s7 =	simm.s32 $0x0;
	s4 =	sand.u32 $0x1, s3  }
0x9: {  	s3 =	simm.s32 $0x0;
	s5 =	sshll.u32 s5, $0xA;
	s6 =	sshll.u32 s4, $0x9  }
0xa: {  	[smem:$0x7FF] =	sst s3;
	s4 =	ssub.s32 $0x2, s4;
	s5 =	sor.u32 s6, s5  }
0xb: {  	_ =	strace $0x8000004A;
	s22 =	sshrl.u32 s4, $0x1;
	s6 =	sshrl.u32 s5, $0x3  }
0xc: {  	s5 =	sshll.u32 s5, $0x5;
	s4 =	ssub.s32 s4, s22;
	s22 =	simm.s32 $0x3A00  }
0xd: {  	s0 =	sadd.s32 s6, s0;
	s5 =	sadd.s32 s2, s5;
	s13 =	smax.u32 s4, $0x1  }
0xe: {  	s2 =	simm.s32 $0x3;
	s4 =	simm.s32 $0x2;
	s0 =	sadd.s32 $0x1200, s0  }
0xf: {  	s6 =	simm.s32 $0x4;
	s23 =	sadd.s32 $0x800, s5;
	[dreg:$0x4] =	wrdreg s0  }
0x10: {  	s24 =	sadd.s32 $0x1000, s5;
	s25 =	sadd.s32 $0x1800, s5;
	[dreg:$0x5] =	wrdreg s23  }
0x11: {  	s26 =	sadd.s32 $0x2000, s5;
	s10 =	sadd.s32 $0x2800, s5;
	[dreg:$0x6] =	wrdreg s24  }
0x12: {  	v2 =	vlaneseq.u32;
	s11 =	sadd.s32 $0x3000, s5;
	s12 =	sadd.s32 $0x3800, s5;
	[dreg:$0x7] =	wrdreg s25  }
0x13: {  	vm0 =	vmmov $0xffff;
	v1 =	vshrl.u32 v2, $0x3;
	[dreg:$0x8] =	wrdreg s26;
	s23 =	simm.s32 $0x4200;
	s24 =	simm.s32 $0x4A00  }
0x14: {  	v0 =	vand.u32 $0x7, v2;
	v2 =	vor.u32 $0x8, v2;
	v1 =	vmul.u32 $0x8, v1;
	s25 =	simm.s32 $0x5200;
	s26 =	simm.s32 $0x5A00;
	s0 =	simm.s32 $0x1  }
.LBB2_1:
0x15: {  	s8 =	rddreg [dreg:$0x4]  }
0x16: {  	[tilespmem:s3], [sflag:$0x5] =	stream.linear.gather [hbm4b:s8+s3], $0x200, $0x38;
	[tilespmem:$0x8200] =	vst v63  }
0x17: {  	_ =	swait.ge [sflag:s14], $0x200  }
0x18: {  	[sflag:s14] =	ssyncset.done $0x0  }
0x19: {  	s9 =	simm.s32 $0x40;
	s8 =	simm.s32 $0x0;
	[sflag:s14] =	ssyncadd.s32 $0xFFFFFE00  }
.LBB2_2:
0x1a: {  	p0 =	sne.s32 s9, $0x7C0;
	v3 =	vld [tilespmem:s8+$0x0];
	_ =	sdelay $0x1  }
.Ltmp0:
0x1b: {  	(pc) =	sbr.rel @p0 .LBB2_2-.Ltmp0, $3  }
0x1c: {  	_ =	sdelay $0x1  }
0x1d: {  	v3 =	vshra.s32 v3, $0x2  }
0x1e: {  	[tilespmem:s8+$0x0] =	vst v3;
	s8 =	sshra.s32 s9, $0x2;
	s9 =	sadd.s32 $0x40, s9  }
0x1f: {  	v3 =	vld [tilespmem:s8+$0x0];
	_ =	sdelay $0x4  }
0x20: {  	v3 =	vshra.s32 v3, $0x2  }
0x21: {  	[tilespmem:s8+$0x0] =	vst v3  }
0x22: {  	v3 =	vld [tilespmem:$0x0];
	_ =	sdelay $0x4  }
0x23: {  	v4 =	vshll.u32 v3, $0x1  }
0x24: {  	v3 =	vand.u32 $0x7, v3;
	v4 =	vand.u32 $0xFFFFFFF0, v4  }
0x25: {  	v3 =	vor.u32 v3, v4  }
0x26: {  	v4 =	vperm.xlane v3, v0;
	_ =	sdelay $0x1  }
0x27: {  	v3 =	vperm.xlane v3, v2;
	v4 =	vadd.s32 v1, v4;
	_ =	sdelay $0x1  }
0x28: {  	v3 =	vadd.s32 v1, v3;
	_ =	sdelay $0x2  }
0x29: {  	[tilespmem:s15], [sflag:$0x1] =	stream.indirect_vreg.gather [hbm4b:s1+s3], $0x80, v4, vm0, $0xb8;
	[tilespmem:$0x8200] =	vst v63  }
0x2a: {  	_ = 	snop  }
0x2b: {  	[tilespmem:s16], [sflag:$0x1] =	stream.indirect_vreg.gather [hbm4b:s1+s3], $0x80, v3, vm0, $0xb8;
	[tilespmem:$0x8200] =	vst v63  }
0x2c: {  	v3 =	vld [tilespmem:$0x10];
	_ =	sdelay $0x4  }
0x2d: {  	v33 =	vshll.u32 v3, $0x1  }
0x2e: {  	v3 =	vand.u32 $0x7, v3;
	v4 =	vand.u32 $0xFFFFFFF0, v33  }
0x2f: {  	v3 =	vor.u32 v3, v4  }
0x30: {  	v4 =	vperm.xlane v3, v0;
	_ =	sdelay $0x1  }
0x31: {  	v3 =	vperm.xlane v3, v2;
	v4 =	vadd.s32 v1, v4;
	_ =	sdelay $0x1  }
0x32: {  	v3 =	vadd.s32 v1, v3;
	_ =	sdelay $0x2  }
0x33: {  	[tilespmem:s17], [sflag:$0x1] =	stream.indirect_vreg.gather [hbm4b:s1+s3], $0x80, v4, vm0, $0xb8;
	[tilespmem:$0x8200] =	vst v63  }
0x34: {  	_ = 	snop  }
0x35: {  	[tilespmem:s18], [sflag:$0x1] =	stream.indirect_vreg.gather [hbm4b:s1+s3], $0x80, v3, vm0, $0xb8;
	[tilespmem:$0x8200] =	vst v63  }
0x36: {  	v3 =	vld [tilespmem:$0x20];
	_ =	sdelay $0x4  }
0x37: {  	v34 =	vshll.u32 v3, $0x1  }
0x38: {  	v3 =	vand.u32 $0x7, v3;
	v4 =	vand.u32 $0xFFFFFFF0, v34  }
0x39: {  	v3 =	vor.u32 v3, v4  }
0x3a: {  	v4 =	vperm.xlane v3, v0;
	_ =	sdelay $0x1  }
0x3b: {  	v3 =	vperm.xlane v3, v2;
	v4 =	vadd.s32 v1, v4;
	_ =	sdelay $0x1  }
0x3c: {  	v3 =	vadd.s32 v1, v3;
	_ =	sdelay $0x2  }
0x3d: {  	[tilespmem:s19], [sflag:$0x1] =	stream.indirect_vreg.gather [hbm4b:s1+s3], $0x80, v4, vm0, $0xb8;
	[tilespmem:$0x8200] =	vst v63  }
0x3e: {  	_ = 	snop  }
0x3f: {  	[tilespmem:s20], [sflag:$0x1] =	stream.indirect_vreg.gather [hbm4b:s1+s3], $0x80, v3, vm0, $0xb8;
	[tilespmem:$0x8200] =	vst v63  }
0x40: {  	v3 =	vld [tilespmem:$0x30];
	_ =	sdelay $0x4  }
0x41: {  	v35 =	vshll.u32 v3, $0x1  }
0x42: {  	v3 =	vand.u32 $0x7, v3;
	v4 =	vand.u32 $0xFFFFFFF0, v35  }
0x43: {  	v3 =	vor.u32 v3, v4  }
0x44: {  	v4 =	vperm.xlane v3, v0;
	_ =	sdelay $0x1  }
0x45: {  	v3 =	vperm.xlane v3, v2;
	v4 =	vadd.s32 v1, v4;
	_ =	sdelay $0x1  }
0x46: {  	v3 =	vadd.s32 v1, v3;
	_ =	sdelay $0x2  }
0x47: {  	[tilespmem:s21], [sflag:$0x1] =	stream.indirect_vreg.gather [hbm4b:s1+s3], $0x80, v4, vm0, $0xb8;
	[tilespmem:$0x8200] =	vst v63  }
0x48: {  	_ = 	snop  }
0x49: {  	[tilespmem:s22], [sflag:$0x1] =	stream.indirect_vreg.gather [hbm4b:s1+s3], $0x80, v3, vm0, $0xb8;
	[tilespmem:$0x8200] =	vst v63  }
0x4a: {  	v3 =	vld [tilespmem:$0x40];
	_ =	sdelay $0x4  }
0x4b: {  	v36 =	vshll.u32 v3, $0x1  }
0x4c: {  	v3 =	vand.u32 $0x7, v3;
	v4 =	vand.u32 $0xFFFFFFF0, v36  }
0x4d: {  	v3 =	vor.u32 v3, v4  }
0x4e: {  	v4 =	vperm.xlane v3, v0;
	_ =	sdelay $0x1  }
0x4f: {  	v3 =	vperm.xlane v3, v2;
	v4 =	vadd.s32 v1, v4;
	_ =	sdelay $0x1  }
0x50: {  	v3 =	vadd.s32 v1, v3;
	_ =	sdelay $0x2  }
0x51: {  	[tilespmem:s23], [sflag:$0x2] =	stream.indirect_vreg.gather [hbm4b:s1+s3], $0x80, v4, vm0, $0xb8;
	[tilespmem:$0x8200] =	vst v63  }
0x52: {  	_ = 	snop  }
0x53: {  	[tilespmem:s24], [sflag:$0x2] =	stream.indirect_vreg.gather [hbm4b:s1+s3], $0x80, v3, vm0, $0xb8;
	[tilespmem:$0x8200] =	vst v63  }
0x54: {  	v3 =	vld [tilespmem:$0x50];
	_ =	sdelay $0x4  }
0x55: {  	v37 =	vshll.u32 v3, $0x1  }
0x56: {  	v3 =	vand.u32 $0x7, v3;
	v4 =	vand.u32 $0xFFFFFFF0, v37  }
0x57: {  	v3 =	vor.u32 v3, v4  }
0x58: {  	v4 =	vperm.xlane v3, v0;
	_ =	sdelay $0x1  }
0x59: {  	v3 =	vperm.xlane v3, v2;
	v4 =	vadd.s32 v1, v4;
	_ =	sdelay $0x1  }
0x5a: {  	v3 =	vadd.s32 v1, v3;
	_ =	sdelay $0x2  }
0x5b: {  	[tilespmem:s25], [sflag:$0x2] =	stream.indirect_vreg.gather [hbm4b:s1+s3], $0x80, v4, vm0, $0xb8;
	[tilespmem:$0x8200] =	vst v63  }
0x5c: {  	_ = 	snop  }
0x5d: {  	[tilespmem:s26], [sflag:$0x2] =	stream.indirect_vreg.gather [hbm4b:s1+s3], $0x80, v3, vm0, $0xb8;
	[tilespmem:$0x8200] =	vst v63  }
0x5e: {  	v3 =	vld [tilespmem:$0x60];
	_ =	sdelay $0x4  }
0x5f: {  	v38 =	vshll.u32 v3, $0x1  }
0x60: {  	v3 =	vand.u32 $0x7, v3;
	v4 =	vand.u32 $0xFFFFFFF0, v38  }
0x61: {  	v3 =	vor.u32 v3, v4  }
0x62: {  	v4 =	vperm.xlane v3, v0;
	_ =	sdelay $0x1  }
0x63: {  	v3 =	vperm.xlane v3, v2;
	v4 =	vadd.s32 v1, v4;
	_ =	sdelay $0x1  }
0x64: {  	v3 =	vadd.s32 v1, v3;
	_ =	sdelay $0x2  }
0x65: {  	[tilespmem:s28], [sflag:$0x2] =	stream.indirect_vreg.gather [hbm4b:s1+s3], $0x80, v4, vm0, $0xb8;
	[tilespmem:$0x8200] =	vst v63  }
0x66: {  	_ = 	snop  }
0x67: {  	[tilespmem:s29], [sflag:$0x2] =	stream.indirect_vreg.gather [hbm4b:s1+s3], $0x80, v3, vm0, $0xb8;
	[tilespmem:$0x8200] =	vst v63  }
0x68: {  	v3 =	vld [tilespmem:$0x70];
	_ =	sdelay $0x4  }
0x69: {  	v39 =	vshll.u32 v3, $0x1  }
0x6a: {  	v3 =	vand.u32 $0x7, v3;
	v4 =	vand.u32 $0xFFFFFFF0, v39  }
0x6b: {  	v3 =	vor.u32 v3, v4  }
0x6c: {  	v4 =	vperm.xlane v3, v0;
	_ =	sdelay $0x1  }
0x6d: {  	v3 =	vperm.xlane v3, v2;
	v4 =	vadd.s32 v1, v4;
	_ =	sdelay $0x1  }
0x6e: {  	v3 =	vadd.s32 v1, v3;
	_ =	sdelay $0x2  }
0x6f: {  	[tilespmem:s30], [sflag:$0x2] =	stream.indirect_vreg.gather [hbm4b:s1+s3], $0x80, v4, vm0, $0xb8;
	[tilespmem:$0x8200] =	vst v63  }
0x70: {  	_ = 	snop  }
0x71: {  	[tilespmem:s31], [sflag:$0x2] =	stream.indirect_vreg.gather [hbm4b:s1+s3], $0x80, v3, vm0, $0xb8;
	[tilespmem:$0x8200] =	vst v63  }
0x72: {  	_ =	swait.ge [sflag:s0], $0x4000  }
0x73: {  	[sflag:s0] =	ssyncset.done $0x0  }
0x74: {  	[sflag:s0] =	ssyncadd.s32 $0xFFFFC000  }
0x75: {  	[hbm4b:s5+s3] =	stream.linear.scatter [tilespmem:s15], [sflag:$0x3], $0x4000, $0x38;
	[tilespmem:$0x8200] =	vst v63  }
0x76: {  	_ =	swait.ge [sflag:s2], $0x4000  }
0x77: {  	[sflag:s2] =	ssyncset.done $0x0  }
0x78: {  	[sflag:s2] =	ssyncadd.s32 $0xFFFFC000  }
0x79: {  	v3 =	vld [tilespmem:$0x80];
	_ =	sdelay $0x4  }
0x7a: {  	v40 =	vshll.u32 v3, $0x1  }
0x7b: {  	v3 =	vand.u32 $0x7, v3;
	v4 =	vand.u32 $0xFFFFFFF0, v40  }
0x7c: {  	v3 =	vor.u32 v3, v4  }
0x7d: {  	v4 =	vperm.xlane v3, v0;
	_ =	sdelay $0x1  }
0x7e: {  	v3 =	vperm.xlane v3, v2;
	v4 =	vadd.s32 v1, v4;
	_ =	sdelay $0x1  }
0x7f: {  	v3 =	vadd.s32 v1, v3;
	_ =	sdelay $0x2  }
0x80: {  	[tilespmem:s15], [sflag:$0x1] =	stream.indirect_vreg.gather [hbm4b:s1+s3], $0x80, v4, vm0, $0xb8;
	[tilespmem:$0x8200] =	vst v63  }
0x81: {  	_ = 	snop  }
0x82: {  	[tilespmem:s16], [sflag:$0x1] =	stream.indirect_vreg.gather [hbm4b:s1+s3], $0x80, v3, vm0, $0xb8;
	[tilespmem:$0x8200] =	vst v63  }
0x83: {  	v3 =	vld [tilespmem:$0x90];
	_ =	sdelay $0x4  }
0x84: {  	v41 =	vshll.u32 v3, $0x1  }
0x85: {  	v3 =	vand.u32 $0x7, v3;
	v4 =	vand.u32 $0xFFFFFFF0, v41  }
0x86: {  	v3 =	vor.u32 v3, v4  }
0x87: {  	v4 =	vperm.xlane v3, v0;
	_ =	sdelay $0x1  }
0x88: {  	v3 =	vperm.xlane v3, v2;
	v4 =	vadd.s32 v1, v4;
	_ =	sdelay $0x1  }
0x89: {  	v3 =	vadd.s32 v1, v3;
	_ =	sdelay $0x2  }
0x8a: {  	[tilespmem:s17], [sflag:$0x1] =	stream.indirect_vreg.gather [hbm4b:s1+s3], $0x80, v4, vm0, $0xb8;
	[tilespmem:$0x8200] =	vst v63  }
0x8b: {  	_ = 	snop  }
0x8c: {  	[tilespmem:s18], [sflag:$0x1] =	stream.indirect_vreg.gather [hbm4b:s1+s3], $0x80, v3, vm0, $0xb8;
	[tilespmem:$0x8200] =	vst v63  }
0x8d: {  	v3 =	vld [tilespmem:$0xA0];
	_ =	sdelay $0x4  }
0x8e: {  	v42 =	vshll.u32 v3, $0x1  }
0x8f: {  	v3 =	vand.u32 $0x7, v3;
	v4 =	vand.u32 $0xFFFFFFF0, v42  }
0x90: {  	v3 =	vor.u32 v3, v4  }
0x91: {  	v4 =	vperm.xlane v3, v0;
	_ =	sdelay $0x1  }
0x92: {  	v3 =	vperm.xlane v3, v2;
	v4 =	vadd.s32 v1, v4;
	_ =	sdelay $0x1  }
0x93: {  	v3 =	vadd.s32 v1, v3;
	_ =	sdelay $0x2  }
0x94: {  	[tilespmem:s19], [sflag:$0x1] =	stream.indirect_vreg.gather [hbm4b:s1+s3], $0x80, v4, vm0, $0xb8;
	[tilespmem:$0x8200] =	vst v63  }
0x95: {  	_ = 	snop  }
0x96: {  	[tilespmem:s20], [sflag:$0x1] =	stream.indirect_vreg.gather [hbm4b:s1+s3], $0x80, v3, vm0, $0xb8;
	[tilespmem:$0x8200] =	vst v63  }
0x97: {  	v3 =	vld [tilespmem:$0xB0];
	_ =	sdelay $0x4  }
0x98: {  	v43 =	vshll.u32 v3, $0x1  }
0x99: {  	v3 =	vand.u32 $0x7, v3;
	v4 =	vand.u32 $0xFFFFFFF0, v43  }
0x9a: {  	v3 =	vor.u32 v3, v4  }
0x9b: {  	v4 =	vperm.xlane v3, v0;
	_ =	sdelay $0x1  }
0x9c: {  	v3 =	vperm.xlane v3, v2;
	v4 =	vadd.s32 v1, v4;
	_ =	sdelay $0x1  }
0x9d: {  	v3 =	vadd.s32 v1, v3;
	_ =	sdelay $0x2  }
0x9e: {  	[tilespmem:s21], [sflag:$0x1] =	stream.indirect_vreg.gather [hbm4b:s1+s3], $0x80, v4, vm0, $0xb8;
	[tilespmem:$0x8200] =	vst v63  }
0x9f: {  	_ = 	snop  }
0xa0: {  	[tilespmem:s22], [sflag:$0x1] =	stream.indirect_vreg.gather [hbm4b:s1+s3], $0x80, v3, vm0, $0xb8;
	[tilespmem:$0x8200] =	vst v63  }
0xa1: {  	_ =	swait.ge [sflag:s4], $0x4000  }
0xa2: {  	[sflag:s4] =	ssyncset.done $0x0  }
0xa3: {  	s9 =	rddreg [dreg:$0x5];
	[sflag:s4] =	ssyncadd.s32 $0xFFFFC000  }
0xa4: {  	[hbm4b:s9+s3] =	stream.linear.scatter [tilespmem:s23], [sflag:$0x4], $0x4000, $0x38;
	[tilespmem:$0x8200] =	vst v63  }
0xa5: {  	_ =	swait.ge [sflag:s6], $0x4000  }
0xa6: {  	[sflag:s6] =	ssyncset.done $0x0  }
0xa7: {  	[sflag:s6] =	ssyncadd.s32 $0xFFFFC000  }
0xa8: {  	v3 =	vld [tilespmem:$0xC0];
	_ =	sdelay $0x4  }
0xa9: {  	v44 =	vshll.u32 v3, $0x1  }
0xaa: {  	v3 =	vand.u32 $0x7, v3;
	v4 =	vand.u32 $0xFFFFFFF0, v44  }
0xab: {  	v3 =	vor.u32 v3, v4  }
0xac: {  	v4 =	vperm.xlane v3, v0;
	_ =	sdelay $0x1  }
0xad: {  	v3 =	vperm.xlane v3, v2;
	v4 =	vadd.s32 v1, v4;
	_ =	sdelay $0x1  }
0xae: {  	v3 =	vadd.s32 v1, v3;
	_ =	sdelay $0x2  }
0xaf: {  	[tilespmem:s23], [sflag:$0x2] =	stream.indirect_vreg.gather [hbm4b:s1+s3], $0x80, v4, vm0, $0xb8;
	[tilespmem:$0x8200] =	vst v63  }
0xb0: {  	_ = 	snop  }
0xb1: {  	[tilespmem:s24], [sflag:$0x2] =	stream.indirect_vreg.gather [hbm4b:s1+s3], $0x80, v3, vm0, $0xb8;
	[tilespmem:$0x8200] =	vst v63  }
0xb2: {  	v3 =	vld [tilespmem:$0xD0];
	_ =	sdelay $0x4  }
0xb3: {  	v45 =	vshll.u32 v3, $0x1  }
0xb4: {  	v3 =	vand.u32 $0x7, v3;
	v4 =	vand.u32 $0xFFFFFFF0, v45  }
0xb5: {  	v3 =	vor.u32 v3, v4  }
0xb6: {  	v4 =	vperm.xlane v3, v0;
	_ =	sdelay $0x1  }
0xb7: {  	v3 =	vperm.xlane v3, v2;
	v4 =	vadd.s32 v1, v4;
	_ =	sdelay $0x1  }
0xb8: {  	v3 =	vadd.s32 v1, v3;
	_ =	sdelay $0x2  }
0xb9: {  	[tilespmem:s25], [sflag:$0x2] =	stream.indirect_vreg.gather [hbm4b:s1+s3], $0x80, v4, vm0, $0xb8;
	[tilespmem:$0x8200] =	vst v63  }
0xba: {  	_ = 	snop  }
0xbb: {  	[tilespmem:s26], [sflag:$0x2] =	stream.indirect_vreg.gather [hbm4b:s1+s3], $0x80, v3, vm0, $0xb8;
	[tilespmem:$0x8200] =	vst v63  }
0xbc: {  	v3 =	vld [tilespmem:$0xE0];
	_ =	sdelay $0x4  }
0xbd: {  	v46 =	vshll.u32 v3, $0x1  }
0xbe: {  	v3 =	vand.u32 $0x7, v3;
	v4 =	vand.u32 $0xFFFFFFF0, v46  }
0xbf: {  	v3 =	vor.u32 v3, v4  }
0xc0: {  	v4 =	vperm.xlane v3, v0;
	_ =	sdelay $0x1  }
0xc1: {  	v3 =	vperm.xlane v3, v2;
	v4 =	vadd.s32 v1, v4;
	_ =	sdelay $0x1  }
0xc2: {  	v3 =	vadd.s32 v1, v3;
	_ =	sdelay $0x2  }
0xc3: {  	[tilespmem:s28], [sflag:$0x2] =	stream.indirect_vreg.gather [hbm4b:s1+s3], $0x80, v4, vm0, $0xb8;
	[tilespmem:$0x8200] =	vst v63  }
0xc4: {  	_ = 	snop  }
0xc5: {  	[tilespmem:s29], [sflag:$0x2] =	stream.indirect_vreg.gather [hbm4b:s1+s3], $0x80, v3, vm0, $0xb8;
	[tilespmem:$0x8200] =	vst v63  }
0xc6: {  	v3 =	vld [tilespmem:$0xF0];
	_ =	sdelay $0x4  }
0xc7: {  	v47 =	vshll.u32 v3, $0x1  }
0xc8: {  	v3 =	vand.u32 $0x7, v3;
	v4 =	vand.u32 $0xFFFFFFF0, v47  }
0xc9: {  	v3 =	vor.u32 v3, v4  }
0xca: {  	v4 =	vperm.xlane v3, v0;
	_ =	sdelay $0x1  }
0xcb: {  	v3 =	vperm.xlane v3, v2;
	v4 =	vadd.s32 v1, v4;
	_ =	sdelay $0x1  }
0xcc: {  	v3 =	vadd.s32 v1, v3;
	_ =	sdelay $0x2  }
0xcd: {  	[tilespmem:s30], [sflag:$0x2] =	stream.indirect_vreg.gather [hbm4b:s1+s3], $0x80, v4, vm0, $0xb8;
	[tilespmem:$0x8200] =	vst v63  }
0xce: {  	_ = 	snop  }
0xcf: {  	[tilespmem:s31], [sflag:$0x2] =	stream.indirect_vreg.gather [hbm4b:s1+s3], $0x80, v3, vm0, $0xb8;
	[tilespmem:$0x8200] =	vst v63  }
0xd0: {  	_ =	swait.ge [sflag:s0], $0x4000  }
0xd1: {  	[sflag:s0] =	ssyncset.done $0x0  }
0xd2: {  	s9 =	rddreg [dreg:$0x6];
	[sflag:s0] =	ssyncadd.s32 $0xFFFFC000  }
0xd3: {  	[hbm4b:s9+s3] =	stream.linear.scatter [tilespmem:s15], [sflag:$0x3], $0x4000, $0x38;
	[tilespmem:$0x8200] =	vst v63  }
0xd4: {  	_ =	swait.ge [sflag:s2], $0x4000  }
0xd5: {  	[sflag:s2] =	ssyncset.done $0x0  }
0xd6: {  	[sflag:s2] =	ssyncadd.s32 $0xFFFFC000  }
0xd7: {  	v3 =	vld [tilespmem:$0x100];
	_ =	sdelay $0x4  }
0xd8: {  	v48 =	vshll.u32 v3, $0x1  }
0xd9: {  	v3 =	vand.u32 $0x7, v3;
	v4 =	vand.u32 $0xFFFFFFF0, v48  }
0xda: {  	v3 =	vor.u32 v3, v4  }
0xdb: {  	v4 =	vperm.xlane v3, v0;
	_ =	sdelay $0x1  }
0xdc: {  	v3 =	vperm.xlane v3, v2;
	v4 =	vadd.s32 v1, v4;
	_ =	sdelay $0x1  }
0xdd: {  	v3 =	vadd.s32 v1, v3;
	_ =	sdelay $0x2  }
0xde: {  	[tilespmem:s15], [sflag:$0x1] =	stream.indirect_vreg.gather [hbm4b:s1+s3], $0x80, v4, vm0, $0xb8;
	[tilespmem:$0x8200] =	vst v63  }
0xdf: {  	_ = 	snop  }
0xe0: {  	[tilespmem:s16], [sflag:$0x1] =	stream.indirect_vreg.gather [hbm4b:s1+s3], $0x80, v3, vm0, $0xb8;
	[tilespmem:$0x8200] =	vst v63  }
0xe1: {  	v3 =	vld [tilespmem:$0x110];
	_ =	sdelay $0x4  }
0xe2: {  	v49 =	vshll.u32 v3, $0x1  }
0xe3: {  	v3 =	vand.u32 $0x7, v3;
	v4 =	vand.u32 $0xFFFFFFF0, v49  }
0xe4: {  	v3 =	vor.u32 v3, v4  }
0xe5: {  	v4 =	vperm.xlane v3, v0;
	_ =	sdelay $0x1  }
0xe6: {  	v3 =	vperm.xlane v3, v2;
	v4 =	vadd.s32 v1, v4;
	_ =	sdelay $0x1  }
0xe7: {  	v3 =	vadd.s32 v1, v3;
	_ =	sdelay $0x2  }
0xe8: {  	[tilespmem:s17], [sflag:$0x1] =	stream.indirect_vreg.gather [hbm4b:s1+s3], $0x80, v4, vm0, $0xb8;
	[tilespmem:$0x8200] =	vst v63  }
0xe9: {  	_ = 	snop  }
0xea: {  	[tilespmem:s18], [sflag:$0x1] =	stream.indirect_vreg.gather [hbm4b:s1+s3], $0x80, v3, vm0, $0xb8;
	[tilespmem:$0x8200] =	vst v63  }
0xeb: {  	v3 =	vld [tilespmem:$0x120];
	_ =	sdelay $0x4  }
0xec: {  	v50 =	vshll.u32 v3, $0x1  }
0xed: {  	v3 =	vand.u32 $0x7, v3;
	v4 =	vand.u32 $0xFFFFFFF0, v50  }
0xee: {  	v3 =	vor.u32 v3, v4  }
0xef: {  	v4 =	vperm.xlane v3, v0;
	_ =	sdelay $0x1  }
0xf0: {  	v3 =	vperm.xlane v3, v2;
	v4 =	vadd.s32 v1, v4;
	_ =	sdelay $0x1  }
0xf1: {  	v3 =	vadd.s32 v1, v3;
	_ =	sdelay $0x2  }
0xf2: {  	[tilespmem:s19], [sflag:$0x1] =	stream.indirect_vreg.gather [hbm4b:s1+s3], $0x80, v4, vm0, $0xb8;
	[tilespmem:$0x8200] =	vst v63  }
0xf3: {  	_ = 	snop  }
0xf4: {  	[tilespmem:s20], [sflag:$0x1] =	stream.indirect_vreg.gather [hbm4b:s1+s3], $0x80, v3, vm0, $0xb8;
	[tilespmem:$0x8200] =	vst v63  }
0xf5: {  	v3 =	vld [tilespmem:$0x130];
	_ =	sdelay $0x4  }
0xf6: {  	v51 =	vshll.u32 v3, $0x1  }
0xf7: {  	v3 =	vand.u32 $0x7, v3;
	v4 =	vand.u32 $0xFFFFFFF0, v51  }
0xf8: {  	v3 =	vor.u32 v3, v4  }
0xf9: {  	v4 =	vperm.xlane v3, v0;
	_ =	sdelay $0x1  }
0xfa: {  	v3 =	vperm.xlane v3, v2;
	v4 =	vadd.s32 v1, v4;
	_ =	sdelay $0x1  }
0xfb: {  	v3 =	vadd.s32 v1, v3;
	_ =	sdelay $0x2  }
0xfc: {  	[tilespmem:s21], [sflag:$0x1] =	stream.indirect_vreg.gather [hbm4b:s1+s3], $0x80, v4, vm0, $0xb8;
	[tilespmem:$0x8200] =	vst v63  }
0xfd: {  	_ = 	snop  }
0xfe: {  	[tilespmem:s22], [sflag:$0x1] =	stream.indirect_vreg.gather [hbm4b:s1+s3], $0x80, v3, vm0, $0xb8;
	[tilespmem:$0x8200] =	vst v63  }
0xff: {  	_ =	swait.ge [sflag:s4], $0x4000  }
0x100: {  	[sflag:s4] =	ssyncset.done $0x0  }
0x101: {  	s9 =	rddreg [dreg:$0x7];
	[sflag:s4] =	ssyncadd.s32 $0xFFFFC000  }
0x102: {  	[hbm4b:s9+s3] =	stream.linear.scatter [tilespmem:s23], [sflag:$0x4], $0x4000, $0x38;
	[tilespmem:$0x8200] =	vst v63  }
0x103: {  	_ =	swait.ge [sflag:s6], $0x4000  }
0x104: {  	[sflag:s6] =	ssyncset.done $0x0  }
0x105: {  	[sflag:s6] =	ssyncadd.s32 $0xFFFFC000  }
0x106: {  	v3 =	vld [tilespmem:$0x140];
	_ =	sdelay $0x4  }
0x107: {  	v52 =	vshll.u32 v3, $0x1  }
0x108: {  	v3 =	vand.u32 $0x7, v3;
	v4 =	vand.u32 $0xFFFFFFF0, v52  }
0x109: {  	v3 =	vor.u32 v3, v4  }
0x10a: {  	v4 =	vperm.xlane v3, v0;
	_ =	sdelay $0x1  }
0x10b: {  	v3 =	vperm.xlane v3, v2;
	v4 =	vadd.s32 v1, v4;
	_ =	sdelay $0x1  }
0x10c: {  	v3 =	vadd.s32 v1, v3;
	_ =	sdelay $0x2  }
0x10d: {  	[tilespmem:s23], [sflag:$0x2] =	stream.indirect_vreg.gather [hbm4b:s1+s3], $0x80, v4, vm0, $0xb8;
	[tilespmem:$0x8200] =	vst v63  }
0x10e: {  	_ = 	snop  }
0x10f: {  	[tilespmem:s24], [sflag:$0x2] =	stream.indirect_vreg.gather [hbm4b:s1+s3], $0x80, v3, vm0, $0xb8;
	[tilespmem:$0x8200] =	vst v63  }
0x110: {  	v3 =	vld [tilespmem:$0x150];
	_ =	sdelay $0x4  }
0x111: {  	v53 =	vshll.u32 v3, $0x1  }
0x112: {  	v3 =	vand.u32 $0x7, v3;
	v4 =	vand.u32 $0xFFFFFFF0, v53  }
0x113: {  	v3 =	vor.u32 v3, v4  }
0x114: {  	v4 =	vperm.xlane v3, v0;
	_ =	sdelay $0x1  }
0x115: {  	v3 =	vperm.xlane v3, v2;
	v4 =	vadd.s32 v1, v4;
	_ =	sdelay $0x1  }
0x116: {  	v3 =	vadd.s32 v1, v3;
	_ =	sdelay $0x2  }
0x117: {  	[tilespmem:s25], [sflag:$0x2] =	stream.indirect_vreg.gather [hbm4b:s1+s3], $0x80, v4, vm0, $0xb8;
	[tilespmem:$0x8200] =	vst v63  }
0x118: {  	_ = 	snop  }
0x119: {  	[tilespmem:s26], [sflag:$0x2] =	stream.indirect_vreg.gather [hbm4b:s1+s3], $0x80, v3, vm0, $0xb8;
	[tilespmem:$0x8200] =	vst v63  }
0x11a: {  	v3 =	vld [tilespmem:$0x160];
	_ =	sdelay $0x4  }
0x11b: {  	v54 =	vshll.u32 v3, $0x1  }
0x11c: {  	v3 =	vand.u32 $0x7, v3;
	v4 =	vand.u32 $0xFFFFFFF0, v54  }
0x11d: {  	v3 =	vor.u32 v3, v4  }
0x11e: {  	v4 =	vperm.xlane v3, v0;
	_ =	sdelay $0x1  }
0x11f: {  	v3 =	vperm.xlane v3, v2;
	v4 =	vadd.s32 v1, v4;
	_ =	sdelay $0x1  }
0x120: {  	v3 =	vadd.s32 v1, v3;
	_ =	sdelay $0x2  }
0x121: {  	[tilespmem:s28], [sflag:$0x2] =	stream.indirect_vreg.gather [hbm4b:s1+s3], $0x80, v4, vm0, $0xb8;
	[tilespmem:$0x8200] =	vst v63  }
0x122: {  	_ = 	snop  }
0x123: {  	[tilespmem:s29], [sflag:$0x2] =	stream.indirect_vreg.gather [hbm4b:s1+s3], $0x80, v3, vm0, $0xb8;
	[tilespmem:$0x8200] =	vst v63  }
0x124: {  	v3 =	vld [tilespmem:$0x170];
	_ =	sdelay $0x4  }
0x125: {  	v55 =	vshll.u32 v3, $0x1  }
0x126: {  	v3 =	vand.u32 $0x7, v3;
	v4 =	vand.u32 $0xFFFFFFF0, v55  }
0x127: {  	v3 =	vor.u32 v3, v4  }
0x128: {  	v4 =	vperm.xlane v3, v0;
	_ =	sdelay $0x1  }
0x129: {  	v3 =	vperm.xlane v3, v2;
	v4 =	vadd.s32 v1, v4;
	_ =	sdelay $0x1  }
0x12a: {  	v3 =	vadd.s32 v1, v3;
	_ =	sdelay $0x2  }
0x12b: {  	[tilespmem:s30], [sflag:$0x2] =	stream.indirect_vreg.gather [hbm4b:s1+s3], $0x80, v4, vm0, $0xb8;
	[tilespmem:$0x8200] =	vst v63  }
0x12c: {  	_ = 	snop  }
0x12d: {  	[tilespmem:s31], [sflag:$0x2] =	stream.indirect_vreg.gather [hbm4b:s1+s3], $0x80, v3, vm0, $0xb8;
	[tilespmem:$0x8200] =	vst v63  }
0x12e: {  	_ =	swait.ge [sflag:s0], $0x4000  }
0x12f: {  	[sflag:s0] =	ssyncset.done $0x0  }
0x130: {  	s9 =	rddreg [dreg:$0x8];
	[sflag:s0] =	ssyncadd.s32 $0xFFFFC000  }
0x131: {  	[hbm4b:s9+s3] =	stream.linear.scatter [tilespmem:s15], [sflag:$0x3], $0x4000, $0x38;
	[tilespmem:$0x8200] =	vst v63  }
0x132: {  	_ =	swait.ge [sflag:s2], $0x4000  }
0x133: {  	[sflag:s2] =	ssyncset.done $0x0  }
0x134: {  	[sflag:s2] =	ssyncadd.s32 $0xFFFFC000  }
0x135: {  	v3 =	vld [tilespmem:$0x180];
	_ =	sdelay $0x4  }
0x136: {  	v56 =	vshll.u32 v3, $0x1  }
0x137: {  	v3 =	vand.u32 $0x7, v3;
	v4 =	vand.u32 $0xFFFFFFF0, v56  }
0x138: {  	v3 =	vor.u32 v3, v4  }
0x139: {  	v4 =	vperm.xlane v3, v0;
	_ =	sdelay $0x1  }
0x13a: {  	v3 =	vperm.xlane v3, v2;
	v4 =	vadd.s32 v1, v4;
	_ =	sdelay $0x1  }
0x13b: {  	v3 =	vadd.s32 v1, v3;
	_ =	sdelay $0x2  }
0x13c: {  	[tilespmem:s15], [sflag:$0x1] =	stream.indirect_vreg.gather [hbm4b:s1+s3], $0x80, v4, vm0, $0xb8;
	[tilespmem:$0x8200] =	vst v63  }
0x13d: {  	_ = 	snop  }
0x13e: {  	[tilespmem:s16], [sflag:$0x1] =	stream.indirect_vreg.gather [hbm4b:s1+s3], $0x80, v3, vm0, $0xb8;
	[tilespmem:$0x8200] =	vst v63  }
0x13f: {  	v3 =	vld [tilespmem:$0x190];
	_ =	sdelay $0x4  }
0x140: {  	v57 =	vshll.u32 v3, $0x1  }
0x141: {  	v3 =	vand.u32 $0x7, v3;
	v4 =	vand.u32 $0xFFFFFFF0, v57  }
0x142: {  	v3 =	vor.u32 v3, v4  }
0x143: {  	v4 =	vperm.xlane v3, v0;
	_ =	sdelay $0x1  }
0x144: {  	v3 =	vperm.xlane v3, v2;
	v4 =	vadd.s32 v1, v4;
	_ =	sdelay $0x1  }
0x145: {  	v3 =	vadd.s32 v1, v3;
	_ =	sdelay $0x2  }
0x146: {  	[tilespmem:s17], [sflag:$0x1] =	stream.indirect_vreg.gather [hbm4b:s1+s3], $0x80, v4, vm0, $0xb8;
	[tilespmem:$0x8200] =	vst v63  }
0x147: {  	_ = 	snop  }
0x148: {  	[tilespmem:s18], [sflag:$0x1] =	stream.indirect_vreg.gather [hbm4b:s1+s3], $0x80, v3, vm0, $0xb8;
	[tilespmem:$0x8200] =	vst v63  }
0x149: {  	v3 =	vld [tilespmem:$0x1A0];
	_ =	sdelay $0x4  }
0x14a: {  	v58 =	vshll.u32 v3, $0x1  }
0x14b: {  	v3 =	vand.u32 $0x7, v3;
	v4 =	vand.u32 $0xFFFFFFF0, v58  }
0x14c: {  	v3 =	vor.u32 v3, v4  }
0x14d: {  	v4 =	vperm.xlane v3, v0;
	_ =	sdelay $0x1  }
0x14e: {  	v3 =	vperm.xlane v3, v2;
	v4 =	vadd.s32 v1, v4;
	_ =	sdelay $0x1  }
0x14f: {  	v3 =	vadd.s32 v1, v3;
	_ =	sdelay $0x2  }
0x150: {  	[tilespmem:s19], [sflag:$0x1] =	stream.indirect_vreg.gather [hbm4b:s1+s3], $0x80, v4, vm0, $0xb8;
	[tilespmem:$0x8200] =	vst v63  }
0x151: {  	_ = 	snop  }
0x152: {  	[tilespmem:s20], [sflag:$0x1] =	stream.indirect_vreg.gather [hbm4b:s1+s3], $0x80, v3, vm0, $0xb8;
	[tilespmem:$0x8200] =	vst v63  }
0x153: {  	v3 =	vld [tilespmem:$0x1B0];
	_ =	sdelay $0x4  }
0x154: {  	v59 =	vshll.u32 v3, $0x1  }
0x155: {  	v3 =	vand.u32 $0x7, v3;
	v4 =	vand.u32 $0xFFFFFFF0, v59  }
0x156: {  	v3 =	vor.u32 v3, v4  }
0x157: {  	v4 =	vperm.xlane v3, v0;
	_ =	sdelay $0x1  }
0x158: {  	v3 =	vperm.xlane v3, v2;
	v4 =	vadd.s32 v1, v4;
	_ =	sdelay $0x1  }
0x159: {  	v3 =	vadd.s32 v1, v3;
	_ =	sdelay $0x2  }
0x15a: {  	[tilespmem:s21], [sflag:$0x1] =	stream.indirect_vreg.gather [hbm4b:s1+s3], $0x80, v4, vm0, $0xb8;
	[tilespmem:$0x8200] =	vst v63  }
0x15b: {  	_ = 	snop  }
0x15c: {  	[tilespmem:s22], [sflag:$0x1] =	stream.indirect_vreg.gather [hbm4b:s1+s3], $0x80, v3, vm0, $0xb8;
	[tilespmem:$0x8200] =	vst v63  }
0x15d: {  	_ =	swait.ge [sflag:s4], $0x4000  }
0x15e: {  	[sflag:s4] =	ssyncset.done $0x0  }
0x15f: {  	[sflag:s4] =	ssyncadd.s32 $0xFFFFC000  }
0x160: {  	[hbm4b:s10+s3] =	stream.linear.scatter [tilespmem:s23], [sflag:$0x4], $0x4000, $0x38;
	[tilespmem:$0x8200] =	vst v63  }
0x161: {  	_ =	swait.ge [sflag:s6], $0x4000  }
0x162: {  	[sflag:s6] =	ssyncset.done $0x0  }
0x163: {  	[sflag:s6] =	ssyncadd.s32 $0xFFFFC000  }
0x164: {  	v3 =	vld [tilespmem:$0x1C0];
	_ =	sdelay $0x4  }
0x165: {  	v60 =	vshll.u32 v3, $0x1  }
0x166: {  	v3 =	vand.u32 $0x7, v3;
	v4 =	vand.u32 $0xFFFFFFF0, v60  }
0x167: {  	v3 =	vor.u32 v3, v4  }
0x168: {  	v4 =	vperm.xlane v3, v0;
	_ =	sdelay $0x1  }
0x169: {  	v3 =	vperm.xlane v3, v2;
	v4 =	vadd.s32 v1, v4;
	_ =	sdelay $0x1  }
0x16a: {  	v3 =	vadd.s32 v1, v3;
	_ =	sdelay $0x2  }
0x16b: {  	[tilespmem:s23], [sflag:$0x2] =	stream.indirect_vreg.gather [hbm4b:s1+s3], $0x80, v4, vm0, $0xb8;
	[tilespmem:$0x8200] =	vst v63  }
0x16c: {  	_ = 	snop  }
0x16d: {  	[tilespmem:s24], [sflag:$0x2] =	stream.indirect_vreg.gather [hbm4b:s1+s3], $0x80, v3, vm0, $0xb8;
	[tilespmem:$0x8200] =	vst v63  }
0x16e: {  	v3 =	vld [tilespmem:$0x1D0];
	_ =	sdelay $0x4  }
0x16f: {  	v61 =	vshll.u32 v3, $0x1  }
0x170: {  	v3 =	vand.u32 $0x7, v3;
	v4 =	vand.u32 $0xFFFFFFF0, v61  }
0x171: {  	v3 =	vor.u32 v3, v4  }
0x172: {  	v4 =	vperm.xlane v3, v0;
	_ =	sdelay $0x1  }
0x173: {  	v3 =	vperm.xlane v3, v2;
	v4 =	vadd.s32 v1, v4;
	_ =	sdelay $0x1  }
0x174: {  	v3 =	vadd.s32 v1, v3;
	_ =	sdelay $0x2  }
0x175: {  	[tilespmem:s25], [sflag:$0x2] =	stream.indirect_vreg.gather [hbm4b:s1+s3], $0x80, v4, vm0, $0xb8;
	[tilespmem:$0x8200] =	vst v63  }
0x176: {  	_ = 	snop  }
0x177: {  	[tilespmem:s26], [sflag:$0x2] =	stream.indirect_vreg.gather [hbm4b:s1+s3], $0x80, v3, vm0, $0xb8;
	[tilespmem:$0x8200] =	vst v63  }
0x178: {  	v3 =	vld [tilespmem:$0x1E0];
	_ =	sdelay $0x4  }
0x179: {  	v62 =	vshll.u32 v3, $0x1  }
0x17a: {  	v3 =	vand.u32 $0x7, v3;
	v4 =	vand.u32 $0xFFFFFFF0, v62  }
0x17b: {  	v3 =	vor.u32 v3, v4  }
0x17c: {  	v4 =	vperm.xlane v3, v0;
	_ =	sdelay $0x1  }
0x17d: {  	v3 =	vperm.xlane v3, v2;
	v4 =	vadd.s32 v1, v4;
	_ =	sdelay $0x1  }
0x17e: {  	v3 =	vadd.s32 v1, v3;
	_ =	sdelay $0x2  }
0x17f: {  	[tilespmem:s28], [sflag:$0x2] =	stream.indirect_vreg.gather [hbm4b:s1+s3], $0x80, v4, vm0, $0xb8;
	[tilespmem:$0x8200] =	vst v63  }
0x180: {  	_ = 	snop  }
0x181: {  	[tilespmem:s29], [sflag:$0x2] =	stream.indirect_vreg.gather [hbm4b:s1+s3], $0x80, v3, vm0, $0xb8;
	[tilespmem:$0x8200] =	vst v63  }
0x182: {  	v3 =	vld [tilespmem:$0x1F0];
	_ =	sdelay $0x4  }
0x183: {  	v63 =	vshll.u32 v3, $0x1  }
0x184: {  	v3 =	vand.u32 $0x7, v3;
	v4 =	vand.u32 $0xFFFFFFF0, v63  }
0x185: {  	v3 =	vor.u32 v3, v4  }
0x186: {  	v4 =	vperm.xlane v3, v0;
	_ =	sdelay $0x1  }
0x187: {  	v3 =	vperm.xlane v3, v2;
	v4 =	vadd.s32 v1, v4;
	_ =	sdelay $0x1  }
0x188: {  	v3 =	vadd.s32 v1, v3;
	_ =	sdelay $0x2  }
0x189: {  	[tilespmem:s30], [sflag:$0x2] =	stream.indirect_vreg.gather [hbm4b:s1+s3], $0x80, v4, vm0, $0xb8;
	[tilespmem:$0x8200] =	vst v63  }
0x18a: {  	_ = 	snop  }
0x18b: {  	[tilespmem:s31], [sflag:$0x2] =	stream.indirect_vreg.gather [hbm4b:s1+s3], $0x80, v3, vm0, $0xb8;
	[tilespmem:$0x8200] =	vst v63  }
0x18c: {  	_ =	swait.ge [sflag:s0], $0x4000  }
0x18d: {  	[sflag:s0] =	ssyncset.done $0x0  }
0x18e: {  	[sflag:s0] =	ssyncadd.s32 $0xFFFFC000  }
0x18f: {  	[hbm4b:s11+s3] =	stream.linear.scatter [tilespmem:s15], [sflag:$0x3], $0x4000, $0x38;
	[tilespmem:$0x8200] =	vst v63  }
0x190: {  	_ =	swait.ge [sflag:s4], $0x4000  }
0x191: {  	[sflag:s4] =	ssyncset.done $0x0  }
0x192: {  	s7 =	sadd.s32 $0x1, s7;
	[sflag:s4] =	ssyncadd.s32 $0xFFFFC000  }
0x193: {  	[hbm4b:s12+s3] =	stream.linear.scatter [tilespmem:s23], [sflag:$0x4], $0x4000, $0x38;
	[tilespmem:$0x8200] =	vst v63  }
0x194: {  	p0 =	sne.s32 s7, s13;
	_ =	swait.ge [sflag:s2], $0x4000  }
.Ltmp1:
0x195: {  	[sflag:s2] =	ssyncset.done $0x0;
	(pc) =	sbr.rel @p0 .LBB2_1-.Ltmp1, $4  }
0x196: {  	[sflag:s2] =	ssyncadd.s32 $0xFFFFC000  }
0x197: {  	_ =	swait.ge [sflag:s6], $0x4000  }
0x198: {  	[sflag:s6] =	ssyncset.done $0x0  }
0x199: {  	[sflag:s6] =	ssyncadd.s32 $0xFFFFC000  }
0x19a: {  	_ =	sfence.sel $0x180000  }
0x19b: {  	[bflag:$0x0] =	sbarrier.arrive $0xFFFF  }
0x19c: {  	_ =	strace $0x9000004A  }
0x19d: {  	s0 =	stileid.u32;
	[bflag:$0x2] =	sbarrier.arrive $0xFFFF  }
0x19e: {  	p0 =	sne.s32 s0, $0x0;
	s0 =	rddreg [dreg:$0x3]  }
0x19f: {  	s0 =	sadd.s32 @!p0 $0x100000, s0  }
0x1a0: {  	[sflag:s0] =	ssyncadd.tile.s32 @!p0 $0x1;
	_ =	shalt  }
.Lfunc_end2:
_tile_overlayer_lowered:
.L_overlay_start_2:
0x1a1: {  	(tag) =	ssettag $0x2  }
0x1a2: {  	s0 =	rddreg [dreg:$0x0];
	s2 =	stileid.u32  }
0x1a3: {  	s1 =	rddreg [dreg:$0x1];
	p0 =	sne.s32 s2, $0x0  }
0x1a4: {  	s3 =	rddreg [dreg:$0x2];
	[bflag:$0x3] =	sbarrier.arrive $0xFFFF;
	s2 =	simm.s32 @!p0 $0x1C05  }
0x1a5: {  	[timem:s3], [sflag:s2] =	dma.local @!p0 [hbm:s0], s1  }
0x1a6: {  	s0 =	simm.s32 @!p0 $0x5  }
0x1a7: {  	_ =	swait.ge @!p0 [sflag:s0], s1  }
0x1a8: {  	s1 =	ssub.s32 @!p0 $0x0, s1;
	[sflag:s0] =	ssyncset.done @!p0 $0x0  }
0x1a9: {  	[sflag:s0] =	ssyncadd.s32 @!p0 s1  }
0x1aa: {  	[bflag:$0x3] =	sbarrier.arrive $0xFFFF  }
0x1ab: {  	_ =	shalt  }

// kernel: kernel.8.cloned.1.call-start
scs
__scs_entry_jumppad:
0x0: {  	(pc) =	sbr.rel $0x88, $3  }
0x1: {  	(tag) =	ssettag $0x0;
	lr =	simm.s32 $0x1  }
0x2: {  	[smem:$0x3F9A] =	sst lr;
	_ =	strace $0xD0000000  }
0x3: {  	_ = 	snop  }
0x4: {  	_ = 	snop  }
0x5: {  	_ = 	snop  }
0x6: {  	_ = 	snop  }
0x7: {  	_ = 	snop  }
__scs_overlays_trampoline_lowered:
0x8: {  	[smem:$0x3FA9] =	sst s0  }
0x9: {  	[smem:$0x3FAA] =	sst s1  }
0xa: {  	[smem:$0x3FAB] =	sst s2  }
0xb: {  	[smem:$0x3FAC] =	sst s3  }
0xc: {  	[smem:$0x3FAD] =	sst s4  }
0xd: {  	[smem:$0x3FAE] =	sst s5  }
0xe: {  	[smem:$0x3FAF] =	sst s6  }
0xf: {  	[smem:$0x3FB0] =	sst s7  }
0x10: {  	[smem:$0x3FB1] =	sst s8  }
0x11: {  	[smem:$0x3FB2] =	sst s9;
	s0 =	simm.s32 @!p0 $0x0  }
0x12: {  	s1 =	sld [smem:$0x3F98];
	s0 =	simm.s32 @p0 $0x1  }
0x13: {  	[smem:$0x3FB3] =	sst s0;
	s0 =	simm.s32 @!p1 $0x0  }
0x14: {  	s2 =	sld [smem:$0x3F97];
	s0 =	simm.s32 @p1 $0x1  }
0x15: {  	[smem:$0x3FB4] =	sst s0;
	s0 =	simm.s32 @!p2 $0x0  }
0x16: {  	s3 =	sld [smem:$0x3FDB];
	s0 =	simm.s32 @p2 $0x1  }
0x17: {  	s4 =	simm.s32 $0x1BF5;
	[smem:$0x3FB6] =	sst s0  }
0x18: {  	s0 =	sld [smem:$0x3F99];
	_ =	swait.ge [sflag:s4], $0x0  }
0x19: {  	s7 =	sld [smem:$0x3F9A]  }
0x1a: {  	s8 =	sadd.s32 $0xFFFFE003, lr  }
0x1b: {  	s9 =	sadd.s32 $0xFFFFFEF7, lr;
	s5 =	simm.s32 $0xFFFFFFFF;
	p2 =	slt.u32 s8, $0xFFFFF086  }
0x1c: {  	p1 =	slt.u32 s9, $0xF7A;
	s5 =	simm.s32 @!p2 $0x0  }
0x1d: {  	s5 =	simm.s32 @p1 $0x1;
	p0 =	seq.s32 s7, s2  }
0x1e: {  	s7 =	smul.u32 @!p0 $0xF7A, s2;
	p2 =	seq.s32 @!p0 s5, $0x0  }
0x1f: {  	s9 =	smul.u32 $0xF7A, s1;
	s8 =	simm.s32 @!p0 $0x1BF5;
	p2 =	por !p2, p0  }
0x20: {  	[sflag:s8] =	ssyncset.s32 @!p0 $0xFFFFF086;
	s6 =	sadd.s32 @!p0 s3, s7;
	s7 =	simm.s32 @!p0 $0x108  }
0x21: {  	s3 =	sadd.s32 s3, s9;
	s6 =	sadd.s32 @!p0 $0x88, s6;
	s7 =	simm.s32 @p2 $0x1082  }
0x22: {  	[simem:s7], [sflag:s8] =	dma.local @!p0 [hbm:s6], $0xF7A  }
0x23: {  	s9 =	sor.u32 $0xD0000000, s2;
	s6 =	simm.s32 $0x108;
	_ =	swait.ge @!p0 [sflag:s8], $0x0  }
0x24: {  	s3 =	sadd.s32 $0x88, s3;
	s6 =	simm.s32 @!p1 $0x1082;
	[sflag:s4] =	ssyncset.s32 $0xFFFFF086  }
0x25: {  	[simem:s6], [sflag:s4] =	dma.local [hbm:s3], $0xF7A  }
0x26: {  	[smem:$0x3F9A] =	sst s1;
	(tag) =	ssettag s2;
	_ =	strace s9  }
0x27: {  	s1 =	sld [smem:$0x3FAA]  }
0x28: {  	s2 =	sld [smem:$0x3FAB]  }
0x29: {  	s4 =	sld [smem:$0x3FAD]  }
0x2a: {  	p0 =	seq.s32 s5, $0x0;
	s5 =	sld [smem:$0x3FAE]  }
0x2b: {  	s6 =	sld [smem:$0x3FAF]  }
0x2c: {  	s7 =	sld [smem:$0x3FB0]  }
0x2d: {  	s3 =	simm.s32 $0x108;
	s8 =	sld [smem:$0x3FB1]  }
0x2e: {  	s3 =	simm.s32 @!p0 $0x1082;
	s9 =	sld [smem:$0x3FB2]  }
0x2f: {  	lr =	sadd.s32 s0, s3;
	s0 =	sld [smem:$0x3FA9]  }
0x30: {  	s3 =	sld [smem:$0x3FAC]  }
0x31: {  	[smem:$0x3FB5] =	sst s10  }
0x32: {  	s10 =	sld [smem:$0x3FB3];
	_ =	sdelay $0x3  }
0x33: {  	p0 =	seq.s32 s10, $0x1;
	s10 =	sld [smem:$0x3FB5];
	_ =	sdelay $0x3  }
0x34: {  	[smem:$0x3FB5] =	sst s10  }
0x35: {  	s10 =	sld [smem:$0x3FB4];
	_ =	sdelay $0x3  }
0x36: {  	p1 =	seq.s32 s10, $0x1;
	s10 =	sld [smem:$0x3FB5];
	_ =	sdelay $0x3  }
0x37: {  	[smem:$0x3FB5] =	sst s10  }
0x38: {  	s10 =	sld [smem:$0x3FB6]  }
0x39: {  	_ = 	snop;
	(pc) =	sbr.ind lr, $3  }
0x3a: {  	_ = 	snop  }
0x3b: {  	_ = 	snop  }
0x3c: {  	p2 =	seq.s32 s10, $0x1;
	s10 =	sld [smem:$0x3FB5]  }
0x3d: {  	_ =	shalt  }
0x3e: {  	_ =	shalt  }
0x3f: {  	_ =	shalt  }
0x40: {  	_ =	shalt  }
0x41: {  	_ =	shalt  }
0x42: {  	_ =	shalt  }
0x43: {  	_ =	shalt  }
0x44: {  	_ =	shalt  }
0x45: {  	_ =	shalt  }
0x46: {  	_ =	shalt  }
0x47: {  	_ =	shalt  }
0x48: {  	_ =	shalt  }
0x49: {  	_ =	shalt  }
0x4a: {  	_ =	shalt  }
0x4b: {  	_ =	shalt  }
0x4c: {  	_ =	shalt  }
0x4d: {  	_ =	shalt  }
0x4e: {  	_ =	shalt  }
0x4f: {  	_ =	shalt  }
0x50: {  	_ =	shalt  }
0x51: {  	_ =	shalt  }
0x52: {  	_ =	shalt  }
0x53: {  	_ =	shalt  }
0x54: {  	_ =	shalt  }
0x55: {  	_ =	shalt  }
0x56: {  	_ =	shalt  }
0x57: {  	_ =	shalt  }
0x58: {  	_ =	shalt  }
0x59: {  	_ =	shalt  }
0x5a: {  	_ =	shalt  }
0x5b: {  	_ =	shalt  }
0x5c: {  	_ =	shalt  }
0x5d: {  	_ =	shalt  }
0x5e: {  	_ =	shalt  }
0x5f: {  	_ =	shalt  }
0x60: {  	_ =	shalt  }
0x61: {  	_ =	shalt  }
0x62: {  	_ =	shalt  }
0x63: {  	_ =	shalt  }
0x64: {  	_ =	shalt  }
0x65: {  	_ =	shalt  }
0x66: {  	_ =	shalt  }
0x67: {  	_ =	shalt  }
0x68: {  	_ =	shalt  }
0x69: {  	_ =	shalt  }
0x6a: {  	_ =	shalt  }
0x6b: {  	_ =	shalt  }
0x6c: {  	_ =	shalt  }
0x6d: {  	_ =	shalt  }
0x6e: {  	_ =	shalt  }
0x6f: {  	_ =	shalt  }
0x70: {  	_ =	shalt  }
0x71: {  	_ =	shalt  }
0x72: {  	_ =	shalt  }
0x73: {  	_ =	shalt  }
0x74: {  	_ =	shalt  }
0x75: {  	_ =	shalt  }
0x76: {  	_ =	shalt  }
0x77: {  	_ =	shalt  }
0x78: {  	_ =	shalt  }
0x79: {  	_ =	shalt  }
0x7a: {  	_ =	shalt  }
0x7b: {  	_ =	shalt  }
0x7c: {  	_ =	shalt  }
0x7d: {  	_ =	shalt  }
0x7e: {  	_ =	shalt  }
0x7f: {  	_ =	shalt  }
0x80: {  	_ =	shalt  }
0x81: {  	_ =	shalt  }
0x82: {  	_ =	shalt  }
0x83: {  	_ =	shalt  }
0x84: {  	_ =	shalt  }
0x85: {  	_ =	shalt  }
0x86: {  	_ =	shalt  }
0x87: {  	_ =	shalt  }
.Lfunc_end0:
.L_simem_size_0:
called_computation.2_lowered:
.L_overlay_start_0:
0x88: {  	s2 =	sld [smem:$0x3FD9]  }
0x89: {  	s3 =	sld [smem:$0x3FFE];
	_ =	sdelay $0x1  }
0x8a: {  	s1 =	srdreg.scid  }
0x8b: {  	s0 =	sand.u32 $0x1, s1  }
0x8c: {  	s14 =	sshll.u32 s0, $0xA;
	s2 =	sadd.s32 s3, s2  }
0x8d: {  	s2 =	sadd.s32 s2, s14  }
0x8e: {  	[smem:$0x3FC1] =	sst s2  }
0x8f: {  	_ = 	snop  }
0x90: {  	s2 =	sld [smem:$0x3FD0];
	_ =	sdelay $0x2  }
0x91: {  	s15 =	simm.s32 $0xB;
	s4 =	simm.s32 $0x10  }
0x92: {  	[smem:s4], [sflag:s15] =	dma.local [hbm:s2], $0x1  }
0x93: {  	_ =	swait.eq [sflag:s15], $0x1  }
0x94: {  	[sflag:s15] =	ssyncset.done $0x0  }
0x95: {  	s16 =	sld [smem:$0x10];
	[sflag:s15] =	ssyncadd.s32 $0xFFFFFFFF  }
0x96: {  	s17 =	sld [smem:$0x12];
	(tm) =	ssettm $0x1  }
0x97: {  	s18 =	sld [smem:$0x3FFB];
	_ =	sdelay $0x3  }
0x98: {  	_ =	strace s18  }
0x99: {  	s4 =	sld [smem:$0x3FFC];
	_ =	sdelay $0x3  }
0x9a: {  	_ =	strace s4  }
0x9b: {  	s4 =	sld [smem:$0x3FFD];
	_ =	sdelay $0x3  }
0x9c: {  	_ =	strace s4  }
0x9d: {  	_ =	strace $0x8FFFFFFF  }
0x9e: {  	s19 =	sld [smem:$0x3FDB];
	_ =	sdelay $0x1  }
0x9f: {  	s5 =	simm.s32 $_scs_section_size  }
0xa0: {  	s6 =	simm.s32 $_size__tile_overlayer_lowered;
	s7 =	simm.s32 $_tile_overlayer_lowered  }
0xa1: {  	s22 =	simm.s32 $0x1BFF;
	s21 =	sshll.u32 s7, $0x1;
	s4 =	sadd.s32 s5, s19  }
0xa2: {  	s8 =	simm.s32 $0x0;
	s20 =	sshll.u32 s6, $0x1;
	s6 =	sadd.s32 s21, s4  }
0xa3: {  	[timem:s8], [sflag:s22] =	dma.local [hbm:s6], s20  }
0xa4: {  	_ =	swait.ge [sflag:s22], s20  }
0xa5: {  	s5 =	ssub.s32 $0x0, s20;
	[sflag:s22] =	ssyncset.done $0x0  }
0xa6: {  	[sflag:s22] =	ssyncadd.s32 s5;
	_ =	sdelay $0x1  }
0xa7: {  	s23 =	simm.s32 $0x1B8B  }
0xa8: {  	_ =	swait.ge [sflag:s23], $0x1  }
0xa9: {  	[sflag:s23] =	ssyncset.done $0x0  }
0xaa: {  	s25 =	simm.s32 $0x1B8E;
	s24 =	sld [smem:$0x3FFE];
	[sflag:s23] =	ssyncadd.s32 $0xFFFFFFFF  }
0xab: {  	s26 =	simm.s32 $execute0_lowered;
	[smem:$0x3FD2] =	sst s25  }
0xac: {  	s6 =	sshll.u32 s26, $0x1;
	_ =	strace $0x80000046;
	[dreg:$0x1] =	wrdreg $0xFFFFFFFF  }
0xad: {  	s28 =	simm.s32 $_size_execute0_lowered;
	s4 =	sadd.s32 s4, s6;
	[dreg:$0x0] =	wrdreg $0x0  }
0xae: {  	s6 =	sshll.u32 s28, $0x1;
	[dreg:$0x2] =	wrdreg s4  }
0xaf: {  	[dreg:$0x3] =	wrdreg s6  }
0xb0: {  	[dreg:$0x4] =	wrdreg $0xC0  }
0xb1: {  	_ =	task [dreg:s8], $0x5FFFF  }
0xb2: {  	[dreg:$0x1] =	wrdreg $0xFFFFFFFF  }
0xb3: {  	[dreg:$0x0] =	wrdreg $0x60  }
0xb4: {  	[dreg:$0x2] =	wrdreg s24  }
0xb5: {  	[dreg:$0x3] =	wrdreg s17  }
0xb6: {  	[dreg:$0x4] =	wrdreg s16  }
0xb7: {  	[dreg:$0x5] =	wrdreg $0xA  }
0xb8: {  	_ =	task.clear_ibuf [dreg:s8], $0x6FFFF;
	_ =	strace $0x90000046  }
0xb9: {  	s29 =	simm.s32 $0xA;
	_ =	strace $0x80000048  }
0xba: {  	_ =	swait.ge [sflag:s29], $0x1  }
0xbb: {  	[sflag:s29] =	ssyncadd.s32 $0xFFFFFFFF  }
0xbc: {  	_ =	strace $0x90000048  }
0xbd: {  	_ =	sfence  }
0xbe: {  	s30 =	sld [smem:$0x0];
	_ =	sdelay $0x2  }
0xbf: {  	s31 =	sshll.u32 s1, $0xD;
	s1 =	sshrl.u32 s1, $0x2  }
0xc0: {  	s3 =	sand.u32 $0x4000, s31;
	s1 =	sadd.s32 s1, s30  }
0xc1: {  	s0 =	sor.u32 s3, s0;
	s1 =	sshll.u32 s1, $0x11  }
0xc2: {  	s0 =	sor.u32 s1, s0  }
0xc3: {  	s0 =	sadd.s32 $0x8F2B, s0  }
0xc4: {  	[sflag:s0] =	ssyncadd.remote.s32 $0x1  }
0xc5: {  	_ =	sfence.sel $0xFFFF  }
0xc6: {  	[dreg:$0x0] =	wrdreg $0xFFFFFFFF;
	(pc) =	sbr.abs _section_cstart, $3  }
0xc7: {  	[dreg:$0x1] =	wrdreg $0xFFFFFFFF  }
0xc8: {  	_ =	task.clear_ibuf [dreg:s8], $0x2FFFF;
	_ =	strace $0x9FFFFFFF  }
0xc9: {  	(tm) =	ssettm $0x7FFFFFFF  }
tec
execute0_lowered:
.L_overlay_start_1:
0x0: {  	(tag) =	ssettag $0x1  }
0x1: {  	s0 =	rddreg [dreg:$0x0]  }
0x2: {  	s2 =	rddreg [dreg:$0x1];
	s1 =	srdreg.scid  }
0x3: {  	s4 =	stileid.u32;
	s5 =	rddreg [dreg:$0x2];
	s28 =	simm.s32 $0x80  }
0x4: {  	s30 =	simm.s32 $0x1810;
	s31 =	simm.s32 $0x2;
	s29 =	simm.s32 $0x4  }
0x5: {  	s1 =	sand.u32 $0x1, s1;
	s3 =	sshll.u32 s4, $0x1;
	s4 =	sshrl.u32 s4, $0x2  }
0x6: {  	s9 =	sadd.s32 $0x67200, s0;
	s6 =	sor.u32 s1, s3;
	s3 =	simm.s32 $0x0  }
0x7: {  	s8 =	smul.u32 $0x320000, s4;
	s4 =	sadd.s32 $0x3200, s0;
	s1 =	ssub.s32 $0x2, s1  }
0x8: {  	s7 =	sand.u32 $0x7, s6;
	[smem:$0x7FF] =	sst s3;
	s6 =	sshll.u32 s6, $0x8  }
0x9: {  	s23 =	sshrl.u32 s1, $0x1;
	s7 =	smul.u32 $0x64000, s7;
	_ =	strace $0x80000047  }
0xa: {  	[dreg:$0x4] =	wrdreg s9;
	s0 =	sadd.s32 s6, s0;
	s1 =	ssub.s32 s1, s23  }
0xb: {  	s24 =	sadd.s32 $0x1200, s0;
	s23 =	sadd.s32 $0x67400, s0;
	s7 =	sadd.s32 s8, s7  }
0xc: {  	s0 =	simm.s32 $0x1;
	[dreg:$0x5] =	wrdreg s24;
	s7 =	sshrl.u32 s7, $0x3  }
0xd: {  	s24 =	smax.u32 s1, $0x1;
	s1 =	simm.s32 $0x7C10;
	s6 =	sadd.s32 s5, s7  }
0xe: {  	s5 =	simm.s32 $0xE010;
	s7 =	simm.s32 $0x0;
	s25 =	sadd.s32 $0xC80, s6  }
0xf: {  	v0 =	vlaneseq.u32;
	s26 =	sadd.s32 $0x1900, s6;
	s10 =	sadd.s32 $0x2580, s6;
	s11 =	sadd.s32 $0x3200, s6  }
0x10: {  	v0 =	vmul.u32 $0xC8, v0;
	s12 =	sadd.s32 $0x3E80, s6;
	s13 =	sadd.s32 $0x4B00, s6;
	s14 =	sadd.s32 $0x5780, s6  }
0x11: {  	s15 =	sadd.s32 $0x6400, s6;
	s16 =	sadd.s32 $0x7080, s6;
	s17 =	sadd.s32 $0x7D00, s6  }
0x12: {  	v1 =	vadd.s32 $0xC80, v0;
	s18 =	sadd.s32 $0x8980, s6;
	s19 =	sadd.s32 $0x9600, s6;
	s20 =	sadd.s32 $0xA280, s6  }
0x13: {  	v2 =	vadd.s32 $0x1900, v0;
	v3 =	vadd.s32 $0x2580, v0;
	v4 =	vadd.s32 $0x3200, v0;
	s21 =	sadd.s32 $0xAF00, s6;
	s22 =	sadd.s32 $0xBB80, s6;
	[dreg:$0x6] =	wrdreg s25  }
0x14: {  	v5 =	vadd.s32 $0x3E80, v0;
	v6 =	vadd.s32 $0x4B00, v0;
	v7 =	vadd.s32 $0x5780, v0;
	[dreg:$0x7] =	wrdreg s26;
	s25 =	simm.s32 $0x5;
	s26 =	simm.s32 $0x3  }
.LBB2_1:
0x15: {  	s8 =	rddreg [dreg:$0x5]  }
0x16: {  	[tilespmem:s3], [sflag:$0x5] =	stream.linear.gather [hbm4b:s8+s3], $0x800, $0x38;
	[tilespmem:$0xE810] =	vst v63  }
0x17: {  	_ =	swait.ge [sflag:s25], $0x800  }
0x18: {  	[sflag:s25] =	ssyncset.done $0x0  }
0x19: {  	s9 =	simm.s32 $0x1800;
	s8 =	rddreg [dreg:$0x4];
	[sflag:s25] =	ssyncadd.s32 $0xFFFFF800  }
0x1a: {  	[tilespmem:s9], [sflag:$0x5] =	stream.linear.gather [hbm4b:s8+s3], $0x10, $0x38;
	[tilespmem:$0xE810] =	vst v63  }
0x1b: {  	_ =	swait.ge [sflag:s25], $0x10  }
0x1c: {  	[sflag:s25] =	ssyncset.done $0x0  }
0x1d: {  	[sflag:s25] =	ssyncadd.s32 $0xFFFFFFF0  }
0x1e: {  	s8 =	simm.s32 $0x0;
	s9 =	simm.s32 $0x40;
	v15 =	vld [tilespmem:$0x1800]  }
.LBB2_2:
0x1f: {  	p0 =	sne.s32 s9, $0x1FC0;
	v8 =	vld [tilespmem:s8+$0x0];
	_ =	sdelay $0x3  }
.Ltmp0:
0x20: {  	(pc) =	sbr.rel @p0 .LBB2_2-.Ltmp0, $4  }
0x21: {  	v9 =	vand.u32 $0x3, v8  }
0x22: {  	v8 =	vshra.s32 v8, $0x2;
	[tilespmem:s8+$0x1000] =	vst v9;
	v9 =	vshll.u32 v9, $0xE  }
0x23: {  	[tilespmem:s8+$0x800] =	vst v8;
	v8 =	vor.u32 v8, v9  }
0x24: {  	[tilespmem:s8+$0x0] =	vst v8;
	s8 =	sshra.s32 s9, $0x2;
	s9 =	sadd.s32 $0x40, s9  }
0x25: {  	v8 =	vld [tilespmem:s8+$0x0];
	_ =	sdelay $0x4  }
0x26: {  	v9 =	vand.u32 $0x3, v8  }
0x27: {  	v8 =	vshra.s32 v8, $0x2;
	[tilespmem:s8+$0x1000] =	vst v9;
	v9 =	vshll.u32 v9, $0xE  }
0x28: {  	[tilespmem:s8+$0x800] =	vst v8;
	v8 =	vor.u32 v8, v9  }
0x29: {  	s9 =	simm.s32 $0x800;
	[tilespmem:s8+$0x0] =	vst v8  }
0x2a: {  	[tilespmem:s30], [sflag:$0x1] =	stream.indirect.gather [hbm4b:s4+s28], $0xC8, s9, s28, $0xb8;
	[tilespmem:$0xE810] =	vst v63  }
0x2b: {  	s9 =	simm.s32 $0x880  }
0x2c: {  	[tilespmem:s1], [sflag:$0x2] =	stream.indirect.gather [hbm4b:s4+s28], $0xC8, s9, s28, $0xb8;
	[tilespmem:$0xE810] =	vst v63  }
0x2d: {  	_ =	swait.ge [sflag:s0], $0x6400  }
0x2e: {  	[sflag:s0] =	ssyncset.done $0x0  }
0x2f: {  	[sflag:s0] =	ssyncadd.s32 $0xFFFF9C00  }
0x30: {  	v8 =	vadd.s32 v0, v15;
	v41 =	vld [tilespmem:$0x1000];
	_ =	sdelay $0x4  }
0x31: {  	[tilespmem:v8+s30+$0x0] =	vst.idx.msk $0xffff, v41  }
0x32: {  	v42 =	vadd.s32 v1, v15;
	v10 =	vld [tilespmem:$0x1010];
	_ =	sdelay $0x4  }
0x33: {  	[tilespmem:v42+s30+$0x0] =	vst.idx.msk $0xffff, v10  }
0x34: {  	v43 =	vadd.s32 v2, v15;
	v11 =	vld [tilespmem:$0x1020];
	_ =	sdelay $0x4  }
0x35: {  	[tilespmem:v43+s30+$0x0] =	vst.idx.msk $0xffff, v11  }
0x36: {  	v44 =	vadd.s32 v3, v15;
	v12 =	vld [tilespmem:$0x1030];
	_ =	sdelay $0x4  }
0x37: {  	[tilespmem:v44+s30+$0x0] =	vst.idx.msk $0xffff, v12  }
0x38: {  	v45 =	vadd.s32 v4, v15;
	v13 =	vld [tilespmem:$0x1040];
	_ =	sdelay $0x4  }
0x39: {  	[tilespmem:v45+s30+$0x0] =	vst.idx.msk $0xffff, v13  }
0x3a: {  	v46 =	vadd.s32 v5, v15;
	v14 =	vld [tilespmem:$0x1050];
	_ =	sdelay $0x4  }
0x3b: {  	[tilespmem:v46+s30+$0x0] =	vst.idx.msk $0xffff, v14  }
0x3c: {  	v47 =	vadd.s32 v6, v15;
	v16 =	vld [tilespmem:$0x1060];
	_ =	sdelay $0x4  }
0x3d: {  	[tilespmem:v47+s30+$0x0] =	vst.idx.msk $0xffff, v16  }
0x3e: {  	v48 =	vadd.s32 v7, v15;
	v16 =	vld [tilespmem:$0x1070];
	_ =	sdelay $0x4  }
0x3f: {  	[tilespmem:v48+s30+$0x0] =	vst.idx.msk $0xffff, v16  }
0x40: {  	[hbm4b:s6+s3] =	stream.linear.scatter [tilespmem:s30], [sflag:$0x3], $0x6400, $0x38;
	[tilespmem:$0xE810] =	vst v63  }
0x41: {  	_ =	swait.ge [sflag:s26], $0x6400  }
0x42: {  	[sflag:s26] =	ssyncset.done $0x0  }
0x43: {  	s9 =	simm.s32 $0x900;
	[sflag:s26] =	ssyncadd.s32 $0xFFFF9C00  }
0x44: {  	[tilespmem:s30], [sflag:$0x1] =	stream.indirect.gather [hbm4b:s4+s28], $0xC8, s9, s28, $0xb8;
	[tilespmem:$0xE810] =	vst v63  }
0x45: {  	_ =	swait.ge [sflag:s31], $0x6400  }
0x46: {  	[sflag:s31] =	ssyncset.done $0x0  }
0x47: {  	[sflag:s31] =	ssyncadd.s32 $0xFFFF9C00  }
0x48: {  	v49 =	vld [tilespmem:$0x1080];
	_ =	sdelay $0x4  }
0x49: {  	[tilespmem:v8+s1+$0x0] =	vst.idx.msk $0xffff, v49  }
0x4a: {  	v16 =	vld [tilespmem:$0x1090];
	_ =	sdelay $0x4  }
0x4b: {  	[tilespmem:v42+s1+$0x0] =	vst.idx.msk $0xffff, v16  }
0x4c: {  	v16 =	vld [tilespmem:$0x10A0];
	_ =	sdelay $0x4  }
0x4d: {  	[tilespmem:v43+s1+$0x0] =	vst.idx.msk $0xffff, v16  }
0x4e: {  	v16 =	vld [tilespmem:$0x10B0];
	_ =	sdelay $0x4  }
0x4f: {  	[tilespmem:v44+s1+$0x0] =	vst.idx.msk $0xffff, v16  }
0x50: {  	v16 =	vld [tilespmem:$0x10C0];
	_ =	sdelay $0x4  }
0x51: {  	[tilespmem:v45+s1+$0x0] =	vst.idx.msk $0xffff, v16  }
0x52: {  	v16 =	vld [tilespmem:$0x10D0];
	_ =	sdelay $0x4  }
0x53: {  	[tilespmem:v46+s1+$0x0] =	vst.idx.msk $0xffff, v16  }
0x54: {  	v16 =	vld [tilespmem:$0x10E0];
	_ =	sdelay $0x4  }
0x55: {  	[tilespmem:v47+s1+$0x0] =	vst.idx.msk $0xffff, v16  }
0x56: {  	v16 =	vld [tilespmem:$0x10F0];
	_ =	sdelay $0x4  }
0x57: {  	s9 =	rddreg [dreg:$0x6];
	[tilespmem:v48+s1+$0x0] =	vst.idx.msk $0xffff, v16  }
0x58: {  	[hbm4b:s9+s3] =	stream.linear.scatter [tilespmem:s1], [sflag:$0x4], $0x6400, $0x38;
	[tilespmem:$0xE810] =	vst v63  }
0x59: {  	_ =	swait.ge [sflag:s29], $0x6400  }
0x5a: {  	[sflag:s29] =	ssyncset.done $0x0  }
0x5b: {  	s9 =	simm.s32 $0x980;
	[sflag:s29] =	ssyncadd.s32 $0xFFFF9C00  }
0x5c: {  	[tilespmem:s1], [sflag:$0x2] =	stream.indirect.gather [hbm4b:s4+s28], $0xC8, s9, s28, $0xb8;
	[tilespmem:$0xE810] =	vst v63  }
0x5d: {  	_ =	swait.ge [sflag:s0], $0x6400  }
0x5e: {  	[sflag:s0] =	ssyncset.done $0x0  }
0x5f: {  	[sflag:s0] =	ssyncadd.s32 $0xFFFF9C00  }
0x60: {  	v50 =	vld [tilespmem:$0x1100];
	_ =	sdelay $0x4  }
0x61: {  	[tilespmem:v8+s30+$0x0] =	vst.idx.msk $0xffff, v50  }
0x62: {  	v16 =	vld [tilespmem:$0x1110];
	_ =	sdelay $0x4  }
0x63: {  	[tilespmem:v42+s30+$0x0] =	vst.idx.msk $0xffff, v16  }
0x64: {  	v16 =	vld [tilespmem:$0x1120];
	_ =	sdelay $0x4  }
0x65: {  	[tilespmem:v43+s30+$0x0] =	vst.idx.msk $0xffff, v16  }
0x66: {  	v16 =	vld [tilespmem:$0x1130];
	_ =	sdelay $0x4  }
0x67: {  	[tilespmem:v44+s30+$0x0] =	vst.idx.msk $0xffff, v16  }
0x68: {  	v16 =	vld [tilespmem:$0x1140];
	_ =	sdelay $0x4  }
0x69: {  	[tilespmem:v45+s30+$0x0] =	vst.idx.msk $0xffff, v16  }
0x6a: {  	v16 =	vld [tilespmem:$0x1150];
	_ =	sdelay $0x4  }
0x6b: {  	[tilespmem:v46+s30+$0x0] =	vst.idx.msk $0xffff, v16  }
0x6c: {  	v16 =	vld [tilespmem:$0x1160];
	_ =	sdelay $0x4  }
0x6d: {  	[tilespmem:v47+s30+$0x0] =	vst.idx.msk $0xffff, v16  }
0x6e: {  	v16 =	vld [tilespmem:$0x1170];
	_ =	sdelay $0x4  }
0x6f: {  	s9 =	rddreg [dreg:$0x7];
	[tilespmem:v48+s30+$0x0] =	vst.idx.msk $0xffff, v16  }
0x70: {  	[hbm4b:s9+s3] =	stream.linear.scatter [tilespmem:s30], [sflag:$0x3], $0x6400, $0x38;
	[tilespmem:$0xE810] =	vst v63  }
0x71: {  	_ =	swait.ge [sflag:s26], $0x6400  }
0x72: {  	[sflag:s26] =	ssyncset.done $0x0  }
0x73: {  	s9 =	simm.s32 $0xA00;
	[sflag:s26] =	ssyncadd.s32 $0xFFFF9C00  }
0x74: {  	[tilespmem:s30], [sflag:$0x1] =	stream.indirect.gather [hbm4b:s4+s28], $0xC8, s9, s28, $0xb8;
	[tilespmem:$0xE810] =	vst v63  }
0x75: {  	_ =	swait.ge [sflag:s31], $0x6400  }
0x76: {  	[sflag:s31] =	ssyncset.done $0x0  }
0x77: {  	[sflag:s31] =	ssyncadd.s32 $0xFFFF9C00  }
0x78: {  	v51 =	vld [tilespmem:$0x1180];
	_ =	sdelay $0x4  }
0x79: {  	[tilespmem:v8+s1+$0x0] =	vst.idx.msk $0xffff, v51  }
0x7a: {  	v16 =	vld [tilespmem:$0x1190];
	_ =	sdelay $0x4  }
0x7b: {  	[tilespmem:v42+s1+$0x0] =	vst.idx.msk $0xffff, v16  }
0x7c: {  	v16 =	vld [tilespmem:$0x11A0];
	_ =	sdelay $0x4  }
0x7d: {  	[tilespmem:v43+s1+$0x0] =	vst.idx.msk $0xffff, v16  }
0x7e: {  	v16 =	vld [tilespmem:$0x11B0];
	_ =	sdelay $0x4  }
0x7f: {  	[tilespmem:v44+s1+$0x0] =	vst.idx.msk $0xffff, v16  }
0x80: {  	v16 =	vld [tilespmem:$0x11C0];
	_ =	sdelay $0x4  }
0x81: {  	[tilespmem:v45+s1+$0x0] =	vst.idx.msk $0xffff, v16  }
0x82: {  	v16 =	vld [tilespmem:$0x11D0];
	_ =	sdelay $0x4  }
0x83: {  	[tilespmem:v46+s1+$0x0] =	vst.idx.msk $0xffff, v16  }
0x84: {  	v16 =	vld [tilespmem:$0x11E0];
	_ =	sdelay $0x4  }
0x85: {  	[tilespmem:v47+s1+$0x0] =	vst.idx.msk $0xffff, v16  }
0x86: {  	v16 =	vld [tilespmem:$0x11F0];
	_ =	sdelay $0x4  }
0x87: {  	[tilespmem:v48+s1+$0x0] =	vst.idx.msk $0xffff, v16  }
0x88: {  	[hbm4b:s10+s3] =	stream.linear.scatter [tilespmem:s1], [sflag:$0x4], $0x6400, $0x38;
	[tilespmem:$0xE810] =	vst v63  }
0x89: {  	_ =	swait.ge [sflag:s29], $0x6400  }
0x8a: {  	[sflag:s29] =	ssyncset.done $0x0  }
0x8b: {  	s9 =	simm.s32 $0xA80;
	[sflag:s29] =	ssyncadd.s32 $0xFFFF9C00  }
0x8c: {  	[tilespmem:s1], [sflag:$0x2] =	stream.indirect.gather [hbm4b:s4+s28], $0xC8, s9, s28, $0xb8;
	[tilespmem:$0xE810] =	vst v63  }
0x8d: {  	_ =	swait.ge [sflag:s0], $0x6400  }
0x8e: {  	[sflag:s0] =	ssyncset.done $0x0  }
0x8f: {  	[sflag:s0] =	ssyncadd.s32 $0xFFFF9C00  }
0x90: {  	v52 =	vld [tilespmem:$0x1200];
	_ =	sdelay $0x4  }
0x91: {  	[tilespmem:v8+s30+$0x0] =	vst.idx.msk $0xffff, v52  }
0x92: {  	v16 =	vld [tilespmem:$0x1210];
	_ =	sdelay $0x4  }
0x93: {  	[tilespmem:v42+s30+$0x0] =	vst.idx.msk $0xffff, v16  }
0x94: {  	v16 =	vld [tilespmem:$0x1220];
	_ =	sdelay $0x4  }
0x95: {  	[tilespmem:v43+s30+$0x0] =	vst.idx.msk $0xffff, v16  }
0x96: {  	v16 =	vld [tilespmem:$0x1230];
	_ =	sdelay $0x4  }
0x97: {  	[tilespmem:v44+s30+$0x0] =	vst.idx.msk $0xffff, v16  }
0x98: {  	v16 =	vld [tilespmem:$0x1240];
	_ =	sdelay $0x4  }
0x99: {  	[tilespmem:v45+s30+$0x0] =	vst.idx.msk $0xffff, v16  }
0x9a: {  	v16 =	vld [tilespmem:$0x1250];
	_ =	sdelay $0x4  }
0x9b: {  	[tilespmem:v46+s30+$0x0] =	vst.idx.msk $0xffff, v16  }
0x9c: {  	v16 =	vld [tilespmem:$0x1260];
	_ =	sdelay $0x4  }
0x9d: {  	[tilespmem:v47+s30+$0x0] =	vst.idx.msk $0xffff, v16  }
0x9e: {  	v16 =	vld [tilespmem:$0x1270];
	_ =	sdelay $0x4  }
0x9f: {  	[tilespmem:v48+s30+$0x0] =	vst.idx.msk $0xffff, v16  }
0xa0: {  	[hbm4b:s11+s3] =	stream.linear.scatter [tilespmem:s30], [sflag:$0x3], $0x6400, $0x38;
	[tilespmem:$0xE810] =	vst v63  }
0xa1: {  	_ =	swait.ge [sflag:s26], $0x6400  }
0xa2: {  	[sflag:s26] =	ssyncset.done $0x0  }
0xa3: {  	s9 =	simm.s32 $0xB00;
	[sflag:s26] =	ssyncadd.s32 $0xFFFF9C00  }
0xa4: {  	[tilespmem:s30], [sflag:$0x1] =	stream.indirect.gather [hbm4b:s4+s28], $0xC8, s9, s28, $0xb8;
	[tilespmem:$0xE810] =	vst v63  }
0xa5: {  	_ =	swait.ge [sflag:s31], $0x6400  }
0xa6: {  	[sflag:s31] =	ssyncset.done $0x0  }
0xa7: {  	[sflag:s31] =	ssyncadd.s32 $0xFFFF9C00  }
0xa8: {  	v53 =	vld [tilespmem:$0x1280];
	_ =	sdelay $0x4  }
0xa9: {  	[tilespmem:v8+s1+$0x0] =	vst.idx.msk $0xffff, v53  }
0xaa: {  	v16 =	vld [tilespmem:$0x1290];
	_ =	sdelay $0x4  }
0xab: {  	[tilespmem:v42+s1+$0x0] =	vst.idx.msk $0xffff, v16  }
0xac: {  	v16 =	vld [tilespmem:$0x12A0];
	_ =	sdelay $0x4  }
0xad: {  	[tilespmem:v43+s1+$0x0] =	vst.idx.msk $0xffff, v16  }
0xae: {  	v16 =	vld [tilespmem:$0x12B0];
	_ =	sdelay $0x4  }
0xaf: {  	[tilespmem:v44+s1+$0x0] =	vst.idx.msk $0xffff, v16  }
0xb0: {  	v16 =	vld [tilespmem:$0x12C0];
	_ =	sdelay $0x4  }
0xb1: {  	[tilespmem:v45+s1+$0x0] =	vst.idx.msk $0xffff, v16  }
0xb2: {  	v16 =	vld [tilespmem:$0x12D0];
	_ =	sdelay $0x4  }
0xb3: {  	[tilespmem:v46+s1+$0x0] =	vst.idx.msk $0xffff, v16  }
0xb4: {  	v16 =	vld [tilespmem:$0x12E0];
	_ =	sdelay $0x4  }
0xb5: {  	[tilespmem:v47+s1+$0x0] =	vst.idx.msk $0xffff, v16  }
0xb6: {  	v16 =	vld [tilespmem:$0x12F0];
	_ =	sdelay $0x4  }
0xb7: {  	[tilespmem:v48+s1+$0x0] =	vst.idx.msk $0xffff, v16  }
0xb8: {  	[hbm4b:s12+s3] =	stream.linear.scatter [tilespmem:s1], [sflag:$0x4], $0x6400, $0x38;
	[tilespmem:$0xE810] =	vst v63  }
0xb9: {  	_ =	swait.ge [sflag:s29], $0x6400  }
0xba: {  	[sflag:s29] =	ssyncset.done $0x0  }
0xbb: {  	s9 =	simm.s32 $0xB80;
	[sflag:s29] =	ssyncadd.s32 $0xFFFF9C00  }
0xbc: {  	[tilespmem:s1], [sflag:$0x2] =	stream.indirect.gather [hbm4b:s4+s28], $0xC8, s9, s28, $0xb8;
	[tilespmem:$0xE810] =	vst v63  }
0xbd: {  	_ =	swait.ge [sflag:s0], $0x6400  }
0xbe: {  	[sflag:s0] =	ssyncset.done $0x0  }
0xbf: {  	[sflag:s0] =	ssyncadd.s32 $0xFFFF9C00  }
0xc0: {  	v54 =	vld [tilespmem:$0x1300];
	_ =	sdelay $0x4  }
0xc1: {  	[tilespmem:v8+s30+$0x0] =	vst.idx.msk $0xffff, v54  }
0xc2: {  	v16 =	vld [tilespmem:$0x1310];
	_ =	sdelay $0x4  }
0xc3: {  	[tilespmem:v42+s30+$0x0] =	vst.idx.msk $0xffff, v16  }
0xc4: {  	v16 =	vld [tilespmem:$0x1320];
	_ =	sdelay $0x4  }
0xc5: {  	[tilespmem:v43+s30+$0x0] =	vst.idx.msk $0xffff, v16  }
0xc6: {  	v16 =	vld [tilespmem:$0x1330];
	_ =	sdelay $0x4  }
0xc7: {  	[tilespmem:v44+s30+$0x0] =	vst.idx.msk $0xffff, v16  }
0xc8: {  	v16 =	vld [tilespmem:$0x1340];
	_ =	sdelay $0x4  }
0xc9: {  	[tilespmem:v45+s30+$0x0] =	vst.idx.msk $0xffff, v16  }
0xca: {  	v16 =	vld [tilespmem:$0x1350];
	_ =	sdelay $0x4  }
0xcb: {  	[tilespmem:v46+s30+$0x0] =	vst.idx.msk $0xffff, v16  }
0xcc: {  	v16 =	vld [tilespmem:$0x1360];
	_ =	sdelay $0x4  }
0xcd: {  	[tilespmem:v47+s30+$0x0] =	vst.idx.msk $0xffff, v16  }
0xce: {  	v16 =	vld [tilespmem:$0x1370];
	_ =	sdelay $0x4  }
0xcf: {  	[tilespmem:v48+s30+$0x0] =	vst.idx.msk $0xffff, v16  }
0xd0: {  	[hbm4b:s13+s3] =	stream.linear.scatter [tilespmem:s30], [sflag:$0x3], $0x6400, $0x38;
	[tilespmem:$0xE810] =	vst v63  }
0xd1: {  	_ =	swait.ge [sflag:s26], $0x6400  }
0xd2: {  	[sflag:s26] =	ssyncset.done $0x0  }
0xd3: {  	s9 =	simm.s32 $0xC00;
	[sflag:s26] =	ssyncadd.s32 $0xFFFF9C00  }
0xd4: {  	[tilespmem:s30], [sflag:$0x1] =	stream.indirect.gather [hbm4b:s4+s28], $0xC8, s9, s28, $0xb8;
	[tilespmem:$0xE810] =	vst v63  }
0xd5: {  	_ =	swait.ge [sflag:s31], $0x6400  }
0xd6: {  	[sflag:s31] =	ssyncset.done $0x0  }
0xd7: {  	[sflag:s31] =	ssyncadd.s32 $0xFFFF9C00  }
0xd8: {  	v55 =	vld [tilespmem:$0x1380];
	_ =	sdelay $0x4  }
0xd9: {  	[tilespmem:v8+s1+$0x0] =	vst.idx.msk $0xffff, v55  }
0xda: {  	v16 =	vld [tilespmem:$0x1390];
	_ =	sdelay $0x4  }
0xdb: {  	[tilespmem:v42+s1+$0x0] =	vst.idx.msk $0xffff, v16  }
0xdc: {  	v16 =	vld [tilespmem:$0x13A0];
	_ =	sdelay $0x4  }
0xdd: {  	[tilespmem:v43+s1+$0x0] =	vst.idx.msk $0xffff, v16  }
0xde: {  	v16 =	vld [tilespmem:$0x13B0];
	_ =	sdelay $0x4  }
0xdf: {  	[tilespmem:v44+s1+$0x0] =	vst.idx.msk $0xffff, v16  }
0xe0: {  	v16 =	vld [tilespmem:$0x13C0];
	_ =	sdelay $0x4  }
0xe1: {  	[tilespmem:v45+s1+$0x0] =	vst.idx.msk $0xffff, v16  }
0xe2: {  	v16 =	vld [tilespmem:$0x13D0];
	_ =	sdelay $0x4  }
0xe3: {  	[tilespmem:v46+s1+$0x0] =	vst.idx.msk $0xffff, v16  }
0xe4: {  	v16 =	vld [tilespmem:$0x13E0];
	_ =	sdelay $0x4  }
0xe5: {  	[tilespmem:v47+s1+$0x0] =	vst.idx.msk $0xffff, v16  }
0xe6: {  	v16 =	vld [tilespmem:$0x13F0];
	_ =	sdelay $0x4  }
0xe7: {  	[tilespmem:v48+s1+$0x0] =	vst.idx.msk $0xffff, v16  }
0xe8: {  	[hbm4b:s14+s3] =	stream.linear.scatter [tilespmem:s1], [sflag:$0x4], $0x6400, $0x38;
	[tilespmem:$0xE810] =	vst v63  }
0xe9: {  	_ =	swait.ge [sflag:s29], $0x6400  }
0xea: {  	[sflag:s29] =	ssyncset.done $0x0  }
0xeb: {  	s9 =	simm.s32 $0xC80;
	[sflag:s29] =	ssyncadd.s32 $0xFFFF9C00  }
0xec: {  	[tilespmem:s1], [sflag:$0x2] =	stream.indirect.gather [hbm4b:s4+s28], $0xC8, s9, s28, $0xb8;
	[tilespmem:$0xE810] =	vst v63  }
0xed: {  	_ =	swait.ge [sflag:s0], $0x6400  }
0xee: {  	[sflag:s0] =	ssyncset.done $0x0  }
0xef: {  	[sflag:s0] =	ssyncadd.s32 $0xFFFF9C00  }
0xf0: {  	v56 =	vld [tilespmem:$0x1400];
	_ =	sdelay $0x4  }
0xf1: {  	[tilespmem:v8+s30+$0x0] =	vst.idx.msk $0xffff, v56  }
0xf2: {  	v16 =	vld [tilespmem:$0x1410];
	_ =	sdelay $0x4  }
0xf3: {  	[tilespmem:v42+s30+$0x0] =	vst.idx.msk $0xffff, v16  }
0xf4: {  	v16 =	vld [tilespmem:$0x1420];
	_ =	sdelay $0x4  }
0xf5: {  	[tilespmem:v43+s30+$0x0] =	vst.idx.msk $0xffff, v16  }
0xf6: {  	v16 =	vld [tilespmem:$0x1430];
	_ =	sdelay $0x4  }
0xf7: {  	[tilespmem:v44+s30+$0x0] =	vst.idx.msk $0xffff, v16  }
0xf8: {  	v16 =	vld [tilespmem:$0x1440];
	_ =	sdelay $0x4  }
0xf9: {  	[tilespmem:v45+s30+$0x0] =	vst.idx.msk $0xffff, v16  }
0xfa: {  	v16 =	vld [tilespmem:$0x1450];
	_ =	sdelay $0x4  }
0xfb: {  	[tilespmem:v46+s30+$0x0] =	vst.idx.msk $0xffff, v16  }
0xfc: {  	v16 =	vld [tilespmem:$0x1460];
	_ =	sdelay $0x4  }
0xfd: {  	[tilespmem:v47+s30+$0x0] =	vst.idx.msk $0xffff, v16  }
0xfe: {  	v16 =	vld [tilespmem:$0x1470];
	_ =	sdelay $0x4  }
0xff: {  	[tilespmem:v48+s30+$0x0] =	vst.idx.msk $0xffff, v16  }
0x100: {  	[hbm4b:s15+s3] =	stream.linear.scatter [tilespmem:s30], [sflag:$0x3], $0x6400, $0x38;
	[tilespmem:$0xE810] =	vst v63  }
0x101: {  	_ =	swait.ge [sflag:s26], $0x6400  }
0x102: {  	[sflag:s26] =	ssyncset.done $0x0  }
0x103: {  	s9 =	simm.s32 $0xD00;
	[sflag:s26] =	ssyncadd.s32 $0xFFFF9C00  }
0x104: {  	[tilespmem:s30], [sflag:$0x1] =	stream.indirect.gather [hbm4b:s4+s28], $0xC8, s9, s28, $0xb8;
	[tilespmem:$0xE810] =	vst v63  }
0x105: {  	_ =	swait.ge [sflag:s31], $0x6400  }
0x106: {  	[sflag:s31] =	ssyncset.done $0x0  }
0x107: {  	[sflag:s31] =	ssyncadd.s32 $0xFFFF9C00  }
0x108: {  	v57 =	vld [tilespmem:$0x1480];
	_ =	sdelay $0x4  }
0x109: {  	[tilespmem:v8+s1+$0x0] =	vst.idx.msk $0xffff, v57  }
0x10a: {  	v16 =	vld [tilespmem:$0x1490];
	_ =	sdelay $0x4  }
0x10b: {  	[tilespmem:v42+s1+$0x0] =	vst.idx.msk $0xffff, v16  }
0x10c: {  	v16 =	vld [tilespmem:$0x14A0];
	_ =	sdelay $0x4  }
0x10d: {  	[tilespmem:v43+s1+$0x0] =	vst.idx.msk $0xffff, v16  }
0x10e: {  	v16 =	vld [tilespmem:$0x14B0];
	_ =	sdelay $0x4  }
0x10f: {  	[tilespmem:v44+s1+$0x0] =	vst.idx.msk $0xffff, v16  }
0x110: {  	v16 =	vld [tilespmem:$0x14C0];
	_ =	sdelay $0x4  }
0x111: {  	[tilespmem:v45+s1+$0x0] =	vst.idx.msk $0xffff, v16  }
0x112: {  	v16 =	vld [tilespmem:$0x14D0];
	_ =	sdelay $0x4  }
0x113: {  	[tilespmem:v46+s1+$0x0] =	vst.idx.msk $0xffff, v16  }
0x114: {  	v16 =	vld [tilespmem:$0x14E0];
	_ =	sdelay $0x4  }
0x115: {  	[tilespmem:v47+s1+$0x0] =	vst.idx.msk $0xffff, v16  }
0x116: {  	v16 =	vld [tilespmem:$0x14F0];
	_ =	sdelay $0x4  }
0x117: {  	[tilespmem:v48+s1+$0x0] =	vst.idx.msk $0xffff, v16  }
0x118: {  	[hbm4b:s16+s3] =	stream.linear.scatter [tilespmem:s1], [sflag:$0x4], $0x6400, $0x38;
	[tilespmem:$0xE810] =	vst v63  }
0x119: {  	_ =	swait.ge [sflag:s29], $0x6400  }
0x11a: {  	[sflag:s29] =	ssyncset.done $0x0  }
0x11b: {  	s9 =	simm.s32 $0xD80;
	[sflag:s29] =	ssyncadd.s32 $0xFFFF9C00  }
0x11c: {  	[tilespmem:s1], [sflag:$0x2] =	stream.indirect.gather [hbm4b:s4+s28], $0xC8, s9, s28, $0xb8;
	[tilespmem:$0xE810] =	vst v63  }
0x11d: {  	_ =	swait.ge [sflag:s0], $0x6400  }
0x11e: {  	[sflag:s0] =	ssyncset.done $0x0  }
0x11f: {  	[sflag:s0] =	ssyncadd.s32 $0xFFFF9C00  }
0x120: {  	v58 =	vld [tilespmem:$0x1500];
	_ =	sdelay $0x4  }
0x121: {  	[tilespmem:v8+s30+$0x0] =	vst.idx.msk $0xffff, v58  }
0x122: {  	v16 =	vld [tilespmem:$0x1510];
	_ =	sdelay $0x4  }
0x123: {  	[tilespmem:v42+s30+$0x0] =	vst.idx.msk $0xffff, v16  }
0x124: {  	v16 =	vld [tilespmem:$0x1520];
	_ =	sdelay $0x4  }
0x125: {  	[tilespmem:v43+s30+$0x0] =	vst.idx.msk $0xffff, v16  }
0x126: {  	v16 =	vld [tilespmem:$0x1530];
	_ =	sdelay $0x4  }
0x127: {  	[tilespmem:v44+s30+$0x0] =	vst.idx.msk $0xffff, v16  }
0x128: {  	v16 =	vld [tilespmem:$0x1540];
	_ =	sdelay $0x4  }
0x129: {  	[tilespmem:v45+s30+$0x0] =	vst.idx.msk $0xffff, v16  }
0x12a: {  	v16 =	vld [tilespmem:$0x1550];
	_ =	sdelay $0x4  }
0x12b: {  	[tilespmem:v46+s30+$0x0] =	vst.idx.msk $0xffff, v16  }
0x12c: {  	v16 =	vld [tilespmem:$0x1560];
	_ =	sdelay $0x4  }
0x12d: {  	[tilespmem:v47+s30+$0x0] =	vst.idx.msk $0xffff, v16  }
0x12e: {  	v16 =	vld [tilespmem:$0x1570];
	_ =	sdelay $0x4  }
0x12f: {  	[tilespmem:v48+s30+$0x0] =	vst.idx.msk $0xffff, v16  }
0x130: {  	[hbm4b:s17+s3] =	stream.linear.scatter [tilespmem:s30], [sflag:$0x3], $0x6400, $0x38;
	[tilespmem:$0xE810] =	vst v63  }
0x131: {  	_ =	swait.ge [sflag:s26], $0x6400  }
0x132: {  	[sflag:s26] =	ssyncset.done $0x0  }
0x133: {  	s9 =	simm.s32 $0xE00;
	[sflag:s26] =	ssyncadd.s32 $0xFFFF9C00  }
0x134: {  	[tilespmem:s30], [sflag:$0x1] =	stream.indirect.gather [hbm4b:s4+s28], $0xC8, s9, s28, $0xb8;
	[tilespmem:$0xE810] =	vst v63  }
0x135: {  	_ =	swait.ge [sflag:s31], $0x6400  }
0x136: {  	[sflag:s31] =	ssyncset.done $0x0  }
0x137: {  	[sflag:s31] =	ssyncadd.s32 $0xFFFF9C00  }
0x138: {  	v59 =	vld [tilespmem:$0x1580];
	_ =	sdelay $0x4  }
0x139: {  	[tilespmem:v8+s1+$0x0] =	vst.idx.msk $0xffff, v59  }
0x13a: {  	v16 =	vld [tilespmem:$0x1590];
	_ =	sdelay $0x4  }
0x13b: {  	[tilespmem:v42+s1+$0x0] =	vst.idx.msk $0xffff, v16  }
0x13c: {  	v16 =	vld [tilespmem:$0x15A0];
	_ =	sdelay $0x4  }
0x13d: {  	[tilespmem:v43+s1+$0x0] =	vst.idx.msk $0xffff, v16  }
0x13e: {  	v16 =	vld [tilespmem:$0x15B0];
	_ =	sdelay $0x4  }
0x13f: {  	[tilespmem:v44+s1+$0x0] =	vst.idx.msk $0xffff, v16  }
0x140: {  	v16 =	vld [tilespmem:$0x15C0];
	_ =	sdelay $0x4  }
0x141: {  	[tilespmem:v45+s1+$0x0] =	vst.idx.msk $0xffff, v16  }
0x142: {  	v16 =	vld [tilespmem:$0x15D0];
	_ =	sdelay $0x4  }
0x143: {  	[tilespmem:v46+s1+$0x0] =	vst.idx.msk $0xffff, v16  }
0x144: {  	v16 =	vld [tilespmem:$0x15E0];
	_ =	sdelay $0x4  }
0x145: {  	[tilespmem:v47+s1+$0x0] =	vst.idx.msk $0xffff, v16  }
0x146: {  	v16 =	vld [tilespmem:$0x15F0];
	_ =	sdelay $0x4  }
0x147: {  	[tilespmem:v48+s1+$0x0] =	vst.idx.msk $0xffff, v16  }
0x148: {  	[hbm4b:s18+s3] =	stream.linear.scatter [tilespmem:s1], [sflag:$0x4], $0x6400, $0x38;
	[tilespmem:$0xE810] =	vst v63  }
0x149: {  	_ =	swait.ge [sflag:s29], $0x6400  }
0x14a: {  	[sflag:s29] =	ssyncset.done $0x0  }
0x14b: {  	s9 =	simm.s32 $0xE80;
	[sflag:s29] =	ssyncadd.s32 $0xFFFF9C00  }
0x14c: {  	[tilespmem:s1], [sflag:$0x2] =	stream.indirect.gather [hbm4b:s4+s28], $0xC8, s9, s28, $0xb8;
	[tilespmem:$0xE810] =	vst v63  }
0x14d: {  	_ =	swait.ge [sflag:s0], $0x6400  }
0x14e: {  	[sflag:s0] =	ssyncset.done $0x0  }
0x14f: {  	[sflag:s0] =	ssyncadd.s32 $0xFFFF9C00  }
0x150: {  	v60 =	vld [tilespmem:$0x1600];
	_ =	sdelay $0x4  }
0x151: {  	[tilespmem:v8+s30+$0x0] =	vst.idx.msk $0xffff, v60  }
0x152: {  	v16 =	vld [tilespmem:$0x1610];
	_ =	sdelay $0x4  }
0x153: {  	[tilespmem:v42+s30+$0x0] =	vst.idx.msk $0xffff, v16  }
0x154: {  	v16 =	vld [tilespmem:$0x1620];
	_ =	sdelay $0x4  }
0x155: {  	[tilespmem:v43+s30+$0x0] =	vst.idx.msk $0xffff, v16  }
0x156: {  	v16 =	vld [tilespmem:$0x1630];
	_ =	sdelay $0x4  }
0x157: {  	[tilespmem:v44+s30+$0x0] =	vst.idx.msk $0xffff, v16  }
0x158: {  	v16 =	vld [tilespmem:$0x1640];
	_ =	sdelay $0x4  }
0x159: {  	[tilespmem:v45+s30+$0x0] =	vst.idx.msk $0xffff, v16  }
0x15a: {  	v16 =	vld [tilespmem:$0x1650];
	_ =	sdelay $0x4  }
0x15b: {  	[tilespmem:v46+s30+$0x0] =	vst.idx.msk $0xffff, v16  }
0x15c: {  	v16 =	vld [tilespmem:$0x1660];
	_ =	sdelay $0x4  }
0x15d: {  	[tilespmem:v47+s30+$0x0] =	vst.idx.msk $0xffff, v16  }
0x15e: {  	v16 =	vld [tilespmem:$0x1670];
	_ =	sdelay $0x4  }
0x15f: {  	[tilespmem:v48+s30+$0x0] =	vst.idx.msk $0xffff, v16  }
0x160: {  	[hbm4b:s19+s3] =	stream.linear.scatter [tilespmem:s30], [sflag:$0x3], $0x6400, $0x38;
	[tilespmem:$0xE810] =	vst v63  }
0x161: {  	_ =	swait.ge [sflag:s26], $0x6400  }
0x162: {  	[sflag:s26] =	ssyncset.done $0x0  }
0x163: {  	s9 =	simm.s32 $0xF00;
	[sflag:s26] =	ssyncadd.s32 $0xFFFF9C00  }
0x164: {  	[tilespmem:s30], [sflag:$0x1] =	stream.indirect.gather [hbm4b:s4+s28], $0xC8, s9, s28, $0xb8;
	[tilespmem:$0xE810] =	vst v63  }
0x165: {  	_ =	swait.ge [sflag:s31], $0x6400  }
0x166: {  	[sflag:s31] =	ssyncset.done $0x0  }
0x167: {  	[sflag:s31] =	ssyncadd.s32 $0xFFFF9C00  }
0x168: {  	v61 =	vld [tilespmem:$0x1680];
	_ =	sdelay $0x4  }
0x169: {  	[tilespmem:v8+s1+$0x0] =	vst.idx.msk $0xffff, v61  }
0x16a: {  	v16 =	vld [tilespmem:$0x1690];
	_ =	sdelay $0x4  }
0x16b: {  	[tilespmem:v42+s1+$0x0] =	vst.idx.msk $0xffff, v16  }
0x16c: {  	v16 =	vld [tilespmem:$0x16A0];
	_ =	sdelay $0x4  }
0x16d: {  	[tilespmem:v43+s1+$0x0] =	vst.idx.msk $0xffff, v16  }
0x16e: {  	v16 =	vld [tilespmem:$0x16B0];
	_ =	sdelay $0x4  }
0x16f: {  	[tilespmem:v44+s1+$0x0] =	vst.idx.msk $0xffff, v16  }
0x170: {  	v16 =	vld [tilespmem:$0x16C0];
	_ =	sdelay $0x4  }
0x171: {  	[tilespmem:v45+s1+$0x0] =	vst.idx.msk $0xffff, v16  }
0x172: {  	v16 =	vld [tilespmem:$0x16D0];
	_ =	sdelay $0x4  }
0x173: {  	[tilespmem:v46+s1+$0x0] =	vst.idx.msk $0xffff, v16  }
0x174: {  	v16 =	vld [tilespmem:$0x16E0];
	_ =	sdelay $0x4  }
0x175: {  	[tilespmem:v47+s1+$0x0] =	vst.idx.msk $0xffff, v16  }
0x176: {  	v16 =	vld [tilespmem:$0x16F0];
	_ =	sdelay $0x4  }
0x177: {  	[tilespmem:v48+s1+$0x0] =	vst.idx.msk $0xffff, v16  }
0x178: {  	[hbm4b:s20+s3] =	stream.linear.scatter [tilespmem:s1], [sflag:$0x4], $0x6400, $0x38;
	[tilespmem:$0xE810] =	vst v63  }
0x179: {  	_ =	swait.ge [sflag:s29], $0x6400  }
0x17a: {  	[sflag:s29] =	ssyncset.done $0x0  }
0x17b: {  	s9 =	simm.s32 $0xF80;
	[sflag:s29] =	ssyncadd.s32 $0xFFFF9C00  }
0x17c: {  	[tilespmem:s1], [sflag:$0x2] =	stream.indirect.gather [hbm4b:s4+s28], $0xC8, s9, s28, $0xb8;
	[tilespmem:$0xE810] =	vst v63  }
0x17d: {  	_ =	swait.ge [sflag:s0], $0x6400  }
0x17e: {  	[sflag:s0] =	ssyncset.done $0x0  }
0x17f: {  	[sflag:s0] =	ssyncadd.s32 $0xFFFF9C00  }
0x180: {  	v62 =	vld [tilespmem:$0x1700];
	_ =	sdelay $0x4  }
0x181: {  	[tilespmem:v8+s30+$0x0] =	vst.idx.msk $0xffff, v62  }
0x182: {  	v16 =	vld [tilespmem:$0x1710];
	_ =	sdelay $0x4  }
0x183: {  	[tilespmem:v42+s30+$0x0] =	vst.idx.msk $0xffff, v16  }
0x184: {  	v16 =	vld [tilespmem:$0x1720];
	_ =	sdelay $0x4  }
0x185: {  	[tilespmem:v43+s30+$0x0] =	vst.idx.msk $0xffff, v16  }
0x186: {  	v16 =	vld [tilespmem:$0x1730];
	_ =	sdelay $0x4  }
0x187: {  	[tilespmem:v44+s30+$0x0] =	vst.idx.msk $0xffff, v16  }
0x188: {  	v16 =	vld [tilespmem:$0x1740];
	_ =	sdelay $0x4  }
0x189: {  	[tilespmem:v45+s30+$0x0] =	vst.idx.msk $0xffff, v16  }
0x18a: {  	v16 =	vld [tilespmem:$0x1750];
	_ =	sdelay $0x4  }
0x18b: {  	[tilespmem:v46+s30+$0x0] =	vst.idx.msk $0xffff, v16  }
0x18c: {  	v16 =	vld [tilespmem:$0x1760];
	_ =	sdelay $0x4  }
0x18d: {  	[tilespmem:v47+s30+$0x0] =	vst.idx.msk $0xffff, v16  }
0x18e: {  	v16 =	vld [tilespmem:$0x1770];
	_ =	sdelay $0x4  }
0x18f: {  	[tilespmem:v48+s30+$0x0] =	vst.idx.msk $0xffff, v16  }
0x190: {  	[hbm4b:s21+s3] =	stream.linear.scatter [tilespmem:s30], [sflag:$0x3], $0x6400, $0x38;
	[tilespmem:$0xE810] =	vst v63  }
0x191: {  	_ =	swait.ge [sflag:s31], $0x6400  }
0x192: {  	[sflag:s31] =	ssyncset.done $0x0  }
0x193: {  	[sflag:s31] =	ssyncadd.s32 $0xFFFF9C00  }
0x194: {  	v63 =	vld [tilespmem:$0x1780];
	_ =	sdelay $0x4  }
0x195: {  	[tilespmem:v8+s1+$0x0] =	vst.idx.msk $0xffff, v63  }
0x196: {  	v8 =	vld [tilespmem:$0x1790];
	_ =	sdelay $0x4  }
0x197: {  	[tilespmem:v42+s1+$0x0] =	vst.idx.msk $0xffff, v8  }
0x198: {  	v8 =	vld [tilespmem:$0x17A0];
	_ =	sdelay $0x4  }
0x199: {  	[tilespmem:v43+s1+$0x0] =	vst.idx.msk $0xffff, v8  }
0x19a: {  	v8 =	vld [tilespmem:$0x17B0];
	_ =	sdelay $0x4  }
0x19b: {  	[tilespmem:v44+s1+$0x0] =	vst.idx.msk $0xffff, v8  }
0x19c: {  	v8 =	vld [tilespmem:$0x17C0];
	_ =	sdelay $0x4  }
0x19d: {  	[tilespmem:v45+s1+$0x0] =	vst.idx.msk $0xffff, v8  }
0x19e: {  	v8 =	vld [tilespmem:$0x17D0];
	_ =	sdelay $0x4  }
0x19f: {  	[tilespmem:v46+s1+$0x0] =	vst.idx.msk $0xffff, v8  }
0x1a0: {  	v8 =	vld [tilespmem:$0x17E0];
	_ =	sdelay $0x4  }
0x1a1: {  	[tilespmem:v47+s1+$0x0] =	vst.idx.msk $0xffff, v8  }
0x1a2: {  	v8 =	vld [tilespmem:$0x17F0];
	_ =	sdelay $0x4  }
0x1a3: {  	[tilespmem:v48+s1+$0x0] =	vst.idx.msk $0xffff, v8  }
0x1a4: {  	[hbm4b:s22+s3] =	stream.linear.scatter [tilespmem:s1], [sflag:$0x4], $0x6400, $0x38;
	[tilespmem:$0xE810] =	vst v63  }
0x1a5: {  	_ =	swait.ge [sflag:s26], $0x6400  }
0x1a6: {  	[sflag:s26] =	ssyncset.done $0x0  }
0x1a7: {  	[sflag:s26] =	ssyncadd.s32 $0xFFFF9C00  }
0x1a8: {  	_ =	swait.ge [sflag:s29], $0x6400  }
0x1a9: {  	[sflag:s29] =	ssyncset.done $0x0  }
0x1aa: {  	[sflag:s29] =	ssyncadd.s32 $0xFFFF9C00  }
0x1ab: {  	[tilespmem:s5], [sflag:$0x1] =	stream.indirect.gather [hbm4b:s2+s28], $0x1, s3, s28, $0xb8;
	[tilespmem:$0xE810] =	vst v63  }
0x1ac: {  	s9 =	simm.s32 $0xE090  }
0x1ad: {  	[tilespmem:s9], [sflag:$0x1] =	stream.indirect.gather [hbm4b:s2+s28], $0x1, s28, s28, $0xb8;
	[tilespmem:$0xE810] =	vst v63  }
0x1ae: {  	s8 =	simm.s32 $0x100;
	s9 =	simm.s32 $0xE110  }
0x1af: {  	[tilespmem:s9], [sflag:$0x1] =	stream.indirect.gather [hbm4b:s2+s28], $0x1, s8, s28, $0xb8;
	[tilespmem:$0xE810] =	vst v63  }
0x1b0: {  	s8 =	simm.s32 $0x180;
	s9 =	simm.s32 $0xE190  }
0x1b1: {  	[tilespmem:s9], [sflag:$0x1] =	stream.indirect.gather [hbm4b:s2+s28], $0x1, s8, s28, $0xb8;
	[tilespmem:$0xE810] =	vst v63  }
0x1b2: {  	s8 =	simm.s32 $0x200;
	s9 =	simm.s32 $0xE210  }
0x1b3: {  	[tilespmem:s9], [sflag:$0x1] =	stream.indirect.gather [hbm4b:s2+s28], $0x1, s8, s28, $0xb8;
	[tilespmem:$0xE810] =	vst v63  }
0x1b4: {  	s8 =	simm.s32 $0x280;
	s9 =	simm.s32 $0xE290  }
0x1b5: {  	[tilespmem:s9], [sflag:$0x1] =	stream.indirect.gather [hbm4b:s2+s28], $0x1, s8, s28, $0xb8;
	[tilespmem:$0xE810] =	vst v63  }
0x1b6: {  	s8 =	simm.s32 $0x300;
	s9 =	simm.s32 $0xE310  }
0x1b7: {  	[tilespmem:s9], [sflag:$0x1] =	stream.indirect.gather [hbm4b:s2+s28], $0x1, s8, s28, $0xb8;
	[tilespmem:$0xE810] =	vst v63  }
0x1b8: {  	s8 =	simm.s32 $0x380;
	s9 =	simm.s32 $0xE390  }
0x1b9: {  	[tilespmem:s9], [sflag:$0x1] =	stream.indirect.gather [hbm4b:s2+s28], $0x1, s8, s28, $0xb8;
	[tilespmem:$0xE810] =	vst v63  }
0x1ba: {  	s8 =	simm.s32 $0x400;
	s9 =	simm.s32 $0xE410  }
0x1bb: {  	[tilespmem:s9], [sflag:$0x1] =	stream.indirect.gather [hbm4b:s2+s28], $0x1, s8, s28, $0xb8;
	[tilespmem:$0xE810] =	vst v63  }
0x1bc: {  	s8 =	simm.s32 $0x480;
	s9 =	simm.s32 $0xE490  }
0x1bd: {  	[tilespmem:s9], [sflag:$0x1] =	stream.indirect.gather [hbm4b:s2+s28], $0x1, s8, s28, $0xb8;
	[tilespmem:$0xE810] =	vst v63  }
0x1be: {  	s8 =	simm.s32 $0x500;
	s9 =	simm.s32 $0xE510  }
0x1bf: {  	[tilespmem:s9], [sflag:$0x1] =	stream.indirect.gather [hbm4b:s2+s28], $0x1, s8, s28, $0xb8;
	[tilespmem:$0xE810] =	vst v63  }
0x1c0: {  	s8 =	simm.s32 $0x580;
	s9 =	simm.s32 $0xE590  }
0x1c1: {  	[tilespmem:s9], [sflag:$0x1] =	stream.indirect.gather [hbm4b:s2+s28], $0x1, s8, s28, $0xb8;
	[tilespmem:$0xE810] =	vst v63  }
0x1c2: {  	s8 =	simm.s32 $0x600;
	s9 =	simm.s32 $0xE610  }
0x1c3: {  	[tilespmem:s9], [sflag:$0x1] =	stream.indirect.gather [hbm4b:s2+s28], $0x1, s8, s28, $0xb8;
	[tilespmem:$0xE810] =	vst v63  }
0x1c4: {  	s8 =	simm.s32 $0x680;
	s9 =	simm.s32 $0xE690  }
0x1c5: {  	[tilespmem:s9], [sflag:$0x1] =	stream.indirect.gather [hbm4b:s2+s28], $0x1, s8, s28, $0xb8;
	[tilespmem:$0xE810] =	vst v63  }
0x1c6: {  	s8 =	simm.s32 $0x700;
	s9 =	simm.s32 $0xE710  }
0x1c7: {  	[tilespmem:s9], [sflag:$0x1] =	stream.indirect.gather [hbm4b:s2+s28], $0x1, s8, s28, $0xb8;
	[tilespmem:$0xE810] =	vst v63  }
0x1c8: {  	s8 =	simm.s32 $0x780;
	s9 =	simm.s32 $0xE790  }
0x1c9: {  	[tilespmem:s9], [sflag:$0x1] =	stream.indirect.gather [hbm4b:s2+s28], $0x1, s8, s28, $0xb8;
	[tilespmem:$0xE810] =	vst v63  }
0x1ca: {  	_ =	swait.ge [sflag:s0], $0x80  }
0x1cb: {  	[sflag:s0] =	ssyncset.done $0x0  }
0x1cc: {  	[sflag:s0] =	ssyncadd.s32 $0xFFFFFF80  }
0x1cd: {  	_ =	swait.ge [sflag:s0], $0x80  }
0x1ce: {  	[sflag:s0] =	ssyncset.done $0x0  }
0x1cf: {  	[sflag:s0] =	ssyncadd.s32 $0xFFFFFF80  }
0x1d0: {  	_ =	swait.ge [sflag:s0], $0x80  }
0x1d1: {  	[sflag:s0] =	ssyncset.done $0x0  }
0x1d2: {  	[sflag:s0] =	ssyncadd.s32 $0xFFFFFF80  }
0x1d3: {  	_ =	swait.ge [sflag:s0], $0x80  }
0x1d4: {  	[sflag:s0] =	ssyncset.done $0x0  }
0x1d5: {  	[sflag:s0] =	ssyncadd.s32 $0xFFFFFF80  }
0x1d6: {  	_ =	swait.ge [sflag:s0], $0x80  }
0x1d7: {  	[sflag:s0] =	ssyncset.done $0x0  }
0x1d8: {  	[sflag:s0] =	ssyncadd.s32 $0xFFFFFF80  }
0x1d9: {  	_ =	swait.ge [sflag:s0], $0x80  }
0x1da: {  	[sflag:s0] =	ssyncset.done $0x0  }
0x1db: {  	[sflag:s0] =	ssyncadd.s32 $0xFFFFFF80  }
0x1dc: {  	_ =	swait.ge [sflag:s0], $0x80  }
0x1dd: {  	[sflag:s0] =	ssyncset.done $0x0  }
0x1de: {  	[sflag:s0] =	ssyncadd.s32 $0xFFFFFF80  }
0x1df: {  	_ =	swait.ge [sflag:s0], $0x80  }
0x1e0: {  	[sflag:s0] =	ssyncset.done $0x0  }
0x1e1: {  	[sflag:s0] =	ssyncadd.s32 $0xFFFFFF80  }
0x1e2: {  	_ =	swait.ge [sflag:s0], $0x80  }
0x1e3: {  	[sflag:s0] =	ssyncset.done $0x0  }
0x1e4: {  	[sflag:s0] =	ssyncadd.s32 $0xFFFFFF80  }
0x1e5: {  	_ =	swait.ge [sflag:s0], $0x80  }
0x1e6: {  	[sflag:s0] =	ssyncset.done $0x0  }
0x1e7: {  	[sflag:s0] =	ssyncadd.s32 $0xFFFFFF80  }
0x1e8: {  	_ =	swait.ge [sflag:s0], $0x80  }
0x1e9: {  	[sflag:s0] =	ssyncset.done $0x0  }
0x1ea: {  	[sflag:s0] =	ssyncadd.s32 $0xFFFFFF80  }
0x1eb: {  	_ =	swait.ge [sflag:s0], $0x80  }
0x1ec: {  	[sflag:s0] =	ssyncset.done $0x0  }
0x1ed: {  	[sflag:s0] =	ssyncadd.s32 $0xFFFFFF80  }
0x1ee: {  	_ =	swait.ge [sflag:s0], $0x80  }
0x1ef: {  	[sflag:s0] =	ssyncset.done $0x0  }
0x1f0: {  	[sflag:s0] =	ssyncadd.s32 $0xFFFFFF80  }
0x1f1: {  	_ =	swait.ge [sflag:s0], $0x80  }
0x1f2: {  	[sflag:s0] =	ssyncset.done $0x0  }
0x1f3: {  	[sflag:s0] =	ssyncadd.s32 $0xFFFFFF80  }
0x1f4: {  	_ =	swait.ge [sflag:s0], $0x80  }
0x1f5: {  	[sflag:s0] =	ssyncset.done $0x0  }
0x1f6: {  	[sflag:s0] =	ssyncadd.s32 $0xFFFFFF80  }
0x1f7: {  	s7 =	sadd.s32 $0x1, s7;
	_ =	swait.ge [sflag:s0], $0x80  }
0x1f8: {  	p0 =	sne.s32 s7, s24;
	[sflag:s0] =	ssyncset.done $0x0  }
.Ltmp1:
0x1f9: {  	[sflag:s0] =	ssyncadd.s32 $0xFFFFFF80;
	(pc) =	sbr.rel @p0 .LBB2_1-.Ltmp1, $4  }
0x1fa: {  	[hbm4b:s23+s3] =	stream.linear.scatter [tilespmem:s5], [sflag:$0x5], $0x800, $0x38;
	[tilespmem:$0xE810] =	vst v63  }
0x1fb: {  	_ =	swait.ge [sflag:s25], $0x800  }
0x1fc: {  	[sflag:s25] =	ssyncset.done $0x0  }
0x1fd: {  	[sflag:s25] =	ssyncadd.s32 $0xFFFFF800  }
0x1fe: {  	_ =	sfence.sel $0x180000  }
0x1ff: {  	[bflag:$0x0] =	sbarrier.arrive $0xFFFF  }
0x200: {  	_ =	strace $0x90000047  }
0x201: {  	s0 =	stileid.u32;
	[bflag:$0x2] =	sbarrier.arrive $0xFFFF  }
0x202: {  	p0 =	sne.s32 s0, $0x0;
	s0 =	rddreg [dreg:$0x3]  }
0x203: {  	s0 =	sadd.s32 @!p0 $0x100000, s0  }
0x204: {  	[sflag:s0] =	ssyncadd.tile.s32 @!p0 $0x1;
	_ =	shalt  }
.Lfunc_end2:
_tile_overlayer_lowered:
.L_overlay_start_2:
0x205: {  	(tag) =	ssettag $0x2  }
0x206: {  	s0 =	rddreg [dreg:$0x0];
	s2 =	stileid.u32  }
0x207: {  	s1 =	rddreg [dreg:$0x1];
	p0 =	sne.s32 s2, $0x0  }
0x208: {  	s3 =	rddreg [dreg:$0x2];
	[bflag:$0x3] =	sbarrier.arrive $0xFFFF;
	s2 =	simm.s32 @!p0 $0x1C05  }
0x209: {  	[timem:s3], [sflag:s2] =	dma.local @!p0 [hbm:s0], s1  }
0x20a: {  	s0 =	simm.s32 @!p0 $0x5  }
0x20b: {  	_ =	swait.ge @!p0 [sflag:s0], s1  }
0x20c: {  	s1 =	ssub.s32 @!p0 $0x0, s1;
	[sflag:s0] =	ssyncset.done @!p0 $0x0  }
0x20d: {  	[sflag:s0] =	ssyncadd.s32 @!p0 s1  }
0x20e: {  	[bflag:$0x3] =	sbarrier.arrive $0xFFFF  }
0x20f: {  	_ =	shalt  }

// kernel: sparse-core-data-format-call.cloned.1.call-start
scs
called_computation_lowered:
.L_overlay_start_0:
0x0: {  	s2 =	sld [smem:$0x3FD9]  }
0x1: {  	s3 =	sld [smem:$0x3FFE];
	_ =	sdelay $0x1  }
0x2: {  	s1 =	srdreg.scid  }
0x3: {  	s0 =	sand.u32 $0x1, s1  }
0x4: {  	s16 =	sshll.u32 s0, $0xA;
	s2 =	sadd.s32 s3, s2  }
0x5: {  	s2 =	sadd.s32 s2, s16  }
0x6: {  	[smem:$0x3FC1] =	sst s2  }
0x7: {  	_ = 	snop  }
0x8: {  	s2 =	sld [smem:$0x3FD0];
	_ =	sdelay $0x2  }
0x9: {  	s17 =	simm.s32 $0xB;
	s4 =	simm.s32 $0x10  }
0xa: {  	[smem:s4], [sflag:s17] =	dma.local [hbm:s2], $0x1  }
0xb: {  	_ =	swait.eq [sflag:s17], $0x1  }
0xc: {  	[sflag:s17] =	ssyncset.done $0x0  }
0xd: {  	[sflag:s17] =	ssyncadd.s32 $0xFFFFFFFF  }
0xe: {  	s18 =	sld [smem:$0x10];
	(tm) =	ssettm $0x1  }
0xf: {  	s19 =	sld [smem:$0x3FFB];
	_ =	sdelay $0x3  }
0x10: {  	_ =	strace s19  }
0x11: {  	s2 =	sld [smem:$0x3FFC];
	_ =	sdelay $0x3  }
0x12: {  	_ =	strace s2  }
0x13: {  	s2 =	sld [smem:$0x3FFD];
	_ =	sdelay $0x3  }
0x14: {  	_ =	strace s2  }
0x15: {  	_ =	strace $0x8FFFFFFF  }
0x16: {  	s20 =	sld [smem:$0x3FDB];
	_ =	sdelay $0x1  }
0x17: {  	s21 =	simm.s32 $_scs_section_size  }
0x18: {  	s5 =	simm.s32 $_size__tile_overlayer_lowered;
	s6 =	simm.s32 $_tile_overlayer_lowered  }
0x19: {  	s7 =	simm.s32 $0x1BFF;
	s22 =	sshll.u32 s6, $0x1;
	s4 =	sadd.s32 s21, s20  }
0x1a: {  	s23 =	simm.s32 $0x0;
	s5 =	sshll.u32 s5, $0x1;
	s6 =	sadd.s32 s22, s4  }
0x1b: {  	[timem:s23], [sflag:s7] =	dma.local [hbm:s6], s5  }
0x1c: {  	_ =	swait.ge [sflag:s7], s5  }
0x1d: {  	s5 =	ssub.s32 $0x0, s5;
	[sflag:s7] =	ssyncset.done $0x0  }
0x1e: {  	[sflag:s7] =	ssyncadd.s32 s5;
	_ =	sdelay $0x1  }
0x1f: {  	s24 =	simm.s32 $0x1B8B  }
0x20: {  	_ =	swait.ge [sflag:s24], $0x1  }
0x21: {  	[sflag:s24] =	ssyncset.done $0x0  }
0x22: {  	[sflag:s24] =	ssyncadd.s32 $0xFFFFFFFF  }
0x23: {  	s5 =	sld [smem:$0x0]  }
0x24: {  	s6 =	sand.u32 $0xFFFFFFFE, s1  }
0x25: {  	p0 =	sne.s32 s1, s6  }
0x26: {  	s6 =	sshll.u32 @p0 s6, $0xE  }
0x27: {  	s6 =	sadd.s32 @p0 $0x11B8D, s6;
	s7 =	sshll.u32 @p0 s5, $0x11  }
0x28: {  	s6 =	sor.u32 @p0 s7, s6  }
0x29: {  	[sflag:s6] =	ssyncadd.remote.s32 @p0 $0x1;
	_ =	sdelay $0x1  }
0x2a: {  	s6 =	simm.s32 @p0 $0x1B8D  }
0x2b: {  	_ =	swait.eq @p0 [sflag:s6], $0x1  }
0x2c: {  	[sflag:s6] =	ssyncadd.s32 @p0 $0xFFFFFFFF  }
0x2d: {  	s7 =	sshll.u32 @!p0 s1, $0xE  }
0x2e: {  	s7 =	sor.u32 @!p0 $0x4000, s7;
	s6 =	simm.s32 @!p0 $0x1B8D  }
0x2f: {  	s5 =	sshll.u32 @!p0 s5, $0x11;
	s7 =	sadd.s32 @!p0 $0x11B8D, s7;
	_ =	swait.eq @!p0 [sflag:s6], $0x1  }
0x30: {  	s5 =	sor.u32 @!p0 s5, s7;
	[sflag:s6] =	ssyncadd.s32 @!p0 $0xFFFFFFFF  }
0x31: {  	s26 =	simm.s32 $0x1B8E;
	s25 =	sld [smem:$0x3FFE];
	[sflag:s5] =	ssyncadd.remote.s32 @!p0 $0x1  }
0x32: {  	s27 =	simm.s32 $execute0_lowered;
	[smem:$0x3FD2] =	sst s26  }
0x33: {  	s6 =	sshll.u32 s27, $0x1;
	_ =	strace $0x8000004C;
	[dreg:$0x1] =	wrdreg $0xFFFFFFFF  }
0x34: {  	s28 =	simm.s32 $_size_execute0_lowered;
	s4 =	sadd.s32 s4, s6;
	[dreg:$0x0] =	wrdreg $0x0  }
0x35: {  	s6 =	sshll.u32 s28, $0x1;
	[dreg:$0x2] =	wrdreg s4  }
0x36: {  	[dreg:$0x3] =	wrdreg s6  }
0x37: {  	[dreg:$0x4] =	wrdreg $0xC0  }
0x38: {  	_ =	task [dreg:s23], $0x5FFFF  }
0x39: {  	[dreg:$0x1] =	wrdreg $0xFFFFFFFF  }
0x3a: {  	[dreg:$0x0] =	wrdreg $0x60  }
0x3b: {  	[dreg:$0x2] =	wrdreg s25  }
0x3c: {  	[dreg:$0x3] =	wrdreg s18  }
0x3d: {  	[dreg:$0x4] =	wrdreg $0xA  }
0x3e: {  	_ =	task.clear_ibuf [dreg:s23], $0x5FFFF;
	_ =	strace $0x9000004C  }
0x3f: {  	s29 =	simm.s32 $0xA;
	_ =	strace $0x8000004E  }
0x40: {  	_ =	swait.ge [sflag:s29], $0x1  }
0x41: {  	[sflag:s29] =	ssyncadd.s32 $0xFFFFFFFF  }
0x42: {  	_ =	strace $0x9000004E  }
0x43: {  	_ =	sfence  }
0x44: {  	s30 =	sld [smem:$0x0];
	_ =	sdelay $0x2  }
0x45: {  	s31 =	sshll.u32 s1, $0xD;
	s1 =	sshrl.u32 s1, $0x2  }
0x46: {  	s4 =	sand.u32 $0x4000, s31;
	s1 =	sadd.s32 s1, s30  }
0x47: {  	s0 =	sor.u32 s4, s0;
	s1 =	sshll.u32 s1, $0x11  }
0x48: {  	s0 =	sor.u32 s1, s0  }
0x49: {  	s0 =	sadd.s32 $0x8F2B, s0  }
0x4a: {  	[sflag:s0] =	ssyncadd.remote.s32 $0x1  }
0x4b: {  	_ =	sfence.sel $0xFFFF  }
0x4c: {  	[dreg:$0x0] =	wrdreg $0xFFFFFFFF;
	(pc) =	sbr.abs _section_cstart, $3  }
0x4d: {  	[dreg:$0x1] =	wrdreg $0xFFFFFFFF  }
0x4e: {  	_ =	task.clear_ibuf [dreg:s23], $0x2FFFF;
	_ =	strace $0x9FFFFFFF  }
0x4f: {  	(tm) =	ssettm $0x7FFFFFFF  }
tec
execute0_lowered:
.L_overlay_start_1:
0x0: {  	(tag) =	ssettag $0x1  }
0x1: {  	s0 =	stileid.u32;
	s4 =	rddreg [dreg:$0x0]  }
0x2: {  	s1 =	srdreg.scid;
	s2 =	rddreg [dreg:$0x1];
	s5 =	simm.s32 $0x1  }
0x3: {  	s8 =	simm.s32 $0x2;
	s17 =	simm.s32 $0x0;
	s18 =	simm.s32 $0x0  }
0x4: {  	s19 =	simm.s32 $0x0;
	s10 =	simm.s32 $0x0;
	s11 =	simm.s32 $0x0  }
0x5: {  	s12 =	simm.s32 $0x0;
	s3 =	sshll.u32 s0, $0x5;
	s1 =	sshll.u32 s1, $0x9  }
0x6: {  	s13 =	simm.s32 $0x0;
	s16 =	simm.s32 $0x0;
	s3 =	sor.u32 s3, s1  }
0x7: {  	s1 =	rddreg [dreg:$0x2];
	_ =	strace $0x8000004D;
	s3 =	sand.u32 $0x380, s3  }
0x8: {  	s4 =	sadd.s32 $0x69400, s4;
	[sflag:s5] =	ssyncpa.u1 $0x0;
	s6 =	ssub.s32 $0x4000, s3  }
.Ltmp0:
0x9: {  	[sflag:s8] =	ssyncpa.u1 $0x0;
	s7 =	sand.u32 $0x380, s6;
	(pc) =	sbr.rel .LBB1_1-.Ltmp0, $4  }
0xa: {  	s14 =	smov.u32 s3;
	p0 =	sne.s32 s7, $0x0;
	s7 =	simm.s32 $0x1  }
0xb: {  	s9 =	sshrl.u32 s6, $0xA;
	s6 =	sand.u32 $0x3, s0;
	s7 =	simm.s32 @!p0 $0x0  }
0xc: {  	s15 =	smov.u32 s6;
	p0 =	por $0x0, $0x0;
	s31 =	sadd.s32 s7, s9  }
0xd: {  	s9 =	simm.s32 $0x20000;
	s7 =	sshll.u32 s31, $0x1;
	s8 =	sshllo.u32 s31, $0x1  }
.LBB1_4:
0xe: {  	s24 =	sshra.s32 s24, $0x2;
	s30 =	sshll.u32 s10, $0xE  }
0xf: {  	p1 =	sgt.s32 s12, $0x3;
	s25 =	smov.u32 s12;
	s26 =	sshra.s32 s12, $0x1F  }
0x10: {  	s27 =	sshll.u32 s11, $0x3;
	s29 =	smov.u32 s11;
	s23 =	sadd.s32 s24, s23  }
0x11: {  	s25 =	simm.s32 @!p1 $0x3;
	s26 =	sand.u32 s26, s12;
	s24 =	sand.u32 $0xFFFE0000, s30  }
0x12: {  	s28 =	sand.u32 $0xFFFFFC00, s27;
	p1 =	sgt.s32 s10, $0x48;
	s30 =	sshra.s32 s11, $0x1F  }
0x13: {  	s25 =	ssub.s32 s25, s26;
	s24 =	sadd.s32 s28, s24;
	s28 =	smov.u32 s10  }
0x14: {  	[tilespmem:s22+$0x2040 ss:$0x81] =	vst.msk $0xffff, v4;
	s31 =	sand.u32 s30, s11;
	s30 =	sshll.u32 s10, $0x7;
	s26 =	sadd.s32 $0xFFFFFFFD, s25  }
0x15: {  	[tilespmem:s22+$0x2850 ss:$0x81] =	vst.msk $0xffff, v3;
	s28 =	simm.s32 @!p1 $0x48;
	p1 =	sgt.s32 s11, $0x3F80;
	s24 =	sshrl.u32 s24, $0xE  }
0x16: {  	v5 =	vld [tilespmem:s21+$0xFFFFFFD0];
	[tilespmem:s22+$0x3060 ss:$0x81] =	vst.msk $0xffff, v2;
	s25 =	ssub.s32 $0x4, s25;
	s29 =	simm.s32 @!p1 $0x3F80;
	p1 =	sgt.s32 s26, $0x0  }
0x17: {  	v58 =	vld [tilespmem:s21+$0xFFFFFFE0];
	[tilespmem:s22+$0x0 ss:$0x81] =	vst.msk $0xffff, v1;
	s22 =	smulhi.u32 $0x147AE15, s24;
	s26 =	ssub.s32 s29, s31;
	s31 =	sshra.s32 s10, $0x1F  }
0x18: {  	v59 =	vld [tilespmem:s21+$0xFFFFFFF0];
	s25 =	simm.s32 @p1 $0x0;
	s29 =	sand.u32 s31, s10;
	s31 =	sadd.s32 $0xFFFFC080, s26  }
0x19: {  	v60 =	vld [tilespmem:s21+$0x0];
	s26 =	ssub.s32 $0x4000, s26;
	s22 =	smul.u32 $0xC8, s22;
	s28 =	ssub.s32 s28, s29  }
0x1a: {  	v61 =	vld [tilespmem:s21+$0x10];
	[tilespmem:s23+$0x3870 ss:$0x81] =	vst.msk $0xffff, v0;
	p1 =	sgt.s32 s31, $0x7F;
	s31 =	sand.u32 $0x3C00, s27;
	s29 =	sadd.s32 $0xFFFFFFB8, s28  }
0x1b: {  	v62 =	vld [tilespmem:s21+$0x20];
	[tilespmem:s23+$0x810 ss:$0x81] =	vst.msk $0xffff, v5;
	s26 =	simm.s32 @p1 $0x0;
	s27 =	ssub.s32 $0xC8, s28;
	s22 =	ssub.s32 s24, s22  }
0x1c: {  	v63 =	vld [tilespmem:s21+$0xFFFFFFC0];
	[tilespmem:s23+$0x1020 ss:$0x81] =	vst.msk $0xffff, v58;
	p1 =	sgt.s32 s29, $0x7F;
	s25 =	smul.u32 s25, s26;
	s26 =	sand.u32 $0x78, s11  }
0x1d: {  	[tilespmem:s23+$0x1830 ss:$0x81] =	vst.msk $0xffff, v59;
	s29 =	sand.u32 $0x380, s30;
	s30 =	smul.u32 $0x64000, s12;
	s21 =	sor.u32 s26, s31  }
0x1e: {  	[tilespmem:s23+$0x2040 ss:$0x81] =	vst.msk $0xffff, v60;
	s28 =	sand.u32 $0x7, s11;
	s27 =	simm.s32 @p1 $0x0;
	s21 =	sor.u32 s29, s21  }
0x1f: {  	[tilespmem:s23+$0x2850 ss:$0x81] =	vst.msk $0xffff, v61;
	s31 =	smul.u32 s27, s25;
	s27 =	sadd.s32 s2, s30;
	s21 =	sshrl.u32 s21, $0x3  }
0x20: {  	[tilespmem:s23+$0x3060 ss:$0x81] =	vst.msk $0xffff, v62;
	s22 =	sshll.u32 s22, $0xB;
	s29 =	sshll.u32 s28, $0x12;
	s21 =	sadd.s32 s21, s27  }
0x21: {  	[tilespmem:s23+$0x0 ss:$0x81] =	vst.msk $0xffff, v63;
	s30 =	sand.u32 $0x3FFFFFFF, s31;
	s31 =	sor.u32 $0x400, s29;
	s21 =	sadd.s32 s22, s21  }
0x22: {  	[hbm4b:s21+s31] =	stream.strided.scatter [tilespmem:s20], [sflag:$0x2], s30, s9, s31, $0x20;
	[tilespmem:$0x10100] =	vst v63  }
.LBB1_5:
0x23: {  	p1 =	slt.u32 s16, $0x2  }
0x24: {  	p2 =	sgt.s32 @!p1 s19, $0x3  }
0x25: {  	s20 =	smov.u32 s19;
	s21 =	sshra.s32 @!p1 s19, $0x1F;
	p2 =	por !p2, p1  }
0x26: {  	s19 =	sand.u32 @!p1 s21, s19;
	s20 =	simm.s32 @p2 $0x3  }
0x27: {  	p3 =	sgt.s32 @!p1 s18, $0x3F80;
	s19 =	ssub.s32 @!p1 s20, s19  }
0x28: {  	p3 =	por !p3, p1;
	s21 =	sshra.s32 @!p1 s18, $0x1F;
	s20 =	sadd.s32 @!p1 $0xFFFFFFFD, s19  }
0x29: {  	s19 =	ssub.s32 @!p1 $0x4, s19;
	p2 =	sgt.s32 @!p1 s20, $0x0;
	s20 =	smov.u32 s18  }
0x2a: {  	s18 =	sand.u32 @!p1 s21, s18;
	s20 =	simm.s32 @p3 $0x3F80;
	p3 =	sgt.s32 @!p1 s17, $0x48  }
0x2b: {  	s21 =	smov.u32 s17;
	p2 =	por !p2, p1;
	p3 =	por !p3, p1  }
0x2c: {  	s18 =	ssub.s32 @!p1 s20, s18;
	s20 =	sshra.s32 @!p1 s17, $0x1F;
	s19 =	simm.s32 @!p2 $0x0  }
0x2d: {  	s21 =	simm.s32 @p3 $0x48;
	s17 =	sand.u32 @!p1 s20, s17;
	s20 =	sadd.s32 @!p1 $0xFFFFC080, s18  }
0x2e: {  	s18 =	ssub.s32 @!p1 $0x4000, s18;
	s17 =	ssub.s32 @!p1 s21, s17;
	p2 =	sgt.s32 @!p1 s20, $0x7F  }
0x2f: {  	s21 =	smov.u32 s14;
	s20 =	sadd.s32 @!p1 $0xFFFFFFB8, s17;
	p2 =	por !p2, p1  }
0x30: {  	s17 =	ssub.s32 @!p1 $0xC8, s17;
	p3 =	sgt.s32 @!p1 s20, $0x7F;
	s18 =	simm.s32 @!p2 $0x0  }
0x31: {  	s20 =	sadd.s32 $0x80, s13;
	p2 =	por !p3, p1;
	s18 =	smul.u32 @!p1 s19, s18  }
0x32: {  	s19 =	sadd.s32 $0x400, s14;
	s17 =	simm.s32 @!p2 $0x0;
	p2 =	sgt.s32 s20, $0xC7  }
0x33: {  	s22 =	smov.u32 s15;
	s21 =	smov.u32 @p2 s19  }
0x34: {  	s17 =	smul.u32 @!p1 s17, s18;
	s18 =	sadd.s32 $0x4, s15;
	p3 =	sgt.s32 s21, $0x3FFF  }
0x35: {  	p0 =	por !p0, !p0;
	s23 =	simm.s32 @!p1 $0x2;
	s22 =	smov.u32 @p3 s18  }
0x36: {  	s20 =	simm.s32 @p2 $0x0;
	s19 =	smov.u32 s12;
	p2 =	sgt.s32 s22, $0x3  }
0x37: {  	s12 =	smov.u32 s15;
	s22 =	smov.u32 @p2 s6;
	p2 =	sne.s32 s16, s8  }
.Ltmp1:
0x38: {  	s17 =	sand.u32 @!p1 $0x3FFFFFFF, s17;
	s21 =	smov.u32 @p3 s3;
	(pc) =	sbr.rel @!p2 .LBB1_6-.Ltmp1, $4  }
0x39: {  	s18 =	smov.u32 s11;
	s11 =	smov.u32 s14;
	_ =	swait.ge @!p1 [sflag:s23], s17  }
0x3a: {  	s24 =	ssub.s32 @!p1 $0x0, s17;
	s17 =	smov.u32 s10;
	s10 =	smov.u32 s13  }
0x3b: {  	s13 =	smov.u32 s20;
	s14 =	smov.u32 s21;
	[sflag:s23] =	ssyncset.done @!p1 $0x0  }
0x3c: {  	s16 =	sadd.s32 $0x1, s16;
	[sflag:s23] =	ssyncadd.s32 @!p1 s24;
	s15 =	smov.u32 s22  }
.LBB1_1:
0x3d: {  	p1 =	sge.u32 s16, s7  }
0x3e: {  	s31 =	sadd.s32 $0xFFFFFFFF, s16;
	s20 =	sxor.u32 @!p1 $0xFFFFFFFF, s16  }
0x3f: {  	s21 =	sshll.u32 @!p1 s14, $0x8;
	s22 =	sshll.u32 @!p1 s13, $0x3;
	s24 =	sand.u32 @!p1 $0x78, s13  }
0x40: {  	s23 =	sshll.u32 @!p1 s14, $0x7;
	s21 =	sand.u32 @!p1 $0x3FF800, s21;
	s22 =	sand.u32 @!p1 $0x3FFC00, s22  }
0x41: {  	s20 =	sshll.u32 @!p1 s20, $0xE;
	s21 =	sadd.s32 @!p1 s21, s22;
	s22 =	sand.u32 @!p1 $0x300, s23  }
0x42: {  	s20 =	sand.u32 @!p1 $0x4000, s20;
	s21 =	sor.u32 @!p1 s22, s21;
	s22 =	sand.u32 @!p1 $0x80, s23  }
0x43: {  	s23 =	sshll.u32 @!p1 s15, $0x13;
	s22 =	sor.u32 @!p1 s24, s22;
	s21 =	sshrl.u32 @!p1 s21, $0x3  }
0x44: {  	s23 =	sadd.s32 @!p1 s4, s23;
	s24 =	sand.u32 @!p1 $0x7, s13;
	s22 =	sshrl.u32 @!p1 s22, $0x3  }
0x45: {  	s21 =	sand.u32 @!p1 $0x7FFE0, s21;
	s22 =	sadd.s32 @!p1 s22, s23;
	s23 =	sshll.u32 @!p1 s24, $0x12  }
0x46: {  	s21 =	sadd.s32 @!p1 s21, s22;
	s22 =	sor.u32 @!p1 $0x400, s23;
	s23 =	simm.s32 @!p1 $0x800  }
0x47: {  	[tilespmem:s20], [sflag:$0x1] =	stream.strided.gather @!p1 [hbm4b:s21+s22], $0x4000, s23, s22, $0x38;
	[tilespmem:$0x10100] =	vst v63  }
0x48: {  	p1 =	sge.u32 s31, s7  }
.Ltmp2:
0x49: {  	_ = 	snop;
	(pc) =	sbr.rel @p1 .LBB1_5-.Ltmp2, $1  }
0x4a: {  	_ =	sdelay $0x3  }
0x4b: {  	s20 =	simm.s32 $0x1  }
0x4c: {  	_ =	swait.ge [sflag:s5], $0x4000;
	s20 =	simm.s32 @!p0 $0x0  }
0x4d: {  	[sflag:s5] =	ssyncset.done $0x0;
	s21 =	sshll.u32 s20, $0xE  }
0x4e: {  	[sflag:s5] =	ssyncadd.s32 $0xFFFFC000;
	s21 =	sor.u32 $0x40, s21  }
0x4f: {  	s20 =	smul.u32 $0x10200, s20;
	v0 =	vld [tilespmem:s21+$0x30]  }
0x50: {  	v1 =	vld [tilespmem:s21+$0xFFFFFFD0]  }
0x51: {  	s20 =	sshrl.u32 s20, $0x2;
	v5 =	vld [tilespmem:s21+$0xFFFFFFE0]  }
0x52: {  	v6 =	vld [tilespmem:s21+$0xFFFFFFF0];
	s23 =	sor.u32 $0x8000, s20  }
0x53: {  	s31 =	sand.u32 $0x1, s16;
	v4 =	vld [tilespmem:s21+$0x0];
	s22 =	sadd.s32 $0x0, s23  }
0x54: {  	v3 =	vld [tilespmem:s21+$0x10];
	s20 =	smul.u32 $0x10200, s31;
	[tilespmem:s22+$0x3870 ss:$0x81] =	vst.msk $0xffff, v0  }
0x55: {  	v2 =	vld [tilespmem:s21+$0x20];
	[tilespmem:s22+$0x810 ss:$0x81] =	vst.msk $0xffff, v1  }
0x56: {  	s20 =	sshrl.u32 s20, $0x2;
	v1 =	vld [tilespmem:s21+$0xFFFFFFC0];
	[tilespmem:s22+$0x1020 ss:$0x81] =	vst.msk $0xffff, v5;
	s21 =	sadd.s32 $0x80, s21  }
0x57: {  	s24 =	simm.s32 $0x4;
	s25 =	simm.s32 $0x8;
	s20 =	sor.u32 $0x8000, s20;
	[tilespmem:s22+$0x1830 ss:$0x81] =	vst.msk $0xffff, v6;
	v0 =	vld [tilespmem:s21+$0x30]  }
.LBB1_3:
0x58: {  	p1 =	sne.s32 s25, $0x1FC;
	v5 =	vld [tilespmem:s21+$0xFFFFFFD0];
	[tilespmem:s22+$0x2040 ss:$0x81] =	vst.msk $0xffff, v4  }
0x59: {  	v6 =	vld [tilespmem:s21+$0xFFFFFFE0];
	[tilespmem:s22+$0x2850 ss:$0x81] =	vst.msk $0xffff, v3  }
0x5a: {  	s26 =	sshra.s32 s24, $0x2;
	s24 =	smov.u32 s25;
	v7 =	vld [tilespmem:s21+$0xFFFFFFF0];
	[tilespmem:s22+$0x3060 ss:$0x81] =	vst.msk $0xffff, v2  }
.Ltmp3:
0x5b: {  	v4 =	vld [tilespmem:s21+$0x0];
	[tilespmem:s22+$0x0 ss:$0x81] =	vst.msk $0xffff, v1;
	s22 =	sadd.s32 s26, s23;
	(pc) =	sbr.rel @p1 .LBB1_3-.Ltmp3, $4  }
0x5c: {  	v3 =	vld [tilespmem:s21+$0x10];
	[tilespmem:s22+$0x3870 ss:$0x81] =	vst.msk $0xffff, v0  }
0x5d: {  	[tilespmem:s22+$0x810 ss:$0x81] =	vst.msk $0xffff, v5;
	v2 =	vld [tilespmem:s21+$0x20]  }
0x5e: {  	v1 =	vld [tilespmem:s21+$0xFFFFFFC0];
	[tilespmem:s22+$0x1020 ss:$0x81] =	vst.msk $0xffff, v6;
	s21 =	sadd.s32 $0x80, s21  }
0x5f: {  	s25 =	sadd.s32 $0x4, s25;
	v0 =	vld [tilespmem:s21+$0x30];
	[tilespmem:s22+$0x1830 ss:$0x81] =	vst.msk $0xffff, v7  }
.Ltmp4:
0x60: {  	_ = 	snop;
	(pc) =	sbr.rel .LBB1_4-.Ltmp4, $1  }
0x61: {  	_ =	sdelay $0x3  }
.LBB1_6:
0x62: {  	_ =	sfence.sel $0x180000  }
0x63: {  	s2 =	simm.s32 $0x1;
	[bflag:$0x0] =	sbarrier.arrive $0xFFFF  }
0x64: {  	s31 =	simm.s32 $0x2;
	[sflag:s2] =	ssyncpa.u1 $0x1  }
0x65: {  	[sflag:s31] =	ssyncpa.u1 $0x1  }
0x66: {  	p0 =	sne.s32 s0, $0x0;
	_ =	strace $0x9000004D  }
0x67: {  	s0 =	sadd.s32 @!p0 $0x100000, s1;
	[bflag:$0x2] =	sbarrier.arrive $0xFFFF  }
0x68: {  	[sflag:s0] =	ssyncadd.tile.s32 @!p0 $0x1;
	_ =	shalt  }
.Lfunc_end1:
_tile_overlayer_lowered:
.L_overlay_start_2:
0x69: {  	(tag) =	ssettag $0x2  }
0x6a: {  	s0 =	rddreg [dreg:$0x0];
	s2 =	stileid.u32  }
0x6b: {  	s1 =	rddreg [dreg:$0x1];
	p0 =	sne.s32 s2, $0x0  }
0x6c: {  	s3 =	rddreg [dreg:$0x2];
	[bflag:$0x3] =	sbarrier.arrive $0xFFFF;
	s2 =	simm.s32 @!p0 $0x1C01  }
0x6d: {  	[timem:s3], [sflag:s2] =	dma.local @!p0 [hbm:s0], s1  }
0x6e: {  	s0 =	simm.s32 @!p0 $0x1  }
0x6f: {  	_ =	swait.ge @!p0 [sflag:s0], s1  }
0x70: {  	s1 =	ssub.s32 @!p0 $0x0, s1;
	[sflag:s0] =	ssyncset.done @!p0 $0x0  }
0x71: {  	[sflag:s0] =	ssyncadd.s32 @!p0 s1  }
0x72: {  	[bflag:$0x3] =	sbarrier.arrive $0xFFFF  }
0x73: {  	_ =	shalt  }

</sc_bundles>
